<compile_context>
chip_gen: v7x
topology: tpu7x:2x2x1
jax: 0.10.2.dev20260603
libtpu: 0.0.44.dev20260713+nightly
codegen_flags: <defaults>
</compile_context>

<pallas_src>
import functools

import jax
import jax.numpy as jnp
from jax import lax
from jax.experimental import pallas as pl
from jax.experimental.pallas import tpu as pltpu
from jax.experimental.pallas import tpu_sc as plsc

N = 10000
E = 320000
IN_DIM = 128
HEADS = 4
H1 = 64
NEG_SLOPE = 0.2

NPAD = 10240
RB = 512
CH = 80
NSUB = 16
EPT = E // NSUB
NCH = EPT // CH
NROWCH = N // CH


def _project_feats(x_pad, W_src, W_dst):

    def body(x_ref, ws_ref, wd_ref, fs_ref, fd_ref):
        xb = x_ref[...]
        fs_ref[0] = jnp.dot(xb, ws_ref[...], preferred_element_type=jnp.float32)
        fd_ref[0] = jnp.dot(xb, wd_ref[...], preferred_element_type=jnp.float32)

    grid = (2, NPAD // RB)
    out = pl.pallas_call(
        body,
        grid=grid,
        in_specs=[
            pl.BlockSpec((RB, IN_DIM), lambda c, r: (r, 0)),
            pl.BlockSpec((IN_DIM, 128), lambda c, r: (0, c)),
            pl.BlockSpec((IN_DIM, 128), lambda c, r: (0, c)),
        ],
        out_specs=[
            pl.BlockSpec((1, RB, 128), lambda c, r: (c, r, 0)),
            pl.BlockSpec((1, RB, 128), lambda c, r: (c, r, 0)),
        ],
        out_shape=[
            jax.ShapeDtypeStruct((2, NPAD, 128), jnp.float32),
            jax.ShapeDtypeStruct((2, NPAD, 128), jnp.float32),
        ],
    )(x_pad, W_src, W_dst)
    return out


def _sc_edge_kernel(fs, fd, src, dst, attn_flat, bias):
    mesh = plsc.VectorSubcoreMesh(core_axis_name="c", subcore_axis_name="s")

    @functools.partial(
        pl.kernel,
        out_type=[
            jax.ShapeDtypeStruct((2, N, 128), jnp.float32),
            jax.ShapeDtypeStruct((4 * E,), jnp.float32),
        ],
        mesh=mesh,
        compiler_params=pltpu.CompilerParams(needs_layout_passes=False),
        scratch_types=[
            pltpu.VMEM((CH, 128), jnp.float32),
            pltpu.VMEM((CH, 128), jnp.float32),
            pltpu.VMEM((CH,), jnp.int32),
            pltpu.VMEM((CH,), jnp.int32),
            pltpu.VMEM((CH,), jnp.int32),
            pltpu.VMEM((CH, 128), jnp.float32),
            pltpu.VMEM((CH, 128), jnp.float32),
            pltpu.VMEM((CH,), jnp.int32),
            pltpu.VMEM((CH,), jnp.int32),
            pltpu.VMEM((CH,), jnp.int32),
            pltpu.VMEM((CH,), jnp.float32),
            pltpu.VMEM((CH,), jnp.float32),
            pltpu.VMEM((CH,), jnp.float32),
            pltpu.VMEM((CH,), jnp.float32),
            pltpu.VMEM((128,), jnp.float32),
            pltpu.VMEM((128,), jnp.float32),
            pltpu.VMEM((CH,), jnp.float32),
            pltpu.VMEM((CH,), jnp.float32),
            pltpu.VMEM((CH,), jnp.float32),
            pltpu.VMEM_SHARED((N, 128), jnp.float32),
            pltpu.VMEM_SHARED((N,), jnp.float32),
            pltpu.VMEM_SHARED((N,), jnp.float32),
            pltpu.VMEM((CH * 16,), jnp.float32),
            pltpu.VMEM((CH * 16,), jnp.float32),
            pltpu.HBM((4 * E,), jnp.float32),
            pltpu.HBM((4 * N,), jnp.float32),
            pltpu.SemaphoreType.DMA,
            pltpu.SemaphoreType.DMA,
            pltpu.SemaphoreType.DMA,
            pltpu.SemaphoreType.DMA,
            pltpu.SemaphoreType.DMA,
            pltpu.SemaphoreType.DMA,
        ],
    )
    def k(fs_hbm, fd_hbm, src_hbm, dst_hbm, a_hbm, bias_hbm,
          h_hbm, al_hbm,
          u_buf, v_buf, gsrc, gdst, dstc,
          u_buf2, v_buf2, gsrc2, gdst2, dstc2,
          ex0, ex1, ex0b, ex1b, a_buf, b_buf,
          rd0, rd1, al0, acc_sh, den0, den1, pacc_a, pacc_b,
          exh, rdnh, sem1, sem2, sem3, sem4, sem5, sem6):
        c = lax.axis_index("c")
        s = lax.axis_index("s")
        zero16 = jnp.zeros((16,), jnp.float32)
        iota16 = lax.iota(jnp.int32, 16)
        iota256 = iota16 * 16

        pltpu.sync_copy(a_hbm.at[pl.ds(c * 128, 128)], a_buf)
        pltpu.sync_copy(bias_hbm.at[pl.ds(c * 128, 128)], b_buf)
        av = [a_buf[pl.ds(j * 16, 16)] for j in range(8)]
        bv = [b_buf[pl.ds(j * 16, 16)] for j in range(8)]

        def zrow(i, _):
            for j in range(8):
                u_buf[i, pl.ds(j * 16, 16)] = zero16
            return 0
        lax.fori_loop(0, CH, zrow, 0)
        for j in range(5):
            rd0[pl.ds(j * 16, 16)] = zero16

        def zchunk(t, _):
            tt = s + t * NSUB

            @pl.when(tt < NROWCH)
            def _():
                rb = tt * CH
                pltpu.sync_copy(u_buf, acc_sh.at[pl.ds(rb, CH)])
                pltpu.sync_copy(rd0, den0.at[pl.ds(rb, CH)])
                pltpu.sync_copy(rd0, den1.at[pl.ds(rb, CH)])
            return 0
        lax.fori_loop(0, (NROWCH + NSUB - 1) // NSUB, zchunk, 0)
        plsc.subcore_barrier()

        coff = jnp.full((16,), c * NPAD, jnp.int32)

        def issue_gathers(ci, ub, vb, gs, gd, db, sa, sb):
            base = s * EPT + ci * CH
            pltpu.sync_copy(src_hbm.at[pl.ds(base, CH)], gs)
            pltpu.sync_copy(dst_hbm.at[pl.ds(base, CH)], db)
            for j in range(5):
                sl = pl.ds(j * 16, 16)
                gs[sl] = gs[sl] + coff
                gd[sl] = db[sl] + coff
            pltpu.async_copy(fs_hbm.at[gs], ub, sa)
            pltpu.async_copy(fd_hbm.at[gd], vb, sb)

        def compute_chunk(ci, ub, vb, db, exA, exB):
            base = s * EPT + ci * CH

            def logit_body(i, _):
                accA = zero16
                accB = zero16
                for j in range(4):
                    sl = pl.ds(j * 16, 16)
                    t = ub[i, sl] + vb[i, sl]
                    accA = accA + jnp.maximum(t, NEG_SLOPE * t) * av[j]
                for j in range(4, 8):
                    sl = pl.ds(j * 16, 16)
                    t = ub[i, sl] + vb[i, sl]
                    accB = accB + jnp.maximum(t, NEG_SLOPE * t) * av[j]
                pacc_a[pl.ds(i * 16, 16)] = accA
                pacc_b[pl.ds(i * 16, 16)] = accB
                return 0
            lax.fori_loop(0, CH, logit_body, 0)

            for g in range(CH // 16):
                gb = iota256 + (g * 256)
                totA = zero16
                totB = zero16
                for j in range(16):
                    totA = totA + plsc.load_gather(pacc_a, [gb + j])
                    totB = totB + plsc.load_gather(pacc_b, [gb + j])
                sl = pl.ds(g * 16, 16)
                exA[sl] = jnp.exp(totA)
                exB[sl] = jnp.exp(totB)

            def msg_body(i, _):
                fi = jnp.full((16,), i, jnp.int32)
                e0 = plsc.load_gather(exA, [fi])
                e1 = plsc.load_gather(exB, [fi])
                for j in range(4):
                    sl = pl.ds(j * 16, 16)
                    vb[i, sl] = ub[i, sl] * e0
                for j in range(4, 8):
                    sl = pl.ds(j * 16, 16)
                    vb[i, sl] = ub[i, sl] * e1
                return 0
            lax.fori_loop(0, CH, msg_body, 0)

            pltpu.sync_copy(vb, acc_sh.at[db], add=True)
            pltpu.sync_copy(exA, den0.at[db], add=True)
            pltpu.sync_copy(exB, den1.at[db], add=True)
            pltpu.sync_copy(exA, exh.at[pl.ds(c * (2 * E) + base, CH)])
            pltpu.sync_copy(exB, exh.at[pl.ds(c * (2 * E) + E + base, CH)])

        issue_gathers(0, u_buf, v_buf, gsrc, gdst, dstc, sem1, sem2)

        def chunk_pair(ci2, _):
            ca = 2 * ci2
            cb = ca + 1
            issue_gathers(cb, u_buf2, v_buf2, gsrc2, gdst2, dstc2, sem3, sem4)
            pltpu.make_async_copy(fs_hbm.at[gsrc], u_buf, sem1).wait()
            pltpu.make_async_copy(fd_hbm.at[gdst], v_buf, sem2).wait()
            compute_chunk(ca, u_buf, v_buf, dstc, ex0, ex1)

            @pl.when(ci2 < NCH // 2 - 1)
            def _():
                issue_gathers(ca + 2, u_buf, v_buf, gsrc, gdst, dstc, sem1, sem2)
            pltpu.make_async_copy(fs_hbm.at[gsrc2], u_buf2, sem3).wait()
            pltpu.make_async_copy(fd_hbm.at[gdst2], v_buf2, sem4).wait()
            compute_chunk(cb, u_buf2, v_buf2, dstc2, ex0b, ex1b)
            return 0
        lax.fori_loop(0, NCH // 2, chunk_pair, 0)
        plsc.subcore_barrier()

        def rchunk(t, _):
            tt = s + t * NSUB

            @pl.when(tt < NROWCH)
            def _():
                rb = tt * CH
                pltpu.sync_copy(den0.at[pl.ds(rb, CH)], rd0)
                pltpu.sync_copy(den1.at[pl.ds(rb, CH)], rd1)
                for j in range(5):
                    sl = pl.ds(j * 16, 16)
                    rd0[sl] = 1.0 / (rd0[sl] + 1e-9)
                    rd1[sl] = 1.0 / (rd1[sl] + 1e-9)
                pltpu.sync_copy(rd0, den0.at[pl.ds(rb, CH)])
                pltpu.sync_copy(rd1, den1.at[pl.ds(rb, CH)])
                pltpu.sync_copy(rd0, rdnh.at[pl.ds(c * (2 * N) + rb, CH)])
                pltpu.sync_copy(rd1, rdnh.at[pl.ds(c * (2 * N) + N + rb, CH)])
            return 0
        lax.fori_loop(0, (NROWCH + NSUB - 1) // NSUB, rchunk, 0)
        plsc.subcore_barrier()

        rb0 = jnp.full((16,), c * (2 * N), jnp.int32)
        rb1 = jnp.full((16,), c * (2 * N) + N, jnp.int32)

        def chunk2(ci, _):
            base = s * EPT + ci * CH
            pltpu.sync_copy(dst_hbm.at[pl.ds(base, CH)], dstc)
            pltpu.sync_copy(exh.at[pl.ds(c * (2 * E) + base, CH)], ex0)
            pltpu.sync_copy(exh.at[pl.ds(c * (2 * E) + E + base, CH)], ex1)
            for j in range(5):
                sl = pl.ds(j * 16, 16)
                gdst[sl] = dstc[sl] + rb0
                gsrc[sl] = dstc[sl] + rb1
            cp1 = pltpu.async_copy(rdnh.at[gdst], rd0, sem1)
            cp2 = pltpu.async_copy(rdnh.at[gsrc], rd1, sem2)
            cp1.wait()
            cp2.wait()
            for j in range(5):
                sl = pl.ds(j * 16, 16)
                al0[sl] = ex0[sl] * rd0[sl]
            pltpu.sync_copy(al0, al_hbm.at[pl.ds(c * (2 * E) + base, CH)])
            for j in range(5):
                sl = pl.ds(j * 16, 16)
                al0[sl] = ex1[sl] * rd1[sl]
            pltpu.sync_copy(al0, al_hbm.at[pl.ds(c * (2 * E) + E + base, CH)])
            return 0
        lax.fori_loop(0, NCH, chunk2, 0)

        def nchunk(t, _):
            tt = s + t * NSUB

            @pl.when(tt < NROWCH)
            def _():
                rb = tt * CH
                pltpu.sync_copy(acc_sh.at[pl.ds(rb, CH)], u_buf)
                pltpu.sync_copy(den0.at[pl.ds(rb, CH)], rd0)
                pltpu.sync_copy(den1.at[pl.ds(rb, CH)], rd1)

                def nrow(i, _):
                    fi = jnp.full((16,), i, jnp.int32)
                    r0 = plsc.load_gather(rd0, [fi])
                    r1 = plsc.load_gather(rd1, [fi])
                    for j in range(4):
                        sl = pl.ds(j * 16, 16)
                        u_buf[i, sl] = u_buf[i, sl] * r0 + bv[j]
                    for j in range(4, 8):
                        sl = pl.ds(j * 16, 16)
                        u_buf[i, sl] = u_buf[i, sl] * r1 + bv[j]
                    return 0
                lax.fori_loop(0, CH, nrow, 0)
                pltpu.sync_copy(u_buf, h_hbm.at[c, pl.ds(rb, CH)])
            return 0
        lax.fori_loop(0, (NROWCH + NSUB - 1) // NSUB, nchunk, 0)

    return k(fs, fd, src, dst, attn_flat, bias)


def kernel(x, edge_index, W_src, W_dst, attn_a, bias, hop):
    x_pad = jnp.pad(x, ((0, NPAD - N), (0, 0)))
    fs2, fd2 = _project_feats(x_pad, W_src, W_dst)
    fs = fs2.reshape(2 * NPAD, 128)
    fd = fd2.reshape(2 * NPAD, 128)
    src = edge_index[0]
    dst = edge_index[1]
    h2, al2 = _sc_edge_kernel(fs, fd, src, dst, attn_a.reshape(-1), bias)
    h_out = jnp.moveaxis(h2, 0, 1).reshape(N, HEADS * H1)
    attn = al2.reshape(HEADS, E).T.reshape(E, HEADS, 1)
    return (h_out, attn)

# --- scband reference (transcript-rebuilt; emitter-appended) ---
"""Pipeline reference for scband-tweet-embedder-9723805958351 (READ-ONLY COPY).

The authoritative reference and input builder live on the scoring server;
editing this copy changes nothing except your own understanding.
"""

import jax, jax.numpy as jnp
import numpy as np

N = 10000
E = 320000
IN_DIM = 128
H1 = 64
HEADS = 4
NEG_SLOPE = 0.2


def setup_inputs(seed: int = 0) -> dict:
    key = jax.random.key(seed)
    ks = jax.random.split(key, 6)
    x = jax.random.normal(ks[0], (N, IN_DIM), dtype=jnp.float32)
    edge_index = jax.random.randint(ks[1], (2, E), 0, N, dtype=jnp.int32)
    # GATv2Conv parameters (DGL: fc_src, fc_dst, attn vector, bias)
    W_src = jax.random.normal(ks[2], (IN_DIM, HEADS * H1), dtype=jnp.float32) * (1.0 / np.sqrt(IN_DIM))
    W_dst = jax.random.normal(ks[3], (IN_DIM, HEADS * H1), dtype=jnp.float32) * (1.0 / np.sqrt(IN_DIM))
    attn_a = jax.random.normal(ks[4], (HEADS, H1), dtype=jnp.float32) * (1.0 / np.sqrt(H1))
    bias = jnp.zeros((HEADS * H1,), dtype=jnp.float32)
    return {"x": x, "edge_index": edge_index, "W_src": W_src, "W_dst": W_dst,
            "attn_a": attn_a, "bias": bias, "hop": 1}


def reference(x, edge_index, W_src, W_dst, attn_a, bias, hop=1):
    # TweetEmbedder.forward with conv_type='gat', hop=1:
    #   h, attn = GATv2Conv(in_dim, h1_dim, num_heads)(g, h, get_attention=True)
    #   h = h.reshape(N, -1); return (h, attn)
    src = edge_index[0]
    dst = edge_index[1]
    feat_src = (x @ W_src).reshape(N, HEADS, H1)
    feat_dst = (x @ W_dst).reshape(N, HEADS, H1)
    # GATv2: e = a^T LeakyReLU(W_src x_i + W_dst x_j)   (attention applied AFTER leaky_relu)
    e = jax.nn.leaky_relu(feat_src[src] + feat_dst[dst], negative_slope=NEG_SLOPE)  # [E, H, D]
    logits = jnp.einsum('ehd,hd->eh', e, attn_a)  # [E, H]
    # edge softmax over incoming edges of each dst node
    seg_max = jax.ops.segment_max(logits, dst, num_segments=N)  # [N, H]
    seg_max = jnp.where(jnp.isfinite(seg_max), seg_max, 0.0)
    ex = jnp.exp(logits - seg_max[dst])
    denom = jax.ops.segment_sum(ex, dst, num_segments=N)  # [N, H]
    alpha = ex / (denom[dst] + 1e-9)  # [E, H]
    # aggregate messages
    msg = feat_src[src] * alpha[:, :, None]  # [E, H, D]
    out = jax.ops.segment_sum(msg, dst, num_segments=N)  # [N, H, D]
    out = out + bias.reshape(1, HEADS, H1)
    h_out = out.reshape(N, HEADS * H1)
    attn = alpha[:, :, None]  # [E, H, 1] as DGL returns
    return (h_out, attn)

if __name__ == "__main__":
    import jax
    _d = setup_inputs()
    print(jax.jit(kernel)(*tuple(_d.values())))

</pallas_src>

<mosaic_0001>
#map = affine_map<(d0, d1) -> (0, 0)>
#map1 = affine_map<(d0, d1) -> (0)>
#map2 = affine_map<(d0, d1) -> (0, 0, 0)>
module attributes {stable_mosaic.version = 14 : i64} {
  func.func @k(%arg0: i32, %arg1: i32, %arg2: memref<20480x128xf32, #tpu.memory_space<hbm>>, %arg3: memref<20480x128xf32, #tpu.memory_space<hbm>>, %arg4: memref<320000xi32, #tpu.memory_space<hbm>>, %arg5: memref<320000xi32, #tpu.memory_space<hbm>>, %arg6: memref<256xf32, #tpu.memory_space<hbm>>, %arg7: memref<256xf32, #tpu.memory_space<hbm>>, %arg8: memref<2x10000x128xf32, #tpu.memory_space<hbm>>, %arg9: memref<1280000xf32, #tpu.memory_space<hbm>>, %arg10: memref<80x128xf32, #tpu.memory_space<vmem>>, %arg11: memref<80x128xf32, #tpu.memory_space<vmem>>, %arg12: memref<80xi32, #tpu.memory_space<vmem>>, %arg13: memref<80xi32, #tpu.memory_space<vmem>>, %arg14: memref<80xi32, #tpu.memory_space<vmem>>, %arg15: memref<80x128xf32, #tpu.memory_space<vmem>>, %arg16: memref<80x128xf32, #tpu.memory_space<vmem>>, %arg17: memref<80xi32, #tpu.memory_space<vmem>>, %arg18: memref<80xi32, #tpu.memory_space<vmem>>, %arg19: memref<80xi32, #tpu.memory_space<vmem>>, %arg20: memref<80xf32, #tpu.memory_space<vmem>>, %arg21: memref<80xf32, #tpu.memory_space<vmem>>, %arg22: memref<80xf32, #tpu.memory_space<vmem>>, %arg23: memref<80xf32, #tpu.memory_space<vmem>>, %arg24: memref<128xf32, #tpu.memory_space<vmem>>, %arg25: memref<128xf32, #tpu.memory_space<vmem>>, %arg26: memref<80xf32, #tpu.memory_space<vmem>>, %arg27: memref<80xf32, #tpu.memory_space<vmem>>, %arg28: memref<80xf32, #tpu.memory_space<vmem>>, %arg29: memref<10000x128xf32, #tpu.memory_space<vmem_shared>>, %arg30: memref<10000xf32, #tpu.memory_space<vmem_shared>>, %arg31: memref<10000xf32, #tpu.memory_space<vmem_shared>>, %arg32: memref<1280xf32, #tpu.memory_space<vmem>>, %arg33: memref<1280xf32, #tpu.memory_space<vmem>>, %arg34: memref<1280000xf32, #tpu.memory_space<hbm>>, %arg35: memref<40000xf32, #tpu.memory_space<hbm>>, %arg36: memref<!tpu.dma_semaphore, #tpu.memory_space<semaphore_mem>>, %arg37: memref<!tpu.dma_semaphore, #tpu.memory_space<semaphore_mem>>, %arg38: memref<!tpu.dma_semaphore, #tpu.memory_space<semaphore_mem>>, %arg39: memref<!tpu.dma_semaphore, #tpu.memory_space<semaphore_mem>>, %arg40: memref<!tpu.dma_semaphore, #tpu.memory_space<semaphore_mem>>, %arg41: memref<!tpu.dma_semaphore, #tpu.memory_space<semaphore_mem>>) attributes {dimension_semantics = [#tpu.dimension_semantics<core_parallel>, #tpu.dimension_semantics<subcore_parallel>], iteration_bounds = array<i64: 2, 16>, scalar_prefetch = 0 : i64, scratch_operands = 32 : i64, tpu.core_type = #tpu.core_type<sc_vector_subcore>, window_params = [{transform_indices = #map}, {transform_indices = #map}, {transform_indices = #map1}, {transform_indices = #map1}, {transform_indices = #map1}, {transform_indices = #map1}, {transform_indices = #map2}, {transform_indices = #map1}]} {
    %broadcast_in_dim3A = arith.constant 0.000000e+00 : f32
    %broadcast_in_dim3A_0 = vector.broadcast %broadcast_in_dim3A : f32 to vector<16xf32>
    %iota3A = tpu.iota {dimensions = array<i32: 0>} : vector<16xi32>
    %mul3A = arith.constant 16 : i32
    %mul3A_1 = vector.broadcast %mul3A : i32 to vector<16xi32>
    %mul3A_2 = arith.muli %iota3A, %mul3A_1 : vector<16xi32>
    %mul3A_3 = arith.constant 128 : i32
    %mul3A_4 = arith.muli %arg0, %mul3A_3 : i32
    "tpu.region"() ({
      %run_scoped3A = tpu.sem_alloc : memref<!tpu.dma_semaphore, #tpu.memory_space<semaphore_mem>>
      %dma_start3A_159 = tpu.memref_slice %arg6[%mul3A_4] : memref<256xf32, #tpu.memory_space<hbm>> -> memref<128xf32, #tpu.memory_space<hbm>>
      %dma_start3A_160 = tpu.memref_slice %arg6[%mul3A_4] : memref<256xf32, #tpu.memory_space<hbm>> -> memref<128xf32, #tpu.memory_space<hbm>>
      tpu.enqueue_dma source(%dma_start3A_160 : memref<128xf32, #tpu.memory_space<hbm>>) target(%arg24 : memref<128xf32, #tpu.memory_space<vmem>>) target_semaphore(%run_scoped3A : memref<!tpu.dma_semaphore, #tpu.memory_space<semaphore_mem>>)
      %dma_wait3A = tpu.memref_slice %arg6[%mul3A_4] : memref<256xf32, #tpu.memory_space<hbm>> -> memref<128xf32, #tpu.memory_space<hbm>>
      %dma_wait3A_161 = tpu.memref_slice %arg6[%mul3A_4] : memref<256xf32, #tpu.memory_space<hbm>> -> memref<128xf32, #tpu.memory_space<hbm>>
      tpu.wait_dma2 semaphore(%run_scoped3A : memref<!tpu.dma_semaphore, #tpu.memory_space<semaphore_mem>>) src(%dma_wait3A_161 : memref<128xf32, #tpu.memory_space<hbm>>) dst(%arg24 : memref<128xf32, #tpu.memory_space<vmem>>)
      tpu.yield
    }) : () -> ()
    %mul3A_5 = arith.constant 128 : i32
    %mul3A_6 = arith.muli %arg0, %mul3A_5 : i32
    "tpu.region"() ({
      %run_scoped3A = tpu.sem_alloc : memref<!tpu.dma_semaphore, #tpu.memory_space<semaphore_mem>>
      %dma_start3A_159 = tpu.memref_slice %arg7[%mul3A_6] : memref<256xf32, #tpu.memory_space<hbm>> -> memref<128xf32, #tpu.memory_space<hbm>>
      %dma_start3A_160 = tpu.memref_slice %arg7[%mul3A_6] : memref<256xf32, #tpu.memory_space<hbm>> -> memref<128xf32, #tpu.memory_space<hbm>>
      tpu.enqueue_dma source(%dma_start3A_160 : memref<128xf32, #tpu.memory_space<hbm>>) target(%arg25 : memref<128xf32, #tpu.memory_space<vmem>>) target_semaphore(%run_scoped3A : memref<!tpu.dma_semaphore, #tpu.memory_space<semaphore_mem>>)
      %dma_wait3A = tpu.memref_slice %arg7[%mul3A_6] : memref<256xf32, #tpu.memory_space<hbm>> -> memref<128xf32, #tpu.memory_space<hbm>>
      %dma_wait3A_161 = tpu.memref_slice %arg7[%mul3A_6] : memref<256xf32, #tpu.memory_space<hbm>> -> memref<128xf32, #tpu.memory_space<hbm>>
      tpu.wait_dma2 semaphore(%run_scoped3A : memref<!tpu.dma_semaphore, #tpu.memory_space<semaphore_mem>>) src(%dma_wait3A_161 : memref<128xf32, #tpu.memory_space<hbm>>) dst(%arg25 : memref<128xf32, #tpu.memory_space<vmem>>)
      tpu.yield
    }) : () -> ()
    %get3A = arith.constant 0 : index
    %get3A_7 = tpu.vector_load %arg24[%get3A] {strides = array<i32>} : memref<128xf32, #tpu.memory_space<vmem>>, vector<16xf32>,
    %get3A_8 = arith.constant 16 : index
    %get3A_9 = tpu.vector_load %arg24[%get3A_8] {strides = array<i32>} : memref<128xf32, #tpu.memory_space<vmem>>, vector<16xf32>,
    %get3A_10 = arith.constant 32 : index
    %get3A_11 = tpu.vector_load %arg24[%get3A_10] {strides = array<i32>} : memref<128xf32, #tpu.memory_space<vmem>>, vector<16xf32>,
    %get3A_12 = arith.constant 48 : index
    %get3A_13 = tpu.vector_load %arg24[%get3A_12] {strides = array<i32>} : memref<128xf32, #tpu.memory_space<vmem>>, vector<16xf32>,
    %get3A_14 = arith.constant 64 : index
    %get3A_15 = tpu.vector_load %arg24[%get3A_14] {strides = array<i32>} : memref<128xf32, #tpu.memory_space<vmem>>, vector<16xf32>,
    %get3A_16 = arith.constant 80 : index
    %get3A_17 = tpu.vector_load %arg24[%get3A_16] {strides = array<i32>} : memref<128xf32, #tpu.memory_space<vmem>>, vector<16xf32>,
    %get3A_18 = arith.constant 96 : index
    %get3A_19 = tpu.vector_load %arg24[%get3A_18] {strides = array<i32>} : memref<128xf32, #tpu.memory_space<vmem>>, vector<16xf32>,
    %get3A_20 = arith.constant 112 : index
    %get3A_21 = tpu.vector_load %arg24[%get3A_20] {strides = array<i32>} : memref<128xf32, #tpu.memory_space<vmem>>, vector<16xf32>,
    %get3A_22 = arith.constant 0 : index
    %get3A_23 = tpu.vector_load %arg25[%get3A_22] {strides = array<i32>} : memref<128xf32, #tpu.memory_space<vmem>>, vector<16xf32>,
    %get3A_24 = arith.constant 16 : index
    %get3A_25 = tpu.vector_load %arg25[%get3A_24] {strides = array<i32>} : memref<128xf32, #tpu.memory_space<vmem>>, vector<16xf32>,
    %get3A_26 = arith.constant 32 : index
    %get3A_27 = tpu.vector_load %arg25[%get3A_26] {strides = array<i32>} : memref<128xf32, #tpu.memory_space<vmem>>, vector<16xf32>,
    %get3A_28 = arith.constant 48 : index
    %get3A_29 = tpu.vector_load %arg25[%get3A_28] {strides = array<i32>} : memref<128xf32, #tpu.memory_space<vmem>>, vector<16xf32>,
    %get3A_30 = arith.constant 64 : index
    %get3A_31 = tpu.vector_load %arg25[%get3A_30] {strides = array<i32>} : memref<128xf32, #tpu.memory_space<vmem>>, vector<16xf32>,
    %get3A_32 = arith.constant 80 : index
    %get3A_33 = tpu.vector_load %arg25[%get3A_32] {strides = array<i32>} : memref<128xf32, #tpu.memory_space<vmem>>, vector<16xf32>,
    %get3A_34 = arith.constant 96 : index
    %get3A_35 = tpu.vector_load %arg25[%get3A_34] {strides = array<i32>} : memref<128xf32, #tpu.memory_space<vmem>>, vector<16xf32>,
    %get3A_36 = arith.constant 112 : index
    %get3A_37 = tpu.vector_load %arg25[%get3A_36] {strides = array<i32>} : memref<128xf32, #tpu.memory_space<vmem>>, vector<16xf32>,
    %scan3A = arith.constant 0 : i32
    %scan3A_38 = arith.constant 0 : i32
    %scan3A_39 = arith.constant 80 : i32
    %scan3A_40 = arith.addi %scan3A_38, %scan3A_39 : i32
    %scan3A_41 = arith.constant 1 : i32
    %scan3A_42 = scf.for %scan3A_159 = %scan3A_38 to %scan3A_40 step %scan3A_41 iter_args(%scan3A_160 = %scan3A) -> (i32)  : i32 {
      %swap3A_161 = arith.index_cast %scan3A_159 : i32 to index
      %swap3A_162 = arith.constant 0 : index
      %swap3A_163 = tpu.vector_load %arg10[%swap3A_161, %swap3A_162] {strides = array<i32>} : memref<80x128xf32, #tpu.memory_space<vmem>>, vector<16xf32>,
      tpu.vector_store %arg10[%swap3A_161, %swap3A_162], %broadcast_in_dim3A_0 {strides = array<i32>} : memref<80x128xf32, #tpu.memory_space<vmem>>, vector<16xf32>,
      %swap3A_164 = arith.index_cast %scan3A_159 : i32 to index
      %swap3A_165 = arith.constant 16 : index
      %swap3A_166 = tpu.vector_load %arg10[%swap3A_164, %swap3A_165] {strides = array<i32>} : memref<80x128xf32, #tpu.memory_space<vmem>>, vector<16xf32>,
      tpu.vector_store %arg10[%swap3A_164, %swap3A_165], %broadcast_in_dim3A_0 {strides = array<i32>} : memref<80x128xf32, #tpu.memory_space<vmem>>, vector<16xf32>,
      %swap3A_167 = arith.index_cast %scan3A_159 : i32 to index
      %swap3A_168 = arith.constant 32 : index
      %swap3A_169 = tpu.vector_load %arg10[%swap3A_167, %swap3A_168] {strides = array<i32>} : memref<80x128xf32, #tpu.memory_space<vmem>>, vector<16xf32>,
      tpu.vector_store %arg10[%swap3A_167, %swap3A_168], %broadcast_in_dim3A_0 {strides = array<i32>} : memref<80x128xf32, #tpu.memory_space<vmem>>, vector<16xf32>,
      %swap3A_170 = arith.index_cast %scan3A_159 : i32 to index
      %swap3A_171 = arith.constant 48 : index
      %swap3A_172 = tpu.vector_load %arg10[%swap3A_170, %swap3A_171] {strides = array<i32>} : memref<80x128xf32, #tpu.memory_space<vmem>>, vector<16xf32>,
      tpu.vector_store %arg10[%swap3A_170, %swap3A_171], %broadcast_in_dim3A_0 {strides = array<i32>} : memref<80x128xf32, #tpu.memory_space<vmem>>, vector<16xf32>,
      %swap3A_173 = arith.index_cast %scan3A_159 : i32 to index
      %swap3A_174 = arith.constant 64 : index
      %swap3A_175 = tpu.vector_load %arg10[%swap3A_173, %swap3A_174] {strides = array<i32>} : memref<80x128xf32, #tpu.memory_space<vmem>>, vector<16xf32>,
      tpu.vector_store %arg10[%swap3A_173, %swap3A_174], %broadcast_in_dim3A_0 {strides = array<i32>} : memref<80x128xf32, #tpu.memory_space<vmem>>, vector<16xf32>,
      %swap3A_176 = arith.index_cast %scan3A_159 : i32 to index
      %swap3A_177 = arith.constant 80 : index
      %swap3A_178 = tpu.vector_load %arg10[%swap3A_176, %swap3A_177] {strides = array<i32>} : memref<80x128xf32, #tpu.memory_space<vmem>>, vector<16xf32>,
      tpu.vector_store %arg10[%swap3A_176, %swap3A_177], %broadcast_in_dim3A_0 {strides = array<i32>} : memref<80x128xf32, #tpu.memory_space<vmem>>, vector<16xf32>,
      %swap3A_179 = arith.index_cast %scan3A_159 : i32 to index
      %swap3A_180 = arith.constant 96 : index
      %swap3A_181 = tpu.vector_load %arg10[%swap3A_179, %swap3A_180] {strides = array<i32>} : memref<80x128xf32, #tpu.memory_space<vmem>>, vector<16xf32>,
      tpu.vector_store %arg10[%swap3A_179, %swap3A_180], %broadcast_in_dim3A_0 {strides = array<i32>} : memref<80x128xf32, #tpu.memory_space<vmem>>, vector<16xf32>,
      %swap3A_182 = arith.index_cast %scan3A_159 : i32 to index
      %swap3A_183 = arith.constant 112 : index
      %swap3A_184 = tpu.vector_load %arg10[%swap3A_182, %swap3A_183] {strides = array<i32>} : memref<80x128xf32, #tpu.memory_space<vmem>>, vector<16xf32>,
      tpu.vector_store %arg10[%swap3A_182, %swap3A_183], %broadcast_in_dim3A_0 {strides = array<i32>} : memref<80x128xf32, #tpu.memory_space<vmem>>, vector<16xf32>,
      %scan3A_185 = arith.constant 0 : i32
      scf.yield %scan3A_185 : i32
    }
    %scan3A_43 = arith.constant 80 : i32
    %swap3A = arith.constant 0 : index
    %swap3A_44 = tpu.vector_load %arg26[%swap3A] {strides = array<i32>} : memref<80xf32, #tpu.memory_space<vmem>>, vector<16xf32>,
    tpu.vector_store %arg26[%swap3A], %broadcast_in_dim3A_0 {strides = array<i32>} : memref<80xf32, #tpu.memory_space<vmem>>, vector<16xf32>,
    %swap3A_45 = arith.constant 16 : index
    %swap3A_46 = tpu.vector_load %arg26[%swap3A_45] {strides = array<i32>} : memref<80xf32, #tpu.memory_space<vmem>>, vector<16xf32>,
    tpu.vector_store %arg26[%swap3A_45], %broadcast_in_dim3A_0 {strides = array<i32>} : memref<80xf32, #tpu.memory_space<vmem>>, vector<16xf32>,
    %swap3A_47 = arith.constant 32 : index
    %swap3A_48 = tpu.vector_load %arg26[%swap3A_47] {strides = array<i32>} : memref<80xf32, #tpu.memory_space<vmem>>, vector<16xf32>,
    tpu.vector_store %arg26[%swap3A_47], %broadcast_in_dim3A_0 {strides = array<i32>} : memref<80xf32, #tpu.memory_space<vmem>>, vector<16xf32>,
    %swap3A_49 = arith.constant 48 : index
    %swap3A_50 = tpu.vector_load %arg26[%swap3A_49] {strides = array<i32>} : memref<80xf32, #tpu.memory_space<vmem>>, vector<16xf32>,
    tpu.vector_store %arg26[%swap3A_49], %broadcast_in_dim3A_0 {strides = array<i32>} : memref<80xf32, #tpu.memory_space<vmem>>, vector<16xf32>,
    %swap3A_51 = arith.constant 64 : index
    %swap3A_52 = tpu.vector_load %arg26[%swap3A_51] {strides = array<i32>} : memref<80xf32, #tpu.memory_space<vmem>>, vector<16xf32>,
    tpu.vector_store %arg26[%swap3A_51], %broadcast_in_dim3A_0 {strides = array<i32>} : memref<80xf32, #tpu.memory_space<vmem>>, vector<16xf32>,
    %scan3A_53 = arith.constant 0 : i32
    %scan3A_54 = arith.constant 0 : i32
    %scan3A_55 = arith.constant 8 : i32
    %scan3A_56 = arith.addi %scan3A_54, %scan3A_55 : i32
    %scan3A_57 = arith.constant 1 : i32
    %scan3A_58 = scf.for %scan3A_159 = %scan3A_54 to %scan3A_56 step %scan3A_57 iter_args(%scan3A_160 = %scan3A_53) -> (i32)  : i32 {
      %mul3A_161 = arith.constant 16 : i32
      %mul3A_162 = arith.muli %scan3A_159, %mul3A_161 : i32
      %add3A_163 = arith.addi %arg1, %mul3A_162 : i32
      %lt3A = arith.constant 125 : i32
      %lt3A_164 = arith.cmpi slt, %add3A_163, %lt3A : i32
      %convert_element_type3A = arith.extui %lt3A_164 : i1 to i32
      %cond3A = arith.constant 0 : i32
      %cond3A_165 = arith.cmpi ne, %convert_element_type3A, %cond3A : i32
      scf.if %cond3A_165 {
        %mul3A_167 = arith.constant 80 : i32
        %mul3A_168 = arith.muli %add3A_163, %mul3A_167 : i32
        "tpu.region"() ({
          %run_scoped3A = tpu.sem_alloc : memref<!tpu.dma_semaphore, #tpu.memory_space<semaphore_mem>>
          %dma_start3A_169 = arith.constant 0 : i32
          %dma_start3A_170 = tpu.memref_slice %arg29[%mul3A_168, %dma_start3A_169] : memref<10000x128xf32, #tpu.memory_space<vmem_shared>> -> memref<80x128xf32, #tpu.memory_space<vmem_shared>>
          %dma_start3A_171 = arith.constant 0 : i32
          %dma_start3A_172 = tpu.memref_slice %arg29[%mul3A_168, %dma_start3A_171] : memref<10000x128xf32, #tpu.memory_space<vmem_shared>> -> memref<80x128xf32, #tpu.memory_space<vmem_shared>>
          tpu.enqueue_dma source(%arg10 : memref<80x128xf32, #tpu.memory_space<vmem>>) target(%dma_start3A_172 : memref<80x128xf32, #tpu.memory_space<vmem_shared>>) target_semaphore(%run_scoped3A : memref<!tpu.dma_semaphore, #tpu.memory_space<semaphore_mem>>)
          %dma_wait3A = arith.constant 0 : i32
          %dma_wait3A_173 = tpu.memref_slice %arg29[%mul3A_168, %dma_wait3A] : memref<10000x128xf32, #tpu.memory_space<vmem_shared>> -> memref<80x128xf32, #tpu.memory_space<vmem_shared>>
          %dma_wait3A_174 = arith.constant 0 : i32
          %dma_wait3A_175 = tpu.memref_slice %arg29[%mul3A_168, %dma_wait3A_174] : memref<10000x128xf32, #tpu.memory_space<vmem_shared>> -> memref<80x128xf32, #tpu.memory_space<vmem_shared>>
          tpu.wait_dma2 semaphore(%run_scoped3A : memref<!tpu.dma_semaphore, #tpu.memory_space<semaphore_mem>>) src(%arg10 : memref<80x128xf32, #tpu.memory_space<vmem>>) dst(%dma_wait3A_175 : memref<80x128xf32, #tpu.memory_space<vmem_shared>>)
          tpu.yield
        }) : () -> ()
        "tpu.region"() ({
          %run_scoped3A = tpu.sem_alloc : memref<!tpu.dma_semaphore, #tpu.memory_space<semaphore_mem>>
          %dma_start3A_169 = tpu.memref_slice %arg30[%mul3A_168] : memref<10000xf32, #tpu.memory_space<vmem_shared>> -> memref<80xf32, #tpu.memory_space<vmem_shared>>
          %dma_start3A_170 = tpu.memref_slice %arg30[%mul3A_168] : memref<10000xf32, #tpu.memory_space<vmem_shared>> -> memref<80xf32, #tpu.memory_space<vmem_shared>>
          tpu.enqueue_dma source(%arg26 : memref<80xf32, #tpu.memory_space<vmem>>) target(%dma_start3A_170 : memref<80xf32, #tpu.memory_space<vmem_shared>>) target_semaphore(%run_scoped3A : memref<!tpu.dma_semaphore, #tpu.memory_space<semaphore_mem>>)
          %dma_wait3A = tpu.memref_slice %arg30[%mul3A_168] : memref<10000xf32, #tpu.memory_space<vmem_shared>> -> memref<80xf32, #tpu.memory_space<vmem_shared>>
          %dma_wait3A_171 = tpu.memref_slice %arg30[%mul3A_168] : memref<10000xf32, #tpu.memory_space<vmem_shared>> -> memref<80xf32, #tpu.memory_space<vmem_shared>>
          tpu.wait_dma2 semaphore(%run_scoped3A : memref<!tpu.dma_semaphore, #tpu.memory_space<semaphore_mem>>) src(%arg26 : memref<80xf32, #tpu.memory_space<vmem>>) dst(%dma_wait3A_171 : memref<80xf32, #tpu.memory_space<vmem_shared>>)
          tpu.yield
        }) : () -> ()
        "tpu.region"() ({
          %run_scoped3A = tpu.sem_alloc : memref<!tpu.dma_semaphore, #tpu.memory_space<semaphore_mem>>
          %dma_start3A_169 = tpu.memref_slice %arg31[%mul3A_168] : memref<10000xf32, #tpu.memory_space<vmem_shared>> -> memref<80xf32, #tpu.memory_space<vmem_shared>>
          %dma_start3A_170 = tpu.memref_slice %arg31[%mul3A_168] : memref<10000xf32, #tpu.memory_space<vmem_shared>> -> memref<80xf32, #tpu.memory_space<vmem_shared>>
          tpu.enqueue_dma source(%arg26 : memref<80xf32, #tpu.memory_space<vmem>>) target(%dma_start3A_170 : memref<80xf32, #tpu.memory_space<vmem_shared>>) target_semaphore(%run_scoped3A : memref<!tpu.dma_semaphore, #tpu.memory_space<semaphore_mem>>)
          %dma_wait3A = tpu.memref_slice %arg31[%mul3A_168] : memref<10000xf32, #tpu.memory_space<vmem_shared>> -> memref<80xf32, #tpu.memory_space<vmem_shared>>
          %dma_wait3A_171 = tpu.memref_slice %arg31[%mul3A_168] : memref<10000xf32, #tpu.memory_space<vmem_shared>> -> memref<80xf32, #tpu.memory_space<vmem_shared>>
          tpu.wait_dma2 semaphore(%run_scoped3A : memref<!tpu.dma_semaphore, #tpu.memory_space<semaphore_mem>>) src(%arg26 : memref<80xf32, #tpu.memory_space<vmem>>) dst(%dma_wait3A_171 : memref<80xf32, #tpu.memory_space<vmem_shared>>)
          tpu.yield
        }) : () -> ()
      } else {
      }
      %scan3A_166 = arith.constant 0 : i32
      scf.yield %scan3A_166 : i32
    }
    %scan3A_59 = arith.constant 8 : i32
    %barrier3A = arith.constant 0 : index
    tpu.barrier barrier_id(%barrier3A)
    %mul3A_60 = arith.constant 10240 : i32
    %mul3A_61 = arith.muli %arg0, %mul3A_60 : i32
    %broadcast_in_dim3A_62 = vector.broadcast %mul3A_61 : i32 to vector<16xi32>
    %mul3A_63 = arith.constant 20000 : i32
    %mul3A_64 = arith.muli %arg1, %mul3A_63 : i32
    %add3A = arith.constant 0 : i32
    %add3A_65 = arith.addi %mul3A_64, %add3A : i32
    "tpu.region"() ({
      %run_scoped3A = tpu.sem_alloc : memref<!tpu.dma_semaphore, #tpu.memory_space<semaphore_mem>>
      %dma_start3A_159 = tpu.memref_slice %arg4[%add3A_65] : memref<320000xi32, #tpu.memory_space<hbm>> -> memref<80xi32, #tpu.memory_space<hbm>>
      %dma_start3A_160 = tpu.memref_slice %arg4[%add3A_65] : memref<320000xi32, #tpu.memory_space<hbm>> -> memref<80xi32, #tpu.memory_space<hbm>>
      tpu.enqueue_dma source(%dma_start3A_160 : memref<80xi32, #tpu.memory_space<hbm>>) target(%arg12 : memref<80xi32, #tpu.memory_space<vmem>>) target_semaphore(%run_scoped3A : memref<!tpu.dma_semaphore, #tpu.memory_space<semaphore_mem>>)
      %dma_wait3A = tpu.memref_slice %arg4[%add3A_65] : memref<320000xi32, #tpu.memory_space<hbm>> -> memref<80xi32, #tpu.memory_space<hbm>>
      %dma_wait3A_161 = tpu.memref_slice %arg4[%add3A_65] : memref<320000xi32, #tpu.memory_space<hbm>> -> memref<80xi32, #tpu.memory_space<hbm>>
      tpu.wait_dma2 semaphore(%run_scoped3A : memref<!tpu.dma_semaphore, #tpu.memory_space<semaphore_mem>>) src(%dma_wait3A_161 : memref<80xi32, #tpu.memory_space<hbm>>) dst(%arg12 : memref<80xi32, #tpu.memory_space<vmem>>)
      tpu.yield
    }) : () -> ()
    "tpu.region"() ({
      %run_scoped3A = tpu.sem_alloc : memref<!tpu.dma_semaphore, #tpu.memory_space<semaphore_mem>>
      %dma_start3A_159 = tpu.memref_slice %arg5[%add3A_65] : memref<320000xi32, #tpu.memory_space<hbm>> -> memref<80xi32, #tpu.memory_space<hbm>>
      %dma_start3A_160 = tpu.memref_slice %arg5[%add3A_65] : memref<320000xi32, #tpu.memory_space<hbm>> -> memref<80xi32, #tpu.memory_space<hbm>>
      tpu.enqueue_dma source(%dma_start3A_160 : memref<80xi32, #tpu.memory_space<hbm>>) target(%arg14 : memref<80xi32, #tpu.memory_space<vmem>>) target_semaphore(%run_scoped3A : memref<!tpu.dma_semaphore, #tpu.memory_space<semaphore_mem>>)
      %dma_wait3A = tpu.memref_slice %arg5[%add3A_65] : memref<320000xi32, #tpu.memory_space<hbm>> -> memref<80xi32, #tpu.memory_space<hbm>>
      %dma_wait3A_161 = tpu.memref_slice %arg5[%add3A_65] : memref<320000xi32, #tpu.memory_space<hbm>> -> memref<80xi32, #tpu.memory_space<hbm>>
      tpu.wait_dma2 semaphore(%run_scoped3A : memref<!tpu.dma_semaphore, #tpu.memory_space<semaphore_mem>>) src(%dma_wait3A_161 : memref<80xi32, #tpu.memory_space<hbm>>) dst(%arg14 : memref<80xi32, #tpu.memory_space<vmem>>)
      tpu.yield
    }) : () -> ()
    %get3A_66 = arith.constant 0 : index
    %get3A_67 = tpu.vector_load %arg12[%get3A_66] {strides = array<i32>} : memref<80xi32, #tpu.memory_space<vmem>>, vector<16xi32>,
    %add3A_68 = arith.addi %get3A_67, %broadcast_in_dim3A_62 : vector<16xi32>
    %swap3A_69 = arith.constant 0 : index
    %swap3A_70 = tpu.vector_load %arg12[%swap3A_69] {strides = array<i32>} : memref<80xi32, #tpu.memory_space<vmem>>, vector<16xi32>,
    tpu.vector_store %arg12[%swap3A_69], %add3A_68 {strides = array<i32>} : memref<80xi32, #tpu.memory_space<vmem>>, vector<16xi32>,
    %get3A_71 = arith.constant 0 : index
    %get3A_72 = tpu.vector_load %arg14[%get3A_71] {strides = array<i32>} : memref<80xi32, #tpu.memory_space<vmem>>, vector<16xi32>,
    %add3A_73 = arith.addi %get3A_72, %broadcast_in_dim3A_62 : vector<16xi32>
    %swap3A_74 = arith.constant 0 : index
    %swap3A_75 = tpu.vector_load %arg13[%swap3A_74] {strides = array<i32>} : memref<80xi32, #tpu.memory_space<vmem>>, vector<16xi32>,
    tpu.vector_store %arg13[%swap3A_74], %add3A_73 {strides = array<i32>} : memref<80xi32, #tpu.memory_space<vmem>>, vector<16xi32>,
    %get3A_76 = arith.constant 16 : index
    %get3A_77 = tpu.vector_load %arg12[%get3A_76] {strides = array<i32>} : memref<80xi32, #tpu.memory_space<vmem>>, vector<16xi32>,
    %add3A_78 = arith.addi %get3A_77, %broadcast_in_dim3A_62 : vector<16xi32>
    %swap3A_79 = arith.constant 16 : index
    %swap3A_80 = tpu.vector_load %arg12[%swap3A_79] {strides = array<i32>} : memref<80xi32, #tpu.memory_space<vmem>>, vector<16xi32>,
    tpu.vector_store %arg12[%swap3A_79], %add3A_78 {strides = array<i32>} : memref<80xi32, #tpu.memory_space<vmem>>, vector<16xi32>,
    %get3A_81 = arith.constant 16 : index
    %get3A_82 = tpu.vector_load %arg14[%get3A_81] {strides = array<i32>} : memref<80xi32, #tpu.memory_space<vmem>>, vector<16xi32>,
    %add3A_83 = arith.addi %get3A_82, %broadcast_in_dim3A_62 : vector<16xi32>
    %swap3A_84 = arith.constant 16 : index
    %swap3A_85 = tpu.vector_load %arg13[%swap3A_84] {strides = array<i32>} : memref<80xi32, #tpu.memory_space<vmem>>, vector<16xi32>,
    tpu.vector_store %arg13[%swap3A_84], %add3A_83 {strides = array<i32>} : memref<80xi32, #tpu.memory_space<vmem>>, vector<16xi32>,
    %get3A_86 = arith.constant 32 : index
    %get3A_87 = tpu.vector_load %arg12[%get3A_86] {strides = array<i32>} : memref<80xi32, #tpu.memory_space<vmem>>, vector<16xi32>,
    %add3A_88 = arith.addi %get3A_87, %broadcast_in_dim3A_62 : vector<16xi32>
    %swap3A_89 = arith.constant 32 : index
    %swap3A_90 = tpu.vector_load %arg12[%swap3A_89] {strides = array<i32>} : memref<80xi32, #tpu.memory_space<vmem>>, vector<16xi32>,
    tpu.vector_store %arg12[%swap3A_89], %add3A_88 {strides = array<i32>} : memref<80xi32, #tpu.memory_space<vmem>>, vector<16xi32>,
    %get3A_91 = arith.constant 32 : index
    %get3A_92 = tpu.vector_load %arg14[%get3A_91] {strides = array<i32>} : memref<80xi32, #tpu.memory_space<vmem>>, vector<16xi32>,
    %add3A_93 = arith.addi %get3A_92, %broadcast_in_dim3A_62 : vector<16xi32>
    %swap3A_94 = arith.constant 32 : index
    %swap3A_95 = tpu.vector_load %arg13[%swap3A_94] {strides = array<i32>} : memref<80xi32, #tpu.memory_space<vmem>>, vector<16xi32>,
    tpu.vector_store %arg13[%swap3A_94], %add3A_93 {strides = array<i32>} : memref<80xi32, #tpu.memory_space<vmem>>, vector<16xi32>,
    %get3A_96 = arith.constant 48 : index
    %get3A_97 = tpu.vector_load %arg12[%get3A_96] {strides = array<i32>} : memref<80xi32, #tpu.memory_space<vmem>>, vector<16xi32>,
    %add3A_98 = arith.addi %get3A_97, %broadcast_in_dim3A_62 : vector<16xi32>
    %swap3A_99 = arith.constant 48 : index
    %swap3A_100 = tpu.vector_load %arg12[%swap3A_99] {strides = array<i32>} : memref<80xi32, #tpu.memory_space<vmem>>, vector<16xi32>,
    tpu.vector_store %arg12[%swap3A_99], %add3A_98 {strides = array<i32>} : memref<80xi32, #tpu.memory_space<vmem>>, vector<16xi32>,
    %get3A_101 = arith.constant 48 : index
    %get3A_102 = tpu.vector_load %arg14[%get3A_101] {strides = array<i32>} : memref<80xi32, #tpu.memory_space<vmem>>, vector<16xi32>,
    %add3A_103 = arith.addi %get3A_102, %broadcast_in_dim3A_62 : vector<16xi32>
    %swap3A_104 = arith.constant 48 : index
    %swap3A_105 = tpu.vector_load %arg13[%swap3A_104] {strides = array<i32>} : memref<80xi32, #tpu.memory_space<vmem>>, vector<16xi32>,
    tpu.vector_store %arg13[%swap3A_104], %add3A_103 {strides = array<i32>} : memref<80xi32, #tpu.memory_space<vmem>>, vector<16xi32>,
    %get3A_106 = arith.constant 64 : index
    %get3A_107 = tpu.vector_load %arg12[%get3A_106] {strides = array<i32>} : memref<80xi32, #tpu.memory_space<vmem>>, vector<16xi32>,
    %add3A_108 = arith.addi %get3A_107, %broadcast_in_dim3A_62 : vector<16xi32>
    %swap3A_109 = arith.constant 64 : index
    %swap3A_110 = tpu.vector_load %arg12[%swap3A_109] {strides = array<i32>} : memref<80xi32, #tpu.memory_space<vmem>>, vector<16xi32>,
    tpu.vector_store %arg12[%swap3A_109], %add3A_108 {strides = array<i32>} : memref<80xi32, #tpu.memory_space<vmem>>, vector<16xi32>,
    %get3A_111 = arith.constant 64 : index
    %get3A_112 = tpu.vector_load %arg14[%get3A_111] {strides = array<i32>} : memref<80xi32, #tpu.memory_space<vmem>>, vector<16xi32>,
    %add3A_113 = arith.addi %get3A_112, %broadcast_in_dim3A_62 : vector<16xi32>
    %swap3A_114 = arith.constant 64 : index
    %swap3A_115 = tpu.vector_load %arg13[%swap3A_114] {strides = array<i32>} : memref<80xi32, #tpu.memory_space<vmem>>, vector<16xi32>,
    tpu.vector_store %arg13[%swap3A_114], %add3A_113 {strides = array<i32>} : memref<80xi32, #tpu.memory_space<vmem>>, vector<16xi32>,
    %dma_start3A = arith.constant 0 : i32
    %dma_start3A_116 = arith.constant 0 : i32
    %dma_start3A_117 = tpu.memref_slice %arg2[%dma_start3A, %dma_start3A_116] : memref<20480x128xf32, #tpu.memory_space<hbm>> -> memref<20480x128xf32, #tpu.memory_space<hbm>>
    tpu.enqueue_indirect_dma source(%dma_start3A_117 : memref<20480x128xf32, #tpu.memory_space<hbm>>) target(%arg10 : memref<80x128xf32, #tpu.memory_space<vmem>>) offsets(%arg12 : memref<80xi32, #tpu.memory_space<vmem>>) semaphore(%arg36 : memref<!tpu.dma_semaphore, #tpu.memory_space<semaphore_mem>>)
    %dma_start3A_118 = arith.constant 0 : i32
    %dma_start3A_119 = arith.constant 0 : i32
    %dma_start3A_120 = tpu.memref_slice %arg3[%dma_start3A_118, %dma_start3A_119] : memref<20480x128xf32, #tpu.memory_space<hbm>> -> memref<20480x128xf32, #tpu.memory_space<hbm>>
    tpu.enqueue_indirect_dma source(%dma_start3A_120 : memref<20480x128xf32, #tpu.memory_space<hbm>>) target(%arg11 : memref<80x128xf32, #tpu.memory_space<vmem>>) offsets(%arg13 : memref<80xi32, #tpu.memory_space<vmem>>) semaphore(%arg37 : memref<!tpu.dma_semaphore, #tpu.memory_space<semaphore_mem>>)
    %scan3A_121 = arith.constant 0 : i32
    %scan3A_122 = arith.constant 0 : i32
    %scan3A_123 = arith.constant 125 : i32
    %scan3A_124 = arith.addi %scan3A_122, %scan3A_123 : i32
    %scan3A_125 = arith.constant 1 : i32
    %scan3A_126 = scf.for %scan3A_159 = %scan3A_122 to %scan3A_124 step %scan3A_125 iter_args(%scan3A_160 = %scan3A_121) -> (i32)  : i32 {
      %mul3A_161 = arith.constant 2 : i32
      %mul3A_162 = arith.muli %mul3A_161, %scan3A_159 : i32
      %add3A_163 = arith.constant 1 : i32
      %add3A_164 = arith.addi %mul3A_162, %add3A_163 : i32
      %mul3A_165 = arith.constant 20000 : i32
      %mul3A_166 = arith.muli %arg1, %mul3A_165 : i32
      %mul3A_167 = arith.constant 80 : i32
      %mul3A_168 = arith.muli %add3A_164, %mul3A_167 : i32
      %add3A_169 = arith.addi %mul3A_166, %mul3A_168 : i32
      "tpu.region"() ({
        %run_scoped3A = tpu.sem_alloc : memref<!tpu.dma_semaphore, #tpu.memory_space<semaphore_mem>>
        %dma_start3A_1982 = tpu.memref_slice %arg4[%add3A_169] : memref<320000xi32, #tpu.memory_space<hbm>> -> memref<80xi32, #tpu.memory_space<hbm>>
        %dma_start3A_1983 = tpu.memref_slice %arg4[%add3A_169] : memref<320000xi32, #tpu.memory_space<hbm>> -> memref<80xi32, #tpu.memory_space<hbm>>
        tpu.enqueue_dma source(%dma_start3A_1983 : memref<80xi32, #tpu.memory_space<hbm>>) target(%arg17 : memref<80xi32, #tpu.memory_space<vmem>>) target_semaphore(%run_scoped3A : memref<!tpu.dma_semaphore, #tpu.memory_space<semaphore_mem>>)
        %dma_wait3A_1984 = tpu.memref_slice %arg4[%add3A_169] : memref<320000xi32, #tpu.memory_space<hbm>> -> memref<80xi32, #tpu.memory_space<hbm>>
        %dma_wait3A_1985 = tpu.memref_slice %arg4[%add3A_169] : memref<320000xi32, #tpu.memory_space<hbm>> -> memref<80xi32, #tpu.memory_space<hbm>>
        tpu.wait_dma2 semaphore(%run_scoped3A : memref<!tpu.dma_semaphore, #tpu.memory_space<semaphore_mem>>) src(%dma_wait3A_1985 : memref<80xi32, #tpu.memory_space<hbm>>) dst(%arg17 : memref<80xi32, #tpu.memory_space<vmem>>)
        tpu.yield
      }) : () -> ()
      "tpu.region"() ({
        %run_scoped3A = tpu.sem_alloc : memref<!tpu.dma_semaphore, #tpu.memory_space<semaphore_mem>>
        %dma_start3A_1982 = tpu.memref_slice %arg5[%add3A_169] : memref<320000xi32, #tpu.memory_space<hbm>> -> memref<80xi32, #tpu.memory_space<hbm>>
        %dma_start3A_1983 = tpu.memref_slice %arg5[%add3A_169] : memref<320000xi32, #tpu.memory_space<hbm>> -> memref<80xi32, #tpu.memory_space<hbm>>
        tpu.enqueue_dma source(%dma_start3A_1983 : memref<80xi32, #tpu.memory_space<hbm>>) target(%arg19 : memref<80xi32, #tpu.memory_space<vmem>>) target_semaphore(%run_scoped3A : memref<!tpu.dma_semaphore, #tpu.memory_space<semaphore_mem>>)
        %dma_wait3A_1984 = tpu.memref_slice %arg5[%add3A_169] : memref<320000xi32, #tpu.memory_space<hbm>> -> memref<80xi32, #tpu.memory_space<hbm>>
        %dma_wait3A_1985 = tpu.memref_slice %arg5[%add3A_169] : memref<320000xi32, #tpu.memory_space<hbm>> -> memref<80xi32, #tpu.memory_space<hbm>>
        tpu.wait_dma2 semaphore(%run_scoped3A : memref<!tpu.dma_semaphore, #tpu.memory_space<semaphore_mem>>) src(%dma_wait3A_1985 : memref<80xi32, #tpu.memory_space<hbm>>) dst(%arg19 : memref<80xi32, #tpu.memory_space<vmem>>)
        tpu.yield
      }) : () -> ()
      %get3A_170 = arith.constant 0 : index
      %get3A_171 = tpu.vector_load %arg17[%get3A_170] {strides = array<i32>} : memref<80xi32, #tpu.memory_space<vmem>>, vector<16xi32>,
      %add3A_172 = arith.addi %get3A_171, %broadcast_in_dim3A_62 : vector<16xi32>
      %swap3A_173 = arith.constant 0 : index
      %swap3A_174 = tpu.vector_load %arg17[%swap3A_173] {strides = array<i32>} : memref<80xi32, #tpu.memory_space<vmem>>, vector<16xi32>,
      tpu.vector_store %arg17[%swap3A_173], %add3A_172 {strides = array<i32>} : memref<80xi32, #tpu.memory_space<vmem>>, vector<16xi32>,
      %get3A_175 = arith.constant 0 : index
      %get3A_176 = tpu.vector_load %arg19[%get3A_175] {strides = array<i32>} : memref<80xi32, #tpu.memory_space<vmem>>, vector<16xi32>,
      %add3A_177 = arith.addi %get3A_176, %broadcast_in_dim3A_62 : vector<16xi32>
      %swap3A_178 = arith.constant 0 : index
      %swap3A_179 = tpu.vector_load %arg18[%swap3A_178] {strides = array<i32>} : memref<80xi32, #tpu.memory_space<vmem>>, vector<16xi32>,
      tpu.vector_store %arg18[%swap3A_178], %add3A_177 {strides = array<i32>} : memref<80xi32, #tpu.memory_space<vmem>>, vector<16xi32>,
      %get3A_180 = arith.constant 16 : index
      %get3A_181 = tpu.vector_load %arg17[%get3A_180] {strides = array<i32>} : memref<80xi32, #tpu.memory_space<vmem>>, vector<16xi32>,
      %add3A_182 = arith.addi %get3A_181, %broadcast_in_dim3A_62 : vector<16xi32>
      %swap3A_183 = arith.constant 16 : index
      %swap3A_184 = tpu.vector_load %arg17[%swap3A_183] {strides = array<i32>} : memref<80xi32, #tpu.memory_space<vmem>>, vector<16xi32>,
      tpu.vector_store %arg17[%swap3A_183], %add3A_182 {strides = array<i32>} : memref<80xi32, #tpu.memory_space<vmem>>, vector<16xi32>,
      %get3A_185 = arith.constant 16 : index
      %get3A_186 = tpu.vector_load %arg19[%get3A_185] {strides = array<i32>} : memref<80xi32, #tpu.memory_space<vmem>>, vector<16xi32>,
      %add3A_187 = arith.addi %get3A_186, %broadcast_in_dim3A_62 : vector<16xi32>
      %swap3A_188 = arith.constant 16 : index
      %swap3A_189 = tpu.vector_load %arg18[%swap3A_188] {strides = array<i32>} : memref<80xi32, #tpu.memory_space<vmem>>, vector<16xi32>,
      tpu.vector_store %arg18[%swap3A_188], %add3A_187 {strides = array<i32>} : memref<80xi32, #tpu.memory_space<vmem>>, vector<16xi32>,
      %get3A_190 = arith.constant 32 : index
      %get3A_191 = tpu.vector_load %arg17[%get3A_190] {strides = array<i32>} : memref<80xi32, #tpu.memory_space<vmem>>, vector<16xi32>,
      %add3A_192 = arith.addi %get3A_191, %broadcast_in_dim3A_62 : vector<16xi32>
      %swap3A_193 = arith.constant 32 : index
      %swap3A_194 = tpu.vector_load %arg17[%swap3A_193] {strides = array<i32>} : memref<80xi32, #tpu.memory_space<vmem>>, vector<16xi32>,
      tpu.vector_store %arg17[%swap3A_193], %add3A_192 {strides = array<i32>} : memref<80xi32, #tpu.memory_space<vmem>>, vector<16xi32>,
      %get3A_195 = arith.constant 32 : index
      %get3A_196 = tpu.vector_load %arg19[%get3A_195] {strides = array<i32>} : memref<80xi32, #tpu.memory_space<vmem>>, vector<16xi32>,
      %add3A_197 = arith.addi %get3A_196, %broadcast_in_dim3A_62 : vector<16xi32>
      %swap3A_198 = arith.constant 32 : index
      %swap3A_199 = tpu.vector_load %arg18[%swap3A_198] {strides = array<i32>} : memref<80xi32, #tpu.memory_space<vmem>>, vector<16xi32>,
      tpu.vector_store %arg18[%swap3A_198], %add3A_197 {strides = array<i32>} : memref<80xi32, #tpu.memory_space<vmem>>, vector<16xi32>,
      %get3A_200 = arith.constant 48 : index
      %get3A_201 = tpu.vector_load %arg17[%get3A_200] {strides = array<i32>} : memref<80xi32, #tpu.memory_space<vmem>>, vector<16xi32>,
      %add3A_202 = arith.addi %get3A_201, %broadcast_in_dim3A_62 : vector<16xi32>
      %swap3A_203 = arith.constant 48 : index
      %swap3A_204 = tpu.vector_load %arg17[%swap3A_203] {strides = array<i32>} : memref<80xi32, #tpu.memory_space<vmem>>, vector<16xi32>,
      tpu.vector_store %arg17[%swap3A_203], %add3A_202 {strides = array<i32>} : memref<80xi32, #tpu.memory_space<vmem>>, vector<16xi32>,
      %get3A_205 = arith.constant 48 : index
      %get3A_206 = tpu.vector_load %arg19[%get3A_205] {strides = array<i32>} : memref<80xi32, #tpu.memory_space<vmem>>, vector<16xi32>,
      %add3A_207 = arith.addi %get3A_206, %broadcast_in_dim3A_62 : vector<16xi32>
      %swap3A_208 = arith.constant 48 : index
      %swap3A_209 = tpu.vector_load %arg18[%swap3A_208] {strides = array<i32>} : memref<80xi32, #tpu.memory_space<vmem>>, vector<16xi32>,
      tpu.vector_store %arg18[%swap3A_208], %add3A_207 {strides = array<i32>} : memref<80xi32, #tpu.memory_space<vmem>>, vector<16xi32>,
      %get3A_210 = arith.constant 64 : index
      %get3A_211 = tpu.vector_load %arg17[%get3A_210] {strides = array<i32>} : memref<80xi32, #tpu.memory_space<vmem>>, vector<16xi32>,
      %add3A_212 = arith.addi %get3A_211, %broadcast_in_dim3A_62 : vector<16xi32>
      %swap3A_213 = arith.constant 64 : index
      %swap3A_214 = tpu.vector_load %arg17[%swap3A_213] {strides = array<i32>} : memref<80xi32, #tpu.memory_space<vmem>>, vector<16xi32>,
      tpu.vector_store %arg17[%swap3A_213], %add3A_212 {strides = array<i32>} : memref<80xi32, #tpu.memory_space<vmem>>, vector<16xi32>,
      %get3A_215 = arith.constant 64 : index
      %get3A_216 = tpu.vector_load %arg19[%get3A_215] {strides = array<i32>} : memref<80xi32, #tpu.memory_space<vmem>>, vector<16xi32>,
      %add3A_217 = arith.addi %get3A_216, %broadcast_in_dim3A_62 : vector<16xi32>
      %swap3A_218 = arith.constant 64 : index
      %swap3A_219 = tpu.vector_load %arg18[%swap3A_218] {strides = array<i32>} : memref<80xi32, #tpu.memory_space<vmem>>, vector<16xi32>,
      tpu.vector_store %arg18[%swap3A_218], %add3A_217 {strides = array<i32>} : memref<80xi32, #tpu.memory_space<vmem>>, vector<16xi32>,
      %dma_start3A_220 = arith.constant 0 : i32
      %dma_start3A_221 = arith.constant 0 : i32
      %dma_start3A_222 = tpu.memref_slice %arg2[%dma_start3A_220, %dma_start3A_221] : memref<20480x128xf32, #tpu.memory_space<hbm>> -> memref<20480x128xf32, #tpu.memory_space<hbm>>
      tpu.enqueue_indirect_dma source(%dma_start3A_222 : memref<20480x128xf32, #tpu.memory_space<hbm>>) target(%arg15 : memref<80x128xf32, #tpu.memory_space<vmem>>) offsets(%arg17 : memref<80xi32, #tpu.memory_space<vmem>>) semaphore(%arg38 : memref<!tpu.dma_semaphore, #tpu.memory_space<semaphore_mem>>)
      %dma_start3A_223 = arith.constant 0 : i32
      %dma_start3A_224 = arith.constant 0 : i32
      %dma_start3A_225 = tpu.memref_slice %arg3[%dma_start3A_223, %dma_start3A_224] : memref<20480x128xf32, #tpu.memory_space<hbm>> -> memref<20480x128xf32, #tpu.memory_space<hbm>>
      tpu.enqueue_indirect_dma source(%dma_start3A_225 : memref<20480x128xf32, #tpu.memory_space<hbm>>) target(%arg16 : memref<80x128xf32, #tpu.memory_space<vmem>>) offsets(%arg18 : memref<80xi32, #tpu.memory_space<vmem>>) semaphore(%arg39 : memref<!tpu.dma_semaphore, #tpu.memory_space<semaphore_mem>>)
      %dma_wait3A = arith.constant 0 : i32
      %dma_wait3A_226 = arith.constant 0 : i32
      %dma_wait3A_227 = tpu.memref_slice %arg2[%dma_wait3A, %dma_wait3A_226] : memref<20480x128xf32, #tpu.memory_space<hbm>> -> memref<20480x128xf32, #tpu.memory_space<hbm>>
      tpu.wait_indirect_dma semaphore(%arg36 : memref<!tpu.dma_semaphore, #tpu.memory_space<semaphore_mem>>) src(%dma_wait3A_227 : memref<20480x128xf32, #tpu.memory_space<hbm>>) dst(%arg10 : memref<80x128xf32, #tpu.memory_space<vmem>>)
      %dma_wait3A_228 = arith.constant 0 : i32
      %dma_wait3A_229 = arith.constant 0 : i32
      %dma_wait3A_230 = tpu.memref_slice %arg3[%dma_wait3A_228, %dma_wait3A_229] : memref<20480x128xf32, #tpu.memory_space<hbm>> -> memref<20480x128xf32, #tpu.memory_space<hbm>>
      tpu.wait_indirect_dma semaphore(%arg37 : memref<!tpu.dma_semaphore, #tpu.memory_space<semaphore_mem>>) src(%dma_wait3A_230 : memref<20480x128xf32, #tpu.memory_space<hbm>>) dst(%arg11 : memref<80x128xf32, #tpu.memory_space<vmem>>)
      %mul3A_231 = arith.constant 20000 : i32
      %mul3A_232 = arith.muli %arg1, %mul3A_231 : i32
      %mul3A_233 = arith.constant 80 : i32
      %mul3A_234 = arith.muli %mul3A_162, %mul3A_233 : i32
      %add3A_235 = arith.addi %mul3A_232, %mul3A_234 : i32
      %scan3A_236 = arith.constant 0 : i32
      %scan3A_237 = arith.constant 0 : i32
      %scan3A_238 = arith.constant 80 : i32
      %scan3A_239 = arith.addi %scan3A_237, %scan3A_238 : i32
      %scan3A_240 = arith.constant 1 : i32
      %scan3A_241 = scf.for %scan3A_1982 = %scan3A_237 to %scan3A_239 step %scan3A_240 iter_args(%scan3A_1983 = %scan3A_236) -> (i32)  : i32 {
        %get3A_1984 = arith.index_cast %scan3A_1982 : i32 to index
        %get3A_1985 = arith.constant 0 : index
        %get3A_1986 = tpu.vector_load %arg10[%get3A_1984, %get3A_1985] {strides = array<i32>} : memref<80x128xf32, #tpu.memory_space<vmem>>, vector<16xf32>,
        %get3A_1987 = arith.index_cast %scan3A_1982 : i32 to index
        %get3A_1988 = arith.constant 0 : index
        %get3A_1989 = tpu.vector_load %arg11[%get3A_1987, %get3A_1988] {strides = array<i32>} : memref<80x128xf32, #tpu.memory_space<vmem>>, vector<16xf32>,
        %add3A_1990 = arith.addf %get3A_1986, %get3A_1989 : vector<16xf32>
        %mul3A_1991 = arith.constant 2.000000e-01 : f32
        %mul3A_1992 = vector.broadcast %mul3A_1991 : f32 to vector<16xf32>
        %mul3A_1993 = arith.mulf %mul3A_1992, %add3A_1990 : vector<16xf32>
        %max3A = arith.maximumf %add3A_1990, %mul3A_1993 : vector<16xf32>
        %mul3A_1994 = arith.mulf %max3A, %get3A_7 : vector<16xf32>
        %add3A_1995 = arith.addf %broadcast_in_dim3A_0, %mul3A_1994 : vector<16xf32>
        %get3A_1996 = arith.index_cast %scan3A_1982 : i32 to index
        %get3A_1997 = arith.constant 16 : index
        %get3A_1998 = tpu.vector_load %arg10[%get3A_1996, %get3A_1997] {strides = array<i32>} : memref<80x128xf32, #tpu.memory_space<vmem>>, vector<16xf32>,
        %get3A_1999 = arith.index_cast %scan3A_1982 : i32 to index
        %get3A_2000 = arith.constant 16 : index
        %get3A_2001 = tpu.vector_load %arg11[%get3A_1999, %get3A_2000] {strides = array<i32>} : memref<80x128xf32, #tpu.memory_space<vmem>>, vector<16xf32>,
        %add3A_2002 = arith.addf %get3A_1998, %get3A_2001 : vector<16xf32>
        %mul3A_2003 = arith.constant 2.000000e-01 : f32
        %mul3A_2004 = vector.broadcast %mul3A_2003 : f32 to vector<16xf32>
        %mul3A_2005 = arith.mulf %mul3A_2004, %add3A_2002 : vector<16xf32>
        %max3A_2006 = arith.maximumf %add3A_2002, %mul3A_2005 : vector<16xf32>
        %mul3A_2007 = arith.mulf %max3A_2006, %get3A_9 : vector<16xf32>
        %add3A_2008 = arith.addf %add3A_1995, %mul3A_2007 : vector<16xf32>
        %get3A_2009 = arith.index_cast %scan3A_1982 : i32 to index
        %get3A_2010 = arith.constant 32 : index
        %get3A_2011 = tpu.vector_load %arg10[%get3A_2009, %get3A_2010] {strides = array<i32>} : memref<80x128xf32, #tpu.memory_space<vmem>>, vector<16xf32>,
        %get3A_2012 = arith.index_cast %scan3A_1982 : i32 to index
        %get3A_2013 = arith.constant 32 : index
        %get3A_2014 = tpu.vector_load %arg11[%get3A_2012, %get3A_2013] {strides = array<i32>} : memref<80x128xf32, #tpu.memory_space<vmem>>, vector<16xf32>,
        %add3A_2015 = arith.addf %get3A_2011, %get3A_2014 : vector<16xf32>
        %mul3A_2016 = arith.constant 2.000000e-01 : f32
        %mul3A_2017 = vector.broadcast %mul3A_2016 : f32 to vector<16xf32>
        %mul3A_2018 = arith.mulf %mul3A_2017, %add3A_2015 : vector<16xf32>
        %max3A_2019 = arith.maximumf %add3A_2015, %mul3A_2018 : vector<16xf32>
        %mul3A_2020 = arith.mulf %max3A_2019, %get3A_11 : vector<16xf32>
        %add3A_2021 = arith.addf %add3A_2008, %mul3A_2020 : vector<16xf32>
        %get3A_2022 = arith.index_cast %scan3A_1982 : i32 to index
        %get3A_2023 = arith.constant 48 : index
        %get3A_2024 = tpu.vector_load %arg10[%get3A_2022, %get3A_2023] {strides = array<i32>} : memref<80x128xf32, #tpu.memory_space<vmem>>, vector<16xf32>,
        %get3A_2025 = arith.index_cast %scan3A_1982 : i32 to index
        %get3A_2026 = arith.constant 48 : index
        %get3A_2027 = tpu.vector_load %arg11[%get3A_2025, %get3A_2026] {strides = array<i32>} : memref<80x128xf32, #tpu.memory_space<vmem>>, vector<16xf32>,
        %add3A_2028 = arith.addf %get3A_2024, %get3A_2027 : vector<16xf32>
        %mul3A_2029 = arith.constant 2.000000e-01 : f32
        %mul3A_2030 = vector.broadcast %mul3A_2029 : f32 to vector<16xf32>
        %mul3A_2031 = arith.mulf %mul3A_2030, %add3A_2028 : vector<16xf32>
        %max3A_2032 = arith.maximumf %add3A_2028, %mul3A_2031 : vector<16xf32>
        %mul3A_2033 = arith.mulf %max3A_2032, %get3A_13 : vector<16xf32>
        %add3A_2034 = arith.addf %add3A_2021, %mul3A_2033 : vector<16xf32>
        %get3A_2035 = arith.index_cast %scan3A_1982 : i32 to index
        %get3A_2036 = arith.constant 64 : index
        %get3A_2037 = tpu.vector_load %arg10[%get3A_2035, %get3A_2036] {strides = array<i32>} : memref<80x128xf32, #tpu.memory_space<vmem>>, vector<16xf32>,
        %get3A_2038 = arith.index_cast %scan3A_1982 : i32 to index
        %get3A_2039 = arith.constant 64 : index
        %get3A_2040 = tpu.vector_load %arg11[%get3A_2038, %get3A_2039] {strides = array<i32>} : memref<80x128xf32, #tpu.memory_space<vmem>>, vector<16xf32>,
        %add3A_2041 = arith.addf %get3A_2037, %get3A_2040 : vector<16xf32>
        %mul3A_2042 = arith.constant 2.000000e-01 : f32
        %mul3A_2043 = vector.broadcast %mul3A_2042 : f32 to vector<16xf32>
        %mul3A_2044 = arith.mulf %mul3A_2043, %add3A_2041 : vector<16xf32>
        %max3A_2045 = arith.maximumf %add3A_2041, %mul3A_2044 : vector<16xf32>
        %mul3A_2046 = arith.mulf %max3A_2045, %get3A_15 : vector<16xf32>
        %add3A_2047 = arith.addf %broadcast_in_dim3A_0, %mul3A_2046 : vector<16xf32>
        %get3A_2048 = arith.index_cast %scan3A_1982 : i32 to index
        %get3A_2049 = arith.constant 80 : index
        %get3A_2050 = tpu.vector_load %arg10[%get3A_2048, %get3A_2049] {strides = array<i32>} : memref<80x128xf32, #tpu.memory_space<vmem>>, vector<16xf32>,
        %get3A_2051 = arith.index_cast %scan3A_1982 : i32 to index
        %get3A_2052 = arith.constant 80 : index
        %get3A_2053 = tpu.vector_load %arg11[%get3A_2051, %get3A_2052] {strides = array<i32>} : memref<80x128xf32, #tpu.memory_space<vmem>>, vector<16xf32>,
        %add3A_2054 = arith.addf %get3A_2050, %get3A_2053 : vector<16xf32>
        %mul3A_2055 = arith.constant 2.000000e-01 : f32
        %mul3A_2056 = vector.broadcast %mul3A_2055 : f32 to vector<16xf32>
        %mul3A_2057 = arith.mulf %mul3A_2056, %add3A_2054 : vector<16xf32>
        %max3A_2058 = arith.maximumf %add3A_2054, %mul3A_2057 : vector<16xf32>
        %mul3A_2059 = arith.mulf %max3A_2058, %get3A_17 : vector<16xf32>
        %add3A_2060 = arith.addf %add3A_2047, %mul3A_2059 : vector<16xf32>
        %get3A_2061 = arith.index_cast %scan3A_1982 : i32 to index
        %get3A_2062 = arith.constant 96 : index
        %get3A_2063 = tpu.vector_load %arg10[%get3A_2061, %get3A_2062] {strides = array<i32>} : memref<80x128xf32, #tpu.memory_space<vmem>>, vector<16xf32>,
        %get3A_2064 = arith.index_cast %scan3A_1982 : i32 to index
        %get3A_2065 = arith.constant 96 : index
        %get3A_2066 = tpu.vector_load %arg11[%get3A_2064, %get3A_2065] {strides = array<i32>} : memref<80x128xf32, #tpu.memory_space<vmem>>, vector<16xf32>,
        %add3A_2067 = arith.addf %get3A_2063, %get3A_2066 : vector<16xf32>
        %mul3A_2068 = arith.constant 2.000000e-01 : f32
        %mul3A_2069 = vector.broadcast %mul3A_2068 : f32 to vector<16xf32>
        %mul3A_2070 = arith.mulf %mul3A_2069, %add3A_2067 : vector<16xf32>
        %max3A_2071 = arith.maximumf %add3A_2067, %mul3A_2070 : vector<16xf32>
        %mul3A_2072 = arith.mulf %max3A_2071, %get3A_19 : vector<16xf32>
        %add3A_2073 = arith.addf %add3A_2060, %mul3A_2072 : vector<16xf32>
        %get3A_2074 = arith.index_cast %scan3A_1982 : i32 to index
        %get3A_2075 = arith.constant 112 : index
        %get3A_2076 = tpu.vector_load %arg10[%get3A_2074, %get3A_2075] {strides = array<i32>} : memref<80x128xf32, #tpu.memory_space<vmem>>, vector<16xf32>,
        %get3A_2077 = arith.index_cast %scan3A_1982 : i32 to index
        %get3A_2078 = arith.constant 112 : index
        %get3A_2079 = tpu.vector_load %arg11[%get3A_2077, %get3A_2078] {strides = array<i32>} : memref<80x128xf32, #tpu.memory_space<vmem>>, vector<16xf32>,
        %add3A_2080 = arith.addf %get3A_2076, %get3A_2079 : vector<16xf32>
        %mul3A_2081 = arith.constant 2.000000e-01 : f32
        %mul3A_2082 = vector.broadcast %mul3A_2081 : f32 to vector<16xf32>
        %mul3A_2083 = arith.mulf %mul3A_2082, %add3A_2080 : vector<16xf32>
        %max3A_2084 = arith.maximumf %add3A_2080, %mul3A_2083 : vector<16xf32>
        %mul3A_2085 = arith.mulf %max3A_2084, %get3A_21 : vector<16xf32>
        %add3A_2086 = arith.addf %add3A_2073, %mul3A_2085 : vector<16xf32>
        %mul3A_2087 = arith.constant 16 : i32
        %mul3A_2088 = arith.muli %scan3A_1982, %mul3A_2087 : i32
        %swap3A_2089 = arith.index_cast %mul3A_2088 : i32 to index
        %swap3A_2090 = tpu.vector_load %arg32[%swap3A_2089] {strides = array<i32>} : memref<1280xf32, #tpu.memory_space<vmem>>, vector<16xf32>,
        tpu.vector_store %arg32[%swap3A_2089], %add3A_2034 {strides = array<i32>} : memref<1280xf32, #tpu.memory_space<vmem>>, vector<16xf32>,
        %mul3A_2091 = arith.constant 16 : i32
        %mul3A_2092 = arith.muli %scan3A_1982, %mul3A_2091 : i32
        %swap3A_2093 = arith.index_cast %mul3A_2092 : i32 to index
        %swap3A_2094 = tpu.vector_load %arg33[%swap3A_2093] {strides = array<i32>} : memref<1280xf32, #tpu.memory_space<vmem>>, vector<16xf32>,
        tpu.vector_store %arg33[%swap3A_2093], %add3A_2086 {strides = array<i32>} : memref<1280xf32, #tpu.memory_space<vmem>>, vector<16xf32>,
        %scan3A_2095 = arith.constant 0 : i32
        scf.yield %scan3A_2095 : i32
      }
      %scan3A_242 = arith.constant 80 : i32
      %add3A_243 = arith.constant 0 : i32
      %add3A_244 = vector.broadcast %add3A_243 : i32 to vector<16xi32>
      %add3A_245 = arith.addi %mul3A_2, %add3A_244 : vector<16xi32>
      %add3A_246 = arith.constant 0 : i32
      %add3A_247 = vector.broadcast %add3A_246 : i32 to vector<16xi32>
      %add3A_248 = arith.addi %add3A_245, %add3A_247 : vector<16xi32>
      %gather3A = tpu.vector_load_idx %arg32[%add3A_248] : memref<1280xf32, #tpu.memory_space<vmem>>[vector<16xi32>], vector<16xf32>,
      %add3A_249 = arith.addf %broadcast_in_dim3A_0, %gather3A : vector<16xf32>
      %add3A_250 = arith.constant 0 : i32
      %add3A_251 = vector.broadcast %add3A_250 : i32 to vector<16xi32>
      %add3A_252 = arith.addi %add3A_245, %add3A_251 : vector<16xi32>
      %gather3A_253 = tpu.vector_load_idx %arg33[%add3A_252] : memref<1280xf32, #tpu.memory_space<vmem>>[vector<16xi32>], vector<16xf32>,
      %add3A_254 = arith.addf %broadcast_in_dim3A_0, %gather3A_253 : vector<16xf32>
      %add3A_255 = arith.constant 1 : i32
      %add3A_256 = vector.broadcast %add3A_255 : i32 to vector<16xi32>
      %add3A_257 = arith.addi %add3A_245, %add3A_256 : vector<16xi32>
      %gather3A_258 = tpu.vector_load_idx %arg32[%add3A_257] : memref<1280xf32, #tpu.memory_space<vmem>>[vector<16xi32>], vector<16xf32>,
      %add3A_259 = arith.addf %add3A_249, %gather3A_258 : vector<16xf32>
      %add3A_260 = arith.constant 1 : i32
      %add3A_261 = vector.broadcast %add3A_260 : i32 to vector<16xi32>
      %add3A_262 = arith.addi %add3A_245, %add3A_261 : vector<16xi32>
      %gather3A_263 = tpu.vector_load_idx %arg33[%add3A_262] : memref<1280xf32, #tpu.memory_space<vmem>>[vector<16xi32>], vector<16xf32>,
      %add3A_264 = arith.addf %add3A_254, %gather3A_263 : vector<16xf32>
      %add3A_265 = arith.constant 2 : i32
      %add3A_266 = vector.broadcast %add3A_265 : i32 to vector<16xi32>
      %add3A_267 = arith.addi %add3A_245, %add3A_266 : vector<16xi32>
      %gather3A_268 = tpu.vector_load_idx %arg32[%add3A_267] : memref<1280xf32, #tpu.memory_space<vmem>>[vector<16xi32>], vector<16xf32>,
      %add3A_269 = arith.addf %add3A_259, %gather3A_268 : vector<16xf32>
      %add3A_270 = arith.constant 2 : i32
      %add3A_271 = vector.broadcast %add3A_270 : i32 to vector<16xi32>
      %add3A_272 = arith.addi %add3A_245, %add3A_271 : vector<16xi32>
      %gather3A_273 = tpu.vector_load_idx %arg33[%add3A_272] : memref<1280xf32, #tpu.memory_space<vmem>>[vector<16xi32>], vector<16xf32>,
      %add3A_274 = arith.addf %add3A_264, %gather3A_273 : vector<16xf32>
      %add3A_275 = arith.constant 3 : i32
      %add3A_276 = vector.broadcast %add3A_275 : i32 to vector<16xi32>
      %add3A_277 = arith.addi %add3A_245, %add3A_276 : vector<16xi32>
      %gather3A_278 = tpu.vector_load_idx %arg32[%add3A_277] : memref<1280xf32, #tpu.memory_space<vmem>>[vector<16xi32>], vector<16xf32>,
      %add3A_279 = arith.addf %add3A_269, %gather3A_278 : vector<16xf32>
      %add3A_280 = arith.constant 3 : i32
      %add3A_281 = vector.broadcast %add3A_280 : i32 to vector<16xi32>
      %add3A_282 = arith.addi %add3A_245, %add3A_281 : vector<16xi32>
      %gather3A_283 = tpu.vector_load_idx %arg33[%add3A_282] : memref<1280xf32, #tpu.memory_space<vmem>>[vector<16xi32>], vector<16xf32>,
      %add3A_284 = arith.addf %add3A_274, %gather3A_283 : vector<16xf32>
      %add3A_285 = arith.constant 4 : i32
      %add3A_286 = vector.broadcast %add3A_285 : i32 to vector<16xi32>
      %add3A_287 = arith.addi %add3A_245, %add3A_286 : vector<16xi32>
      %gather3A_288 = tpu.vector_load_idx %arg32[%add3A_287] : memref<1280xf32, #tpu.memory_space<vmem>>[vector<16xi32>], vector<16xf32>,
      %add3A_289 = arith.addf %add3A_279, %gather3A_288 : vector<16xf32>
      %add3A_290 = arith.constant 4 : i32
      %add3A_291 = vector.broadcast %add3A_290 : i32 to vector<16xi32>
      %add3A_292 = arith.addi %add3A_245, %add3A_291 : vector<16xi32>
      %gather3A_293 = tpu.vector_load_idx %arg33[%add3A_292] : memref<1280xf32, #tpu.memory_space<vmem>>[vector<16xi32>], vector<16xf32>,
      %add3A_294 = arith.addf %add3A_284, %gather3A_293 : vector<16xf32>
      %add3A_295 = arith.constant 5 : i32
      %add3A_296 = vector.broadcast %add3A_295 : i32 to vector<16xi32>
      %add3A_297 = arith.addi %add3A_245, %add3A_296 : vector<16xi32>
      %gather3A_298 = tpu.vector_load_idx %arg32[%add3A_297] : memref<1280xf32, #tpu.memory_space<vmem>>[vector<16xi32>], vector<16xf32>,
      %add3A_299 = arith.addf %add3A_289, %gather3A_298 : vector<16xf32>
      %add3A_300 = arith.constant 5 : i32
      %add3A_301 = vector.broadcast %add3A_300 : i32 to vector<16xi32>
      %add3A_302 = arith.addi %add3A_245, %add3A_301 : vector<16xi32>
      %gather3A_303 = tpu.vector_load_idx %arg33[%add3A_302] : memref<1280xf32, #tpu.memory_space<vmem>>[vector<16xi32>], vector<16xf32>,
      %add3A_304 = arith.addf %add3A_294, %gather3A_303 : vector<16xf32>
      %add3A_305 = arith.constant 6 : i32
      %add3A_306 = vector.broadcast %add3A_305 : i32 to vector<16xi32>
      %add3A_307 = arith.addi %add3A_245, %add3A_306 : vector<16xi32>
      %gather3A_308 = tpu.vector_load_idx %arg32[%add3A_307] : memref<1280xf32, #tpu.memory_space<vmem>>[vector<16xi32>], vector<16xf32>,
      %add3A_309 = arith.addf %add3A_299, %gather3A_308 : vector<16xf32>
      %add3A_310 = arith.constant 6 : i32
      %add3A_311 = vector.broadcast %add3A_310 : i32 to vector<16xi32>
      %add3A_312 = arith.addi %add3A_245, %add3A_311 : vector<16xi32>
      %gather3A_313 = tpu.vector_load_idx %arg33[%add3A_312] : memref<1280xf32, #tpu.memory_space<vmem>>[vector<16xi32>], vector<16xf32>,
      %add3A_314 = arith.addf %add3A_304, %gather3A_313 : vector<16xf32>
      %add3A_315 = arith.constant 7 : i32
      %add3A_316 = vector.broadcast %add3A_315 : i32 to vector<16xi32>
      %add3A_317 = arith.addi %add3A_245, %add3A_316 : vector<16xi32>
      %gather3A_318 = tpu.vector_load_idx %arg32[%add3A_317] : memref<1280xf32, #tpu.memory_space<vmem>>[vector<16xi32>], vector<16xf32>,
      %add3A_319 = arith.addf %add3A_309, %gather3A_318 : vector<16xf32>
      %add3A_320 = arith.constant 7 : i32
      %add3A_321 = vector.broadcast %add3A_320 : i32 to vector<16xi32>
      %add3A_322 = arith.addi %add3A_245, %add3A_321 : vector<16xi32>
      %gather3A_323 = tpu.vector_load_idx %arg33[%add3A_322] : memref<1280xf32, #tpu.memory_space<vmem>>[vector<16xi32>], vector<16xf32>,
      %add3A_324 = arith.addf %add3A_314, %gather3A_323 : vector<16xf32>
      %add3A_325 = arith.constant 8 : i32
      %add3A_326 = vector.broadcast %add3A_325 : i32 to vector<16xi32>
      %add3A_327 = arith.addi %add3A_245, %add3A_326 : vector<16xi32>
      %gather3A_328 = tpu.vector_load_idx %arg32[%add3A_327] : memref<1280xf32, #tpu.memory_space<vmem>>[vector<16xi32>], vector<16xf32>,
      %add3A_329 = arith.addf %add3A_319, %gather3A_328 : vector<16xf32>
      %add3A_330 = arith.constant 8 : i32
      %add3A_331 = vector.broadcast %add3A_330 : i32 to vector<16xi32>
      %add3A_332 = arith.addi %add3A_245, %add3A_331 : vector<16xi32>
      %gather3A_333 = tpu.vector_load_idx %arg33[%add3A_332] : memref<1280xf32, #tpu.memory_space<vmem>>[vector<16xi32>], vector<16xf32>,
      %add3A_334 = arith.addf %add3A_324, %gather3A_333 : vector<16xf32>
      %add3A_335 = arith.constant 9 : i32
      %add3A_336 = vector.broadcast %add3A_335 : i32 to vector<16xi32>
      %add3A_337 = arith.addi %add3A_245, %add3A_336 : vector<16xi32>
      %gather3A_338 = tpu.vector_load_idx %arg32[%add3A_337] : memref<1280xf32, #tpu.memory_space<vmem>>[vector<16xi32>], vector<16xf32>,
      %add3A_339 = arith.addf %add3A_329, %gather3A_338 : vector<16xf32>
      %add3A_340 = arith.constant 9 : i32
      %add3A_341 = vector.broadcast %add3A_340 : i32 to vector<16xi32>
      %add3A_342 = arith.addi %add3A_245, %add3A_341 : vector<16xi32>
      %gather3A_343 = tpu.vector_load_idx %arg33[%add3A_342] : memref<1280xf32, #tpu.memory_space<vmem>>[vector<16xi32>], vector<16xf32>,
      %add3A_344 = arith.addf %add3A_334, %gather3A_343 : vector<16xf32>
      %add3A_345 = arith.constant 10 : i32
      %add3A_346 = vector.broadcast %add3A_345 : i32 to vector<16xi32>
      %add3A_347 = arith.addi %add3A_245, %add3A_346 : vector<16xi32>
      %gather3A_348 = tpu.vector_load_idx %arg32[%add3A_347] : memref<1280xf32, #tpu.memory_space<vmem>>[vector<16xi32>], vector<16xf32>,
      %add3A_349 = arith.addf %add3A_339, %gather3A_348 : vector<16xf32>
      %add3A_350 = arith.constant 10 : i32
      %add3A_351 = vector.broadcast %add3A_350 : i32 to vector<16xi32>
      %add3A_352 = arith.addi %add3A_245, %add3A_351 : vector<16xi32>
      %gather3A_353 = tpu.vector_load_idx %arg33[%add3A_352] : memref<1280xf32, #tpu.memory_space<vmem>>[vector<16xi32>], vector<16xf32>,
      %add3A_354 = arith.addf %add3A_344, %gather3A_353 : vector<16xf32>
      %add3A_355 = arith.constant 11 : i32
      %add3A_356 = vector.broadcast %add3A_355 : i32 to vector<16xi32>
      %add3A_357 = arith.addi %add3A_245, %add3A_356 : vector<16xi32>
      %gather3A_358 = tpu.vector_load_idx %arg32[%add3A_357] : memref<1280xf32, #tpu.memory_space<vmem>>[vector<16xi32>], vector<16xf32>,
      %add3A_359 = arith.addf %add3A_349, %gather3A_358 : vector<16xf32>
      %add3A_360 = arith.constant 11 : i32
      %add3A_361 = vector.broadcast %add3A_360 : i32 to vector<16xi32>
      %add3A_362 = arith.addi %add3A_245, %add3A_361 : vector<16xi32>
      %gather3A_363 = tpu.vector_load_idx %arg33[%add3A_362] : memref<1280xf32, #tpu.memory_space<vmem>>[vector<16xi32>], vector<16xf32>,
      %add3A_364 = arith.addf %add3A_354, %gather3A_363 : vector<16xf32>
      %add3A_365 = arith.constant 12 : i32
      %add3A_366 = vector.broadcast %add3A_365 : i32 to vector<16xi32>
      %add3A_367 = arith.addi %add3A_245, %add3A_366 : vector<16xi32>
      %gather3A_368 = tpu.vector_load_idx %arg32[%add3A_367] : memref<1280xf32, #tpu.memory_space<vmem>>[vector<16xi32>], vector<16xf32>,
      %add3A_369 = arith.addf %add3A_359, %gather3A_368 : vector<16xf32>
      %add3A_370 = arith.constant 12 : i32
      %add3A_371 = vector.broadcast %add3A_370 : i32 to vector<16xi32>
      %add3A_372 = arith.addi %add3A_245, %add3A_371 : vector<16xi32>
      %gather3A_373 = tpu.vector_load_idx %arg33[%add3A_372] : memref<1280xf32, #tpu.memory_space<vmem>>[vector<16xi32>], vector<16xf32>,
      %add3A_374 = arith.addf %add3A_364, %gather3A_373 : vector<16xf32>
      %add3A_375 = arith.constant 13 : i32
      %add3A_376 = vector.broadcast %add3A_375 : i32 to vector<16xi32>
      %add3A_377 = arith.addi %add3A_245, %add3A_376 : vector<16xi32>
      %gather3A_378 = tpu.vector_load_idx %arg32[%add3A_377] : memref<1280xf32, #tpu.memory_space<vmem>>[vector<16xi32>], vector<16xf32>,
      %add3A_379 = arith.addf %add3A_369, %gather3A_378 : vector<16xf32>
      %add3A_380 = arith.constant 13 : i32
      %add3A_381 = vector.broadcast %add3A_380 : i32 to vector<16xi32>
      %add3A_382 = arith.addi %add3A_245, %add3A_381 : vector<16xi32>
      %gather3A_383 = tpu.vector_load_idx %arg33[%add3A_382] : memref<1280xf32, #tpu.memory_space<vmem>>[vector<16xi32>], vector<16xf32>,
      %add3A_384 = arith.addf %add3A_374, %gather3A_383 : vector<16xf32>
      %add3A_385 = arith.constant 14 : i32
      %add3A_386 = vector.broadcast %add3A_385 : i32 to vector<16xi32>
      %add3A_387 = arith.addi %add3A_245, %add3A_386 : vector<16xi32>
      %gather3A_388 = tpu.vector_load_idx %arg32[%add3A_387] : memref<1280xf32, #tpu.memory_space<vmem>>[vector<16xi32>], vector<16xf32>,
      %add3A_389 = arith.addf %add3A_379, %gather3A_388 : vector<16xf32>
      %add3A_390 = arith.constant 14 : i32
      %add3A_391 = vector.broadcast %add3A_390 : i32 to vector<16xi32>
      %add3A_392 = arith.addi %add3A_245, %add3A_391 : vector<16xi32>
      %gather3A_393 = tpu.vector_load_idx %arg33[%add3A_392] : memref<1280xf32, #tpu.memory_space<vmem>>[vector<16xi32>], vector<16xf32>,
      %add3A_394 = arith.addf %add3A_384, %gather3A_393 : vector<16xf32>
      %add3A_395 = arith.constant 15 : i32
      %add3A_396 = vector.broadcast %add3A_395 : i32 to vector<16xi32>
      %add3A_397 = arith.addi %add3A_245, %add3A_396 : vector<16xi32>
      %gather3A_398 = tpu.vector_load_idx %arg32[%add3A_397] : memref<1280xf32, #tpu.memory_space<vmem>>[vector<16xi32>], vector<16xf32>,
      %add3A_399 = arith.addf %add3A_389, %gather3A_398 : vector<16xf32>
      %add3A_400 = arith.constant 15 : i32
      %add3A_401 = vector.broadcast %add3A_400 : i32 to vector<16xi32>
      %add3A_402 = arith.addi %add3A_245, %add3A_401 : vector<16xi32>
      %gather3A_403 = tpu.vector_load_idx %arg33[%add3A_402] : memref<1280xf32, #tpu.memory_space<vmem>>[vector<16xi32>], vector<16xf32>,
      %add3A_404 = arith.addf %add3A_394, %gather3A_403 : vector<16xf32>
      %exp3A = math.exp %add3A_399 : vector<16xf32>
      %swap3A_405 = arith.constant 0 : index
      %swap3A_406 = tpu.vector_load %arg20[%swap3A_405] {strides = array<i32>} : memref<80xf32, #tpu.memory_space<vmem>>, vector<16xf32>,
      tpu.vector_store %arg20[%swap3A_405], %exp3A {strides = array<i32>} : memref<80xf32, #tpu.memory_space<vmem>>, vector<16xf32>,
      %exp3A_407 = math.exp %add3A_404 : vector<16xf32>
      %swap3A_408 = arith.constant 0 : index
      %swap3A_409 = tpu.vector_load %arg21[%swap3A_408] {strides = array<i32>} : memref<80xf32, #tpu.memory_space<vmem>>, vector<16xf32>,
      tpu.vector_store %arg21[%swap3A_408], %exp3A_407 {strides = array<i32>} : memref<80xf32, #tpu.memory_space<vmem>>, vector<16xf32>,
      %add3A_410 = arith.constant 256 : i32
      %add3A_411 = vector.broadcast %add3A_410 : i32 to vector<16xi32>
      %add3A_412 = arith.addi %mul3A_2, %add3A_411 : vector<16xi32>
      %add3A_413 = arith.constant 0 : i32
      %add3A_414 = vector.broadcast %add3A_413 : i32 to vector<16xi32>
      %add3A_415 = arith.addi %add3A_412, %add3A_414 : vector<16xi32>
      %gather3A_416 = tpu.vector_load_idx %arg32[%add3A_415] : memref<1280xf32, #tpu.memory_space<vmem>>[vector<16xi32>], vector<16xf32>,
      %add3A_417 = arith.addf %broadcast_in_dim3A_0, %gather3A_416 : vector<16xf32>
      %add3A_418 = arith.constant 0 : i32
      %add3A_419 = vector.broadcast %add3A_418 : i32 to vector<16xi32>
      %add3A_420 = arith.addi %add3A_412, %add3A_419 : vector<16xi32>
      %gather3A_421 = tpu.vector_load_idx %arg33[%add3A_420] : memref<1280xf32, #tpu.memory_space<vmem>>[vector<16xi32>], vector<16xf32>,
      %add3A_422 = arith.addf %broadcast_in_dim3A_0, %gather3A_421 : vector<16xf32>
      %add3A_423 = arith.constant 1 : i32
      %add3A_424 = vector.broadcast %add3A_423 : i32 to vector<16xi32>
      %add3A_425 = arith.addi %add3A_412, %add3A_424 : vector<16xi32>
      %gather3A_426 = tpu.vector_load_idx %arg32[%add3A_425] : memref<1280xf32, #tpu.memory_space<vmem>>[vector<16xi32>], vector<16xf32>,
      %add3A_427 = arith.addf %add3A_417, %gather3A_426 : vector<16xf32>
      %add3A_428 = arith.constant 1 : i32
      %add3A_429 = vector.broadcast %add3A_428 : i32 to vector<16xi32>
      %add3A_430 = arith.addi %add3A_412, %add3A_429 : vector<16xi32>
      %gather3A_431 = tpu.vector_load_idx %arg33[%add3A_430] : memref<1280xf32, #tpu.memory_space<vmem>>[vector<16xi32>], vector<16xf32>,
      %add3A_432 = arith.addf %add3A_422, %gather3A_431 : vector<16xf32>
      %add3A_433 = arith.constant 2 : i32
      %add3A_434 = vector.broadcast %add3A_433 : i32 to vector<16xi32>
      %add3A_435 = arith.addi %add3A_412, %add3A_434 : vector<16xi32>
      %gather3A_436 = tpu.vector_load_idx %arg32[%add3A_435] : memref<1280xf32, #tpu.memory_space<vmem>>[vector<16xi32>], vector<16xf32>,
      %add3A_437 = arith.addf %add3A_427, %gather3A_436 : vector<16xf32>
      %add3A_438 = arith.constant 2 : i32
      %add3A_439 = vector.broadcast %add3A_438 : i32 to vector<16xi32>
      %add3A_440 = arith.addi %add3A_412, %add3A_439 : vector<16xi32>
      %gather3A_441 = tpu.vector_load_idx %arg33[%add3A_440] : memref<1280xf32, #tpu.memory_space<vmem>>[vector<16xi32>], vector<16xf32>,
      %add3A_442 = arith.addf %add3A_432, %gather3A_441 : vector<16xf32>
      %add3A_443 = arith.constant 3 : i32
      %add3A_444 = vector.broadcast %add3A_443 : i32 to vector<16xi32>
      %add3A_445 = arith.addi %add3A_412, %add3A_444 : vector<16xi32>
      %gather3A_446 = tpu.vector_load_idx %arg32[%add3A_445] : memref<1280xf32, #tpu.memory_space<vmem>>[vector<16xi32>], vector<16xf32>,
      %add3A_447 = arith.addf %add3A_437, %gather3A_446 : vector<16xf32>
      %add3A_448 = arith.constant 3 : i32
      %add3A_449 = vector.broadcast %add3A_448 : i32 to vector<16xi32>
      %add3A_450 = arith.addi %add3A_412, %add3A_449 : vector<16xi32>
      %gather3A_451 = tpu.vector_load_idx %arg33[%add3A_450] : memref<1280xf32, #tpu.memory_space<vmem>>[vector<16xi32>], vector<16xf32>,
      %add3A_452 = arith.addf %add3A_442, %gather3A_451 : vector<16xf32>
      %add3A_453 = arith.constant 4 : i32
      %add3A_454 = vector.broadcast %add3A_453 : i32 to vector<16xi32>
      %add3A_455 = arith.addi %add3A_412, %add3A_454 : vector<16xi32>
      %gather3A_456 = tpu.vector_load_idx %arg32[%add3A_455] : memref<1280xf32, #tpu.memory_space<vmem>>[vector<16xi32>], vector<16xf32>,
      %add3A_457 = arith.addf %add3A_447, %gather3A_456 : vector<16xf32>
      %add3A_458 = arith.constant 4 : i32
      %add3A_459 = vector.broadcast %add3A_458 : i32 to vector<16xi32>
      %add3A_460 = arith.addi %add3A_412, %add3A_459 : vector<16xi32>
      %gather3A_461 = tpu.vector_load_idx %arg33[%add3A_460] : memref<1280xf32, #tpu.memory_space<vmem>>[vector<16xi32>], vector<16xf32>,
      %add3A_462 = arith.addf %add3A_452, %gather3A_461 : vector<16xf32>
      %add3A_463 = arith.constant 5 : i32
      %add3A_464 = vector.broadcast %add3A_463 : i32 to vector<16xi32>
      %add3A_465 = arith.addi %add3A_412, %add3A_464 : vector<16xi32>
      %gather3A_466 = tpu.vector_load_idx %arg32[%add3A_465] : memref<1280xf32, #tpu.memory_space<vmem>>[vector<16xi32>], vector<16xf32>,
      %add3A_467 = arith.addf %add3A_457, %gather3A_466 : vector<16xf32>
      %add3A_468 = arith.constant 5 : i32
      %add3A_469 = vector.broadcast %add3A_468 : i32 to vector<16xi32>
      %add3A_470 = arith.addi %add3A_412, %add3A_469 : vector<16xi32>
      %gather3A_471 = tpu.vector_load_idx %arg33[%add3A_470] : memref<1280xf32, #tpu.memory_space<vmem>>[vector<16xi32>], vector<16xf32>,
      %add3A_472 = arith.addf %add3A_462, %gather3A_471 : vector<16xf32>
      %add3A_473 = arith.constant 6 : i32
      %add3A_474 = vector.broadcast %add3A_473 : i32 to vector<16xi32>
      %add3A_475 = arith.addi %add3A_412, %add3A_474 : vector<16xi32>
      %gather3A_476 = tpu.vector_load_idx %arg32[%add3A_475] : memref<1280xf32, #tpu.memory_space<vmem>>[vector<16xi32>], vector<16xf32>,
      %add3A_477 = arith.addf %add3A_467, %gather3A_476 : vector<16xf32>
      %add3A_478 = arith.constant 6 : i32
      %add3A_479 = vector.broadcast %add3A_478 : i32 to vector<16xi32>
      %add3A_480 = arith.addi %add3A_412, %add3A_479 : vector<16xi32>
      %gather3A_481 = tpu.vector_load_idx %arg33[%add3A_480] : memref<1280xf32, #tpu.memory_space<vmem>>[vector<16xi32>], vector<16xf32>,
      %add3A_482 = arith.addf %add3A_472, %gather3A_481 : vector<16xf32>
      %add3A_483 = arith.constant 7 : i32
      %add3A_484 = vector.broadcast %add3A_483 : i32 to vector<16xi32>
      %add3A_485 = arith.addi %add3A_412, %add3A_484 : vector<16xi32>
      %gather3A_486 = tpu.vector_load_idx %arg32[%add3A_485] : memref<1280xf32, #tpu.memory_space<vmem>>[vector<16xi32>], vector<16xf32>,
      %add3A_487 = arith.addf %add3A_477, %gather3A_486 : vector<16xf32>
      %add3A_488 = arith.constant 7 : i32
      %add3A_489 = vector.broadcast %add3A_488 : i32 to vector<16xi32>
      %add3A_490 = arith.addi %add3A_412, %add3A_489 : vector<16xi32>
      %gather3A_491 = tpu.vector_load_idx %arg33[%add3A_490] : memref<1280xf32, #tpu.memory_space<vmem>>[vector<16xi32>], vector<16xf32>,
      %add3A_492 = arith.addf %add3A_482, %gather3A_491 : vector<16xf32>
      %add3A_493 = arith.constant 8 : i32
      %add3A_494 = vector.broadcast %add3A_493 : i32 to vector<16xi32>
      %add3A_495 = arith.addi %add3A_412, %add3A_494 : vector<16xi32>
      %gather3A_496 = tpu.vector_load_idx %arg32[%add3A_495] : memref<1280xf32, #tpu.memory_space<vmem>>[vector<16xi32>], vector<16xf32>,
      %add3A_497 = arith.addf %add3A_487, %gather3A_496 : vector<16xf32>
      %add3A_498 = arith.constant 8 : i32
      %add3A_499 = vector.broadcast %add3A_498 : i32 to vector<16xi32>
      %add3A_500 = arith.addi %add3A_412, %add3A_499 : vector<16xi32>
      %gather3A_501 = tpu.vector_load_idx %arg33[%add3A_500] : memref<1280xf32, #tpu.memory_space<vmem>>[vector<16xi32>], vector<16xf32>,
      %add3A_502 = arith.addf %add3A_492, %gather3A_501 : vector<16xf32>
      %add3A_503 = arith.constant 9 : i32
      %add3A_504 = vector.broadcast %add3A_503 : i32 to vector<16xi32>
      %add3A_505 = arith.addi %add3A_412, %add3A_504 : vector<16xi32>
      %gather3A_506 = tpu.vector_load_idx %arg32[%add3A_505] : memref<1280xf32, #tpu.memory_space<vmem>>[vector<16xi32>], vector<16xf32>,
      %add3A_507 = arith.addf %add3A_497, %gather3A_506 : vector<16xf32>
      %add3A_508 = arith.constant 9 : i32
      %add3A_509 = vector.broadcast %add3A_508 : i32 to vector<16xi32>
      %add3A_510 = arith.addi %add3A_412, %add3A_509 : vector<16xi32>
      %gather3A_511 = tpu.vector_load_idx %arg33[%add3A_510] : memref<1280xf32, #tpu.memory_space<vmem>>[vector<16xi32>], vector<16xf32>,
      %add3A_512 = arith.addf %add3A_502, %gather3A_511 : vector<16xf32>
      %add3A_513 = arith.constant 10 : i32
      %add3A_514 = vector.broadcast %add3A_513 : i32 to vector<16xi32>
      %add3A_515 = arith.addi %add3A_412, %add3A_514 : vector<16xi32>
      %gather3A_516 = tpu.vector_load_idx %arg32[%add3A_515] : memref<1280xf32, #tpu.memory_space<vmem>>[vector<16xi32>], vector<16xf32>,
      %add3A_517 = arith.addf %add3A_507, %gather3A_516 : vector<16xf32>
      %add3A_518 = arith.constant 10 : i32
      %add3A_519 = vector.broadcast %add3A_518 : i32 to vector<16xi32>
      %add3A_520 = arith.addi %add3A_412, %add3A_519 : vector<16xi32>
      %gather3A_521 = tpu.vector_load_idx %arg33[%add3A_520] : memref<1280xf32, #tpu.memory_space<vmem>>[vector<16xi32>], vector<16xf32>,
      %add3A_522 = arith.addf %add3A_512, %gather3A_521 : vector<16xf32>
      %add3A_523 = arith.constant 11 : i32
      %add3A_524 = vector.broadcast %add3A_523 : i32 to vector<16xi32>
      %add3A_525 = arith.addi %add3A_412, %add3A_524 : vector<16xi32>
      %gather3A_526 = tpu.vector_load_idx %arg32[%add3A_525] : memref<1280xf32, #tpu.memory_space<vmem>>[vector<16xi32>], vector<16xf32>,
      %add3A_527 = arith.addf %add3A_517, %gather3A_526 : vector<16xf32>
      %add3A_528 = arith.constant 11 : i32
      %add3A_529 = vector.broadcast %add3A_528 : i32 to vector<16xi32>
      %add3A_530 = arith.addi %add3A_412, %add3A_529 : vector<16xi32>
      %gather3A_531 = tpu.vector_load_idx %arg33[%add3A_530] : memref<1280xf32, #tpu.memory_space<vmem>>[vector<16xi32>], vector<16xf32>,
      %add3A_532 = arith.addf %add3A_522, %gather3A_531 : vector<16xf32>
      %add3A_533 = arith.constant 12 : i32
      %add3A_534 = vector.broadcast %add3A_533 : i32 to vector<16xi32>
      %add3A_535 = arith.addi %add3A_412, %add3A_534 : vector<16xi32>
      %gather3A_536 = tpu.vector_load_idx %arg32[%add3A_535] : memref<1280xf32, #tpu.memory_space<vmem>>[vector<16xi32>], vector<16xf32>,
      %add3A_537 = arith.addf %add3A_527, %gather3A_536 : vector<16xf32>
      %add3A_538 = arith.constant 12 : i32
      %add3A_539 = vector.broadcast %add3A_538 : i32 to vector<16xi32>
      %add3A_540 = arith.addi %add3A_412, %add3A_539 : vector<16xi32>
      %gather3A_541 = tpu.vector_load_idx %arg33[%add3A_540] : memref<1280xf32, #tpu.memory_space<vmem>>[vector<16xi32>], vector<16xf32>,
      %add3A_542 = arith.addf %add3A_532, %gather3A_541 : vector<16xf32>
      %add3A_543 = arith.constant 13 : i32
      %add3A_544 = vector.broadcast %add3A_543 : i32 to vector<16xi32>
      %add3A_545 = arith.addi %add3A_412, %add3A_544 : vector<16xi32>
      %gather3A_546 = tpu.vector_load_idx %arg32[%add3A_545] : memref<1280xf32, #tpu.memory_space<vmem>>[vector<16xi32>], vector<16xf32>,
      %add3A_547 = arith.addf %add3A_537, %gather3A_546 : vector<16xf32>
      %add3A_548 = arith.constant 13 : i32
      %add3A_549 = vector.broadcast %add3A_548 : i32 to vector<16xi32>
      %add3A_550 = arith.addi %add3A_412, %add3A_549 : vector<16xi32>
      %gather3A_551 = tpu.vector_load_idx %arg33[%add3A_550] : memref<1280xf32, #tpu.memory_space<vmem>>[vector<16xi32>], vector<16xf32>,
      %add3A_552 = arith.addf %add3A_542, %gather3A_551 : vector<16xf32>
      %add3A_553 = arith.constant 14 : i32
      %add3A_554 = vector.broadcast %add3A_553 : i32 to vector<16xi32>
      %add3A_555 = arith.addi %add3A_412, %add3A_554 : vector<16xi32>
      %gather3A_556 = tpu.vector_load_idx %arg32[%add3A_555] : memref<1280xf32, #tpu.memory_space<vmem>>[vector<16xi32>], vector<16xf32>,
      %add3A_557 = arith.addf %add3A_547, %gather3A_556 : vector<16xf32>
      %add3A_558 = arith.constant 14 : i32
      %add3A_559 = vector.broadcast %add3A_558 : i32 to vector<16xi32>
      %add3A_560 = arith.addi %add3A_412, %add3A_559 : vector<16xi32>
      %gather3A_561 = tpu.vector_load_idx %arg33[%add3A_560] : memref<1280xf32, #tpu.memory_space<vmem>>[vector<16xi32>], vector<16xf32>,
      %add3A_562 = arith.addf %add3A_552, %gather3A_561 : vector<16xf32>
      %add3A_563 = arith.constant 15 : i32
      %add3A_564 = vector.broadcast %add3A_563 : i32 to vector<16xi32>
      %add3A_565 = arith.addi %add3A_412, %add3A_564 : vector<16xi32>
      %gather3A_566 = tpu.vector_load_idx %arg32[%add3A_565] : memref<1280xf32, #tpu.memory_space<vmem>>[vector<16xi32>], vector<16xf32>,
      %add3A_567 = arith.addf %add3A_557, %gather3A_566 : vector<16xf32>
      %add3A_568 = arith.constant 15 : i32
      %add3A_569 = vector.broadcast %add3A_568 : i32 to vector<16xi32>
      %add3A_570 = arith.addi %add3A_412, %add3A_569 : vector<16xi32>
      %gather3A_571 = tpu.vector_load_idx %arg33[%add3A_570] : memref<1280xf32, #tpu.memory_space<vmem>>[vector<16xi32>], vector<16xf32>,
      %add3A_572 = arith.addf %add3A_562, %gather3A_571 : vector<16xf32>
      %exp3A_573 = math.exp %add3A_567 : vector<16xf32>
      %swap3A_574 = arith.constant 16 : index
      %swap3A_575 = tpu.vector_load %arg20[%swap3A_574] {strides = array<i32>} : memref<80xf32, #tpu.memory_space<vmem>>, vector<16xf32>,
      tpu.vector_store %arg20[%swap3A_574], %exp3A_573 {strides = array<i32>} : memref<80xf32, #tpu.memory_space<vmem>>, vector<16xf32>,
      %exp3A_576 = math.exp %add3A_572 : vector<16xf32>
      %swap3A_577 = arith.constant 16 : index
      %swap3A_578 = tpu.vector_load %arg21[%swap3A_577] {strides = array<i32>} : memref<80xf32, #tpu.memory_space<vmem>>, vector<16xf32>,
      tpu.vector_store %arg21[%swap3A_577], %exp3A_576 {strides = array<i32>} : memref<80xf32, #tpu.memory_space<vmem>>, vector<16xf32>,
      %add3A_579 = arith.constant 512 : i32
      %add3A_580 = vector.broadcast %add3A_579 : i32 to vector<16xi32>
      %add3A_581 = arith.addi %mul3A_2, %add3A_580 : vector<16xi32>
      %add3A_582 = arith.constant 0 : i32
      %add3A_583 = vector.broadcast %add3A_582 : i32 to vector<16xi32>
      %add3A_584 = arith.addi %add3A_581, %add3A_583 : vector<16xi32>
      %gather3A_585 = tpu.vector_load_idx %arg32[%add3A_584] : memref<1280xf32, #tpu.memory_space<vmem>>[vector<16xi32>], vector<16xf32>,
      %add3A_586 = arith.addf %broadcast_in_dim3A_0, %gather3A_585 : vector<16xf32>
      %add3A_587 = arith.constant 0 : i32
      %add3A_588 = vector.broadcast %add3A_587 : i32 to vector<16xi32>
      %add3A_589 = arith.addi %add3A_581, %add3A_588 : vector<16xi32>
      %gather3A_590 = tpu.vector_load_idx %arg33[%add3A_589] : memref<1280xf32, #tpu.memory_space<vmem>>[vector<16xi32>], vector<16xf32>,
      %add3A_591 = arith.addf %broadcast_in_dim3A_0, %gather3A_590 : vector<16xf32>
      %add3A_592 = arith.constant 1 : i32
      %add3A_593 = vector.broadcast %add3A_592 : i32 to vector<16xi32>
      %add3A_594 = arith.addi %add3A_581, %add3A_593 : vector<16xi32>
      %gather3A_595 = tpu.vector_load_idx %arg32[%add3A_594] : memref<1280xf32, #tpu.memory_space<vmem>>[vector<16xi32>], vector<16xf32>,
      %add3A_596 = arith.addf %add3A_586, %gather3A_595 : vector<16xf32>
      %add3A_597 = arith.constant 1 : i32
      %add3A_598 = vector.broadcast %add3A_597 : i32 to vector<16xi32>
      %add3A_599 = arith.addi %add3A_581, %add3A_598 : vector<16xi32>
      %gather3A_600 = tpu.vector_load_idx %arg33[%add3A_599] : memref<1280xf32, #tpu.memory_space<vmem>>[vector<16xi32>], vector<16xf32>,
      %add3A_601 = arith.addf %add3A_591, %gather3A_600 : vector<16xf32>
      %add3A_602 = arith.constant 2 : i32
      %add3A_603 = vector.broadcast %add3A_602 : i32 to vector<16xi32>
      %add3A_604 = arith.addi %add3A_581, %add3A_603 : vector<16xi32>
      %gather3A_605 = tpu.vector_load_idx %arg32[%add3A_604] : memref<1280xf32, #tpu.memory_space<vmem>>[vector<16xi32>], vector<16xf32>,
      %add3A_606 = arith.addf %add3A_596, %gather3A_605 : vector<16xf32>
      %add3A_607 = arith.constant 2 : i32
      %add3A_608 = vector.broadcast %add3A_607 : i32 to vector<16xi32>
      %add3A_609 = arith.addi %add3A_581, %add3A_608 : vector<16xi32>
      %gather3A_610 = tpu.vector_load_idx %arg33[%add3A_609] : memref<1280xf32, #tpu.memory_space<vmem>>[vector<16xi32>], vector<16xf32>,
      %add3A_611 = arith.addf %add3A_601, %gather3A_610 : vector<16xf32>
      %add3A_612 = arith.constant 3 : i32
      %add3A_613 = vector.broadcast %add3A_612 : i32 to vector<16xi32>
      %add3A_614 = arith.addi %add3A_581, %add3A_613 : vector<16xi32>
      %gather3A_615 = tpu.vector_load_idx %arg32[%add3A_614] : memref<1280xf32, #tpu.memory_space<vmem>>[vector<16xi32>], vector<16xf32>,
      %add3A_616 = arith.addf %add3A_606, %gather3A_615 : vector<16xf32>
      %add3A_617 = arith.constant 3 : i32
      %add3A_618 = vector.broadcast %add3A_617 : i32 to vector<16xi32>
      %add3A_619 = arith.addi %add3A_581, %add3A_618 : vector<16xi32>
      %gather3A_620 = tpu.vector_load_idx %arg33[%add3A_619] : memref<1280xf32, #tpu.memory_space<vmem>>[vector<16xi32>], vector<16xf32>,
      %add3A_621 = arith.addf %add3A_611, %gather3A_620 : vector<16xf32>
      %add3A_622 = arith.constant 4 : i32
      %add3A_623 = vector.broadcast %add3A_622 : i32 to vector<16xi32>
      %add3A_624 = arith.addi %add3A_581, %add3A_623 : vector<16xi32>
      %gather3A_625 = tpu.vector_load_idx %arg32[%add3A_624] : memref<1280xf32, #tpu.memory_space<vmem>>[vector<16xi32>], vector<16xf32>,
      %add3A_626 = arith.addf %add3A_616, %gather3A_625 : vector<16xf32>
      %add3A_627 = arith.constant 4 : i32
      %add3A_628 = vector.broadcast %add3A_627 : i32 to vector<16xi32>
      %add3A_629 = arith.addi %add3A_581, %add3A_628 : vector<16xi32>
      %gather3A_630 = tpu.vector_load_idx %arg33[%add3A_629] : memref<1280xf32, #tpu.memory_space<vmem>>[vector<16xi32>], vector<16xf32>,
      %add3A_631 = arith.addf %add3A_621, %gather3A_630 : vector<16xf32>
      %add3A_632 = arith.constant 5 : i32
      %add3A_633 = vector.broadcast %add3A_632 : i32 to vector<16xi32>
      %add3A_634 = arith.addi %add3A_581, %add3A_633 : vector<16xi32>
      %gather3A_635 = tpu.vector_load_idx %arg32[%add3A_634] : memref<1280xf32, #tpu.memory_space<vmem>>[vector<16xi32>], vector<16xf32>,
      %add3A_636 = arith.addf %add3A_626, %gather3A_635 : vector<16xf32>
      %add3A_637 = arith.constant 5 : i32
      %add3A_638 = vector.broadcast %add3A_637 : i32 to vector<16xi32>
      %add3A_639 = arith.addi %add3A_581, %add3A_638 : vector<16xi32>
      %gather3A_640 = tpu.vector_load_idx %arg33[%add3A_639] : memref<1280xf32, #tpu.memory_space<vmem>>[vector<16xi32>], vector<16xf32>,
      %add3A_641 = arith.addf %add3A_631, %gather3A_640 : vector<16xf32>
      %add3A_642 = arith.constant 6 : i32
      %add3A_643 = vector.broadcast %add3A_642 : i32 to vector<16xi32>
      %add3A_644 = arith.addi %add3A_581, %add3A_643 : vector<16xi32>
      %gather3A_645 = tpu.vector_load_idx %arg32[%add3A_644] : memref<1280xf32, #tpu.memory_space<vmem>>[vector<16xi32>], vector<16xf32>,
      %add3A_646 = arith.addf %add3A_636, %gather3A_645 : vector<16xf32>
      %add3A_647 = arith.constant 6 : i32
      %add3A_648 = vector.broadcast %add3A_647 : i32 to vector<16xi32>
      %add3A_649 = arith.addi %add3A_581, %add3A_648 : vector<16xi32>
      %gather3A_650 = tpu.vector_load_idx %arg33[%add3A_649] : memref<1280xf32, #tpu.memory_space<vmem>>[vector<16xi32>], vector<16xf32>,
      %add3A_651 = arith.addf %add3A_641, %gather3A_650 : vector<16xf32>
      %add3A_652 = arith.constant 7 : i32
      %add3A_653 = vector.broadcast %add3A_652 : i32 to vector<16xi32>
      %add3A_654 = arith.addi %add3A_581, %add3A_653 : vector<16xi32>
      %gather3A_655 = tpu.vector_load_idx %arg32[%add3A_654] : memref<1280xf32, #tpu.memory_space<vmem>>[vector<16xi32>], vector<16xf32>,
      %add3A_656 = arith.addf %add3A_646, %gather3A_655 : vector<16xf32>
      %add3A_657 = arith.constant 7 : i32
      %add3A_658 = vector.broadcast %add3A_657 : i32 to vector<16xi32>
      %add3A_659 = arith.addi %add3A_581, %add3A_658 : vector<16xi32>
      %gather3A_660 = tpu.vector_load_idx %arg33[%add3A_659] : memref<1280xf32, #tpu.memory_space<vmem>>[vector<16xi32>], vector<16xf32>,
      %add3A_661 = arith.addf %add3A_651, %gather3A_660 : vector<16xf32>
      %add3A_662 = arith.constant 8 : i32
      %add3A_663 = vector.broadcast %add3A_662 : i32 to vector<16xi32>
      %add3A_664 = arith.addi %add3A_581, %add3A_663 : vector<16xi32>
      %gather3A_665 = tpu.vector_load_idx %arg32[%add3A_664] : memref<1280xf32, #tpu.memory_space<vmem>>[vector<16xi32>], vector<16xf32>,
      %add3A_666 = arith.addf %add3A_656, %gather3A_665 : vector<16xf32>
      %add3A_667 = arith.constant 8 : i32
      %add3A_668 = vector.broadcast %add3A_667 : i32 to vector<16xi32>
      %add3A_669 = arith.addi %add3A_581, %add3A_668 : vector<16xi32>
      %gather3A_670 = tpu.vector_load_idx %arg33[%add3A_669] : memref<1280xf32, #tpu.memory_space<vmem>>[vector<16xi32>], vector<16xf32>,
      %add3A_671 = arith.addf %add3A_661, %gather3A_670 : vector<16xf32>
      %add3A_672 = arith.constant 9 : i32
      %add3A_673 = vector.broadcast %add3A_672 : i32 to vector<16xi32>
      %add3A_674 = arith.addi %add3A_581, %add3A_673 : vector<16xi32>
      %gather3A_675 = tpu.vector_load_idx %arg32[%add3A_674] : memref<1280xf32, #tpu.memory_space<vmem>>[vector<16xi32>], vector<16xf32>,
      %add3A_676 = arith.addf %add3A_666, %gather3A_675 : vector<16xf32>
      %add3A_677 = arith.constant 9 : i32
      %add3A_678 = vector.broadcast %add3A_677 : i32 to vector<16xi32>
      %add3A_679 = arith.addi %add3A_581, %add3A_678 : vector<16xi32>
      %gather3A_680 = tpu.vector_load_idx %arg33[%add3A_679] : memref<1280xf32, #tpu.memory_space<vmem>>[vector<16xi32>], vector<16xf32>,
      %add3A_681 = arith.addf %add3A_671, %gather3A_680 : vector<16xf32>
      %add3A_682 = arith.constant 10 : i32
      %add3A_683 = vector.broadcast %add3A_682 : i32 to vector<16xi32>
      %add3A_684 = arith.addi %add3A_581, %add3A_683 : vector<16xi32>
      %gather3A_685 = tpu.vector_load_idx %arg32[%add3A_684] : memref<1280xf32, #tpu.memory_space<vmem>>[vector<16xi32>], vector<16xf32>,
      %add3A_686 = arith.addf %add3A_676, %gather3A_685 : vector<16xf32>
      %add3A_687 = arith.constant 10 : i32
      %add3A_688 = vector.broadcast %add3A_687 : i32 to vector<16xi32>
      %add3A_689 = arith.addi %add3A_581, %add3A_688 : vector<16xi32>
      %gather3A_690 = tpu.vector_load_idx %arg33[%add3A_689] : memref<1280xf32, #tpu.memory_space<vmem>>[vector<16xi32>], vector<16xf32>,
      %add3A_691 = arith.addf %add3A_681, %gather3A_690 : vector<16xf32>
      %add3A_692 = arith.constant 11 : i32
      %add3A_693 = vector.broadcast %add3A_692 : i32 to vector<16xi32>
      %add3A_694 = arith.addi %add3A_581, %add3A_693 : vector<16xi32>
      %gather3A_695 = tpu.vector_load_idx %arg32[%add3A_694] : memref<1280xf32, #tpu.memory_space<vmem>>[vector<16xi32>], vector<16xf32>,
      %add3A_696 = arith.addf %add3A_686, %gather3A_695 : vector<16xf32>
      %add3A_697 = arith.constant 11 : i32
      %add3A_698 = vector.broadcast %add3A_697 : i32 to vector<16xi32>
      %add3A_699 = arith.addi %add3A_581, %add3A_698 : vector<16xi32>
      %gather3A_700 = tpu.vector_load_idx %arg33[%add3A_699] : memref<1280xf32, #tpu.memory_space<vmem>>[vector<16xi32>], vector<16xf32>,
      %add3A_701 = arith.addf %add3A_691, %gather3A_700 : vector<16xf32>
      %add3A_702 = arith.constant 12 : i32
      %add3A_703 = vector.broadcast %add3A_702 : i32 to vector<16xi32>
      %add3A_704 = arith.addi %add3A_581, %add3A_703 : vector<16xi32>
      %gather3A_705 = tpu.vector_load_idx %arg32[%add3A_704] : memref<1280xf32, #tpu.memory_space<vmem>>[vector<16xi32>], vector<16xf32>,
      %add3A_706 = arith.addf %add3A_696, %gather3A_705 : vector<16xf32>
      %add3A_707 = arith.constant 12 : i32
      %add3A_708 = vector.broadcast %add3A_707 : i32 to vector<16xi32>
      %add3A_709 = arith.addi %add3A_581, %add3A_708 : vector<16xi32>
      %gather3A_710 = tpu.vector_load_idx %arg33[%add3A_709] : memref<1280xf32, #tpu.memory_space<vmem>>[vector<16xi32>], vector<16xf32>,
      %add3A_711 = arith.addf %add3A_701, %gather3A_710 : vector<16xf32>
      %add3A_712 = arith.constant 13 : i32
      %add3A_713 = vector.broadcast %add3A_712 : i32 to vector<16xi32>
      %add3A_714 = arith.addi %add3A_581, %add3A_713 : vector<16xi32>
      %gather3A_715 = tpu.vector_load_idx %arg32[%add3A_714] : memref<1280xf32, #tpu.memory_space<vmem>>[vector<16xi32>], vector<16xf32>,
      %add3A_716 = arith.addf %add3A_706, %gather3A_715 : vector<16xf32>
      %add3A_717 = arith.constant 13 : i32
      %add3A_718 = vector.broadcast %add3A_717 : i32 to vector<16xi32>
      %add3A_719 = arith.addi %add3A_581, %add3A_718 : vector<16xi32>
      %gather3A_720 = tpu.vector_load_idx %arg33[%add3A_719] : memref<1280xf32, #tpu.memory_space<vmem>>[vector<16xi32>], vector<16xf32>,
      %add3A_721 = arith.addf %add3A_711, %gather3A_720 : vector<16xf32>
      %add3A_722 = arith.constant 14 : i32
      %add3A_723 = vector.broadcast %add3A_722 : i32 to vector<16xi32>
      %add3A_724 = arith.addi %add3A_581, %add3A_723 : vector<16xi32>
      %gather3A_725 = tpu.vector_load_idx %arg32[%add3A_724] : memref<1280xf32, #tpu.memory_space<vmem>>[vector<16xi32>], vector<16xf32>,
      %add3A_726 = arith.addf %add3A_716, %gather3A_725 : vector<16xf32>
      %add3A_727 = arith.constant 14 : i32
      %add3A_728 = vector.broadcast %add3A_727 : i32 to vector<16xi32>
      %add3A_729 = arith.addi %add3A_581, %add3A_728 : vector<16xi32>
      %gather3A_730 = tpu.vector_load_idx %arg33[%add3A_729] : memref<1280xf32, #tpu.memory_space<vmem>>[vector<16xi32>], vector<16xf32>,
      %add3A_731 = arith.addf %add3A_721, %gather3A_730 : vector<16xf32>
      %add3A_732 = arith.constant 15 : i32
      %add3A_733 = vector.broadcast %add3A_732 : i32 to vector<16xi32>
      %add3A_734 = arith.addi %add3A_581, %add3A_733 : vector<16xi32>
      %gather3A_735 = tpu.vector_load_idx %arg32[%add3A_734] : memref<1280xf32, #tpu.memory_space<vmem>>[vector<16xi32>], vector<16xf32>,
      %add3A_736 = arith.addf %add3A_726, %gather3A_735 : vector<16xf32>
      %add3A_737 = arith.constant 15 : i32
      %add3A_738 = vector.broadcast %add3A_737 : i32 to vector<16xi32>
      %add3A_739 = arith.addi %add3A_581, %add3A_738 : vector<16xi32>
      %gather3A_740 = tpu.vector_load_idx %arg33[%add3A_739] : memref<1280xf32, #tpu.memory_space<vmem>>[vector<16xi32>], vector<16xf32>,
      %add3A_741 = arith.addf %add3A_731, %gather3A_740 : vector<16xf32>
      %exp3A_742 = math.exp %add3A_736 : vector<16xf32>
      %swap3A_743 = arith.constant 32 : index
      %swap3A_744 = tpu.vector_load %arg20[%swap3A_743] {strides = array<i32>} : memref<80xf32, #tpu.memory_space<vmem>>, vector<16xf32>,
      tpu.vector_store %arg20[%swap3A_743], %exp3A_742 {strides = array<i32>} : memref<80xf32, #tpu.memory_space<vmem>>, vector<16xf32>,
      %exp3A_745 = math.exp %add3A_741 : vector<16xf32>
      %swap3A_746 = arith.constant 32 : index
      %swap3A_747 = tpu.vector_load %arg21[%swap3A_746] {strides = array<i32>} : memref<80xf32, #tpu.memory_space<vmem>>, vector<16xf32>,
      tpu.vector_store %arg21[%swap3A_746], %exp3A_745 {strides = array<i32>} : memref<80xf32, #tpu.memory_space<vmem>>, vector<16xf32>,
      %add3A_748 = arith.constant 768 : i32
      %add3A_749 = vector.broadcast %add3A_748 : i32 to vector<16xi32>
      %add3A_750 = arith.addi %mul3A_2, %add3A_749 : vector<16xi32>
      %add3A_751 = arith.constant 0 : i32
      %add3A_752 = vector.broadcast %add3A_751 : i32 to vector<16xi32>
      %add3A_753 = arith.addi %add3A_750, %add3A_752 : vector<16xi32>
      %gather3A_754 = tpu.vector_load_idx %arg32[%add3A_753] : memref<1280xf32, #tpu.memory_space<vmem>>[vector<16xi32>], vector<16xf32>,
      %add3A_755 = arith.addf %broadcast_in_dim3A_0, %gather3A_754 : vector<16xf32>
      %add3A_756 = arith.constant 0 : i32
      %add3A_757 = vector.broadcast %add3A_756 : i32 to vector<16xi32>
      %add3A_758 = arith.addi %add3A_750, %add3A_757 : vector<16xi32>
      %gather3A_759 = tpu.vector_load_idx %arg33[%add3A_758] : memref<1280xf32, #tpu.memory_space<vmem>>[vector<16xi32>], vector<16xf32>,
      %add3A_760 = arith.addf %broadcast_in_dim3A_0, %gather3A_759 : vector<16xf32>
      %add3A_761 = arith.constant 1 : i32
      %add3A_762 = vector.broadcast %add3A_761 : i32 to vector<16xi32>
      %add3A_763 = arith.addi %add3A_750, %add3A_762 : vector<16xi32>
      %gather3A_764 = tpu.vector_load_idx %arg32[%add3A_763] : memref<1280xf32, #tpu.memory_space<vmem>>[vector<16xi32>], vector<16xf32>,
      %add3A_765 = arith.addf %add3A_755, %gather3A_764 : vector<16xf32>
      %add3A_766 = arith.constant 1 : i32
      %add3A_767 = vector.broadcast %add3A_766 : i32 to vector<16xi32>
      %add3A_768 = arith.addi %add3A_750, %add3A_767 : vector<16xi32>
      %gather3A_769 = tpu.vector_load_idx %arg33[%add3A_768] : memref<1280xf32, #tpu.memory_space<vmem>>[vector<16xi32>], vector<16xf32>,
      %add3A_770 = arith.addf %add3A_760, %gather3A_769 : vector<16xf32>
      %add3A_771 = arith.constant 2 : i32
      %add3A_772 = vector.broadcast %add3A_771 : i32 to vector<16xi32>
      %add3A_773 = arith.addi %add3A_750, %add3A_772 : vector<16xi32>
      %gather3A_774 = tpu.vector_load_idx %arg32[%add3A_773] : memref<1280xf32, #tpu.memory_space<vmem>>[vector<16xi32>], vector<16xf32>,
      %add3A_775 = arith.addf %add3A_765, %gather3A_774 : vector<16xf32>
      %add3A_776 = arith.constant 2 : i32
      %add3A_777 = vector.broadcast %add3A_776 : i32 to vector<16xi32>
      %add3A_778 = arith.addi %add3A_750, %add3A_777 : vector<16xi32>
      %gather3A_779 = tpu.vector_load_idx %arg33[%add3A_778] : memref<1280xf32, #tpu.memory_space<vmem>>[vector<16xi32>], vector<16xf32>,
      %add3A_780 = arith.addf %add3A_770, %gather3A_779 : vector<16xf32>
      %add3A_781 = arith.constant 3 : i32
      %add3A_782 = vector.broadcast %add3A_781 : i32 to vector<16xi32>
      %add3A_783 = arith.addi %add3A_750, %add3A_782 : vector<16xi32>
      %gather3A_784 = tpu.vector_load_idx %arg32[%add3A_783] : memref<1280xf32, #tpu.memory_space<vmem>>[vector<16xi32>], vector<16xf32>,
      %add3A_785 = arith.addf %add3A_775, %gather3A_784 : vector<16xf32>
      %add3A_786 = arith.constant 3 : i32
      %add3A_787 = vector.broadcast %add3A_786 : i32 to vector<16xi32>
      %add3A_788 = arith.addi %add3A_750, %add3A_787 : vector<16xi32>
      %gather3A_789 = tpu.vector_load_idx %arg33[%add3A_788] : memref<1280xf32, #tpu.memory_space<vmem>>[vector<16xi32>], vector<16xf32>,
      %add3A_790 = arith.addf %add3A_780, %gather3A_789 : vector<16xf32>
      %add3A_791 = arith.constant 4 : i32
      %add3A_792 = vector.broadcast %add3A_791 : i32 to vector<16xi32>
      %add3A_793 = arith.addi %add3A_750, %add3A_792 : vector<16xi32>
      %gather3A_794 = tpu.vector_load_idx %arg32[%add3A_793] : memref<1280xf32, #tpu.memory_space<vmem>>[vector<16xi32>], vector<16xf32>,
      %add3A_795 = arith.addf %add3A_785, %gather3A_794 : vector<16xf32>
      %add3A_796 = arith.constant 4 : i32
      %add3A_797 = vector.broadcast %add3A_796 : i32 to vector<16xi32>
      %add3A_798 = arith.addi %add3A_750, %add3A_797 : vector<16xi32>
      %gather3A_799 = tpu.vector_load_idx %arg33[%add3A_798] : memref<1280xf32, #tpu.memory_space<vmem>>[vector<16xi32>], vector<16xf32>,
      %add3A_800 = arith.addf %add3A_790, %gather3A_799 : vector<16xf32>
      %add3A_801 = arith.constant 5 : i32
      %add3A_802 = vector.broadcast %add3A_801 : i32 to vector<16xi32>
      %add3A_803 = arith.addi %add3A_750, %add3A_802 : vector<16xi32>
      %gather3A_804 = tpu.vector_load_idx %arg32[%add3A_803] : memref<1280xf32, #tpu.memory_space<vmem>>[vector<16xi32>], vector<16xf32>,
      %add3A_805 = arith.addf %add3A_795, %gather3A_804 : vector<16xf32>
      %add3A_806 = arith.constant 5 : i32
      %add3A_807 = vector.broadcast %add3A_806 : i32 to vector<16xi32>
      %add3A_808 = arith.addi %add3A_750, %add3A_807 : vector<16xi32>
      %gather3A_809 = tpu.vector_load_idx %arg33[%add3A_808] : memref<1280xf32, #tpu.memory_space<vmem>>[vector<16xi32>], vector<16xf32>,
      %add3A_810 = arith.addf %add3A_800, %gather3A_809 : vector<16xf32>
      %add3A_811 = arith.constant 6 : i32
      %add3A_812 = vector.broadcast %add3A_811 : i32 to vector<16xi32>
      %add3A_813 = arith.addi %add3A_750, %add3A_812 : vector<16xi32>
      %gather3A_814 = tpu.vector_load_idx %arg32[%add3A_813] : memref<1280xf32, #tpu.memory_space<vmem>>[vector<16xi32>], vector<16xf32>,
      %add3A_815 = arith.addf %add3A_805, %gather3A_814 : vector<16xf32>
      %add3A_816 = arith.constant 6 : i32
      %add3A_817 = vector.broadcast %add3A_816 : i32 to vector<16xi32>
      %add3A_818 = arith.addi %add3A_750, %add3A_817 : vector<16xi32>
      %gather3A_819 = tpu.vector_load_idx %arg33[%add3A_818] : memref<1280xf32, #tpu.memory_space<vmem>>[vector<16xi32>], vector<16xf32>,
      %add3A_820 = arith.addf %add3A_810, %gather3A_819 : vector<16xf32>
      %add3A_821 = arith.constant 7 : i32
      %add3A_822 = vector.broadcast %add3A_821 : i32 to vector<16xi32>
      %add3A_823 = arith.addi %add3A_750, %add3A_822 : vector<16xi32>
      %gather3A_824 = tpu.vector_load_idx %arg32[%add3A_823] : memref<1280xf32, #tpu.memory_space<vmem>>[vector<16xi32>], vector<16xf32>,
      %add3A_825 = arith.addf %add3A_815, %gather3A_824 : vector<16xf32>
      %add3A_826 = arith.constant 7 : i32
      %add3A_827 = vector.broadcast %add3A_826 : i32 to vector<16xi32>
      %add3A_828 = arith.addi %add3A_750, %add3A_827 : vector<16xi32>
      %gather3A_829 = tpu.vector_load_idx %arg33[%add3A_828] : memref<1280xf32, #tpu.memory_space<vmem>>[vector<16xi32>], vector<16xf32>,
      %add3A_830 = arith.addf %add3A_820, %gather3A_829 : vector<16xf32>
      %add3A_831 = arith.constant 8 : i32
      %add3A_832 = vector.broadcast %add3A_831 : i32 to vector<16xi32>
      %add3A_833 = arith.addi %add3A_750, %add3A_832 : vector<16xi32>
      %gather3A_834 = tpu.vector_load_idx %arg32[%add3A_833] : memref<1280xf32, #tpu.memory_space<vmem>>[vector<16xi32>], vector<16xf32>,
      %add3A_835 = arith.addf %add3A_825, %gather3A_834 : vector<16xf32>
      %add3A_836 = arith.constant 8 : i32
      %add3A_837 = vector.broadcast %add3A_836 : i32 to vector<16xi32>
      %add3A_838 = arith.addi %add3A_750, %add3A_837 : vector<16xi32>
      %gather3A_839 = tpu.vector_load_idx %arg33[%add3A_838] : memref<1280xf32, #tpu.memory_space<vmem>>[vector<16xi32>], vector<16xf32>,
      %add3A_840 = arith.addf %add3A_830, %gather3A_839 : vector<16xf32>
      %add3A_841 = arith.constant 9 : i32
      %add3A_842 = vector.broadcast %add3A_841 : i32 to vector<16xi32>
      %add3A_843 = arith.addi %add3A_750, %add3A_842 : vector<16xi32>
      %gather3A_844 = tpu.vector_load_idx %arg32[%add3A_843] : memref<1280xf32, #tpu.memory_space<vmem>>[vector<16xi32>], vector<16xf32>,
      %add3A_845 = arith.addf %add3A_835, %gather3A_844 : vector<16xf32>
      %add3A_846 = arith.constant 9 : i32
      %add3A_847 = vector.broadcast %add3A_846 : i32 to vector<16xi32>
      %add3A_848 = arith.addi %add3A_750, %add3A_847 : vector<16xi32>
      %gather3A_849 = tpu.vector_load_idx %arg33[%add3A_848] : memref<1280xf32, #tpu.memory_space<vmem>>[vector<16xi32>], vector<16xf32>,
      %add3A_850 = arith.addf %add3A_840, %gather3A_849 : vector<16xf32>
      %add3A_851 = arith.constant 10 : i32
      %add3A_852 = vector.broadcast %add3A_851 : i32 to vector<16xi32>
      %add3A_853 = arith.addi %add3A_750, %add3A_852 : vector<16xi32>
      %gather3A_854 = tpu.vector_load_idx %arg32[%add3A_853] : memref<1280xf32, #tpu.memory_space<vmem>>[vector<16xi32>], vector<16xf32>,
      %add3A_855 = arith.addf %add3A_845, %gather3A_854 : vector<16xf32>
      %add3A_856 = arith.constant 10 : i32
      %add3A_857 = vector.broadcast %add3A_856 : i32 to vector<16xi32>
      %add3A_858 = arith.addi %add3A_750, %add3A_857 : vector<16xi32>
      %gather3A_859 = tpu.vector_load_idx %arg33[%add3A_858] : memref<1280xf32, #tpu.memory_space<vmem>>[vector<16xi32>], vector<16xf32>,
      %add3A_860 = arith.addf %add3A_850, %gather3A_859 : vector<16xf32>
      %add3A_861 = arith.constant 11 : i32
      %add3A_862 = vector.broadcast %add3A_861 : i32 to vector<16xi32>
      %add3A_863 = arith.addi %add3A_750, %add3A_862 : vector<16xi32>
      %gather3A_864 = tpu.vector_load_idx %arg32[%add3A_863] : memref<1280xf32, #tpu.memory_space<vmem>>[vector<16xi32>], vector<16xf32>,
      %add3A_865 = arith.addf %add3A_855, %gather3A_864 : vector<16xf32>
      %add3A_866 = arith.constant 11 : i32
      %add3A_867 = vector.broadcast %add3A_866 : i32 to vector<16xi32>
      %add3A_868 = arith.addi %add3A_750, %add3A_867 : vector<16xi32>
      %gather3A_869 = tpu.vector_load_idx %arg33[%add3A_868] : memref<1280xf32, #tpu.memory_space<vmem>>[vector<16xi32>], vector<16xf32>,
      %add3A_870 = arith.addf %add3A_860, %gather3A_869 : vector<16xf32>
      %add3A_871 = arith.constant 12 : i32
      %add3A_872 = vector.broadcast %add3A_871 : i32 to vector<16xi32>
      %add3A_873 = arith.addi %add3A_750, %add3A_872 : vector<16xi32>
      %gather3A_874 = tpu.vector_load_idx %arg32[%add3A_873] : memref<1280xf32, #tpu.memory_space<vmem>>[vector<16xi32>], vector<16xf32>,
      %add3A_875 = arith.addf %add3A_865, %gather3A_874 : vector<16xf32>
      %add3A_876 = arith.constant 12 : i32
      %add3A_877 = vector.broadcast %add3A_876 : i32 to vector<16xi32>
      %add3A_878 = arith.addi %add3A_750, %add3A_877 : vector<16xi32>
      %gather3A_879 = tpu.vector_load_idx %arg33[%add3A_878] : memref<1280xf32, #tpu.memory_space<vmem>>[vector<16xi32>], vector<16xf32>,
      %add3A_880 = arith.addf %add3A_870, %gather3A_879 : vector<16xf32>
      %add3A_881 = arith.constant 13 : i32
      %add3A_882 = vector.broadcast %add3A_881 : i32 to vector<16xi32>
      %add3A_883 = arith.addi %add3A_750, %add3A_882 : vector<16xi32>
      %gather3A_884 = tpu.vector_load_idx %arg32[%add3A_883] : memref<1280xf32, #tpu.memory_space<vmem>>[vector<16xi32>], vector<16xf32>,
      %add3A_885 = arith.addf %add3A_875, %gather3A_884 : vector<16xf32>
      %add3A_886 = arith.constant 13 : i32
      %add3A_887 = vector.broadcast %add3A_886 : i32 to vector<16xi32>
      %add3A_888 = arith.addi %add3A_750, %add3A_887 : vector<16xi32>
      %gather3A_889 = tpu.vector_load_idx %arg33[%add3A_888] : memref<1280xf32, #tpu.memory_space<vmem>>[vector<16xi32>], vector<16xf32>,
      %add3A_890 = arith.addf %add3A_880, %gather3A_889 : vector<16xf32>
      %add3A_891 = arith.constant 14 : i32
      %add3A_892 = vector.broadcast %add3A_891 : i32 to vector<16xi32>
      %add3A_893 = arith.addi %add3A_750, %add3A_892 : vector<16xi32>
      %gather3A_894 = tpu.vector_load_idx %arg32[%add3A_893] : memref<1280xf32, #tpu.memory_space<vmem>>[vector<16xi32>], vector<16xf32>,
      %add3A_895 = arith.addf %add3A_885, %gather3A_894 : vector<16xf32>
      %add3A_896 = arith.constant 14 : i32
      %add3A_897 = vector.broadcast %add3A_896 : i32 to vector<16xi32>
      %add3A_898 = arith.addi %add3A_750, %add3A_897 : vector<16xi32>
      %gather3A_899 = tpu.vector_load_idx %arg33[%add3A_898] : memref<1280xf32, #tpu.memory_space<vmem>>[vector<16xi32>], vector<16xf32>,
      %add3A_900 = arith.addf %add3A_890, %gather3A_899 : vector<16xf32>
      %add3A_901 = arith.constant 15 : i32
      %add3A_902 = vector.broadcast %add3A_901 : i32 to vector<16xi32>
      %add3A_903 = arith.addi %add3A_750, %add3A_902 : vector<16xi32>
      %gather3A_904 = tpu.vector_load_idx %arg32[%add3A_903] : memref<1280xf32, #tpu.memory_space<vmem>>[vector<16xi32>], vector<16xf32>,
      %add3A_905 = arith.addf %add3A_895, %gather3A_904 : vector<16xf32>
      %add3A_906 = arith.constant 15 : i32
      %add3A_907 = vector.broadcast %add3A_906 : i32 to vector<16xi32>
      %add3A_908 = arith.addi %add3A_750, %add3A_907 : vector<16xi32>
      %gather3A_909 = tpu.vector_load_idx %arg33[%add3A_908] : memref<1280xf32, #tpu.memory_space<vmem>>[vector<16xi32>], vector<16xf32>,
      %add3A_910 = arith.addf %add3A_900, %gather3A_909 : vector<16xf32>
      %exp3A_911 = math.exp %add3A_905 : vector<16xf32>
      %swap3A_912 = arith.constant 48 : index
      %swap3A_913 = tpu.vector_load %arg20[%swap3A_912] {strides = array<i32>} : memref<80xf32, #tpu.memory_space<vmem>>, vector<16xf32>,
      tpu.vector_store %arg20[%swap3A_912], %exp3A_911 {strides = array<i32>} : memref<80xf32, #tpu.memory_space<vmem>>, vector<16xf32>,
      %exp3A_914 = math.exp %add3A_910 : vector<16xf32>
      %swap3A_915 = arith.constant 48 : index
      %swap3A_916 = tpu.vector_load %arg21[%swap3A_915] {strides = array<i32>} : memref<80xf32, #tpu.memory_space<vmem>>, vector<16xf32>,
      tpu.vector_store %arg21[%swap3A_915], %exp3A_914 {strides = array<i32>} : memref<80xf32, #tpu.memory_space<vmem>>, vector<16xf32>,
      %add3A_917 = arith.constant 1024 : i32
      %add3A_918 = vector.broadcast %add3A_917 : i32 to vector<16xi32>
      %add3A_919 = arith.addi %mul3A_2, %add3A_918 : vector<16xi32>
      %add3A_920 = arith.constant 0 : i32
      %add3A_921 = vector.broadcast %add3A_920 : i32 to vector<16xi32>
      %add3A_922 = arith.addi %add3A_919, %add3A_921 : vector<16xi32>
      %gather3A_923 = tpu.vector_load_idx %arg32[%add3A_922] : memref<1280xf32, #tpu.memory_space<vmem>>[vector<16xi32>], vector<16xf32>,
      %add3A_924 = arith.addf %broadcast_in_dim3A_0, %gather3A_923 : vector<16xf32>
      %add3A_925 = arith.constant 0 : i32
      %add3A_926 = vector.broadcast %add3A_925 : i32 to vector<16xi32>
      %add3A_927 = arith.addi %add3A_919, %add3A_926 : vector<16xi32>
      %gather3A_928 = tpu.vector_load_idx %arg33[%add3A_927] : memref<1280xf32, #tpu.memory_space<vmem>>[vector<16xi32>], vector<16xf32>,
      %add3A_929 = arith.addf %broadcast_in_dim3A_0, %gather3A_928 : vector<16xf32>
      %add3A_930 = arith.constant 1 : i32
      %add3A_931 = vector.broadcast %add3A_930 : i32 to vector<16xi32>
      %add3A_932 = arith.addi %add3A_919, %add3A_931 : vector<16xi32>
      %gather3A_933 = tpu.vector_load_idx %arg32[%add3A_932] : memref<1280xf32, #tpu.memory_space<vmem>>[vector<16xi32>], vector<16xf32>,
      %add3A_934 = arith.addf %add3A_924, %gather3A_933 : vector<16xf32>
      %add3A_935 = arith.constant 1 : i32
      %add3A_936 = vector.broadcast %add3A_935 : i32 to vector<16xi32>
      %add3A_937 = arith.addi %add3A_919, %add3A_936 : vector<16xi32>
      %gather3A_938 = tpu.vector_load_idx %arg33[%add3A_937] : memref<1280xf32, #tpu.memory_space<vmem>>[vector<16xi32>], vector<16xf32>,
      %add3A_939 = arith.addf %add3A_929, %gather3A_938 : vector<16xf32>
      %add3A_940 = arith.constant 2 : i32
      %add3A_941 = vector.broadcast %add3A_940 : i32 to vector<16xi32>
      %add3A_942 = arith.addi %add3A_919, %add3A_941 : vector<16xi32>
      %gather3A_943 = tpu.vector_load_idx %arg32[%add3A_942] : memref<1280xf32, #tpu.memory_space<vmem>>[vector<16xi32>], vector<16xf32>,
      %add3A_944 = arith.addf %add3A_934, %gather3A_943 : vector<16xf32>
      %add3A_945 = arith.constant 2 : i32
      %add3A_946 = vector.broadcast %add3A_945 : i32 to vector<16xi32>
      %add3A_947 = arith.addi %add3A_919, %add3A_946 : vector<16xi32>
      %gather3A_948 = tpu.vector_load_idx %arg33[%add3A_947] : memref<1280xf32, #tpu.memory_space<vmem>>[vector<16xi32>], vector<16xf32>,
      %add3A_949 = arith.addf %add3A_939, %gather3A_948 : vector<16xf32>
      %add3A_950 = arith.constant 3 : i32
      %add3A_951 = vector.broadcast %add3A_950 : i32 to vector<16xi32>
      %add3A_952 = arith.addi %add3A_919, %add3A_951 : vector<16xi32>
      %gather3A_953 = tpu.vector_load_idx %arg32[%add3A_952] : memref<1280xf32, #tpu.memory_space<vmem>>[vector<16xi32>], vector<16xf32>,
      %add3A_954 = arith.addf %add3A_944, %gather3A_953 : vector<16xf32>
      %add3A_955 = arith.constant 3 : i32
      %add3A_956 = vector.broadcast %add3A_955 : i32 to vector<16xi32>
      %add3A_957 = arith.addi %add3A_919, %add3A_956 : vector<16xi32>
      %gather3A_958 = tpu.vector_load_idx %arg33[%add3A_957] : memref<1280xf32, #tpu.memory_space<vmem>>[vector<16xi32>], vector<16xf32>,
      %add3A_959 = arith.addf %add3A_949, %gather3A_958 : vector<16xf32>
      %add3A_960 = arith.constant 4 : i32
      %add3A_961 = vector.broadcast %add3A_960 : i32 to vector<16xi32>
      %add3A_962 = arith.addi %add3A_919, %add3A_961 : vector<16xi32>
      %gather3A_963 = tpu.vector_load_idx %arg32[%add3A_962] : memref<1280xf32, #tpu.memory_space<vmem>>[vector<16xi32>], vector<16xf32>,
      %add3A_964 = arith.addf %add3A_954, %gather3A_963 : vector<16xf32>
      %add3A_965 = arith.constant 4 : i32
      %add3A_966 = vector.broadcast %add3A_965 : i32 to vector<16xi32>
      %add3A_967 = arith.addi %add3A_919, %add3A_966 : vector<16xi32>
      %gather3A_968 = tpu.vector_load_idx %arg33[%add3A_967] : memref<1280xf32, #tpu.memory_space<vmem>>[vector<16xi32>], vector<16xf32>,
      %add3A_969 = arith.addf %add3A_959, %gather3A_968 : vector<16xf32>
      %add3A_970 = arith.constant 5 : i32
      %add3A_971 = vector.broadcast %add3A_970 : i32 to vector<16xi32>
      %add3A_972 = arith.addi %add3A_919, %add3A_971 : vector<16xi32>
      %gather3A_973 = tpu.vector_load_idx %arg32[%add3A_972] : memref<1280xf32, #tpu.memory_space<vmem>>[vector<16xi32>], vector<16xf32>,
      %add3A_974 = arith.addf %add3A_964, %gather3A_973 : vector<16xf32>
      %add3A_975 = arith.constant 5 : i32
      %add3A_976 = vector.broadcast %add3A_975 : i32 to vector<16xi32>
      %add3A_977 = arith.addi %add3A_919, %add3A_976 : vector<16xi32>
      %gather3A_978 = tpu.vector_load_idx %arg33[%add3A_977] : memref<1280xf32, #tpu.memory_space<vmem>>[vector<16xi32>], vector<16xf32>,
      %add3A_979 = arith.addf %add3A_969, %gather3A_978 : vector<16xf32>
      %add3A_980 = arith.constant 6 : i32
      %add3A_981 = vector.broadcast %add3A_980 : i32 to vector<16xi32>
      %add3A_982 = arith.addi %add3A_919, %add3A_981 : vector<16xi32>
      %gather3A_983 = tpu.vector_load_idx %arg32[%add3A_982] : memref<1280xf32, #tpu.memory_space<vmem>>[vector<16xi32>], vector<16xf32>,
      %add3A_984 = arith.addf %add3A_974, %gather3A_983 : vector<16xf32>
      %add3A_985 = arith.constant 6 : i32
      %add3A_986 = vector.broadcast %add3A_985 : i32 to vector<16xi32>
      %add3A_987 = arith.addi %add3A_919, %add3A_986 : vector<16xi32>
      %gather3A_988 = tpu.vector_load_idx %arg33[%add3A_987] : memref<1280xf32, #tpu.memory_space<vmem>>[vector<16xi32>], vector<16xf32>,
      %add3A_989 = arith.addf %add3A_979, %gather3A_988 : vector<16xf32>
      %add3A_990 = arith.constant 7 : i32
      %add3A_991 = vector.broadcast %add3A_990 : i32 to vector<16xi32>
      %add3A_992 = arith.addi %add3A_919, %add3A_991 : vector<16xi32>
      %gather3A_993 = tpu.vector_load_idx %arg32[%add3A_992] : memref<1280xf32, #tpu.memory_space<vmem>>[vector<16xi32>], vector<16xf32>,
      %add3A_994 = arith.addf %add3A_984, %gather3A_993 : vector<16xf32>
      %add3A_995 = arith.constant 7 : i32
      %add3A_996 = vector.broadcast %add3A_995 : i32 to vector<16xi32>
      %add3A_997 = arith.addi %add3A_919, %add3A_996 : vector<16xi32>
      %gather3A_998 = tpu.vector_load_idx %arg33[%add3A_997] : memref<1280xf32, #tpu.memory_space<vmem>>[vector<16xi32>], vector<16xf32>,
      %add3A_999 = arith.addf %add3A_989, %gather3A_998 : vector<16xf32>
      %add3A_1000 = arith.constant 8 : i32
      %add3A_1001 = vector.broadcast %add3A_1000 : i32 to vector<16xi32>
      %add3A_1002 = arith.addi %add3A_919, %add3A_1001 : vector<16xi32>
      %gather3A_1003 = tpu.vector_load_idx %arg32[%add3A_1002] : memref<1280xf32, #tpu.memory_space<vmem>>[vector<16xi32>], vector<16xf32>,
      %add3A_1004 = arith.addf %add3A_994, %gather3A_1003 : vector<16xf32>
      %add3A_1005 = arith.constant 8 : i32
      %add3A_1006 = vector.broadcast %add3A_1005 : i32 to vector<16xi32>
      %add3A_1007 = arith.addi %add3A_919, %add3A_1006 : vector<16xi32>
      %gather3A_1008 = tpu.vector_load_idx %arg33[%add3A_1007] : memref<1280xf32, #tpu.memory_space<vmem>>[vector<16xi32>], vector<16xf32>,
      %add3A_1009 = arith.addf %add3A_999, %gather3A_1008 : vector<16xf32>
      %add3A_1010 = arith.constant 9 : i32
      %add3A_1011 = vector.broadcast %add3A_1010 : i32 to vector<16xi32>
      %add3A_1012 = arith.addi %add3A_919, %add3A_1011 : vector<16xi32>
      %gather3A_1013 = tpu.vector_load_idx %arg32[%add3A_1012] : memref<1280xf32, #tpu.memory_space<vmem>>[vector<16xi32>], vector<16xf32>,
      %add3A_1014 = arith.addf %add3A_1004, %gather3A_1013 : vector<16xf32>
      %add3A_1015 = arith.constant 9 : i32
      %add3A_1016 = vector.broadcast %add3A_1015 : i32 to vector<16xi32>
      %add3A_1017 = arith.addi %add3A_919, %add3A_1016 : vector<16xi32>
      %gather3A_1018 = tpu.vector_load_idx %arg33[%add3A_1017] : memref<1280xf32, #tpu.memory_space<vmem>>[vector<16xi32>], vector<16xf32>,
      %add3A_1019 = arith.addf %add3A_1009, %gather3A_1018 : vector<16xf32>
      %add3A_1020 = arith.constant 10 : i32
      %add3A_1021 = vector.broadcast %add3A_1020 : i32 to vector<16xi32>
      %add3A_1022 = arith.addi %add3A_919, %add3A_1021 : vector<16xi32>
      %gather3A_1023 = tpu.vector_load_idx %arg32[%add3A_1022] : memref<1280xf32, #tpu.memory_space<vmem>>[vector<16xi32>], vector<16xf32>,
      %add3A_1024 = arith.addf %add3A_1014, %gather3A_1023 : vector<16xf32>
      %add3A_1025 = arith.constant 10 : i32
      %add3A_1026 = vector.broadcast %add3A_1025 : i32 to vector<16xi32>
      %add3A_1027 = arith.addi %add3A_919, %add3A_1026 : vector<16xi32>
      %gather3A_1028 = tpu.vector_load_idx %arg33[%add3A_1027] : memref<1280xf32, #tpu.memory_space<vmem>>[vector<16xi32>], vector<16xf32>,
      %add3A_1029 = arith.addf %add3A_1019, %gather3A_1028 : vector<16xf32>
      %add3A_1030 = arith.constant 11 : i32
      %add3A_1031 = vector.broadcast %add3A_1030 : i32 to vector<16xi32>
      %add3A_1032 = arith.addi %add3A_919, %add3A_1031 : vector<16xi32>
      %gather3A_1033 = tpu.vector_load_idx %arg32[%add3A_1032] : memref<1280xf32, #tpu.memory_space<vmem>>[vector<16xi32>], vector<16xf32>,
      %add3A_1034 = arith.addf %add3A_1024, %gather3A_1033 : vector<16xf32>
      %add3A_1035 = arith.constant 11 : i32
      %add3A_1036 = vector.broadcast %add3A_1035 : i32 to vector<16xi32>
      %add3A_1037 = arith.addi %add3A_919, %add3A_1036 : vector<16xi32>
      %gather3A_1038 = tpu.vector_load_idx %arg33[%add3A_1037] : memref<1280xf32, #tpu.memory_space<vmem>>[vector<16xi32>], vector<16xf32>,
      %add3A_1039 = arith.addf %add3A_1029, %gather3A_1038 : vector<16xf32>
      %add3A_1040 = arith.constant 12 : i32
      %add3A_1041 = vector.broadcast %add3A_1040 : i32 to vector<16xi32>
      %add3A_1042 = arith.addi %add3A_919, %add3A_1041 : vector<16xi32>
      %gather3A_1043 = tpu.vector_load_idx %arg32[%add3A_1042] : memref<1280xf32, #tpu.memory_space<vmem>>[vector<16xi32>], vector<16xf32>,
      %add3A_1044 = arith.addf %add3A_1034, %gather3A_1043 : vector<16xf32>
      %add3A_1045 = arith.constant 12 : i32
      %add3A_1046 = vector.broadcast %add3A_1045 : i32 to vector<16xi32>
      %add3A_1047 = arith.addi %add3A_919, %add3A_1046 : vector<16xi32>
      %gather3A_1048 = tpu.vector_load_idx %arg33[%add3A_1047] : memref<1280xf32, #tpu.memory_space<vmem>>[vector<16xi32>], vector<16xf32>,
      %add3A_1049 = arith.addf %add3A_1039, %gather3A_1048 : vector<16xf32>
      %add3A_1050 = arith.constant 13 : i32
      %add3A_1051 = vector.broadcast %add3A_1050 : i32 to vector<16xi32>
      %add3A_1052 = arith.addi %add3A_919, %add3A_1051 : vector<16xi32>
      %gather3A_1053 = tpu.vector_load_idx %arg32[%add3A_1052] : memref<1280xf32, #tpu.memory_space<vmem>>[vector<16xi32>], vector<16xf32>,
      %add3A_1054 = arith.addf %add3A_1044, %gather3A_1053 : vector<16xf32>
      %add3A_1055 = arith.constant 13 : i32
      %add3A_1056 = vector.broadcast %add3A_1055 : i32 to vector<16xi32>
      %add3A_1057 = arith.addi %add3A_919, %add3A_1056 : vector<16xi32>
      %gather3A_1058 = tpu.vector_load_idx %arg33[%add3A_1057] : memref<1280xf32, #tpu.memory_space<vmem>>[vector<16xi32>], vector<16xf32>,
      %add3A_1059 = arith.addf %add3A_1049, %gather3A_1058 : vector<16xf32>
      %add3A_1060 = arith.constant 14 : i32
      %add3A_1061 = vector.broadcast %add3A_1060 : i32 to vector<16xi32>
      %add3A_1062 = arith.addi %add3A_919, %add3A_1061 : vector<16xi32>
      %gather3A_1063 = tpu.vector_load_idx %arg32[%add3A_1062] : memref<1280xf32, #tpu.memory_space<vmem>>[vector<16xi32>], vector<16xf32>,
      %add3A_1064 = arith.addf %add3A_1054, %gather3A_1063 : vector<16xf32>
      %add3A_1065 = arith.constant 14 : i32
      %add3A_1066 = vector.broadcast %add3A_1065 : i32 to vector<16xi32>
      %add3A_1067 = arith.addi %add3A_919, %add3A_1066 : vector<16xi32>
      %gather3A_1068 = tpu.vector_load_idx %arg33[%add3A_1067] : memref<1280xf32, #tpu.memory_space<vmem>>[vector<16xi32>], vector<16xf32>,
      %add3A_1069 = arith.addf %add3A_1059, %gather3A_1068 : vector<16xf32>
      %add3A_1070 = arith.constant 15 : i32
      %add3A_1071 = vector.broadcast %add3A_1070 : i32 to vector<16xi32>
      %add3A_1072 = arith.addi %add3A_919, %add3A_1071 : vector<16xi32>
      %gather3A_1073 = tpu.vector_load_idx %arg32[%add3A_1072] : memref<1280xf32, #tpu.memory_space<vmem>>[vector<16xi32>], vector<16xf32>,
      %add3A_1074 = arith.addf %add3A_1064, %gather3A_1073 : vector<16xf32>
      %add3A_1075 = arith.constant 15 : i32
      %add3A_1076 = vector.broadcast %add3A_1075 : i32 to vector<16xi32>
      %add3A_1077 = arith.addi %add3A_919, %add3A_1076 : vector<16xi32>
      %gather3A_1078 = tpu.vector_load_idx %arg33[%add3A_1077] : memref<1280xf32, #tpu.memory_space<vmem>>[vector<16xi32>], vector<16xf32>,
      %add3A_1079 = arith.addf %add3A_1069, %gather3A_1078 : vector<16xf32>
      %exp3A_1080 = math.exp %add3A_1074 : vector<16xf32>
      %swap3A_1081 = arith.constant 64 : index
      %swap3A_1082 = tpu.vector_load %arg20[%swap3A_1081] {strides = array<i32>} : memref<80xf32, #tpu.memory_space<vmem>>, vector<16xf32>,
      tpu.vector_store %arg20[%swap3A_1081], %exp3A_1080 {strides = array<i32>} : memref<80xf32, #tpu.memory_space<vmem>>, vector<16xf32>,
      %exp3A_1083 = math.exp %add3A_1079 : vector<16xf32>
      %swap3A_1084 = arith.constant 64 : index
      %swap3A_1085 = tpu.vector_load %arg21[%swap3A_1084] {strides = array<i32>} : memref<80xf32, #tpu.memory_space<vmem>>, vector<16xf32>,
      tpu.vector_store %arg21[%swap3A_1084], %exp3A_1083 {strides = array<i32>} : memref<80xf32, #tpu.memory_space<vmem>>, vector<16xf32>,
      %scan3A_1086 = arith.constant 0 : i32
      %scan3A_1087 = arith.constant 0 : i32
      %scan3A_1088 = arith.constant 80 : i32
      %scan3A_1089 = arith.addi %scan3A_1087, %scan3A_1088 : i32
      %scan3A_1090 = arith.constant 1 : i32
      %scan3A_1091 = scf.for %scan3A_1982 = %scan3A_1087 to %scan3A_1089 step %scan3A_1090 iter_args(%scan3A_1983 = %scan3A_1086) -> (i32)  : i32 {
        %broadcast_in_dim3A_1984 = vector.broadcast %scan3A_1982 : i32 to vector<16xi32>
        %gather3A_1985 = tpu.vector_load_idx %arg20[%broadcast_in_dim3A_1984] : memref<80xf32, #tpu.memory_space<vmem>>[vector<16xi32>], vector<16xf32>,
        %gather3A_1986 = tpu.vector_load_idx %arg21[%broadcast_in_dim3A_1984] : memref<80xf32, #tpu.memory_space<vmem>>[vector<16xi32>], vector<16xf32>,
        %get3A_1987 = arith.index_cast %scan3A_1982 : i32 to index
        %get3A_1988 = arith.constant 0 : index
        %get3A_1989 = tpu.vector_load %arg10[%get3A_1987, %get3A_1988] {strides = array<i32>} : memref<80x128xf32, #tpu.memory_space<vmem>>, vector<16xf32>,
        %mul3A_1990 = arith.mulf %get3A_1989, %gather3A_1985 : vector<16xf32>
        %swap3A_1991 = arith.index_cast %scan3A_1982 : i32 to index
        %swap3A_1992 = arith.constant 0 : index
        %swap3A_1993 = tpu.vector_load %arg11[%swap3A_1991, %swap3A_1992] {strides = array<i32>} : memref<80x128xf32, #tpu.memory_space<vmem>>, vector<16xf32>,
        tpu.vector_store %arg11[%swap3A_1991, %swap3A_1992], %mul3A_1990 {strides = array<i32>} : memref<80x128xf32, #tpu.memory_space<vmem>>, vector<16xf32>,
        %get3A_1994 = arith.index_cast %scan3A_1982 : i32 to index
        %get3A_1995 = arith.constant 16 : index
        %get3A_1996 = tpu.vector_load %arg10[%get3A_1994, %get3A_1995] {strides = array<i32>} : memref<80x128xf32, #tpu.memory_space<vmem>>, vector<16xf32>,
        %mul3A_1997 = arith.mulf %get3A_1996, %gather3A_1985 : vector<16xf32>
        %swap3A_1998 = arith.index_cast %scan3A_1982 : i32 to index
        %swap3A_1999 = arith.constant 16 : index
        %swap3A_2000 = tpu.vector_load %arg11[%swap3A_1998, %swap3A_1999] {strides = array<i32>} : memref<80x128xf32, #tpu.memory_space<vmem>>, vector<16xf32>,
        tpu.vector_store %arg11[%swap3A_1998, %swap3A_1999], %mul3A_1997 {strides = array<i32>} : memref<80x128xf32, #tpu.memory_space<vmem>>, vector<16xf32>,
        %get3A_2001 = arith.index_cast %scan3A_1982 : i32 to index
        %get3A_2002 = arith.constant 32 : index
        %get3A_2003 = tpu.vector_load %arg10[%get3A_2001, %get3A_2002] {strides = array<i32>} : memref<80x128xf32, #tpu.memory_space<vmem>>, vector<16xf32>,
        %mul3A_2004 = arith.mulf %get3A_2003, %gather3A_1985 : vector<16xf32>
        %swap3A_2005 = arith.index_cast %scan3A_1982 : i32 to index
        %swap3A_2006 = arith.constant 32 : index
        %swap3A_2007 = tpu.vector_load %arg11[%swap3A_2005, %swap3A_2006] {strides = array<i32>} : memref<80x128xf32, #tpu.memory_space<vmem>>, vector<16xf32>,
        tpu.vector_store %arg11[%swap3A_2005, %swap3A_2006], %mul3A_2004 {strides = array<i32>} : memref<80x128xf32, #tpu.memory_space<vmem>>, vector<16xf32>,
        %get3A_2008 = arith.index_cast %scan3A_1982 : i32 to index
        %get3A_2009 = arith.constant 48 : index
        %get3A_2010 = tpu.vector_load %arg10[%get3A_2008, %get3A_2009] {strides = array<i32>} : memref<80x128xf32, #tpu.memory_space<vmem>>, vector<16xf32>,
        %mul3A_2011 = arith.mulf %get3A_2010, %gather3A_1985 : vector<16xf32>
        %swap3A_2012 = arith.index_cast %scan3A_1982 : i32 to index
        %swap3A_2013 = arith.constant 48 : index
        %swap3A_2014 = tpu.vector_load %arg11[%swap3A_2012, %swap3A_2013] {strides = array<i32>} : memref<80x128xf32, #tpu.memory_space<vmem>>, vector<16xf32>,
        tpu.vector_store %arg11[%swap3A_2012, %swap3A_2013], %mul3A_2011 {strides = array<i32>} : memref<80x128xf32, #tpu.memory_space<vmem>>, vector<16xf32>,
        %get3A_2015 = arith.index_cast %scan3A_1982 : i32 to index
        %get3A_2016 = arith.constant 64 : index
        %get3A_2017 = tpu.vector_load %arg10[%get3A_2015, %get3A_2016] {strides = array<i32>} : memref<80x128xf32, #tpu.memory_space<vmem>>, vector<16xf32>,
        %mul3A_2018 = arith.mulf %get3A_2017, %gather3A_1986 : vector<16xf32>
        %swap3A_2019 = arith.index_cast %scan3A_1982 : i32 to index
        %swap3A_2020 = arith.constant 64 : index
        %swap3A_2021 = tpu.vector_load %arg11[%swap3A_2019, %swap3A_2020] {strides = array<i32>} : memref<80x128xf32, #tpu.memory_space<vmem>>, vector<16xf32>,
        tpu.vector_store %arg11[%swap3A_2019, %swap3A_2020], %mul3A_2018 {strides = array<i32>} : memref<80x128xf32, #tpu.memory_space<vmem>>, vector<16xf32>,
        %get3A_2022 = arith.index_cast %scan3A_1982 : i32 to index
        %get3A_2023 = arith.constant 80 : index
        %get3A_2024 = tpu.vector_load %arg10[%get3A_2022, %get3A_2023] {strides = array<i32>} : memref<80x128xf32, #tpu.memory_space<vmem>>, vector<16xf32>,
        %mul3A_2025 = arith.mulf %get3A_2024, %gather3A_1986 : vector<16xf32>
        %swap3A_2026 = arith.index_cast %scan3A_1982 : i32 to index
        %swap3A_2027 = arith.constant 80 : index
        %swap3A_2028 = tpu.vector_load %arg11[%swap3A_2026, %swap3A_2027] {strides = array<i32>} : memref<80x128xf32, #tpu.memory_space<vmem>>, vector<16xf32>,
        tpu.vector_store %arg11[%swap3A_2026, %swap3A_2027], %mul3A_2025 {strides = array<i32>} : memref<80x128xf32, #tpu.memory_space<vmem>>, vector<16xf32>,
        %get3A_2029 = arith.index_cast %scan3A_1982 : i32 to index
        %get3A_2030 = arith.constant 96 : index
        %get3A_2031 = tpu.vector_load %arg10[%get3A_2029, %get3A_2030] {strides = array<i32>} : memref<80x128xf32, #tpu.memory_space<vmem>>, vector<16xf32>,
        %mul3A_2032 = arith.mulf %get3A_2031, %gather3A_1986 : vector<16xf32>
        %swap3A_2033 = arith.index_cast %scan3A_1982 : i32 to index
        %swap3A_2034 = arith.constant 96 : index
        %swap3A_2035 = tpu.vector_load %arg11[%swap3A_2033, %swap3A_2034] {strides = array<i32>} : memref<80x128xf32, #tpu.memory_space<vmem>>, vector<16xf32>,
        tpu.vector_store %arg11[%swap3A_2033, %swap3A_2034], %mul3A_2032 {strides = array<i32>} : memref<80x128xf32, #tpu.memory_space<vmem>>, vector<16xf32>,
        %get3A_2036 = arith.index_cast %scan3A_1982 : i32 to index
        %get3A_2037 = arith.constant 112 : index
        %get3A_2038 = tpu.vector_load %arg10[%get3A_2036, %get3A_2037] {strides = array<i32>} : memref<80x128xf32, #tpu.memory_space<vmem>>, vector<16xf32>,
        %mul3A_2039 = arith.mulf %get3A_2038, %gather3A_1986 : vector<16xf32>
        %swap3A_2040 = arith.index_cast %scan3A_1982 : i32 to index
        %swap3A_2041 = arith.constant 112 : index
        %swap3A_2042 = tpu.vector_load %arg11[%swap3A_2040, %swap3A_2041] {strides = array<i32>} : memref<80x128xf32, #tpu.memory_space<vmem>>, vector<16xf32>,
        tpu.vector_store %arg11[%swap3A_2040, %swap3A_2041], %mul3A_2039 {strides = array<i32>} : memref<80x128xf32, #tpu.memory_space<vmem>>, vector<16xf32>,
        %scan3A_2043 = arith.constant 0 : i32
        scf.yield %scan3A_2043 : i32
      }
      %scan3A_1092 = arith.constant 80 : i32
      "tpu.region"() ({
        %run_scoped3A = tpu.sem_alloc : memref<!tpu.dma_semaphore, #tpu.memory_space<semaphore_mem>>
        %dma_start3A_1982 = arith.constant 0 : i32
        %dma_start3A_1983 = arith.constant 0 : i32
        %dma_start3A_1984 = tpu.memref_slice %arg29[%dma_start3A_1982, %dma_start3A_1983] : memref<10000x128xf32, #tpu.memory_space<vmem_shared>> -> memref<10000x128xf32, #tpu.memory_space<vmem_shared>>
        tpu.enqueue_indirect_dma source(%arg11 : memref<80x128xf32, #tpu.memory_space<vmem>>) target(%dma_start3A_1984 : memref<10000x128xf32, #tpu.memory_space<vmem_shared>>) offsets(%arg14 : memref<80xi32, #tpu.memory_space<vmem>>) semaphore(%run_scoped3A : memref<!tpu.dma_semaphore, #tpu.memory_space<semaphore_mem>>) {add = true}
        %dma_wait3A_1985 = arith.constant 0 : i32
        %dma_wait3A_1986 = arith.constant 0 : i32
        %dma_wait3A_1987 = tpu.memref_slice %arg29[%dma_wait3A_1985, %dma_wait3A_1986] : memref<10000x128xf32, #tpu.memory_space<vmem_shared>> -> memref<10000x128xf32, #tpu.memory_space<vmem_shared>>
        tpu.wait_indirect_dma semaphore(%run_scoped3A : memref<!tpu.dma_semaphore, #tpu.memory_space<semaphore_mem>>) src(%arg11 : memref<80x128xf32, #tpu.memory_space<vmem>>) dst(%dma_wait3A_1987 : memref<10000x128xf32, #tpu.memory_space<vmem_shared>>)
        tpu.yield
      }) : () -> ()
      "tpu.region"() ({
        %run_scoped3A = tpu.sem_alloc : memref<!tpu.dma_semaphore, #tpu.memory_space<semaphore_mem>>
        %dma_start3A_1982 = arith.constant 0 : i32
        %dma_start3A_1983 = tpu.memref_slice %arg30[%dma_start3A_1982] : memref<10000xf32, #tpu.memory_space<vmem_shared>> -> memref<10000xf32, #tpu.memory_space<vmem_shared>>
        tpu.enqueue_indirect_dma source(%arg20 : memref<80xf32, #tpu.memory_space<vmem>>) target(%dma_start3A_1983 : memref<10000xf32, #tpu.memory_space<vmem_shared>>) offsets(%arg14 : memref<80xi32, #tpu.memory_space<vmem>>) semaphore(%run_scoped3A : memref<!tpu.dma_semaphore, #tpu.memory_space<semaphore_mem>>) {add = true}
        %dma_wait3A_1984 = arith.constant 0 : i32
        %dma_wait3A_1985 = tpu.memref_slice %arg30[%dma_wait3A_1984] : memref<10000xf32, #tpu.memory_space<vmem_shared>> -> memref<10000xf32, #tpu.memory_space<vmem_shared>>
        tpu.wait_indirect_dma semaphore(%run_scoped3A : memref<!tpu.dma_semaphore, #tpu.memory_space<semaphore_mem>>) src(%arg20 : memref<80xf32, #tpu.memory_space<vmem>>) dst(%dma_wait3A_1985 : memref<10000xf32, #tpu.memory_space<vmem_shared>>)
        tpu.yield
      }) : () -> ()
      "tpu.region"() ({
        %run_scoped3A = tpu.sem_alloc : memref<!tpu.dma_semaphore, #tpu.memory_space<semaphore_mem>>
        %dma_start3A_1982 = arith.constant 0 : i32
        %dma_start3A_1983 = tpu.memref_slice %arg31[%dma_start3A_1982] : memref<10000xf32, #tpu.memory_space<vmem_shared>> -> memref<10000xf32, #tpu.memory_space<vmem_shared>>
        tpu.enqueue_indirect_dma source(%arg21 : memref<80xf32, #tpu.memory_space<vmem>>) target(%dma_start3A_1983 : memref<10000xf32, #tpu.memory_space<vmem_shared>>) offsets(%arg14 : memref<80xi32, #tpu.memory_space<vmem>>) semaphore(%run_scoped3A : memref<!tpu.dma_semaphore, #tpu.memory_space<semaphore_mem>>) {add = true}
        %dma_wait3A_1984 = arith.constant 0 : i32
        %dma_wait3A_1985 = tpu.memref_slice %arg31[%dma_wait3A_1984] : memref<10000xf32, #tpu.memory_space<vmem_shared>> -> memref<10000xf32, #tpu.memory_space<vmem_shared>>
        tpu.wait_indirect_dma semaphore(%run_scoped3A : memref<!tpu.dma_semaphore, #tpu.memory_space<semaphore_mem>>) src(%arg21 : memref<80xf32, #tpu.memory_space<vmem>>) dst(%dma_wait3A_1985 : memref<10000xf32, #tpu.memory_space<vmem_shared>>)
        tpu.yield
      }) : () -> ()
      %mul3A_1093 = arith.constant 640000 : i32
      %mul3A_1094 = arith.muli %arg0, %mul3A_1093 : i32
      %add3A_1095 = arith.addi %mul3A_1094, %add3A_235 : i32
      "tpu.region"() ({
        %run_scoped3A = tpu.sem_alloc : memref<!tpu.dma_semaphore, #tpu.memory_space<semaphore_mem>>
        %dma_start3A_1982 = tpu.memref_slice %arg34[%add3A_1095] : memref<1280000xf32, #tpu.memory_space<hbm>> -> memref<80xf32, #tpu.memory_space<hbm>>
        %dma_start3A_1983 = tpu.memref_slice %arg34[%add3A_1095] : memref<1280000xf32, #tpu.memory_space<hbm>> -> memref<80xf32, #tpu.memory_space<hbm>>
        tpu.enqueue_dma source(%arg20 : memref<80xf32, #tpu.memory_space<vmem>>) target(%dma_start3A_1983 : memref<80xf32, #tpu.memory_space<hbm>>) target_semaphore(%run_scoped3A : memref<!tpu.dma_semaphore, #tpu.memory_space<semaphore_mem>>)
        %dma_wait3A_1984 = tpu.memref_slice %arg34[%add3A_1095] : memref<1280000xf32, #tpu.memory_space<hbm>> -> memref<80xf32, #tpu.memory_space<hbm>>
        %dma_wait3A_1985 = tpu.memref_slice %arg34[%add3A_1095] : memref<1280000xf32, #tpu.memory_space<hbm>> -> memref<80xf32, #tpu.memory_space<hbm>>
        tpu.wait_dma2 semaphore(%run_scoped3A : memref<!tpu.dma_semaphore, #tpu.memory_space<semaphore_mem>>) src(%arg20 : memref<80xf32, #tpu.memory_space<vmem>>) dst(%dma_wait3A_1985 : memref<80xf32, #tpu.memory_space<hbm>>)
        tpu.yield
      }) : () -> ()
      %mul3A_1096 = arith.constant 640000 : i32
      %mul3A_1097 = arith.muli %arg0, %mul3A_1096 : i32
      %add3A_1098 = arith.constant 320000 : i32
      %add3A_1099 = arith.addi %mul3A_1097, %add3A_1098 : i32
      %add3A_1100 = arith.addi %add3A_1099, %add3A_235 : i32
      "tpu.region"() ({
        %run_scoped3A = tpu.sem_alloc : memref<!tpu.dma_semaphore, #tpu.memory_space<semaphore_mem>>
        %dma_start3A_1982 = tpu.memref_slice %arg34[%add3A_1100] : memref<1280000xf32, #tpu.memory_space<hbm>> -> memref<80xf32, #tpu.memory_space<hbm>>
        %dma_start3A_1983 = tpu.memref_slice %arg34[%add3A_1100] : memref<1280000xf32, #tpu.memory_space<hbm>> -> memref<80xf32, #tpu.memory_space<hbm>>
        tpu.enqueue_dma source(%arg21 : memref<80xf32, #tpu.memory_space<vmem>>) target(%dma_start3A_1983 : memref<80xf32, #tpu.memory_space<hbm>>) target_semaphore(%run_scoped3A : memref<!tpu.dma_semaphore, #tpu.memory_space<semaphore_mem>>)
        %dma_wait3A_1984 = tpu.memref_slice %arg34[%add3A_1100] : memref<1280000xf32, #tpu.memory_space<hbm>> -> memref<80xf32, #tpu.memory_space<hbm>>
        %dma_wait3A_1985 = tpu.memref_slice %arg34[%add3A_1100] : memref<1280000xf32, #tpu.memory_space<hbm>> -> memref<80xf32, #tpu.memory_space<hbm>>
        tpu.wait_dma2 semaphore(%run_scoped3A : memref<!tpu.dma_semaphore, #tpu.memory_space<semaphore_mem>>) src(%arg21 : memref<80xf32, #tpu.memory_space<vmem>>) dst(%dma_wait3A_1985 : memref<80xf32, #tpu.memory_space<hbm>>)
        tpu.yield
      }) : () -> ()
      %lt3A = arith.constant 124 : i32
      %lt3A_1101 = arith.cmpi slt, %scan3A_159, %lt3A : i32
      %convert_element_type3A = arith.extui %lt3A_1101 : i1 to i32
      %cond3A = arith.constant 0 : i32
      %cond3A_1102 = arith.cmpi ne, %convert_element_type3A, %cond3A : i32
      scf.if %cond3A_1102 {
        %add3A_1982 = arith.constant 2 : i32
        %add3A_1983 = arith.addi %mul3A_162, %add3A_1982 : i32
        %mul3A_1984 = arith.constant 20000 : i32
        %mul3A_1985 = arith.muli %arg1, %mul3A_1984 : i32
        %mul3A_1986 = arith.constant 80 : i32
        %mul3A_1987 = arith.muli %add3A_1983, %mul3A_1986 : i32
        %add3A_1988 = arith.addi %mul3A_1985, %mul3A_1987 : i32
        "tpu.region"() ({
          %run_scoped3A = tpu.sem_alloc : memref<!tpu.dma_semaphore, #tpu.memory_space<semaphore_mem>>
          %dma_start3A_2045 = tpu.memref_slice %arg4[%add3A_1988] : memref<320000xi32, #tpu.memory_space<hbm>> -> memref<80xi32, #tpu.memory_space<hbm>>
          %dma_start3A_2046 = tpu.memref_slice %arg4[%add3A_1988] : memref<320000xi32, #tpu.memory_space<hbm>> -> memref<80xi32, #tpu.memory_space<hbm>>
          tpu.enqueue_dma source(%dma_start3A_2046 : memref<80xi32, #tpu.memory_space<hbm>>) target(%arg12 : memref<80xi32, #tpu.memory_space<vmem>>) target_semaphore(%run_scoped3A : memref<!tpu.dma_semaphore, #tpu.memory_space<semaphore_mem>>)
          %dma_wait3A_2047 = tpu.memref_slice %arg4[%add3A_1988] : memref<320000xi32, #tpu.memory_space<hbm>> -> memref<80xi32, #tpu.memory_space<hbm>>
          %dma_wait3A_2048 = tpu.memref_slice %arg4[%add3A_1988] : memref<320000xi32, #tpu.memory_space<hbm>> -> memref<80xi32, #tpu.memory_space<hbm>>
          tpu.wait_dma2 semaphore(%run_scoped3A : memref<!tpu.dma_semaphore, #tpu.memory_space<semaphore_mem>>) src(%dma_wait3A_2048 : memref<80xi32, #tpu.memory_space<hbm>>) dst(%arg12 : memref<80xi32, #tpu.memory_space<vmem>>)
          tpu.yield
        }) : () -> ()
        "tpu.region"() ({
          %run_scoped3A = tpu.sem_alloc : memref<!tpu.dma_semaphore, #tpu.memory_space<semaphore_mem>>
          %dma_start3A_2045 = tpu.memref_slice %arg5[%add3A_1988] : memref<320000xi32, #tpu.memory_space<hbm>> -> memref<80xi32, #tpu.memory_space<hbm>>
          %dma_start3A_2046 = tpu.memref_slice %arg5[%add3A_1988] : memref<320000xi32, #tpu.memory_space<hbm>> -> memref<80xi32, #tpu.memory_space<hbm>>
          tpu.enqueue_dma source(%dma_start3A_2046 : memref<80xi32, #tpu.memory_space<hbm>>) target(%arg14 : memref<80xi32, #tpu.memory_space<vmem>>) target_semaphore(%run_scoped3A : memref<!tpu.dma_semaphore, #tpu.memory_space<semaphore_mem>>)
          %dma_wait3A_2047 = tpu.memref_slice %arg5[%add3A_1988] : memref<320000xi32, #tpu.memory_space<hbm>> -> memref<80xi32, #tpu.memory_space<hbm>>
          %dma_wait3A_2048 = tpu.memref_slice %arg5[%add3A_1988] : memref<320000xi32, #tpu.memory_space<hbm>> -> memref<80xi32, #tpu.memory_space<hbm>>
          tpu.wait_dma2 semaphore(%run_scoped3A : memref<!tpu.dma_semaphore, #tpu.memory_space<semaphore_mem>>) src(%dma_wait3A_2048 : memref<80xi32, #tpu.memory_space<hbm>>) dst(%arg14 : memref<80xi32, #tpu.memory_space<vmem>>)
          tpu.yield
        }) : () -> ()
        %get3A_1989 = arith.constant 0 : index
        %get3A_1990 = tpu.vector_load %arg12[%get3A_1989] {strides = array<i32>} : memref<80xi32, #tpu.memory_space<vmem>>, vector<16xi32>,
        %add3A_1991 = arith.addi %get3A_1990, %broadcast_in_dim3A_62 : vector<16xi32>
        %swap3A_1992 = arith.constant 0 : index
        %swap3A_1993 = tpu.vector_load %arg12[%swap3A_1992] {strides = array<i32>} : memref<80xi32, #tpu.memory_space<vmem>>, vector<16xi32>,
        tpu.vector_store %arg12[%swap3A_1992], %add3A_1991 {strides = array<i32>} : memref<80xi32, #tpu.memory_space<vmem>>, vector<16xi32>,
        %get3A_1994 = arith.constant 0 : index
        %get3A_1995 = tpu.vector_load %arg14[%get3A_1994] {strides = array<i32>} : memref<80xi32, #tpu.memory_space<vmem>>, vector<16xi32>,
        %add3A_1996 = arith.addi %get3A_1995, %broadcast_in_dim3A_62 : vector<16xi32>
        %swap3A_1997 = arith.constant 0 : index
        %swap3A_1998 = tpu.vector_load %arg13[%swap3A_1997] {strides = array<i32>} : memref<80xi32, #tpu.memory_space<vmem>>, vector<16xi32>,
        tpu.vector_store %arg13[%swap3A_1997], %add3A_1996 {strides = array<i32>} : memref<80xi32, #tpu.memory_space<vmem>>, vector<16xi32>,
        %get3A_1999 = arith.constant 16 : index
        %get3A_2000 = tpu.vector_load %arg12[%get3A_1999] {strides = array<i32>} : memref<80xi32, #tpu.memory_space<vmem>>, vector<16xi32>,
        %add3A_2001 = arith.addi %get3A_2000, %broadcast_in_dim3A_62 : vector<16xi32>
        %swap3A_2002 = arith.constant 16 : index
        %swap3A_2003 = tpu.vector_load %arg12[%swap3A_2002] {strides = array<i32>} : memref<80xi32, #tpu.memory_space<vmem>>, vector<16xi32>,
        tpu.vector_store %arg12[%swap3A_2002], %add3A_2001 {strides = array<i32>} : memref<80xi32, #tpu.memory_space<vmem>>, vector<16xi32>,
        %get3A_2004 = arith.constant 16 : index
        %get3A_2005 = tpu.vector_load %arg14[%get3A_2004] {strides = array<i32>} : memref<80xi32, #tpu.memory_space<vmem>>, vector<16xi32>,
        %add3A_2006 = arith.addi %get3A_2005, %broadcast_in_dim3A_62 : vector<16xi32>
        %swap3A_2007 = arith.constant 16 : index
        %swap3A_2008 = tpu.vector_load %arg13[%swap3A_2007] {strides = array<i32>} : memref<80xi32, #tpu.memory_space<vmem>>, vector<16xi32>,
        tpu.vector_store %arg13[%swap3A_2007], %add3A_2006 {strides = array<i32>} : memref<80xi32, #tpu.memory_space<vmem>>, vector<16xi32>,
        %get3A_2009 = arith.constant 32 : index
        %get3A_2010 = tpu.vector_load %arg12[%get3A_2009] {strides = array<i32>} : memref<80xi32, #tpu.memory_space<vmem>>, vector<16xi32>,
        %add3A_2011 = arith.addi %get3A_2010, %broadcast_in_dim3A_62 : vector<16xi32>
        %swap3A_2012 = arith.constant 32 : index
        %swap3A_2013 = tpu.vector_load %arg12[%swap3A_2012] {strides = array<i32>} : memref<80xi32, #tpu.memory_space<vmem>>, vector<16xi32>,
        tpu.vector_store %arg12[%swap3A_2012], %add3A_2011 {strides = array<i32>} : memref<80xi32, #tpu.memory_space<vmem>>, vector<16xi32>,
        %get3A_2014 = arith.constant 32 : index
        %get3A_2015 = tpu.vector_load %arg14[%get3A_2014] {strides = array<i32>} : memref<80xi32, #tpu.memory_space<vmem>>, vector<16xi32>,
        %add3A_2016 = arith.addi %get3A_2015, %broadcast_in_dim3A_62 : vector<16xi32>
        %swap3A_2017 = arith.constant 32 : index
        %swap3A_2018 = tpu.vector_load %arg13[%swap3A_2017] {strides = array<i32>} : memref<80xi32, #tpu.memory_space<vmem>>, vector<16xi32>,
        tpu.vector_store %arg13[%swap3A_2017], %add3A_2016 {strides = array<i32>} : memref<80xi32, #tpu.memory_space<vmem>>, vector<16xi32>,
        %get3A_2019 = arith.constant 48 : index
        %get3A_2020 = tpu.vector_load %arg12[%get3A_2019] {strides = array<i32>} : memref<80xi32, #tpu.memory_space<vmem>>, vector<16xi32>,
        %add3A_2021 = arith.addi %get3A_2020, %broadcast_in_dim3A_62 : vector<16xi32>
        %swap3A_2022 = arith.constant 48 : index
        %swap3A_2023 = tpu.vector_load %arg12[%swap3A_2022] {strides = array<i32>} : memref<80xi32, #tpu.memory_space<vmem>>, vector<16xi32>,
        tpu.vector_store %arg12[%swap3A_2022], %add3A_2021 {strides = array<i32>} : memref<80xi32, #tpu.memory_space<vmem>>, vector<16xi32>,
        %get3A_2024 = arith.constant 48 : index
        %get3A_2025 = tpu.vector_load %arg14[%get3A_2024] {strides = array<i32>} : memref<80xi32, #tpu.memory_space<vmem>>, vector<16xi32>,
        %add3A_2026 = arith.addi %get3A_2025, %broadcast_in_dim3A_62 : vector<16xi32>
        %swap3A_2027 = arith.constant 48 : index
        %swap3A_2028 = tpu.vector_load %arg13[%swap3A_2027] {strides = array<i32>} : memref<80xi32, #tpu.memory_space<vmem>>, vector<16xi32>,
        tpu.vector_store %arg13[%swap3A_2027], %add3A_2026 {strides = array<i32>} : memref<80xi32, #tpu.memory_space<vmem>>, vector<16xi32>,
        %get3A_2029 = arith.constant 64 : index
        %get3A_2030 = tpu.vector_load %arg12[%get3A_2029] {strides = array<i32>} : memref<80xi32, #tpu.memory_space<vmem>>, vector<16xi32>,
        %add3A_2031 = arith.addi %get3A_2030, %broadcast_in_dim3A_62 : vector<16xi32>
        %swap3A_2032 = arith.constant 64 : index
        %swap3A_2033 = tpu.vector_load %arg12[%swap3A_2032] {strides = array<i32>} : memref<80xi32, #tpu.memory_space<vmem>>, vector<16xi32>,
        tpu.vector_store %arg12[%swap3A_2032], %add3A_2031 {strides = array<i32>} : memref<80xi32, #tpu.memory_space<vmem>>, vector<16xi32>,
        %get3A_2034 = arith.constant 64 : index
        %get3A_2035 = tpu.vector_load %arg14[%get3A_2034] {strides = array<i32>} : memref<80xi32, #tpu.memory_space<vmem>>, vector<16xi32>,
        %add3A_2036 = arith.addi %get3A_2035, %broadcast_in_dim3A_62 : vector<16xi32>
        %swap3A_2037 = arith.constant 64 : index
        %swap3A_2038 = tpu.vector_load %arg13[%swap3A_2037] {strides = array<i32>} : memref<80xi32, #tpu.memory_space<vmem>>, vector<16xi32>,
        tpu.vector_store %arg13[%swap3A_2037], %add3A_2036 {strides = array<i32>} : memref<80xi32, #tpu.memory_space<vmem>>, vector<16xi32>,
        %dma_start3A_2039 = arith.constant 0 : i32
        %dma_start3A_2040 = arith.constant 0 : i32
        %dma_start3A_2041 = tpu.memref_slice %arg2[%dma_start3A_2039, %dma_start3A_2040] : memref<20480x128xf32, #tpu.memory_space<hbm>> -> memref<20480x128xf32, #tpu.memory_space<hbm>>
        tpu.enqueue_indirect_dma source(%dma_start3A_2041 : memref<20480x128xf32, #tpu.memory_space<hbm>>) target(%arg10 : memref<80x128xf32, #tpu.memory_space<vmem>>) offsets(%arg12 : memref<80xi32, #tpu.memory_space<vmem>>) semaphore(%arg36 : memref<!tpu.dma_semaphore, #tpu.memory_space<semaphore_mem>>)
        %dma_start3A_2042 = arith.constant 0 : i32
        %dma_start3A_2043 = arith.constant 0 : i32
        %dma_start3A_2044 = tpu.memref_slice %arg3[%dma_start3A_2042, %dma_start3A_2043] : memref<20480x128xf32, #tpu.memory_space<hbm>> -> memref<20480x128xf32, #tpu.memory_space<hbm>>
        tpu.enqueue_indirect_dma source(%dma_start3A_2044 : memref<20480x128xf32, #tpu.memory_space<hbm>>) target(%arg11 : memref<80x128xf32, #tpu.memory_space<vmem>>) offsets(%arg13 : memref<80xi32, #tpu.memory_space<vmem>>) semaphore(%arg37 : memref<!tpu.dma_semaphore, #tpu.memory_space<semaphore_mem>>)
      } else {
      }
      %dma_wait3A_1103 = arith.constant 0 : i32
      %dma_wait3A_1104 = arith.constant 0 : i32
      %dma_wait3A_1105 = tpu.memref_slice %arg2[%dma_wait3A_1103, %dma_wait3A_1104] : memref<20480x128xf32, #tpu.memory_space<hbm>> -> memref<20480x128xf32, #tpu.memory_space<hbm>>
      tpu.wait_indirect_dma semaphore(%arg38 : memref<!tpu.dma_semaphore, #tpu.memory_space<semaphore_mem>>) src(%dma_wait3A_1105 : memref<20480x128xf32, #tpu.memory_space<hbm>>) dst(%arg15 : memref<80x128xf32, #tpu.memory_space<vmem>>)
      %dma_wait3A_1106 = arith.constant 0 : i32
      %dma_wait3A_1107 = arith.constant 0 : i32
      %dma_wait3A_1108 = tpu.memref_slice %arg3[%dma_wait3A_1106, %dma_wait3A_1107] : memref<20480x128xf32, #tpu.memory_space<hbm>> -> memref<20480x128xf32, #tpu.memory_space<hbm>>
      tpu.wait_indirect_dma semaphore(%arg39 : memref<!tpu.dma_semaphore, #tpu.memory_space<semaphore_mem>>) src(%dma_wait3A_1108 : memref<20480x128xf32, #tpu.memory_space<hbm>>) dst(%arg16 : memref<80x128xf32, #tpu.memory_space<vmem>>)
      %mul3A_1109 = arith.constant 20000 : i32
      %mul3A_1110 = arith.muli %arg1, %mul3A_1109 : i32
      %mul3A_1111 = arith.constant 80 : i32
      %mul3A_1112 = arith.muli %add3A_164, %mul3A_1111 : i32
      %add3A_1113 = arith.addi %mul3A_1110, %mul3A_1112 : i32
      %scan3A_1114 = arith.constant 0 : i32
      %scan3A_1115 = arith.constant 0 : i32
      %scan3A_1116 = arith.constant 80 : i32
      %scan3A_1117 = arith.addi %scan3A_1115, %scan3A_1116 : i32
      %scan3A_1118 = arith.constant 1 : i32
      %scan3A_1119 = scf.for %scan3A_1982 = %scan3A_1115 to %scan3A_1117 step %scan3A_1118 iter_args(%scan3A_1983 = %scan3A_1114) -> (i32)  : i32 {
        %get3A_1984 = arith.index_cast %scan3A_1982 : i32 to index
        %get3A_1985 = arith.constant 0 : index
        %get3A_1986 = tpu.vector_load %arg15[%get3A_1984, %get3A_1985] {strides = array<i32>} : memref<80x128xf32, #tpu.memory_space<vmem>>, vector<16xf32>,
        %get3A_1987 = arith.index_cast %scan3A_1982 : i32 to index
        %get3A_1988 = arith.constant 0 : index
        %get3A_1989 = tpu.vector_load %arg16[%get3A_1987, %get3A_1988] {strides = array<i32>} : memref<80x128xf32, #tpu.memory_space<vmem>>, vector<16xf32>,
        %add3A_1990 = arith.addf %get3A_1986, %get3A_1989 : vector<16xf32>
        %mul3A_1991 = arith.constant 2.000000e-01 : f32
        %mul3A_1992 = vector.broadcast %mul3A_1991 : f32 to vector<16xf32>
        %mul3A_1993 = arith.mulf %mul3A_1992, %add3A_1990 : vector<16xf32>
        %max3A = arith.maximumf %add3A_1990, %mul3A_1993 : vector<16xf32>
        %mul3A_1994 = arith.mulf %max3A, %get3A_7 : vector<16xf32>
        %add3A_1995 = arith.addf %broadcast_in_dim3A_0, %mul3A_1994 : vector<16xf32>
        %get3A_1996 = arith.index_cast %scan3A_1982 : i32 to index
        %get3A_1997 = arith.constant 16 : index
        %get3A_1998 = tpu.vector_load %arg15[%get3A_1996, %get3A_1997] {strides = array<i32>} : memref<80x128xf32, #tpu.memory_space<vmem>>, vector<16xf32>,
        %get3A_1999 = arith.index_cast %scan3A_1982 : i32 to index
        %get3A_2000 = arith.constant 16 : index
        %get3A_2001 = tpu.vector_load %arg16[%get3A_1999, %get3A_2000] {strides = array<i32>} : memref<80x128xf32, #tpu.memory_space<vmem>>, vector<16xf32>,
        %add3A_2002 = arith.addf %get3A_1998, %get3A_2001 : vector<16xf32>
        %mul3A_2003 = arith.constant 2.000000e-01 : f32
        %mul3A_2004 = vector.broadcast %mul3A_2003 : f32 to vector<16xf32>
        %mul3A_2005 = arith.mulf %mul3A_2004, %add3A_2002 : vector<16xf32>
        %max3A_2006 = arith.maximumf %add3A_2002, %mul3A_2005 : vector<16xf32>
        %mul3A_2007 = arith.mulf %max3A_2006, %get3A_9 : vector<16xf32>
        %add3A_2008 = arith.addf %add3A_1995, %mul3A_2007 : vector<16xf32>
        %get3A_2009 = arith.index_cast %scan3A_1982 : i32 to index
        %get3A_2010 = arith.constant 32 : index
        %get3A_2011 = tpu.vector_load %arg15[%get3A_2009, %get3A_2010] {strides = array<i32>} : memref<80x128xf32, #tpu.memory_space<vmem>>, vector<16xf32>,
        %get3A_2012 = arith.index_cast %scan3A_1982 : i32 to index
        %get3A_2013 = arith.constant 32 : index
        %get3A_2014 = tpu.vector_load %arg16[%get3A_2012, %get3A_2013] {strides = array<i32>} : memref<80x128xf32, #tpu.memory_space<vmem>>, vector<16xf32>,
        %add3A_2015 = arith.addf %get3A_2011, %get3A_2014 : vector<16xf32>
        %mul3A_2016 = arith.constant 2.000000e-01 : f32
        %mul3A_2017 = vector.broadcast %mul3A_2016 : f32 to vector<16xf32>
        %mul3A_2018 = arith.mulf %mul3A_2017, %add3A_2015 : vector<16xf32>
        %max3A_2019 = arith.maximumf %add3A_2015, %mul3A_2018 : vector<16xf32>
        %mul3A_2020 = arith.mulf %max3A_2019, %get3A_11 : vector<16xf32>
        %add3A_2021 = arith.addf %add3A_2008, %mul3A_2020 : vector<16xf32>
        %get3A_2022 = arith.index_cast %scan3A_1982 : i32 to index
        %get3A_2023 = arith.constant 48 : index
        %get3A_2024 = tpu.vector_load %arg15[%get3A_2022, %get3A_2023] {strides = array<i32>} : memref<80x128xf32, #tpu.memory_space<vmem>>, vector<16xf32>,
        %get3A_2025 = arith.index_cast %scan3A_1982 : i32 to index
        %get3A_2026 = arith.constant 48 : index
        %get3A_2027 = tpu.vector_load %arg16[%get3A_2025, %get3A_2026] {strides = array<i32>} : memref<80x128xf32, #tpu.memory_space<vmem>>, vector<16xf32>,
        %add3A_2028 = arith.addf %get3A_2024, %get3A_2027 : vector<16xf32>
        %mul3A_2029 = arith.constant 2.000000e-01 : f32
        %mul3A_2030 = vector.broadcast %mul3A_2029 : f32 to vector<16xf32>
        %mul3A_2031 = arith.mulf %mul3A_2030, %add3A_2028 : vector<16xf32>
        %max3A_2032 = arith.maximumf %add3A_2028, %mul3A_2031 : vector<16xf32>
        %mul3A_2033 = arith.mulf %max3A_2032, %get3A_13 : vector<16xf32>
        %add3A_2034 = arith.addf %add3A_2021, %mul3A_2033 : vector<16xf32>
        %get3A_2035 = arith.index_cast %scan3A_1982 : i32 to index
        %get3A_2036 = arith.constant 64 : index
        %get3A_2037 = tpu.vector_load %arg15[%get3A_2035, %get3A_2036] {strides = array<i32>} : memref<80x128xf32, #tpu.memory_space<vmem>>, vector<16xf32>,
        %get3A_2038 = arith.index_cast %scan3A_1982 : i32 to index
        %get3A_2039 = arith.constant 64 : index
        %get3A_2040 = tpu.vector_load %arg16[%get3A_2038, %get3A_2039] {strides = array<i32>} : memref<80x128xf32, #tpu.memory_space<vmem>>, vector<16xf32>,
        %add3A_2041 = arith.addf %get3A_2037, %get3A_2040 : vector<16xf32>
        %mul3A_2042 = arith.constant 2.000000e-01 : f32
        %mul3A_2043 = vector.broadcast %mul3A_2042 : f32 to vector<16xf32>
        %mul3A_2044 = arith.mulf %mul3A_2043, %add3A_2041 : vector<16xf32>
        %max3A_2045 = arith.maximumf %add3A_2041, %mul3A_2044 : vector<16xf32>
        %mul3A_2046 = arith.mulf %max3A_2045, %get3A_15 : vector<16xf32>
        %add3A_2047 = arith.addf %broadcast_in_dim3A_0, %mul3A_2046 : vector<16xf32>
        %get3A_2048 = arith.index_cast %scan3A_1982 : i32 to index
        %get3A_2049 = arith.constant 80 : index
        %get3A_2050 = tpu.vector_load %arg15[%get3A_2048, %get3A_2049] {strides = array<i32>} : memref<80x128xf32, #tpu.memory_space<vmem>>, vector<16xf32>,
        %get3A_2051 = arith.index_cast %scan3A_1982 : i32 to index
        %get3A_2052 = arith.constant 80 : index
        %get3A_2053 = tpu.vector_load %arg16[%get3A_2051, %get3A_2052] {strides = array<i32>} : memref<80x128xf32, #tpu.memory_space<vmem>>, vector<16xf32>,
        %add3A_2054 = arith.addf %get3A_2050, %get3A_2053 : vector<16xf32>
        %mul3A_2055 = arith.constant 2.000000e-01 : f32
        %mul3A_2056 = vector.broadcast %mul3A_2055 : f32 to vector<16xf32>
        %mul3A_2057 = arith.mulf %mul3A_2056, %add3A_2054 : vector<16xf32>
        %max3A_2058 = arith.maximumf %add3A_2054, %mul3A_2057 : vector<16xf32>
        %mul3A_2059 = arith.mulf %max3A_2058, %get3A_17 : vector<16xf32>
        %add3A_2060 = arith.addf %add3A_2047, %mul3A_2059 : vector<16xf32>
        %get3A_2061 = arith.index_cast %scan3A_1982 : i32 to index
        %get3A_2062 = arith.constant 96 : index
        %get3A_2063 = tpu.vector_load %arg15[%get3A_2061, %get3A_2062] {strides = array<i32>} : memref<80x128xf32, #tpu.memory_space<vmem>>, vector<16xf32>,
        %get3A_2064 = arith.index_cast %scan3A_1982 : i32 to index
        %get3A_2065 = arith.constant 96 : index
        %get3A_2066 = tpu.vector_load %arg16[%get3A_2064, %get3A_2065] {strides = array<i32>} : memref<80x128xf32, #tpu.memory_space<vmem>>, vector<16xf32>,
        %add3A_2067 = arith.addf %get3A_2063, %get3A_2066 : vector<16xf32>
        %mul3A_2068 = arith.constant 2.000000e-01 : f32
        %mul3A_2069 = vector.broadcast %mul3A_2068 : f32 to vector<16xf32>
        %mul3A_2070 = arith.mulf %mul3A_2069, %add3A_2067 : vector<16xf32>
        %max3A_2071 = arith.maximumf %add3A_2067, %mul3A_2070 : vector<16xf32>
        %mul3A_2072 = arith.mulf %max3A_2071, %get3A_19 : vector<16xf32>
        %add3A_2073 = arith.addf %add3A_2060, %mul3A_2072 : vector<16xf32>
        %get3A_2074 = arith.index_cast %scan3A_1982 : i32 to index
        %get3A_2075 = arith.constant 112 : index
        %get3A_2076 = tpu.vector_load %arg15[%get3A_2074, %get3A_2075] {strides = array<i32>} : memref<80x128xf32, #tpu.memory_space<vmem>>, vector<16xf32>,
        %get3A_2077 = arith.index_cast %scan3A_1982 : i32 to index
        %get3A_2078 = arith.constant 112 : index
        %get3A_2079 = tpu.vector_load %arg16[%get3A_2077, %get3A_2078] {strides = array<i32>} : memref<80x128xf32, #tpu.memory_space<vmem>>, vector<16xf32>,
        %add3A_2080 = arith.addf %get3A_2076, %get3A_2079 : vector<16xf32>
        %mul3A_2081 = arith.constant 2.000000e-01 : f32
        %mul3A_2082 = vector.broadcast %mul3A_2081 : f32 to vector<16xf32>
        %mul3A_2083 = arith.mulf %mul3A_2082, %add3A_2080 : vector<16xf32>
        %max3A_2084 = arith.maximumf %add3A_2080, %mul3A_2083 : vector<16xf32>
        %mul3A_2085 = arith.mulf %max3A_2084, %get3A_21 : vector<16xf32>
        %add3A_2086 = arith.addf %add3A_2073, %mul3A_2085 : vector<16xf32>
        %mul3A_2087 = arith.constant 16 : i32
        %mul3A_2088 = arith.muli %scan3A_1982, %mul3A_2087 : i32
        %swap3A_2089 = arith.index_cast %mul3A_2088 : i32 to index
        %swap3A_2090 = tpu.vector_load %arg32[%swap3A_2089] {strides = array<i32>} : memref<1280xf32, #tpu.memory_space<vmem>>, vector<16xf32>,
        tpu.vector_store %arg32[%swap3A_2089], %add3A_2034 {strides = array<i32>} : memref<1280xf32, #tpu.memory_space<vmem>>, vector<16xf32>,
        %mul3A_2091 = arith.constant 16 : i32
        %mul3A_2092 = arith.muli %scan3A_1982, %mul3A_2091 : i32
        %swap3A_2093 = arith.index_cast %mul3A_2092 : i32 to index
        %swap3A_2094 = tpu.vector_load %arg33[%swap3A_2093] {strides = array<i32>} : memref<1280xf32, #tpu.memory_space<vmem>>, vector<16xf32>,
        tpu.vector_store %arg33[%swap3A_2093], %add3A_2086 {strides = array<i32>} : memref<1280xf32, #tpu.memory_space<vmem>>, vector<16xf32>,
        %scan3A_2095 = arith.constant 0 : i32
        scf.yield %scan3A_2095 : i32
      }
      %scan3A_1120 = arith.constant 80 : i32
      %add3A_1121 = arith.constant 0 : i32
      %add3A_1122 = vector.broadcast %add3A_1121 : i32 to vector<16xi32>
      %add3A_1123 = arith.addi %mul3A_2, %add3A_1122 : vector<16xi32>
      %add3A_1124 = arith.constant 0 : i32
      %add3A_1125 = vector.broadcast %add3A_1124 : i32 to vector<16xi32>
      %add3A_1126 = arith.addi %add3A_1123, %add3A_1125 : vector<16xi32>
      %gather3A_1127 = tpu.vector_load_idx %arg32[%add3A_1126] : memref<1280xf32, #tpu.memory_space<vmem>>[vector<16xi32>], vector<16xf32>,
      %add3A_1128 = arith.addf %broadcast_in_dim3A_0, %gather3A_1127 : vector<16xf32>
      %add3A_1129 = arith.constant 0 : i32
      %add3A_1130 = vector.broadcast %add3A_1129 : i32 to vector<16xi32>
      %add3A_1131 = arith.addi %add3A_1123, %add3A_1130 : vector<16xi32>
      %gather3A_1132 = tpu.vector_load_idx %arg33[%add3A_1131] : memref<1280xf32, #tpu.memory_space<vmem>>[vector<16xi32>], vector<16xf32>,
      %add3A_1133 = arith.addf %broadcast_in_dim3A_0, %gather3A_1132 : vector<16xf32>
      %add3A_1134 = arith.constant 1 : i32
      %add3A_1135 = vector.broadcast %add3A_1134 : i32 to vector<16xi32>
      %add3A_1136 = arith.addi %add3A_1123, %add3A_1135 : vector<16xi32>
      %gather3A_1137 = tpu.vector_load_idx %arg32[%add3A_1136] : memref<1280xf32, #tpu.memory_space<vmem>>[vector<16xi32>], vector<16xf32>,
      %add3A_1138 = arith.addf %add3A_1128, %gather3A_1137 : vector<16xf32>
      %add3A_1139 = arith.constant 1 : i32
      %add3A_1140 = vector.broadcast %add3A_1139 : i32 to vector<16xi32>
      %add3A_1141 = arith.addi %add3A_1123, %add3A_1140 : vector<16xi32>
      %gather3A_1142 = tpu.vector_load_idx %arg33[%add3A_1141] : memref<1280xf32, #tpu.memory_space<vmem>>[vector<16xi32>], vector<16xf32>,
      %add3A_1143 = arith.addf %add3A_1133, %gather3A_1142 : vector<16xf32>
      %add3A_1144 = arith.constant 2 : i32
      %add3A_1145 = vector.broadcast %add3A_1144 : i32 to vector<16xi32>
      %add3A_1146 = arith.addi %add3A_1123, %add3A_1145 : vector<16xi32>
      %gather3A_1147 = tpu.vector_load_idx %arg32[%add3A_1146] : memref<1280xf32, #tpu.memory_space<vmem>>[vector<16xi32>], vector<16xf32>,
      %add3A_1148 = arith.addf %add3A_1138, %gather3A_1147 : vector<16xf32>
      %add3A_1149 = arith.constant 2 : i32
      %add3A_1150 = vector.broadcast %add3A_1149 : i32 to vector<16xi32>
      %add3A_1151 = arith.addi %add3A_1123, %add3A_1150 : vector<16xi32>
      %gather3A_1152 = tpu.vector_load_idx %arg33[%add3A_1151] : memref<1280xf32, #tpu.memory_space<vmem>>[vector<16xi32>], vector<16xf32>,
      %add3A_1153 = arith.addf %add3A_1143, %gather3A_1152 : vector<16xf32>
      %add3A_1154 = arith.constant 3 : i32
      %add3A_1155 = vector.broadcast %add3A_1154 : i32 to vector<16xi32>
      %add3A_1156 = arith.addi %add3A_1123, %add3A_1155 : vector<16xi32>
      %gather3A_1157 = tpu.vector_load_idx %arg32[%add3A_1156] : memref<1280xf32, #tpu.memory_space<vmem>>[vector<16xi32>], vector<16xf32>,
      %add3A_1158 = arith.addf %add3A_1148, %gather3A_1157 : vector<16xf32>
      %add3A_1159 = arith.constant 3 : i32
      %add3A_1160 = vector.broadcast %add3A_1159 : i32 to vector<16xi32>
      %add3A_1161 = arith.addi %add3A_1123, %add3A_1160 : vector<16xi32>
      %gather3A_1162 = tpu.vector_load_idx %arg33[%add3A_1161] : memref<1280xf32, #tpu.memory_space<vmem>>[vector<16xi32>], vector<16xf32>,
      %add3A_1163 = arith.addf %add3A_1153, %gather3A_1162 : vector<16xf32>
      %add3A_1164 = arith.constant 4 : i32
      %add3A_1165 = vector.broadcast %add3A_1164 : i32 to vector<16xi32>
      %add3A_1166 = arith.addi %add3A_1123, %add3A_1165 : vector<16xi32>
      %gather3A_1167 = tpu.vector_load_idx %arg32[%add3A_1166] : memref<1280xf32, #tpu.memory_space<vmem>>[vector<16xi32>], vector<16xf32>,
      %add3A_1168 = arith.addf %add3A_1158, %gather3A_1167 : vector<16xf32>
      %add3A_1169 = arith.constant 4 : i32
      %add3A_1170 = vector.broadcast %add3A_1169 : i32 to vector<16xi32>
      %add3A_1171 = arith.addi %add3A_1123, %add3A_1170 : vector<16xi32>
      %gather3A_1172 = tpu.vector_load_idx %arg33[%add3A_1171] : memref<1280xf32, #tpu.memory_space<vmem>>[vector<16xi32>], vector<16xf32>,
      %add3A_1173 = arith.addf %add3A_1163, %gather3A_1172 : vector<16xf32>
      %add3A_1174 = arith.constant 5 : i32
      %add3A_1175 = vector.broadcast %add3A_1174 : i32 to vector<16xi32>
      %add3A_1176 = arith.addi %add3A_1123, %add3A_1175 : vector<16xi32>
      %gather3A_1177 = tpu.vector_load_idx %arg32[%add3A_1176] : memref<1280xf32, #tpu.memory_space<vmem>>[vector<16xi32>], vector<16xf32>,
      %add3A_1178 = arith.addf %add3A_1168, %gather3A_1177 : vector<16xf32>
      %add3A_1179 = arith.constant 5 : i32
      %add3A_1180 = vector.broadcast %add3A_1179 : i32 to vector<16xi32>
      %add3A_1181 = arith.addi %add3A_1123, %add3A_1180 : vector<16xi32>
      %gather3A_1182 = tpu.vector_load_idx %arg33[%add3A_1181] : memref<1280xf32, #tpu.memory_space<vmem>>[vector<16xi32>], vector<16xf32>,
      %add3A_1183 = arith.addf %add3A_1173, %gather3A_1182 : vector<16xf32>
      %add3A_1184 = arith.constant 6 : i32
      %add3A_1185 = vector.broadcast %add3A_1184 : i32 to vector<16xi32>
      %add3A_1186 = arith.addi %add3A_1123, %add3A_1185 : vector<16xi32>
      %gather3A_1187 = tpu.vector_load_idx %arg32[%add3A_1186] : memref<1280xf32, #tpu.memory_space<vmem>>[vector<16xi32>], vector<16xf32>,
      %add3A_1188 = arith.addf %add3A_1178, %gather3A_1187 : vector<16xf32>
      %add3A_1189 = arith.constant 6 : i32
      %add3A_1190 = vector.broadcast %add3A_1189 : i32 to vector<16xi32>
      %add3A_1191 = arith.addi %add3A_1123, %add3A_1190 : vector<16xi32>
      %gather3A_1192 = tpu.vector_load_idx %arg33[%add3A_1191] : memref<1280xf32, #tpu.memory_space<vmem>>[vector<16xi32>], vector<16xf32>,
      %add3A_1193 = arith.addf %add3A_1183, %gather3A_1192 : vector<16xf32>
      %add3A_1194 = arith.constant 7 : i32
      %add3A_1195 = vector.broadcast %add3A_1194 : i32 to vector<16xi32>
      %add3A_1196 = arith.addi %add3A_1123, %add3A_1195 : vector<16xi32>
      %gather3A_1197 = tpu.vector_load_idx %arg32[%add3A_1196] : memref<1280xf32, #tpu.memory_space<vmem>>[vector<16xi32>], vector<16xf32>,
      %add3A_1198 = arith.addf %add3A_1188, %gather3A_1197 : vector<16xf32>
      %add3A_1199 = arith.constant 7 : i32
      %add3A_1200 = vector.broadcast %add3A_1199 : i32 to vector<16xi32>
      %add3A_1201 = arith.addi %add3A_1123, %add3A_1200 : vector<16xi32>
      %gather3A_1202 = tpu.vector_load_idx %arg33[%add3A_1201] : memref<1280xf32, #tpu.memory_space<vmem>>[vector<16xi32>], vector<16xf32>,
      %add3A_1203 = arith.addf %add3A_1193, %gather3A_1202 : vector<16xf32>
      %add3A_1204 = arith.constant 8 : i32
      %add3A_1205 = vector.broadcast %add3A_1204 : i32 to vector<16xi32>
      %add3A_1206 = arith.addi %add3A_1123, %add3A_1205 : vector<16xi32>
      %gather3A_1207 = tpu.vector_load_idx %arg32[%add3A_1206] : memref<1280xf32, #tpu.memory_space<vmem>>[vector<16xi32>], vector<16xf32>,
      %add3A_1208 = arith.addf %add3A_1198, %gather3A_1207 : vector<16xf32>
      %add3A_1209 = arith.constant 8 : i32
      %add3A_1210 = vector.broadcast %add3A_1209 : i32 to vector<16xi32>
      %add3A_1211 = arith.addi %add3A_1123, %add3A_1210 : vector<16xi32>
      %gather3A_1212 = tpu.vector_load_idx %arg33[%add3A_1211] : memref<1280xf32, #tpu.memory_space<vmem>>[vector<16xi32>], vector<16xf32>,
      %add3A_1213 = arith.addf %add3A_1203, %gather3A_1212 : vector<16xf32>
      %add3A_1214 = arith.constant 9 : i32
      %add3A_1215 = vector.broadcast %add3A_1214 : i32 to vector<16xi32>
      %add3A_1216 = arith.addi %add3A_1123, %add3A_1215 : vector<16xi32>
      %gather3A_1217 = tpu.vector_load_idx %arg32[%add3A_1216] : memref<1280xf32, #tpu.memory_space<vmem>>[vector<16xi32>], vector<16xf32>,
      %add3A_1218 = arith.addf %add3A_1208, %gather3A_1217 : vector<16xf32>
      %add3A_1219 = arith.constant 9 : i32
      %add3A_1220 = vector.broadcast %add3A_1219 : i32 to vector<16xi32>
      %add3A_1221 = arith.addi %add3A_1123, %add3A_1220 : vector<16xi32>
      %gather3A_1222 = tpu.vector_load_idx %arg33[%add3A_1221] : memref<1280xf32, #tpu.memory_space<vmem>>[vector<16xi32>], vector<16xf32>,
      %add3A_1223 = arith.addf %add3A_1213, %gather3A_1222 : vector<16xf32>
      %add3A_1224 = arith.constant 10 : i32
      %add3A_1225 = vector.broadcast %add3A_1224 : i32 to vector<16xi32>
      %add3A_1226 = arith.addi %add3A_1123, %add3A_1225 : vector<16xi32>
      %gather3A_1227 = tpu.vector_load_idx %arg32[%add3A_1226] : memref<1280xf32, #tpu.memory_space<vmem>>[vector<16xi32>], vector<16xf32>,
      %add3A_1228 = arith.addf %add3A_1218, %gather3A_1227 : vector<16xf32>
      %add3A_1229 = arith.constant 10 : i32
      %add3A_1230 = vector.broadcast %add3A_1229 : i32 to vector<16xi32>
      %add3A_1231 = arith.addi %add3A_1123, %add3A_1230 : vector<16xi32>
      %gather3A_1232 = tpu.vector_load_idx %arg33[%add3A_1231] : memref<1280xf32, #tpu.memory_space<vmem>>[vector<16xi32>], vector<16xf32>,
      %add3A_1233 = arith.addf %add3A_1223, %gather3A_1232 : vector<16xf32>
      %add3A_1234 = arith.constant 11 : i32
      %add3A_1235 = vector.broadcast %add3A_1234 : i32 to vector<16xi32>
      %add3A_1236 = arith.addi %add3A_1123, %add3A_1235 : vector<16xi32>
      %gather3A_1237 = tpu.vector_load_idx %arg32[%add3A_1236] : memref<1280xf32, #tpu.memory_space<vmem>>[vector<16xi32>], vector<16xf32>,
      %add3A_1238 = arith.addf %add3A_1228, %gather3A_1237 : vector<16xf32>
      %add3A_1239 = arith.constant 11 : i32
      %add3A_1240 = vector.broadcast %add3A_1239 : i32 to vector<16xi32>
      %add3A_1241 = arith.addi %add3A_1123, %add3A_1240 : vector<16xi32>
      %gather3A_1242 = tpu.vector_load_idx %arg33[%add3A_1241] : memref<1280xf32, #tpu.memory_space<vmem>>[vector<16xi32>], vector<16xf32>,
      %add3A_1243 = arith.addf %add3A_1233, %gather3A_1242 : vector<16xf32>
      %add3A_1244 = arith.constant 12 : i32
      %add3A_1245 = vector.broadcast %add3A_1244 : i32 to vector<16xi32>
      %add3A_1246 = arith.addi %add3A_1123, %add3A_1245 : vector<16xi32>
      %gather3A_1247 = tpu.vector_load_idx %arg32[%add3A_1246] : memref<1280xf32, #tpu.memory_space<vmem>>[vector<16xi32>], vector<16xf32>,
      %add3A_1248 = arith.addf %add3A_1238, %gather3A_1247 : vector<16xf32>
      %add3A_1249 = arith.constant 12 : i32
      %add3A_1250 = vector.broadcast %add3A_1249 : i32 to vector<16xi32>
      %add3A_1251 = arith.addi %add3A_1123, %add3A_1250 : vector<16xi32>
      %gather3A_1252 = tpu.vector_load_idx %arg33[%add3A_1251] : memref<1280xf32, #tpu.memory_space<vmem>>[vector<16xi32>], vector<16xf32>,
      %add3A_1253 = arith.addf %add3A_1243, %gather3A_1252 : vector<16xf32>
      %add3A_1254 = arith.constant 13 : i32
      %add3A_1255 = vector.broadcast %add3A_1254 : i32 to vector<16xi32>
      %add3A_1256 = arith.addi %add3A_1123, %add3A_1255 : vector<16xi32>
      %gather3A_1257 = tpu.vector_load_idx %arg32[%add3A_1256] : memref<1280xf32, #tpu.memory_space<vmem>>[vector<16xi32>], vector<16xf32>,
      %add3A_1258 = arith.addf %add3A_1248, %gather3A_1257 : vector<16xf32>
      %add3A_1259 = arith.constant 13 : i32
      %add3A_1260 = vector.broadcast %add3A_1259 : i32 to vector<16xi32>
      %add3A_1261 = arith.addi %add3A_1123, %add3A_1260 : vector<16xi32>
      %gather3A_1262 = tpu.vector_load_idx %arg33[%add3A_1261] : memref<1280xf32, #tpu.memory_space<vmem>>[vector<16xi32>], vector<16xf32>,
      %add3A_1263 = arith.addf %add3A_1253, %gather3A_1262 : vector<16xf32>
      %add3A_1264 = arith.constant 14 : i32
      %add3A_1265 = vector.broadcast %add3A_1264 : i32 to vector<16xi32>
      %add3A_1266 = arith.addi %add3A_1123, %add3A_1265 : vector<16xi32>
      %gather3A_1267 = tpu.vector_load_idx %arg32[%add3A_1266] : memref<1280xf32, #tpu.memory_space<vmem>>[vector<16xi32>], vector<16xf32>,
      %add3A_1268 = arith.addf %add3A_1258, %gather3A_1267 : vector<16xf32>
      %add3A_1269 = arith.constant 14 : i32
      %add3A_1270 = vector.broadcast %add3A_1269 : i32 to vector<16xi32>
      %add3A_1271 = arith.addi %add3A_1123, %add3A_1270 : vector<16xi32>
      %gather3A_1272 = tpu.vector_load_idx %arg33[%add3A_1271] : memref<1280xf32, #tpu.memory_space<vmem>>[vector<16xi32>], vector<16xf32>,
      %add3A_1273 = arith.addf %add3A_1263, %gather3A_1272 : vector<16xf32>
      %add3A_1274 = arith.constant 15 : i32
      %add3A_1275 = vector.broadcast %add3A_1274 : i32 to vector<16xi32>
      %add3A_1276 = arith.addi %add3A_1123, %add3A_1275 : vector<16xi32>
      %gather3A_1277 = tpu.vector_load_idx %arg32[%add3A_1276] : memref<1280xf32, #tpu.memory_space<vmem>>[vector<16xi32>], vector<16xf32>,
      %add3A_1278 = arith.addf %add3A_1268, %gather3A_1277 : vector<16xf32>
      %add3A_1279 = arith.constant 15 : i32
      %add3A_1280 = vector.broadcast %add3A_1279 : i32 to vector<16xi32>
      %add3A_1281 = arith.addi %add3A_1123, %add3A_1280 : vector<16xi32>
      %gather3A_1282 = tpu.vector_load_idx %arg33[%add3A_1281] : memref<1280xf32, #tpu.memory_space<vmem>>[vector<16xi32>], vector<16xf32>,
      %add3A_1283 = arith.addf %add3A_1273, %gather3A_1282 : vector<16xf32>
      %exp3A_1284 = math.exp %add3A_1278 : vector<16xf32>
      %swap3A_1285 = arith.constant 0 : index
      %swap3A_1286 = tpu.vector_load %arg22[%swap3A_1285] {strides = array<i32>} : memref<80xf32, #tpu.memory_space<vmem>>, vector<16xf32>,
      tpu.vector_store %arg22[%swap3A_1285], %exp3A_1284 {strides = array<i32>} : memref<80xf32, #tpu.memory_space<vmem>>, vector<16xf32>,
      %exp3A_1287 = math.exp %add3A_1283 : vector<16xf32>
      %swap3A_1288 = arith.constant 0 : index
      %swap3A_1289 = tpu.vector_load %arg23[%swap3A_1288] {strides = array<i32>} : memref<80xf32, #tpu.memory_space<vmem>>, vector<16xf32>,
      tpu.vector_store %arg23[%swap3A_1288], %exp3A_1287 {strides = array<i32>} : memref<80xf32, #tpu.memory_space<vmem>>, vector<16xf32>,
      %add3A_1290 = arith.constant 256 : i32
      %add3A_1291 = vector.broadcast %add3A_1290 : i32 to vector<16xi32>
      %add3A_1292 = arith.addi %mul3A_2, %add3A_1291 : vector<16xi32>
      %add3A_1293 = arith.constant 0 : i32
      %add3A_1294 = vector.broadcast %add3A_1293 : i32 to vector<16xi32>
      %add3A_1295 = arith.addi %add3A_1292, %add3A_1294 : vector<16xi32>
      %gather3A_1296 = tpu.vector_load_idx %arg32[%add3A_1295] : memref<1280xf32, #tpu.memory_space<vmem>>[vector<16xi32>], vector<16xf32>,
      %add3A_1297 = arith.addf %broadcast_in_dim3A_0, %gather3A_1296 : vector<16xf32>
      %add3A_1298 = arith.constant 0 : i32
      %add3A_1299 = vector.broadcast %add3A_1298 : i32 to vector<16xi32>
      %add3A_1300 = arith.addi %add3A_1292, %add3A_1299 : vector<16xi32>
      %gather3A_1301 = tpu.vector_load_idx %arg33[%add3A_1300] : memref<1280xf32, #tpu.memory_space<vmem>>[vector<16xi32>], vector<16xf32>,
      %add3A_1302 = arith.addf %broadcast_in_dim3A_0, %gather3A_1301 : vector<16xf32>
      %add3A_1303 = arith.constant 1 : i32
      %add3A_1304 = vector.broadcast %add3A_1303 : i32 to vector<16xi32>
      %add3A_1305 = arith.addi %add3A_1292, %add3A_1304 : vector<16xi32>
      %gather3A_1306 = tpu.vector_load_idx %arg32[%add3A_1305] : memref<1280xf32, #tpu.memory_space<vmem>>[vector<16xi32>], vector<16xf32>,
      %add3A_1307 = arith.addf %add3A_1297, %gather3A_1306 : vector<16xf32>
      %add3A_1308 = arith.constant 1 : i32
      %add3A_1309 = vector.broadcast %add3A_1308 : i32 to vector<16xi32>
      %add3A_1310 = arith.addi %add3A_1292, %add3A_1309 : vector<16xi32>
      %gather3A_1311 = tpu.vector_load_idx %arg33[%add3A_1310] : memref<1280xf32, #tpu.memory_space<vmem>>[vector<16xi32>], vector<16xf32>,
      %add3A_1312 = arith.addf %add3A_1302, %gather3A_1311 : vector<16xf32>
      %add3A_1313 = arith.constant 2 : i32
      %add3A_1314 = vector.broadcast %add3A_1313 : i32 to vector<16xi32>
      %add3A_1315 = arith.addi %add3A_1292, %add3A_1314 : vector<16xi32>
      %gather3A_1316 = tpu.vector_load_idx %arg32[%add3A_1315] : memref<1280xf32, #tpu.memory_space<vmem>>[vector<16xi32>], vector<16xf32>,
      %add3A_1317 = arith.addf %add3A_1307, %gather3A_1316 : vector<16xf32>
      %add3A_1318 = arith.constant 2 : i32
      %add3A_1319 = vector.broadcast %add3A_1318 : i32 to vector<16xi32>
      %add3A_1320 = arith.addi %add3A_1292, %add3A_1319 : vector<16xi32>
      %gather3A_1321 = tpu.vector_load_idx %arg33[%add3A_1320] : memref<1280xf32, #tpu.memory_space<vmem>>[vector<16xi32>], vector<16xf32>,
      %add3A_1322 = arith.addf %add3A_1312, %gather3A_1321 : vector<16xf32>
      %add3A_1323 = arith.constant 3 : i32
      %add3A_1324 = vector.broadcast %add3A_1323 : i32 to vector<16xi32>
      %add3A_1325 = arith.addi %add3A_1292, %add3A_1324 : vector<16xi32>
      %gather3A_1326 = tpu.vector_load_idx %arg32[%add3A_1325] : memref<1280xf32, #tpu.memory_space<vmem>>[vector<16xi32>], vector<16xf32>,
      %add3A_1327 = arith.addf %add3A_1317, %gather3A_1326 : vector<16xf32>
      %add3A_1328 = arith.constant 3 : i32
      %add3A_1329 = vector.broadcast %add3A_1328 : i32 to vector<16xi32>
      %add3A_1330 = arith.addi %add3A_1292, %add3A_1329 : vector<16xi32>
      %gather3A_1331 = tpu.vector_load_idx %arg33[%add3A_1330] : memref<1280xf32, #tpu.memory_space<vmem>>[vector<16xi32>], vector<16xf32>,
      %add3A_1332 = arith.addf %add3A_1322, %gather3A_1331 : vector<16xf32>
      %add3A_1333 = arith.constant 4 : i32
      %add3A_1334 = vector.broadcast %add3A_1333 : i32 to vector<16xi32>
      %add3A_1335 = arith.addi %add3A_1292, %add3A_1334 : vector<16xi32>
      %gather3A_1336 = tpu.vector_load_idx %arg32[%add3A_1335] : memref<1280xf32, #tpu.memory_space<vmem>>[vector<16xi32>], vector<16xf32>,
      %add3A_1337 = arith.addf %add3A_1327, %gather3A_1336 : vector<16xf32>
      %add3A_1338 = arith.constant 4 : i32
      %add3A_1339 = vector.broadcast %add3A_1338 : i32 to vector<16xi32>
      %add3A_1340 = arith.addi %add3A_1292, %add3A_1339 : vector<16xi32>
      %gather3A_1341 = tpu.vector_load_idx %arg33[%add3A_1340] : memref<1280xf32, #tpu.memory_space<vmem>>[vector<16xi32>], vector<16xf32>,
      %add3A_1342 = arith.addf %add3A_1332, %gather3A_1341 : vector<16xf32>
      %add3A_1343 = arith.constant 5 : i32
      %add3A_1344 = vector.broadcast %add3A_1343 : i32 to vector<16xi32>
      %add3A_1345 = arith.addi %add3A_1292, %add3A_1344 : vector<16xi32>
      %gather3A_1346 = tpu.vector_load_idx %arg32[%add3A_1345] : memref<1280xf32, #tpu.memory_space<vmem>>[vector<16xi32>], vector<16xf32>,
      %add3A_1347 = arith.addf %add3A_1337, %gather3A_1346 : vector<16xf32>
      %add3A_1348 = arith.constant 5 : i32
      %add3A_1349 = vector.broadcast %add3A_1348 : i32 to vector<16xi32>
      %add3A_1350 = arith.addi %add3A_1292, %add3A_1349 : vector<16xi32>
      %gather3A_1351 = tpu.vector_load_idx %arg33[%add3A_1350] : memref<1280xf32, #tpu.memory_space<vmem>>[vector<16xi32>], vector<16xf32>,
      %add3A_1352 = arith.addf %add3A_1342, %gather3A_1351 : vector<16xf32>
      %add3A_1353 = arith.constant 6 : i32
      %add3A_1354 = vector.broadcast %add3A_1353 : i32 to vector<16xi32>
      %add3A_1355 = arith.addi %add3A_1292, %add3A_1354 : vector<16xi32>
      %gather3A_1356 = tpu.vector_load_idx %arg32[%add3A_1355] : memref<1280xf32, #tpu.memory_space<vmem>>[vector<16xi32>], vector<16xf32>,
      %add3A_1357 = arith.addf %add3A_1347, %gather3A_1356 : vector<16xf32>
      %add3A_1358 = arith.constant 6 : i32
      %add3A_1359 = vector.broadcast %add3A_1358 : i32 to vector<16xi32>
      %add3A_1360 = arith.addi %add3A_1292, %add3A_1359 : vector<16xi32>
      %gather3A_1361 = tpu.vector_load_idx %arg33[%add3A_1360] : memref<1280xf32, #tpu.memory_space<vmem>>[vector<16xi32>], vector<16xf32>,
      %add3A_1362 = arith.addf %add3A_1352, %gather3A_1361 : vector<16xf32>
      %add3A_1363 = arith.constant 7 : i32
      %add3A_1364 = vector.broadcast %add3A_1363 : i32 to vector<16xi32>
      %add3A_1365 = arith.addi %add3A_1292, %add3A_1364 : vector<16xi32>
      %gather3A_1366 = tpu.vector_load_idx %arg32[%add3A_1365] : memref<1280xf32, #tpu.memory_space<vmem>>[vector<16xi32>], vector<16xf32>,
      %add3A_1367 = arith.addf %add3A_1357, %gather3A_1366 : vector<16xf32>
      %add3A_1368 = arith.constant 7 : i32
      %add3A_1369 = vector.broadcast %add3A_1368 : i32 to vector<16xi32>
      %add3A_1370 = arith.addi %add3A_1292, %add3A_1369 : vector<16xi32>
      %gather3A_1371 = tpu.vector_load_idx %arg33[%add3A_1370] : memref<1280xf32, #tpu.memory_space<vmem>>[vector<16xi32>], vector<16xf32>,
      %add3A_1372 = arith.addf %add3A_1362, %gather3A_1371 : vector<16xf32>
      %add3A_1373 = arith.constant 8 : i32
      %add3A_1374 = vector.broadcast %add3A_1373 : i32 to vector<16xi32>
      %add3A_1375 = arith.addi %add3A_1292, %add3A_1374 : vector<16xi32>
      %gather3A_1376 = tpu.vector_load_idx %arg32[%add3A_1375] : memref<1280xf32, #tpu.memory_space<vmem>>[vector<16xi32>], vector<16xf32>,
      %add3A_1377 = arith.addf %add3A_1367, %gather3A_1376 : vector<16xf32>
      %add3A_1378 = arith.constant 8 : i32
      %add3A_1379 = vector.broadcast %add3A_1378 : i32 to vector<16xi32>
      %add3A_1380 = arith.addi %add3A_1292, %add3A_1379 : vector<16xi32>
      %gather3A_1381 = tpu.vector_load_idx %arg33[%add3A_1380] : memref<1280xf32, #tpu.memory_space<vmem>>[vector<16xi32>], vector<16xf32>,
      %add3A_1382 = arith.addf %add3A_1372, %gather3A_1381 : vector<16xf32>
      %add3A_1383 = arith.constant 9 : i32
      %add3A_1384 = vector.broadcast %add3A_1383 : i32 to vector<16xi32>
      %add3A_1385 = arith.addi %add3A_1292, %add3A_1384 : vector<16xi32>
      %gather3A_1386 = tpu.vector_load_idx %arg32[%add3A_1385] : memref<1280xf32, #tpu.memory_space<vmem>>[vector<16xi32>], vector<16xf32>,
      %add3A_1387 = arith.addf %add3A_1377, %gather3A_1386 : vector<16xf32>
      %add3A_1388 = arith.constant 9 : i32
      %add3A_1389 = vector.broadcast %add3A_1388 : i32 to vector<16xi32>
      %add3A_1390 = arith.addi %add3A_1292, %add3A_1389 : vector<16xi32>
      %gather3A_1391 = tpu.vector_load_idx %arg33[%add3A_1390] : memref<1280xf32, #tpu.memory_space<vmem>>[vector<16xi32>], vector<16xf32>,
      %add3A_1392 = arith.addf %add3A_1382, %gather3A_1391 : vector<16xf32>
      %add3A_1393 = arith.constant 10 : i32
      %add3A_1394 = vector.broadcast %add3A_1393 : i32 to vector<16xi32>
      %add3A_1395 = arith.addi %add3A_1292, %add3A_1394 : vector<16xi32>
      %gather3A_1396 = tpu.vector_load_idx %arg32[%add3A_1395] : memref<1280xf32, #tpu.memory_space<vmem>>[vector<16xi32>], vector<16xf32>,
      %add3A_1397 = arith.addf %add3A_1387, %gather3A_1396 : vector<16xf32>
      %add3A_1398 = arith.constant 10 : i32
      %add3A_1399 = vector.broadcast %add3A_1398 : i32 to vector<16xi32>
      %add3A_1400 = arith.addi %add3A_1292, %add3A_1399 : vector<16xi32>
      %gather3A_1401 = tpu.vector_load_idx %arg33[%add3A_1400] : memref<1280xf32, #tpu.memory_space<vmem>>[vector<16xi32>], vector<16xf32>,
      %add3A_1402 = arith.addf %add3A_1392, %gather3A_1401 : vector<16xf32>
      %add3A_1403 = arith.constant 11 : i32
      %add3A_1404 = vector.broadcast %add3A_1403 : i32 to vector<16xi32>
      %add3A_1405 = arith.addi %add3A_1292, %add3A_1404 : vector<16xi32>
      %gather3A_1406 = tpu.vector_load_idx %arg32[%add3A_1405] : memref<1280xf32, #tpu.memory_space<vmem>>[vector<16xi32>], vector<16xf32>,
      %add3A_1407 = arith.addf %add3A_1397, %gather3A_1406 : vector<16xf32>
      %add3A_1408 = arith.constant 11 : i32
      %add3A_1409 = vector.broadcast %add3A_1408 : i32 to vector<16xi32>
      %add3A_1410 = arith.addi %add3A_1292, %add3A_1409 : vector<16xi32>
      %gather3A_1411 = tpu.vector_load_idx %arg33[%add3A_1410] : memref<1280xf32, #tpu.memory_space<vmem>>[vector<16xi32>], vector<16xf32>,
      %add3A_1412 = arith.addf %add3A_1402, %gather3A_1411 : vector<16xf32>
      %add3A_1413 = arith.constant 12 : i32
      %add3A_1414 = vector.broadcast %add3A_1413 : i32 to vector<16xi32>
      %add3A_1415 = arith.addi %add3A_1292, %add3A_1414 : vector<16xi32>
      %gather3A_1416 = tpu.vector_load_idx %arg32[%add3A_1415] : memref<1280xf32, #tpu.memory_space<vmem>>[vector<16xi32>], vector<16xf32>,
      %add3A_1417 = arith.addf %add3A_1407, %gather3A_1416 : vector<16xf32>
      %add3A_1418 = arith.constant 12 : i32
      %add3A_1419 = vector.broadcast %add3A_1418 : i32 to vector<16xi32>
      %add3A_1420 = arith.addi %add3A_1292, %add3A_1419 : vector<16xi32>
      %gather3A_1421 = tpu.vector_load_idx %arg33[%add3A_1420] : memref<1280xf32, #tpu.memory_space<vmem>>[vector<16xi32>], vector<16xf32>,
      %add3A_1422 = arith.addf %add3A_1412, %gather3A_1421 : vector<16xf32>
      %add3A_1423 = arith.constant 13 : i32
      %add3A_1424 = vector.broadcast %add3A_1423 : i32 to vector<16xi32>
      %add3A_1425 = arith.addi %add3A_1292, %add3A_1424 : vector<16xi32>
      %gather3A_1426 = tpu.vector_load_idx %arg32[%add3A_1425] : memref<1280xf32, #tpu.memory_space<vmem>>[vector<16xi32>], vector<16xf32>,
      %add3A_1427 = arith.addf %add3A_1417, %gather3A_1426 : vector<16xf32>
      %add3A_1428 = arith.constant 13 : i32
      %add3A_1429 = vector.broadcast %add3A_1428 : i32 to vector<16xi32>
      %add3A_1430 = arith.addi %add3A_1292, %add3A_1429 : vector<16xi32>
      %gather3A_1431 = tpu.vector_load_idx %arg33[%add3A_1430] : memref<1280xf32, #tpu.memory_space<vmem>>[vector<16xi32>], vector<16xf32>,
      %add3A_1432 = arith.addf %add3A_1422, %gather3A_1431 : vector<16xf32>
      %add3A_1433 = arith.constant 14 : i32
      %add3A_1434 = vector.broadcast %add3A_1433 : i32 to vector<16xi32>
      %add3A_1435 = arith.addi %add3A_1292, %add3A_1434 : vector<16xi32>
      %gather3A_1436 = tpu.vector_load_idx %arg32[%add3A_1435] : memref<1280xf32, #tpu.memory_space<vmem>>[vector<16xi32>], vector<16xf32>,
      %add3A_1437 = arith.addf %add3A_1427, %gather3A_1436 : vector<16xf32>
      %add3A_1438 = arith.constant 14 : i32
      %add3A_1439 = vector.broadcast %add3A_1438 : i32 to vector<16xi32>
      %add3A_1440 = arith.addi %add3A_1292, %add3A_1439 : vector<16xi32>
      %gather3A_1441 = tpu.vector_load_idx %arg33[%add3A_1440] : memref<1280xf32, #tpu.memory_space<vmem>>[vector<16xi32>], vector<16xf32>,
      %add3A_1442 = arith.addf %add3A_1432, %gather3A_1441 : vector<16xf32>
      %add3A_1443 = arith.constant 15 : i32
      %add3A_1444 = vector.broadcast %add3A_1443 : i32 to vector<16xi32>
      %add3A_1445 = arith.addi %add3A_1292, %add3A_1444 : vector<16xi32>
      %gather3A_1446 = tpu.vector_load_idx %arg32[%add3A_1445] : memref<1280xf32, #tpu.memory_space<vmem>>[vector<16xi32>], vector<16xf32>,
      %add3A_1447 = arith.addf %add3A_1437, %gather3A_1446 : vector<16xf32>
      %add3A_1448 = arith.constant 15 : i32
      %add3A_1449 = vector.broadcast %add3A_1448 : i32 to vector<16xi32>
      %add3A_1450 = arith.addi %add3A_1292, %add3A_1449 : vector<16xi32>
      %gather3A_1451 = tpu.vector_load_idx %arg33[%add3A_1450] : memref<1280xf32, #tpu.memory_space<vmem>>[vector<16xi32>], vector<16xf32>,
      %add3A_1452 = arith.addf %add3A_1442, %gather3A_1451 : vector<16xf32>
      %exp3A_1453 = math.exp %add3A_1447 : vector<16xf32>
      %swap3A_1454 = arith.constant 16 : index
      %swap3A_1455 = tpu.vector_load %arg22[%swap3A_1454] {strides = array<i32>} : memref<80xf32, #tpu.memory_space<vmem>>, vector<16xf32>,
      tpu.vector_store %arg22[%swap3A_1454], %exp3A_1453 {strides = array<i32>} : memref<80xf32, #tpu.memory_space<vmem>>, vector<16xf32>,
      %exp3A_1456 = math.exp %add3A_1452 : vector<16xf32>
      %swap3A_1457 = arith.constant 16 : index
      %swap3A_1458 = tpu.vector_load %arg23[%swap3A_1457] {strides = array<i32>} : memref<80xf32, #tpu.memory_space<vmem>>, vector<16xf32>,
      tpu.vector_store %arg23[%swap3A_1457], %exp3A_1456 {strides = array<i32>} : memref<80xf32, #tpu.memory_space<vmem>>, vector<16xf32>,
      %add3A_1459 = arith.constant 512 : i32
      %add3A_1460 = vector.broadcast %add3A_1459 : i32 to vector<16xi32>
      %add3A_1461 = arith.addi %mul3A_2, %add3A_1460 : vector<16xi32>
      %add3A_1462 = arith.constant 0 : i32
      %add3A_1463 = vector.broadcast %add3A_1462 : i32 to vector<16xi32>
      %add3A_1464 = arith.addi %add3A_1461, %add3A_1463 : vector<16xi32>
      %gather3A_1465 = tpu.vector_load_idx %arg32[%add3A_1464] : memref<1280xf32, #tpu.memory_space<vmem>>[vector<16xi32>], vector<16xf32>,
      %add3A_1466 = arith.addf %broadcast_in_dim3A_0, %gather3A_1465 : vector<16xf32>
      %add3A_1467 = arith.constant 0 : i32
      %add3A_1468 = vector.broadcast %add3A_1467 : i32 to vector<16xi32>
      %add3A_1469 = arith.addi %add3A_1461, %add3A_1468 : vector<16xi32>
      %gather3A_1470 = tpu.vector_load_idx %arg33[%add3A_1469] : memref<1280xf32, #tpu.memory_space<vmem>>[vector<16xi32>], vector<16xf32>,
      %add3A_1471 = arith.addf %broadcast_in_dim3A_0, %gather3A_1470 : vector<16xf32>
      %add3A_1472 = arith.constant 1 : i32
      %add3A_1473 = vector.broadcast %add3A_1472 : i32 to vector<16xi32>
      %add3A_1474 = arith.addi %add3A_1461, %add3A_1473 : vector<16xi32>
      %gather3A_1475 = tpu.vector_load_idx %arg32[%add3A_1474] : memref<1280xf32, #tpu.memory_space<vmem>>[vector<16xi32>], vector<16xf32>,
      %add3A_1476 = arith.addf %add3A_1466, %gather3A_1475 : vector<16xf32>
      %add3A_1477 = arith.constant 1 : i32
      %add3A_1478 = vector.broadcast %add3A_1477 : i32 to vector<16xi32>
      %add3A_1479 = arith.addi %add3A_1461, %add3A_1478 : vector<16xi32>
      %gather3A_1480 = tpu.vector_load_idx %arg33[%add3A_1479] : memref<1280xf32, #tpu.memory_space<vmem>>[vector<16xi32>], vector<16xf32>,
      %add3A_1481 = arith.addf %add3A_1471, %gather3A_1480 : vector<16xf32>
      %add3A_1482 = arith.constant 2 : i32
      %add3A_1483 = vector.broadcast %add3A_1482 : i32 to vector<16xi32>
      %add3A_1484 = arith.addi %add3A_1461, %add3A_1483 : vector<16xi32>
      %gather3A_1485 = tpu.vector_load_idx %arg32[%add3A_1484] : memref<1280xf32, #tpu.memory_space<vmem>>[vector<16xi32>], vector<16xf32>,
      %add3A_1486 = arith.addf %add3A_1476, %gather3A_1485 : vector<16xf32>
      %add3A_1487 = arith.constant 2 : i32
      %add3A_1488 = vector.broadcast %add3A_1487 : i32 to vector<16xi32>
      %add3A_1489 = arith.addi %add3A_1461, %add3A_1488 : vector<16xi32>
      %gather3A_1490 = tpu.vector_load_idx %arg33[%add3A_1489] : memref<1280xf32, #tpu.memory_space<vmem>>[vector<16xi32>], vector<16xf32>,
      %add3A_1491 = arith.addf %add3A_1481, %gather3A_1490 : vector<16xf32>
      %add3A_1492 = arith.constant 3 : i32
      %add3A_1493 = vector.broadcast %add3A_1492 : i32 to vector<16xi32>
      %add3A_1494 = arith.addi %add3A_1461, %add3A_1493 : vector<16xi32>
      %gather3A_1495 = tpu.vector_load_idx %arg32[%add3A_1494] : memref<1280xf32, #tpu.memory_space<vmem>>[vector<16xi32>], vector<16xf32>,
      %add3A_1496 = arith.addf %add3A_1486, %gather3A_1495 : vector<16xf32>
      %add3A_1497 = arith.constant 3 : i32
      %add3A_1498 = vector.broadcast %add3A_1497 : i32 to vector<16xi32>
      %add3A_1499 = arith.addi %add3A_1461, %add3A_1498 : vector<16xi32>
      %gather3A_1500 = tpu.vector_load_idx %arg33[%add3A_1499] : memref<1280xf32, #tpu.memory_space<vmem>>[vector<16xi32>], vector<16xf32>,
      %add3A_1501 = arith.addf %add3A_1491, %gather3A_1500 : vector<16xf32>
      %add3A_1502 = arith.constant 4 : i32
      %add3A_1503 = vector.broadcast %add3A_1502 : i32 to vector<16xi32>
      %add3A_1504 = arith.addi %add3A_1461, %add3A_1503 : vector<16xi32>
      %gather3A_1505 = tpu.vector_load_idx %arg32[%add3A_1504] : memref<1280xf32, #tpu.memory_space<vmem>>[vector<16xi32>], vector<16xf32>,
      %add3A_1506 = arith.addf %add3A_1496, %gather3A_1505 : vector<16xf32>
      %add3A_1507 = arith.constant 4 : i32
      %add3A_1508 = vector.broadcast %add3A_1507 : i32 to vector<16xi32>
      %add3A_1509 = arith.addi %add3A_1461, %add3A_1508 : vector<16xi32>
      %gather3A_1510 = tpu.vector_load_idx %arg33[%add3A_1509] : memref<1280xf32, #tpu.memory_space<vmem>>[vector<16xi32>], vector<16xf32>,
      %add3A_1511 = arith.addf %add3A_1501, %gather3A_1510 : vector<16xf32>
      %add3A_1512 = arith.constant 5 : i32
      %add3A_1513 = vector.broadcast %add3A_1512 : i32 to vector<16xi32>
      %add3A_1514 = arith.addi %add3A_1461, %add3A_1513 : vector<16xi32>
      %gather3A_1515 = tpu.vector_load_idx %arg32[%add3A_1514] : memref<1280xf32, #tpu.memory_space<vmem>>[vector<16xi32>], vector<16xf32>,
      %add3A_1516 = arith.addf %add3A_1506, %gather3A_1515 : vector<16xf32>
      %add3A_1517 = arith.constant 5 : i32
      %add3A_1518 = vector.broadcast %add3A_1517 : i32 to vector<16xi32>
      %add3A_1519 = arith.addi %add3A_1461, %add3A_1518 : vector<16xi32>
      %gather3A_1520 = tpu.vector_load_idx %arg33[%add3A_1519] : memref<1280xf32, #tpu.memory_space<vmem>>[vector<16xi32>], vector<16xf32>,
      %add3A_1521 = arith.addf %add3A_1511, %gather3A_1520 : vector<16xf32>
      %add3A_1522 = arith.constant 6 : i32
      %add3A_1523 = vector.broadcast %add3A_1522 : i32 to vector<16xi32>
      %add3A_1524 = arith.addi %add3A_1461, %add3A_1523 : vector<16xi32>
      %gather3A_1525 = tpu.vector_load_idx %arg32[%add3A_1524] : memref<1280xf32, #tpu.memory_space<vmem>>[vector<16xi32>], vector<16xf32>,
      %add3A_1526 = arith.addf %add3A_1516, %gather3A_1525 : vector<16xf32>
      %add3A_1527 = arith.constant 6 : i32
      %add3A_1528 = vector.broadcast %add3A_1527 : i32 to vector<16xi32>
      %add3A_1529 = arith.addi %add3A_1461, %add3A_1528 : vector<16xi32>
      %gather3A_1530 = tpu.vector_load_idx %arg33[%add3A_1529] : memref<1280xf32, #tpu.memory_space<vmem>>[vector<16xi32>], vector<16xf32>,
      %add3A_1531 = arith.addf %add3A_1521, %gather3A_1530 : vector<16xf32>
      %add3A_1532 = arith.constant 7 : i32
      %add3A_1533 = vector.broadcast %add3A_1532 : i32 to vector<16xi32>
      %add3A_1534 = arith.addi %add3A_1461, %add3A_1533 : vector<16xi32>
      %gather3A_1535 = tpu.vector_load_idx %arg32[%add3A_1534] : memref<1280xf32, #tpu.memory_space<vmem>>[vector<16xi32>], vector<16xf32>,
      %add3A_1536 = arith.addf %add3A_1526, %gather3A_1535 : vector<16xf32>
      %add3A_1537 = arith.constant 7 : i32
      %add3A_1538 = vector.broadcast %add3A_1537 : i32 to vector<16xi32>
      %add3A_1539 = arith.addi %add3A_1461, %add3A_1538 : vector<16xi32>
      %gather3A_1540 = tpu.vector_load_idx %arg33[%add3A_1539] : memref<1280xf32, #tpu.memory_space<vmem>>[vector<16xi32>], vector<16xf32>,
      %add3A_1541 = arith.addf %add3A_1531, %gather3A_1540 : vector<16xf32>
      %add3A_1542 = arith.constant 8 : i32
      %add3A_1543 = vector.broadcast %add3A_1542 : i32 to vector<16xi32>
      %add3A_1544 = arith.addi %add3A_1461, %add3A_1543 : vector<16xi32>
      %gather3A_1545 = tpu.vector_load_idx %arg32[%add3A_1544] : memref<1280xf32, #tpu.memory_space<vmem>>[vector<16xi32>], vector<16xf32>,
      %add3A_1546 = arith.addf %add3A_1536, %gather3A_1545 : vector<16xf32>
      %add3A_1547 = arith.constant 8 : i32
      %add3A_1548 = vector.broadcast %add3A_1547 : i32 to vector<16xi32>
      %add3A_1549 = arith.addi %add3A_1461, %add3A_1548 : vector<16xi32>
      %gather3A_1550 = tpu.vector_load_idx %arg33[%add3A_1549] : memref<1280xf32, #tpu.memory_space<vmem>>[vector<16xi32>], vector<16xf32>,
      %add3A_1551 = arith.addf %add3A_1541, %gather3A_1550 : vector<16xf32>
      %add3A_1552 = arith.constant 9 : i32
      %add3A_1553 = vector.broadcast %add3A_1552 : i32 to vector<16xi32>
      %add3A_1554 = arith.addi %add3A_1461, %add3A_1553 : vector<16xi32>
      %gather3A_1555 = tpu.vector_load_idx %arg32[%add3A_1554] : memref<1280xf32, #tpu.memory_space<vmem>>[vector<16xi32>], vector<16xf32>,
      %add3A_1556 = arith.addf %add3A_1546, %gather3A_1555 : vector<16xf32>
      %add3A_1557 = arith.constant 9 : i32
      %add3A_1558 = vector.broadcast %add3A_1557 : i32 to vector<16xi32>
      %add3A_1559 = arith.addi %add3A_1461, %add3A_1558 : vector<16xi32>
      %gather3A_1560 = tpu.vector_load_idx %arg33[%add3A_1559] : memref<1280xf32, #tpu.memory_space<vmem>>[vector<16xi32>], vector<16xf32>,
      %add3A_1561 = arith.addf %add3A_1551, %gather3A_1560 : vector<16xf32>
      %add3A_1562 = arith.constant 10 : i32
      %add3A_1563 = vector.broadcast %add3A_1562 : i32 to vector<16xi32>
      %add3A_1564 = arith.addi %add3A_1461, %add3A_1563 : vector<16xi32>
      %gather3A_1565 = tpu.vector_load_idx %arg32[%add3A_1564] : memref<1280xf32, #tpu.memory_space<vmem>>[vector<16xi32>], vector<16xf32>,
      %add3A_1566 = arith.addf %add3A_1556, %gather3A_1565 : vector<16xf32>
      %add3A_1567 = arith.constant 10 : i32
      %add3A_1568 = vector.broadcast %add3A_1567 : i32 to vector<16xi32>
      %add3A_1569 = arith.addi %add3A_1461, %add3A_1568 : vector<16xi32>
      %gather3A_1570 = tpu.vector_load_idx %arg33[%add3A_1569] : memref<1280xf32, #tpu.memory_space<vmem>>[vector<16xi32>], vector<16xf32>,
      %add3A_1571 = arith.addf %add3A_1561, %gather3A_1570 : vector<16xf32>
      %add3A_1572 = arith.constant 11 : i32
      %add3A_1573 = vector.broadcast %add3A_1572 : i32 to vector<16xi32>
      %add3A_1574 = arith.addi %add3A_1461, %add3A_1573 : vector<16xi32>
      %gather3A_1575 = tpu.vector_load_idx %arg32[%add3A_1574] : memref<1280xf32, #tpu.memory_space<vmem>>[vector<16xi32>], vector<16xf32>,
      %add3A_1576 = arith.addf %add3A_1566, %gather3A_1575 : vector<16xf32>
      %add3A_1577 = arith.constant 11 : i32
      %add3A_1578 = vector.broadcast %add3A_1577 : i32 to vector<16xi32>
      %add3A_1579 = arith.addi %add3A_1461, %add3A_1578 : vector<16xi32>
      %gather3A_1580 = tpu.vector_load_idx %arg33[%add3A_1579] : memref<1280xf32, #tpu.memory_space<vmem>>[vector<16xi32>], vector<16xf32>,
      %add3A_1581 = arith.addf %add3A_1571, %gather3A_1580 : vector<16xf32>
      %add3A_1582 = arith.constant 12 : i32
      %add3A_1583 = vector.broadcast %add3A_1582 : i32 to vector<16xi32>
      %add3A_1584 = arith.addi %add3A_1461, %add3A_1583 : vector<16xi32>
      %gather3A_1585 = tpu.vector_load_idx %arg32[%add3A_1584] : memref<1280xf32, #tpu.memory_space<vmem>>[vector<16xi32>], vector<16xf32>,
      %add3A_1586 = arith.addf %add3A_1576, %gather3A_1585 : vector<16xf32>
      %add3A_1587 = arith.constant 12 : i32
      %add3A_1588 = vector.broadcast %add3A_1587 : i32 to vector<16xi32>
      %add3A_1589 = arith.addi %add3A_1461, %add3A_1588 : vector<16xi32>
      %gather3A_1590 = tpu.vector_load_idx %arg33[%add3A_1589] : memref<1280xf32, #tpu.memory_space<vmem>>[vector<16xi32>], vector<16xf32>,
      %add3A_1591 = arith.addf %add3A_1581, %gather3A_1590 : vector<16xf32>
      %add3A_1592 = arith.constant 13 : i32
      %add3A_1593 = vector.broadcast %add3A_1592 : i32 to vector<16xi32>
      %add3A_1594 = arith.addi %add3A_1461, %add3A_1593 : vector<16xi32>
      %gather3A_1595 = tpu.vector_load_idx %arg32[%add3A_1594] : memref<1280xf32, #tpu.memory_space<vmem>>[vector<16xi32>], vector<16xf32>,
      %add3A_1596 = arith.addf %add3A_1586, %gather3A_1595 : vector<16xf32>
      %add3A_1597 = arith.constant 13 : i32
      %add3A_1598 = vector.broadcast %add3A_1597 : i32 to vector<16xi32>
      %add3A_1599 = arith.addi %add3A_1461, %add3A_1598 : vector<16xi32>
      %gather3A_1600 = tpu.vector_load_idx %arg33[%add3A_1599] : memref<1280xf32, #tpu.memory_space<vmem>>[vector<16xi32>], vector<16xf32>,
      %add3A_1601 = arith.addf %add3A_1591, %gather3A_1600 : vector<16xf32>
      %add3A_1602 = arith.constant 14 : i32
      %add3A_1603 = vector.broadcast %add3A_1602 : i32 to vector<16xi32>
      %add3A_1604 = arith.addi %add3A_1461, %add3A_1603 : vector<16xi32>
      %gather3A_1605 = tpu.vector_load_idx %arg32[%add3A_1604] : memref<1280xf32, #tpu.memory_space<vmem>>[vector<16xi32>], vector<16xf32>,
      %add3A_1606 = arith.addf %add3A_1596, %gather3A_1605 : vector<16xf32>
      %add3A_1607 = arith.constant 14 : i32
      %add3A_1608 = vector.broadcast %add3A_1607 : i32 to vector<16xi32>
      %add3A_1609 = arith.addi %add3A_1461, %add3A_1608 : vector<16xi32>
      %gather3A_1610 = tpu.vector_load_idx %arg33[%add3A_1609] : memref<1280xf32, #tpu.memory_space<vmem>>[vector<16xi32>], vector<16xf32>,
      %add3A_1611 = arith.addf %add3A_1601, %gather3A_1610 : vector<16xf32>
      %add3A_1612 = arith.constant 15 : i32
      %add3A_1613 = vector.broadcast %add3A_1612 : i32 to vector<16xi32>
      %add3A_1614 = arith.addi %add3A_1461, %add3A_1613 : vector<16xi32>
      %gather3A_1615 = tpu.vector_load_idx %arg32[%add3A_1614] : memref<1280xf32, #tpu.memory_space<vmem>>[vector<16xi32>], vector<16xf32>,
      %add3A_1616 = arith.addf %add3A_1606, %gather3A_1615 : vector<16xf32>
      %add3A_1617 = arith.constant 15 : i32
      %add3A_1618 = vector.broadcast %add3A_1617 : i32 to vector<16xi32>
      %add3A_1619 = arith.addi %add3A_1461, %add3A_1618 : vector<16xi32>
      %gather3A_1620 = tpu.vector_load_idx %arg33[%add3A_1619] : memref<1280xf32, #tpu.memory_space<vmem>>[vector<16xi32>], vector<16xf32>,
      %add3A_1621 = arith.addf %add3A_1611, %gather3A_1620 : vector<16xf32>
      %exp3A_1622 = math.exp %add3A_1616 : vector<16xf32>
      %swap3A_1623 = arith.constant 32 : index
      %swap3A_1624 = tpu.vector_load %arg22[%swap3A_1623] {strides = array<i32>} : memref<80xf32, #tpu.memory_space<vmem>>, vector<16xf32>,
      tpu.vector_store %arg22[%swap3A_1623], %exp3A_1622 {strides = array<i32>} : memref<80xf32, #tpu.memory_space<vmem>>, vector<16xf32>,
      %exp3A_1625 = math.exp %add3A_1621 : vector<16xf32>
      %swap3A_1626 = arith.constant 32 : index
      %swap3A_1627 = tpu.vector_load %arg23[%swap3A_1626] {strides = array<i32>} : memref<80xf32, #tpu.memory_space<vmem>>, vector<16xf32>,
      tpu.vector_store %arg23[%swap3A_1626], %exp3A_1625 {strides = array<i32>} : memref<80xf32, #tpu.memory_space<vmem>>, vector<16xf32>,
      %add3A_1628 = arith.constant 768 : i32
      %add3A_1629 = vector.broadcast %add3A_1628 : i32 to vector<16xi32>
      %add3A_1630 = arith.addi %mul3A_2, %add3A_1629 : vector<16xi32>
      %add3A_1631 = arith.constant 0 : i32
      %add3A_1632 = vector.broadcast %add3A_1631 : i32 to vector<16xi32>
      %add3A_1633 = arith.addi %add3A_1630, %add3A_1632 : vector<16xi32>
      %gather3A_1634 = tpu.vector_load_idx %arg32[%add3A_1633] : memref<1280xf32, #tpu.memory_space<vmem>>[vector<16xi32>], vector<16xf32>,
      %add3A_1635 = arith.addf %broadcast_in_dim3A_0, %gather3A_1634 : vector<16xf32>
      %add3A_1636 = arith.constant 0 : i32
      %add3A_1637 = vector.broadcast %add3A_1636 : i32 to vector<16xi32>
      %add3A_1638 = arith.addi %add3A_1630, %add3A_1637 : vector<16xi32>
      %gather3A_1639 = tpu.vector_load_idx %arg33[%add3A_1638] : memref<1280xf32, #tpu.memory_space<vmem>>[vector<16xi32>], vector<16xf32>,
      %add3A_1640 = arith.addf %broadcast_in_dim3A_0, %gather3A_1639 : vector<16xf32>
      %add3A_1641 = arith.constant 1 : i32
      %add3A_1642 = vector.broadcast %add3A_1641 : i32 to vector<16xi32>
      %add3A_1643 = arith.addi %add3A_1630, %add3A_1642 : vector<16xi32>
      %gather3A_1644 = tpu.vector_load_idx %arg32[%add3A_1643] : memref<1280xf32, #tpu.memory_space<vmem>>[vector<16xi32>], vector<16xf32>,
      %add3A_1645 = arith.addf %add3A_1635, %gather3A_1644 : vector<16xf32>
      %add3A_1646 = arith.constant 1 : i32
      %add3A_1647 = vector.broadcast %add3A_1646 : i32 to vector<16xi32>
      %add3A_1648 = arith.addi %add3A_1630, %add3A_1647 : vector<16xi32>
      %gather3A_1649 = tpu.vector_load_idx %arg33[%add3A_1648] : memref<1280xf32, #tpu.memory_space<vmem>>[vector<16xi32>], vector<16xf32>,
      %add3A_1650 = arith.addf %add3A_1640, %gather3A_1649 : vector<16xf32>
      %add3A_1651 = arith.constant 2 : i32
      %add3A_1652 = vector.broadcast %add3A_1651 : i32 to vector<16xi32>
      %add3A_1653 = arith.addi %add3A_1630, %add3A_1652 : vector<16xi32>
      %gather3A_1654 = tpu.vector_load_idx %arg32[%add3A_1653] : memref<1280xf32, #tpu.memory_space<vmem>>[vector<16xi32>], vector<16xf32>,
      %add3A_1655 = arith.addf %add3A_1645, %gather3A_1654 : vector<16xf32>
      %add3A_1656 = arith.constant 2 : i32
      %add3A_1657 = vector.broadcast %add3A_1656 : i32 to vector<16xi32>
      %add3A_1658 = arith.addi %add3A_1630, %add3A_1657 : vector<16xi32>
      %gather3A_1659 = tpu.vector_load_idx %arg33[%add3A_1658] : memref<1280xf32, #tpu.memory_space<vmem>>[vector<16xi32>], vector<16xf32>,
      %add3A_1660 = arith.addf %add3A_1650, %gather3A_1659 : vector<16xf32>
      %add3A_1661 = arith.constant 3 : i32
      %add3A_1662 = vector.broadcast %add3A_1661 : i32 to vector<16xi32>
      %add3A_1663 = arith.addi %add3A_1630, %add3A_1662 : vector<16xi32>
      %gather3A_1664 = tpu.vector_load_idx %arg32[%add3A_1663] : memref<1280xf32, #tpu.memory_space<vmem>>[vector<16xi32>], vector<16xf32>,
      %add3A_1665 = arith.addf %add3A_1655, %gather3A_1664 : vector<16xf32>
      %add3A_1666 = arith.constant 3 : i32
      %add3A_1667 = vector.broadcast %add3A_1666 : i32 to vector<16xi32>
      %add3A_1668 = arith.addi %add3A_1630, %add3A_1667 : vector<16xi32>
      %gather3A_1669 = tpu.vector_load_idx %arg33[%add3A_1668] : memref<1280xf32, #tpu.memory_space<vmem>>[vector<16xi32>], vector<16xf32>,
      %add3A_1670 = arith.addf %add3A_1660, %gather3A_1669 : vector<16xf32>
      %add3A_1671 = arith.constant 4 : i32
      %add3A_1672 = vector.broadcast %add3A_1671 : i32 to vector<16xi32>
      %add3A_1673 = arith.addi %add3A_1630, %add3A_1672 : vector<16xi32>
      %gather3A_1674 = tpu.vector_load_idx %arg32[%add3A_1673] : memref<1280xf32, #tpu.memory_space<vmem>>[vector<16xi32>], vector<16xf32>,
      %add3A_1675 = arith.addf %add3A_1665, %gather3A_1674 : vector<16xf32>
      %add3A_1676 = arith.constant 4 : i32
      %add3A_1677 = vector.broadcast %add3A_1676 : i32 to vector<16xi32>
      %add3A_1678 = arith.addi %add3A_1630, %add3A_1677 : vector<16xi32>
      %gather3A_1679 = tpu.vector_load_idx %arg33[%add3A_1678] : memref<1280xf32, #tpu.memory_space<vmem>>[vector<16xi32>], vector<16xf32>,
      %add3A_1680 = arith.addf %add3A_1670, %gather3A_1679 : vector<16xf32>
      %add3A_1681 = arith.constant 5 : i32
      %add3A_1682 = vector.broadcast %add3A_1681 : i32 to vector<16xi32>
      %add3A_1683 = arith.addi %add3A_1630, %add3A_1682 : vector<16xi32>
      %gather3A_1684 = tpu.vector_load_idx %arg32[%add3A_1683] : memref<1280xf32, #tpu.memory_space<vmem>>[vector<16xi32>], vector<16xf32>,
      %add3A_1685 = arith.addf %add3A_1675, %gather3A_1684 : vector<16xf32>
      %add3A_1686 = arith.constant 5 : i32
      %add3A_1687 = vector.broadcast %add3A_1686 : i32 to vector<16xi32>
      %add3A_1688 = arith.addi %add3A_1630, %add3A_1687 : vector<16xi32>
      %gather3A_1689 = tpu.vector_load_idx %arg33[%add3A_1688] : memref<1280xf32, #tpu.memory_space<vmem>>[vector<16xi32>], vector<16xf32>,
      %add3A_1690 = arith.addf %add3A_1680, %gather3A_1689 : vector<16xf32>
      %add3A_1691 = arith.constant 6 : i32
      %add3A_1692 = vector.broadcast %add3A_1691 : i32 to vector<16xi32>
      %add3A_1693 = arith.addi %add3A_1630, %add3A_1692 : vector<16xi32>
      %gather3A_1694 = tpu.vector_load_idx %arg32[%add3A_1693] : memref<1280xf32, #tpu.memory_space<vmem>>[vector<16xi32>], vector<16xf32>,
      %add3A_1695 = arith.addf %add3A_1685, %gather3A_1694 : vector<16xf32>
      %add3A_1696 = arith.constant 6 : i32
      %add3A_1697 = vector.broadcast %add3A_1696 : i32 to vector<16xi32>
      %add3A_1698 = arith.addi %add3A_1630, %add3A_1697 : vector<16xi32>
      %gather3A_1699 = tpu.vector_load_idx %arg33[%add3A_1698] : memref<1280xf32, #tpu.memory_space<vmem>>[vector<16xi32>], vector<16xf32>,
      %add3A_1700 = arith.addf %add3A_1690, %gather3A_1699 : vector<16xf32>
      %add3A_1701 = arith.constant 7 : i32
      %add3A_1702 = vector.broadcast %add3A_1701 : i32 to vector<16xi32>
      %add3A_1703 = arith.addi %add3A_1630, %add3A_1702 : vector<16xi32>
      %gather3A_1704 = tpu.vector_load_idx %arg32[%add3A_1703] : memref<1280xf32, #tpu.memory_space<vmem>>[vector<16xi32>], vector<16xf32>,
      %add3A_1705 = arith.addf %add3A_1695, %gather3A_1704 : vector<16xf32>
      %add3A_1706 = arith.constant 7 : i32
      %add3A_1707 = vector.broadcast %add3A_1706 : i32 to vector<16xi32>
      %add3A_1708 = arith.addi %add3A_1630, %add3A_1707 : vector<16xi32>
      %gather3A_1709 = tpu.vector_load_idx %arg33[%add3A_1708] : memref<1280xf32, #tpu.memory_space<vmem>>[vector<16xi32>], vector<16xf32>,
      %add3A_1710 = arith.addf %add3A_1700, %gather3A_1709 : vector<16xf32>
      %add3A_1711 = arith.constant 8 : i32
      %add3A_1712 = vector.broadcast %add3A_1711 : i32 to vector<16xi32>
      %add3A_1713 = arith.addi %add3A_1630, %add3A_1712 : vector<16xi32>
      %gather3A_1714 = tpu.vector_load_idx %arg32[%add3A_1713] : memref<1280xf32, #tpu.memory_space<vmem>>[vector<16xi32>], vector<16xf32>,
      %add3A_1715 = arith.addf %add3A_1705, %gather3A_1714 : vector<16xf32>
      %add3A_1716 = arith.constant 8 : i32
      %add3A_1717 = vector.broadcast %add3A_1716 : i32 to vector<16xi32>
      %add3A_1718 = arith.addi %add3A_1630, %add3A_1717 : vector<16xi32>
      %gather3A_1719 = tpu.vector_load_idx %arg33[%add3A_1718] : memref<1280xf32, #tpu.memory_space<vmem>>[vector<16xi32>], vector<16xf32>,
      %add3A_1720 = arith.addf %add3A_1710, %gather3A_1719 : vector<16xf32>
      %add3A_1721 = arith.constant 9 : i32
      %add3A_1722 = vector.broadcast %add3A_1721 : i32 to vector<16xi32>
      %add3A_1723 = arith.addi %add3A_1630, %add3A_1722 : vector<16xi32>
      %gather3A_1724 = tpu.vector_load_idx %arg32[%add3A_1723] : memref<1280xf32, #tpu.memory_space<vmem>>[vector<16xi32>], vector<16xf32>,
      %add3A_1725 = arith.addf %add3A_1715, %gather3A_1724 : vector<16xf32>
      %add3A_1726 = arith.constant 9 : i32
      %add3A_1727 = vector.broadcast %add3A_1726 : i32 to vector<16xi32>
      %add3A_1728 = arith.addi %add3A_1630, %add3A_1727 : vector<16xi32>
      %gather3A_1729 = tpu.vector_load_idx %arg33[%add3A_1728] : memref<1280xf32, #tpu.memory_space<vmem>>[vector<16xi32>], vector<16xf32>,
      %add3A_1730 = arith.addf %add3A_1720, %gather3A_1729 : vector<16xf32>
      %add3A_1731 = arith.constant 10 : i32
      %add3A_1732 = vector.broadcast %add3A_1731 : i32 to vector<16xi32>
      %add3A_1733 = arith.addi %add3A_1630, %add3A_1732 : vector<16xi32>
      %gather3A_1734 = tpu.vector_load_idx %arg32[%add3A_1733] : memref<1280xf32, #tpu.memory_space<vmem>>[vector<16xi32>], vector<16xf32>,
      %add3A_1735 = arith.addf %add3A_1725, %gather3A_1734 : vector<16xf32>
      %add3A_1736 = arith.constant 10 : i32
      %add3A_1737 = vector.broadcast %add3A_1736 : i32 to vector<16xi32>
      %add3A_1738 = arith.addi %add3A_1630, %add3A_1737 : vector<16xi32>
      %gather3A_1739 = tpu.vector_load_idx %arg33[%add3A_1738] : memref<1280xf32, #tpu.memory_space<vmem>>[vector<16xi32>], vector<16xf32>,
      %add3A_1740 = arith.addf %add3A_1730, %gather3A_1739 : vector<16xf32>
      %add3A_1741 = arith.constant 11 : i32
      %add3A_1742 = vector.broadcast %add3A_1741 : i32 to vector<16xi32>
      %add3A_1743 = arith.addi %add3A_1630, %add3A_1742 : vector<16xi32>
      %gather3A_1744 = tpu.vector_load_idx %arg32[%add3A_1743] : memref<1280xf32, #tpu.memory_space<vmem>>[vector<16xi32>], vector<16xf32>,
      %add3A_1745 = arith.addf %add3A_1735, %gather3A_1744 : vector<16xf32>
      %add3A_1746 = arith.constant 11 : i32
      %add3A_1747 = vector.broadcast %add3A_1746 : i32 to vector<16xi32>
      %add3A_1748 = arith.addi %add3A_1630, %add3A_1747 : vector<16xi32>
      %gather3A_1749 = tpu.vector_load_idx %arg33[%add3A_1748] : memref<1280xf32, #tpu.memory_space<vmem>>[vector<16xi32>], vector<16xf32>,
      %add3A_1750 = arith.addf %add3A_1740, %gather3A_1749 : vector<16xf32>
      %add3A_1751 = arith.constant 12 : i32
      %add3A_1752 = vector.broadcast %add3A_1751 : i32 to vector<16xi32>
      %add3A_1753 = arith.addi %add3A_1630, %add3A_1752 : vector<16xi32>
      %gather3A_1754 = tpu.vector_load_idx %arg32[%add3A_1753] : memref<1280xf32, #tpu.memory_space<vmem>>[vector<16xi32>], vector<16xf32>,
      %add3A_1755 = arith.addf %add3A_1745, %gather3A_1754 : vector<16xf32>
      %add3A_1756 = arith.constant 12 : i32
      %add3A_1757 = vector.broadcast %add3A_1756 : i32 to vector<16xi32>
      %add3A_1758 = arith.addi %add3A_1630, %add3A_1757 : vector<16xi32>
      %gather3A_1759 = tpu.vector_load_idx %arg33[%add3A_1758] : memref<1280xf32, #tpu.memory_space<vmem>>[vector<16xi32>], vector<16xf32>,
      %add3A_1760 = arith.addf %add3A_1750, %gather3A_1759 : vector<16xf32>
      %add3A_1761 = arith.constant 13 : i32
      %add3A_1762 = vector.broadcast %add3A_1761 : i32 to vector<16xi32>
      %add3A_1763 = arith.addi %add3A_1630, %add3A_1762 : vector<16xi32>
      %gather3A_1764 = tpu.vector_load_idx %arg32[%add3A_1763] : memref<1280xf32, #tpu.memory_space<vmem>>[vector<16xi32>], vector<16xf32>,
      %add3A_1765 = arith.addf %add3A_1755, %gather3A_1764 : vector<16xf32>
      %add3A_1766 = arith.constant 13 : i32
      %add3A_1767 = vector.broadcast %add3A_1766 : i32 to vector<16xi32>
      %add3A_1768 = arith.addi %add3A_1630, %add3A_1767 : vector<16xi32>
      %gather3A_1769 = tpu.vector_load_idx %arg33[%add3A_1768] : memref<1280xf32, #tpu.memory_space<vmem>>[vector<16xi32>], vector<16xf32>,
      %add3A_1770 = arith.addf %add3A_1760, %gather3A_1769 : vector<16xf32>
      %add3A_1771 = arith.constant 14 : i32
      %add3A_1772 = vector.broadcast %add3A_1771 : i32 to vector<16xi32>
      %add3A_1773 = arith.addi %add3A_1630, %add3A_1772 : vector<16xi32>
      %gather3A_1774 = tpu.vector_load_idx %arg32[%add3A_1773] : memref<1280xf32, #tpu.memory_space<vmem>>[vector<16xi32>], vector<16xf32>,
      %add3A_1775 = arith.addf %add3A_1765, %gather3A_1774 : vector<16xf32>
      %add3A_1776 = arith.constant 14 : i32
      %add3A_1777 = vector.broadcast %add3A_1776 : i32 to vector<16xi32>
      %add3A_1778 = arith.addi %add3A_1630, %add3A_1777 : vector<16xi32>
      %gather3A_1779 = tpu.vector_load_idx %arg33[%add3A_1778] : memref<1280xf32, #tpu.memory_space<vmem>>[vector<16xi32>], vector<16xf32>,
      %add3A_1780 = arith.addf %add3A_1770, %gather3A_1779 : vector<16xf32>
      %add3A_1781 = arith.constant 15 : i32
      %add3A_1782 = vector.broadcast %add3A_1781 : i32 to vector<16xi32>
      %add3A_1783 = arith.addi %add3A_1630, %add3A_1782 : vector<16xi32>
      %gather3A_1784 = tpu.vector_load_idx %arg32[%add3A_1783] : memref<1280xf32, #tpu.memory_space<vmem>>[vector<16xi32>], vector<16xf32>,
      %add3A_1785 = arith.addf %add3A_1775, %gather3A_1784 : vector<16xf32>
      %add3A_1786 = arith.constant 15 : i32
      %add3A_1787 = vector.broadcast %add3A_1786 : i32 to vector<16xi32>
      %add3A_1788 = arith.addi %add3A_1630, %add3A_1787 : vector<16xi32>
      %gather3A_1789 = tpu.vector_load_idx %arg33[%add3A_1788] : memref<1280xf32, #tpu.memory_space<vmem>>[vector<16xi32>], vector<16xf32>,
      %add3A_1790 = arith.addf %add3A_1780, %gather3A_1789 : vector<16xf32>
      %exp3A_1791 = math.exp %add3A_1785 : vector<16xf32>
      %swap3A_1792 = arith.constant 48 : index
      %swap3A_1793 = tpu.vector_load %arg22[%swap3A_1792] {strides = array<i32>} : memref<80xf32, #tpu.memory_space<vmem>>, vector<16xf32>,
      tpu.vector_store %arg22[%swap3A_1792], %exp3A_1791 {strides = array<i32>} : memref<80xf32, #tpu.memory_space<vmem>>, vector<16xf32>,
      %exp3A_1794 = math.exp %add3A_1790 : vector<16xf32>
      %swap3A_1795 = arith.constant 48 : index
      %swap3A_1796 = tpu.vector_load %arg23[%swap3A_1795] {strides = array<i32>} : memref<80xf32, #tpu.memory_space<vmem>>, vector<16xf32>,
      tpu.vector_store %arg23[%swap3A_1795], %exp3A_1794 {strides = array<i32>} : memref<80xf32, #tpu.memory_space<vmem>>, vector<16xf32>,
      %add3A_1797 = arith.constant 1024 : i32
      %add3A_1798 = vector.broadcast %add3A_1797 : i32 to vector<16xi32>
      %add3A_1799 = arith.addi %mul3A_2, %add3A_1798 : vector<16xi32>
      %add3A_1800 = arith.constant 0 : i32
      %add3A_1801 = vector.broadcast %add3A_1800 : i32 to vector<16xi32>
      %add3A_1802 = arith.addi %add3A_1799, %add3A_1801 : vector<16xi32>
      %gather3A_1803 = tpu.vector_load_idx %arg32[%add3A_1802] : memref<1280xf32, #tpu.memory_space<vmem>>[vector<16xi32>], vector<16xf32>,
      %add3A_1804 = arith.addf %broadcast_in_dim3A_0, %gather3A_1803 : vector<16xf32>
      %add3A_1805 = arith.constant 0 : i32
      %add3A_1806 = vector.broadcast %add3A_1805 : i32 to vector<16xi32>
      %add3A_1807 = arith.addi %add3A_1799, %add3A_1806 : vector<16xi32>
      %gather3A_1808 = tpu.vector_load_idx %arg33[%add3A_1807] : memref<1280xf32, #tpu.memory_space<vmem>>[vector<16xi32>], vector<16xf32>,
      %add3A_1809 = arith.addf %broadcast_in_dim3A_0, %gather3A_1808 : vector<16xf32>
      %add3A_1810 = arith.constant 1 : i32
      %add3A_1811 = vector.broadcast %add3A_1810 : i32 to vector<16xi32>
      %add3A_1812 = arith.addi %add3A_1799, %add3A_1811 : vector<16xi32>
      %gather3A_1813 = tpu.vector_load_idx %arg32[%add3A_1812] : memref<1280xf32, #tpu.memory_space<vmem>>[vector<16xi32>], vector<16xf32>,
      %add3A_1814 = arith.addf %add3A_1804, %gather3A_1813 : vector<16xf32>
      %add3A_1815 = arith.constant 1 : i32
      %add3A_1816 = vector.broadcast %add3A_1815 : i32 to vector<16xi32>
      %add3A_1817 = arith.addi %add3A_1799, %add3A_1816 : vector<16xi32>
      %gather3A_1818 = tpu.vector_load_idx %arg33[%add3A_1817] : memref<1280xf32, #tpu.memory_space<vmem>>[vector<16xi32>], vector<16xf32>,
      %add3A_1819 = arith.addf %add3A_1809, %gather3A_1818 : vector<16xf32>
      %add3A_1820 = arith.constant 2 : i32
      %add3A_1821 = vector.broadcast %add3A_1820 : i32 to vector<16xi32>
      %add3A_1822 = arith.addi %add3A_1799, %add3A_1821 : vector<16xi32>
      %gather3A_1823 = tpu.vector_load_idx %arg32[%add3A_1822] : memref<1280xf32, #tpu.memory_space<vmem>>[vector<16xi32>], vector<16xf32>,
      %add3A_1824 = arith.addf %add3A_1814, %gather3A_1823 : vector<16xf32>
      %add3A_1825 = arith.constant 2 : i32
      %add3A_1826 = vector.broadcast %add3A_1825 : i32 to vector<16xi32>
      %add3A_1827 = arith.addi %add3A_1799, %add3A_1826 : vector<16xi32>
      %gather3A_1828 = tpu.vector_load_idx %arg33[%add3A_1827] : memref<1280xf32, #tpu.memory_space<vmem>>[vector<16xi32>], vector<16xf32>,
      %add3A_1829 = arith.addf %add3A_1819, %gather3A_1828 : vector<16xf32>
      %add3A_1830 = arith.constant 3 : i32
      %add3A_1831 = vector.broadcast %add3A_1830 : i32 to vector<16xi32>
      %add3A_1832 = arith.addi %add3A_1799, %add3A_1831 : vector<16xi32>
      %gather3A_1833 = tpu.vector_load_idx %arg32[%add3A_1832] : memref<1280xf32, #tpu.memory_space<vmem>>[vector<16xi32>], vector<16xf32>,
      %add3A_1834 = arith.addf %add3A_1824, %gather3A_1833 : vector<16xf32>
      %add3A_1835 = arith.constant 3 : i32
      %add3A_1836 = vector.broadcast %add3A_1835 : i32 to vector<16xi32>
      %add3A_1837 = arith.addi %add3A_1799, %add3A_1836 : vector<16xi32>
      %gather3A_1838 = tpu.vector_load_idx %arg33[%add3A_1837] : memref<1280xf32, #tpu.memory_space<vmem>>[vector<16xi32>], vector<16xf32>,
      %add3A_1839 = arith.addf %add3A_1829, %gather3A_1838 : vector<16xf32>
      %add3A_1840 = arith.constant 4 : i32
      %add3A_1841 = vector.broadcast %add3A_1840 : i32 to vector<16xi32>
      %add3A_1842 = arith.addi %add3A_1799, %add3A_1841 : vector<16xi32>
      %gather3A_1843 = tpu.vector_load_idx %arg32[%add3A_1842] : memref<1280xf32, #tpu.memory_space<vmem>>[vector<16xi32>], vector<16xf32>,
      %add3A_1844 = arith.addf %add3A_1834, %gather3A_1843 : vector<16xf32>
      %add3A_1845 = arith.constant 4 : i32
      %add3A_1846 = vector.broadcast %add3A_1845 : i32 to vector<16xi32>
      %add3A_1847 = arith.addi %add3A_1799, %add3A_1846 : vector<16xi32>
      %gather3A_1848 = tpu.vector_load_idx %arg33[%add3A_1847] : memref<1280xf32, #tpu.memory_space<vmem>>[vector<16xi32>], vector<16xf32>,
      %add3A_1849 = arith.addf %add3A_1839, %gather3A_1848 : vector<16xf32>
      %add3A_1850 = arith.constant 5 : i32
      %add3A_1851 = vector.broadcast %add3A_1850 : i32 to vector<16xi32>
      %add3A_1852 = arith.addi %add3A_1799, %add3A_1851 : vector<16xi32>
      %gather3A_1853 = tpu.vector_load_idx %arg32[%add3A_1852] : memref<1280xf32, #tpu.memory_space<vmem>>[vector<16xi32>], vector<16xf32>,
      %add3A_1854 = arith.addf %add3A_1844, %gather3A_1853 : vector<16xf32>
      %add3A_1855 = arith.constant 5 : i32
      %add3A_1856 = vector.broadcast %add3A_1855 : i32 to vector<16xi32>
      %add3A_1857 = arith.addi %add3A_1799, %add3A_1856 : vector<16xi32>
      %gather3A_1858 = tpu.vector_load_idx %arg33[%add3A_1857] : memref<1280xf32, #tpu.memory_space<vmem>>[vector<16xi32>], vector<16xf32>,
      %add3A_1859 = arith.addf %add3A_1849, %gather3A_1858 : vector<16xf32>
      %add3A_1860 = arith.constant 6 : i32
      %add3A_1861 = vector.broadcast %add3A_1860 : i32 to vector<16xi32>
      %add3A_1862 = arith.addi %add3A_1799, %add3A_1861 : vector<16xi32>
      %gather3A_1863 = tpu.vector_load_idx %arg32[%add3A_1862] : memref<1280xf32, #tpu.memory_space<vmem>>[vector<16xi32>], vector<16xf32>,
      %add3A_1864 = arith.addf %add3A_1854, %gather3A_1863 : vector<16xf32>
      %add3A_1865 = arith.constant 6 : i32
      %add3A_1866 = vector.broadcast %add3A_1865 : i32 to vector<16xi32>
      %add3A_1867 = arith.addi %add3A_1799, %add3A_1866 : vector<16xi32>
      %gather3A_1868 = tpu.vector_load_idx %arg33[%add3A_1867] : memref<1280xf32, #tpu.memory_space<vmem>>[vector<16xi32>], vector<16xf32>,
      %add3A_1869 = arith.addf %add3A_1859, %gather3A_1868 : vector<16xf32>
      %add3A_1870 = arith.constant 7 : i32
      %add3A_1871 = vector.broadcast %add3A_1870 : i32 to vector<16xi32>
      %add3A_1872 = arith.addi %add3A_1799, %add3A_1871 : vector<16xi32>
      %gather3A_1873 = tpu.vector_load_idx %arg32[%add3A_1872] : memref<1280xf32, #tpu.memory_space<vmem>>[vector<16xi32>], vector<16xf32>,
      %add3A_1874 = arith.addf %add3A_1864, %gather3A_1873 : vector<16xf32>
      %add3A_1875 = arith.constant 7 : i32
      %add3A_1876 = vector.broadcast %add3A_1875 : i32 to vector<16xi32>
      %add3A_1877 = arith.addi %add3A_1799, %add3A_1876 : vector<16xi32>
      %gather3A_1878 = tpu.vector_load_idx %arg33[%add3A_1877] : memref<1280xf32, #tpu.memory_space<vmem>>[vector<16xi32>], vector<16xf32>,
      %add3A_1879 = arith.addf %add3A_1869, %gather3A_1878 : vector<16xf32>
      %add3A_1880 = arith.constant 8 : i32
      %add3A_1881 = vector.broadcast %add3A_1880 : i32 to vector<16xi32>
      %add3A_1882 = arith.addi %add3A_1799, %add3A_1881 : vector<16xi32>
      %gather3A_1883 = tpu.vector_load_idx %arg32[%add3A_1882] : memref<1280xf32, #tpu.memory_space<vmem>>[vector<16xi32>], vector<16xf32>,
      %add3A_1884 = arith.addf %add3A_1874, %gather3A_1883 : vector<16xf32>
      %add3A_1885 = arith.constant 8 : i32
      %add3A_1886 = vector.broadcast %add3A_1885 : i32 to vector<16xi32>
      %add3A_1887 = arith.addi %add3A_1799, %add3A_1886 : vector<16xi32>
      %gather3A_1888 = tpu.vector_load_idx %arg33[%add3A_1887] : memref<1280xf32, #tpu.memory_space<vmem>>[vector<16xi32>], vector<16xf32>,
      %add3A_1889 = arith.addf %add3A_1879, %gather3A_1888 : vector<16xf32>
      %add3A_1890 = arith.constant 9 : i32
      %add3A_1891 = vector.broadcast %add3A_1890 : i32 to vector<16xi32>
      %add3A_1892 = arith.addi %add3A_1799, %add3A_1891 : vector<16xi32>
      %gather3A_1893 = tpu.vector_load_idx %arg32[%add3A_1892] : memref<1280xf32, #tpu.memory_space<vmem>>[vector<16xi32>], vector<16xf32>,
      %add3A_1894 = arith.addf %add3A_1884, %gather3A_1893 : vector<16xf32>
      %add3A_1895 = arith.constant 9 : i32
      %add3A_1896 = vector.broadcast %add3A_1895 : i32 to vector<16xi32>
      %add3A_1897 = arith.addi %add3A_1799, %add3A_1896 : vector<16xi32>
      %gather3A_1898 = tpu.vector_load_idx %arg33[%add3A_1897] : memref<1280xf32, #tpu.memory_space<vmem>>[vector<16xi32>], vector<16xf32>,
      %add3A_1899 = arith.addf %add3A_1889, %gather3A_1898 : vector<16xf32>
      %add3A_1900 = arith.constant 10 : i32
      %add3A_1901 = vector.broadcast %add3A_1900 : i32 to vector<16xi32>
      %add3A_1902 = arith.addi %add3A_1799, %add3A_1901 : vector<16xi32>
      %gather3A_1903 = tpu.vector_load_idx %arg32[%add3A_1902] : memref<1280xf32, #tpu.memory_space<vmem>>[vector<16xi32>], vector<16xf32>,
      %add3A_1904 = arith.addf %add3A_1894, %gather3A_1903 : vector<16xf32>
      %add3A_1905 = arith.constant 10 : i32
      %add3A_1906 = vector.broadcast %add3A_1905 : i32 to vector<16xi32>
      %add3A_1907 = arith.addi %add3A_1799, %add3A_1906 : vector<16xi32>
      %gather3A_1908 = tpu.vector_load_idx %arg33[%add3A_1907] : memref<1280xf32, #tpu.memory_space<vmem>>[vector<16xi32>], vector<16xf32>,
      %add3A_1909 = arith.addf %add3A_1899, %gather3A_1908 : vector<16xf32>
      %add3A_1910 = arith.constant 11 : i32
      %add3A_1911 = vector.broadcast %add3A_1910 : i32 to vector<16xi32>
      %add3A_1912 = arith.addi %add3A_1799, %add3A_1911 : vector<16xi32>
      %gather3A_1913 = tpu.vector_load_idx %arg32[%add3A_1912] : memref<1280xf32, #tpu.memory_space<vmem>>[vector<16xi32>], vector<16xf32>,
      %add3A_1914 = arith.addf %add3A_1904, %gather3A_1913 : vector<16xf32>
      %add3A_1915 = arith.constant 11 : i32
      %add3A_1916 = vector.broadcast %add3A_1915 : i32 to vector<16xi32>
      %add3A_1917 = arith.addi %add3A_1799, %add3A_1916 : vector<16xi32>
      %gather3A_1918 = tpu.vector_load_idx %arg33[%add3A_1917] : memref<1280xf32, #tpu.memory_space<vmem>>[vector<16xi32>], vector<16xf32>,
      %add3A_1919 = arith.addf %add3A_1909, %gather3A_1918 : vector<16xf32>
      %add3A_1920 = arith.constant 12 : i32
      %add3A_1921 = vector.broadcast %add3A_1920 : i32 to vector<16xi32>
      %add3A_1922 = arith.addi %add3A_1799, %add3A_1921 : vector<16xi32>
      %gather3A_1923 = tpu.vector_load_idx %arg32[%add3A_1922] : memref<1280xf32, #tpu.memory_space<vmem>>[vector<16xi32>], vector<16xf32>,
      %add3A_1924 = arith.addf %add3A_1914, %gather3A_1923 : vector<16xf32>
      %add3A_1925 = arith.constant 12 : i32
      %add3A_1926 = vector.broadcast %add3A_1925 : i32 to vector<16xi32>
      %add3A_1927 = arith.addi %add3A_1799, %add3A_1926 : vector<16xi32>
      %gather3A_1928 = tpu.vector_load_idx %arg33[%add3A_1927] : memref<1280xf32, #tpu.memory_space<vmem>>[vector<16xi32>], vector<16xf32>,
      %add3A_1929 = arith.addf %add3A_1919, %gather3A_1928 : vector<16xf32>
      %add3A_1930 = arith.constant 13 : i32
      %add3A_1931 = vector.broadcast %add3A_1930 : i32 to vector<16xi32>
      %add3A_1932 = arith.addi %add3A_1799, %add3A_1931 : vector<16xi32>
      %gather3A_1933 = tpu.vector_load_idx %arg32[%add3A_1932] : memref<1280xf32, #tpu.memory_space<vmem>>[vector<16xi32>], vector<16xf32>,
      %add3A_1934 = arith.addf %add3A_1924, %gather3A_1933 : vector<16xf32>
      %add3A_1935 = arith.constant 13 : i32
      %add3A_1936 = vector.broadcast %add3A_1935 : i32 to vector<16xi32>
      %add3A_1937 = arith.addi %add3A_1799, %add3A_1936 : vector<16xi32>
      %gather3A_1938 = tpu.vector_load_idx %arg33[%add3A_1937] : memref<1280xf32, #tpu.memory_space<vmem>>[vector<16xi32>], vector<16xf32>,
      %add3A_1939 = arith.addf %add3A_1929, %gather3A_1938 : vector<16xf32>
      %add3A_1940 = arith.constant 14 : i32
      %add3A_1941 = vector.broadcast %add3A_1940 : i32 to vector<16xi32>
      %add3A_1942 = arith.addi %add3A_1799, %add3A_1941 : vector<16xi32>
      %gather3A_1943 = tpu.vector_load_idx %arg32[%add3A_1942] : memref<1280xf32, #tpu.memory_space<vmem>>[vector<16xi32>], vector<16xf32>,
      %add3A_1944 = arith.addf %add3A_1934, %gather3A_1943 : vector<16xf32>
      %add3A_1945 = arith.constant 14 : i32
      %add3A_1946 = vector.broadcast %add3A_1945 : i32 to vector<16xi32>
      %add3A_1947 = arith.addi %add3A_1799, %add3A_1946 : vector<16xi32>
      %gather3A_1948 = tpu.vector_load_idx %arg33[%add3A_1947] : memref<1280xf32, #tpu.memory_space<vmem>>[vector<16xi32>], vector<16xf32>,
      %add3A_1949 = arith.addf %add3A_1939, %gather3A_1948 : vector<16xf32>
      %add3A_1950 = arith.constant 15 : i32
      %add3A_1951 = vector.broadcast %add3A_1950 : i32 to vector<16xi32>
      %add3A_1952 = arith.addi %add3A_1799, %add3A_1951 : vector<16xi32>
      %gather3A_1953 = tpu.vector_load_idx %arg32[%add3A_1952] : memref<1280xf32, #tpu.memory_space<vmem>>[vector<16xi32>], vector<16xf32>,
      %add3A_1954 = arith.addf %add3A_1944, %gather3A_1953 : vector<16xf32>
      %add3A_1955 = arith.constant 15 : i32
      %add3A_1956 = vector.broadcast %add3A_1955 : i32 to vector<16xi32>
      %add3A_1957 = arith.addi %add3A_1799, %add3A_1956 : vector<16xi32>
      %gather3A_1958 = tpu.vector_load_idx %arg33[%add3A_1957] : memref<1280xf32, #tpu.memory_space<vmem>>[vector<16xi32>], vector<16xf32>,
      %add3A_1959 = arith.addf %add3A_1949, %gather3A_1958 : vector<16xf32>
      %exp3A_1960 = math.exp %add3A_1954 : vector<16xf32>
      %swap3A_1961 = arith.constant 64 : index
      %swap3A_1962 = tpu.vector_load %arg22[%swap3A_1961] {strides = array<i32>} : memref<80xf32, #tpu.memory_space<vmem>>, vector<16xf32>,
      tpu.vector_store %arg22[%swap3A_1961], %exp3A_1960 {strides = array<i32>} : memref<80xf32, #tpu.memory_space<vmem>>, vector<16xf32>,
      %exp3A_1963 = math.exp %add3A_1959 : vector<16xf32>
      %swap3A_1964 = arith.constant 64 : index
      %swap3A_1965 = tpu.vector_load %arg23[%swap3A_1964] {strides = array<i32>} : memref<80xf32, #tpu.memory_space<vmem>>, vector<16xf32>,
      tpu.vector_store %arg23[%swap3A_1964], %exp3A_1963 {strides = array<i32>} : memref<80xf32, #tpu.memory_space<vmem>>, vector<16xf32>,
      %scan3A_1966 = arith.constant 0 : i32
      %scan3A_1967 = arith.constant 0 : i32
      %scan3A_1968 = arith.constant 80 : i32
      %scan3A_1969 = arith.addi %scan3A_1967, %scan3A_1968 : i32
      %scan3A_1970 = arith.constant 1 : i32
      %scan3A_1971 = scf.for %scan3A_1982 = %scan3A_1967 to %scan3A_1969 step %scan3A_1970 iter_args(%scan3A_1983 = %scan3A_1966) -> (i32)  : i32 {
        %broadcast_in_dim3A_1984 = vector.broadcast %scan3A_1982 : i32 to vector<16xi32>
        %gather3A_1985 = tpu.vector_load_idx %arg22[%broadcast_in_dim3A_1984] : memref<80xf32, #tpu.memory_space<vmem>>[vector<16xi32>], vector<16xf32>,
        %gather3A_1986 = tpu.vector_load_idx %arg23[%broadcast_in_dim3A_1984] : memref<80xf32, #tpu.memory_space<vmem>>[vector<16xi32>], vector<16xf32>,
        %get3A_1987 = arith.index_cast %scan3A_1982 : i32 to index
        %get3A_1988 = arith.constant 0 : index
        %get3A_1989 = tpu.vector_load %arg15[%get3A_1987, %get3A_1988] {strides = array<i32>} : memref<80x128xf32, #tpu.memory_space<vmem>>, vector<16xf32>,
        %mul3A_1990 = arith.mulf %get3A_1989, %gather3A_1985 : vector<16xf32>
        %swap3A_1991 = arith.index_cast %scan3A_1982 : i32 to index
        %swap3A_1992 = arith.constant 0 : index
        %swap3A_1993 = tpu.vector_load %arg16[%swap3A_1991, %swap3A_1992] {strides = array<i32>} : memref<80x128xf32, #tpu.memory_space<vmem>>, vector<16xf32>,
        tpu.vector_store %arg16[%swap3A_1991, %swap3A_1992], %mul3A_1990 {strides = array<i32>} : memref<80x128xf32, #tpu.memory_space<vmem>>, vector<16xf32>,
        %get3A_1994 = arith.index_cast %scan3A_1982 : i32 to index
        %get3A_1995 = arith.constant 16 : index
        %get3A_1996 = tpu.vector_load %arg15[%get3A_1994, %get3A_1995] {strides = array<i32>} : memref<80x128xf32, #tpu.memory_space<vmem>>, vector<16xf32>,
        %mul3A_1997 = arith.mulf %get3A_1996, %gather3A_1985 : vector<16xf32>
        %swap3A_1998 = arith.index_cast %scan3A_1982 : i32 to index
        %swap3A_1999 = arith.constant 16 : index
        %swap3A_2000 = tpu.vector_load %arg16[%swap3A_1998, %swap3A_1999] {strides = array<i32>} : memref<80x128xf32, #tpu.memory_space<vmem>>, vector<16xf32>,
        tpu.vector_store %arg16[%swap3A_1998, %swap3A_1999], %mul3A_1997 {strides = array<i32>} : memref<80x128xf32, #tpu.memory_space<vmem>>, vector<16xf32>,
        %get3A_2001 = arith.index_cast %scan3A_1982 : i32 to index
        %get3A_2002 = arith.constant 32 : index
        %get3A_2003 = tpu.vector_load %arg15[%get3A_2001, %get3A_2002] {strides = array<i32>} : memref<80x128xf32, #tpu.memory_space<vmem>>, vector<16xf32>,
        %mul3A_2004 = arith.mulf %get3A_2003, %gather3A_1985 : vector<16xf32>
        %swap3A_2005 = arith.index_cast %scan3A_1982 : i32 to index
        %swap3A_2006 = arith.constant 32 : index
        %swap3A_2007 = tpu.vector_load %arg16[%swap3A_2005, %swap3A_2006] {strides = array<i32>} : memref<80x128xf32, #tpu.memory_space<vmem>>, vector<16xf32>,
        tpu.vector_store %arg16[%swap3A_2005, %swap3A_2006], %mul3A_2004 {strides = array<i32>} : memref<80x128xf32, #tpu.memory_space<vmem>>, vector<16xf32>,
        %get3A_2008 = arith.index_cast %scan3A_1982 : i32 to index
        %get3A_2009 = arith.constant 48 : index
        %get3A_2010 = tpu.vector_load %arg15[%get3A_2008, %get3A_2009] {strides = array<i32>} : memref<80x128xf32, #tpu.memory_space<vmem>>, vector<16xf32>,
        %mul3A_2011 = arith.mulf %get3A_2010, %gather3A_1985 : vector<16xf32>
        %swap3A_2012 = arith.index_cast %scan3A_1982 : i32 to index
        %swap3A_2013 = arith.constant 48 : index
        %swap3A_2014 = tpu.vector_load %arg16[%swap3A_2012, %swap3A_2013] {strides = array<i32>} : memref<80x128xf32, #tpu.memory_space<vmem>>, vector<16xf32>,
        tpu.vector_store %arg16[%swap3A_2012, %swap3A_2013], %mul3A_2011 {strides = array<i32>} : memref<80x128xf32, #tpu.memory_space<vmem>>, vector<16xf32>,
        %get3A_2015 = arith.index_cast %scan3A_1982 : i32 to index
        %get3A_2016 = arith.constant 64 : index
        %get3A_2017 = tpu.vector_load %arg15[%get3A_2015, %get3A_2016] {strides = array<i32>} : memref<80x128xf32, #tpu.memory_space<vmem>>, vector<16xf32>,
        %mul3A_2018 = arith.mulf %get3A_2017, %gather3A_1986 : vector<16xf32>
        %swap3A_2019 = arith.index_cast %scan3A_1982 : i32 to index
        %swap3A_2020 = arith.constant 64 : index
        %swap3A_2021 = tpu.vector_load %arg16[%swap3A_2019, %swap3A_2020] {strides = array<i32>} : memref<80x128xf32, #tpu.memory_space<vmem>>, vector<16xf32>,
        tpu.vector_store %arg16[%swap3A_2019, %swap3A_2020], %mul3A_2018 {strides = array<i32>} : memref<80x128xf32, #tpu.memory_space<vmem>>, vector<16xf32>,
        %get3A_2022 = arith.index_cast %scan3A_1982 : i32 to index
        %get3A_2023 = arith.constant 80 : index
        %get3A_2024 = tpu.vector_load %arg15[%get3A_2022, %get3A_2023] {strides = array<i32>} : memref<80x128xf32, #tpu.memory_space<vmem>>, vector<16xf32>,
        %mul3A_2025 = arith.mulf %get3A_2024, %gather3A_1986 : vector<16xf32>
        %swap3A_2026 = arith.index_cast %scan3A_1982 : i32 to index
        %swap3A_2027 = arith.constant 80 : index
        %swap3A_2028 = tpu.vector_load %arg16[%swap3A_2026, %swap3A_2027] {strides = array<i32>} : memref<80x128xf32, #tpu.memory_space<vmem>>, vector<16xf32>,
        tpu.vector_store %arg16[%swap3A_2026, %swap3A_2027], %mul3A_2025 {strides = array<i32>} : memref<80x128xf32, #tpu.memory_space<vmem>>, vector<16xf32>,
        %get3A_2029 = arith.index_cast %scan3A_1982 : i32 to index
        %get3A_2030 = arith.constant 96 : index
        %get3A_2031 = tpu.vector_load %arg15[%get3A_2029, %get3A_2030] {strides = array<i32>} : memref<80x128xf32, #tpu.memory_space<vmem>>, vector<16xf32>,
        %mul3A_2032 = arith.mulf %get3A_2031, %gather3A_1986 : vector<16xf32>
        %swap3A_2033 = arith.index_cast %scan3A_1982 : i32 to index
        %swap3A_2034 = arith.constant 96 : index
        %swap3A_2035 = tpu.vector_load %arg16[%swap3A_2033, %swap3A_2034] {strides = array<i32>} : memref<80x128xf32, #tpu.memory_space<vmem>>, vector<16xf32>,
        tpu.vector_store %arg16[%swap3A_2033, %swap3A_2034], %mul3A_2032 {strides = array<i32>} : memref<80x128xf32, #tpu.memory_space<vmem>>, vector<16xf32>,
        %get3A_2036 = arith.index_cast %scan3A_1982 : i32 to index
        %get3A_2037 = arith.constant 112 : index
        %get3A_2038 = tpu.vector_load %arg15[%get3A_2036, %get3A_2037] {strides = array<i32>} : memref<80x128xf32, #tpu.memory_space<vmem>>, vector<16xf32>,
        %mul3A_2039 = arith.mulf %get3A_2038, %gather3A_1986 : vector<16xf32>
        %swap3A_2040 = arith.index_cast %scan3A_1982 : i32 to index
        %swap3A_2041 = arith.constant 112 : index
        %swap3A_2042 = tpu.vector_load %arg16[%swap3A_2040, %swap3A_2041] {strides = array<i32>} : memref<80x128xf32, #tpu.memory_space<vmem>>, vector<16xf32>,
        tpu.vector_store %arg16[%swap3A_2040, %swap3A_2041], %mul3A_2039 {strides = array<i32>} : memref<80x128xf32, #tpu.memory_space<vmem>>, vector<16xf32>,
        %scan3A_2043 = arith.constant 0 : i32
        scf.yield %scan3A_2043 : i32
      }
      %scan3A_1972 = arith.constant 80 : i32
      "tpu.region"() ({
        %run_scoped3A = tpu.sem_alloc : memref<!tpu.dma_semaphore, #tpu.memory_space<semaphore_mem>>
        %dma_start3A_1982 = arith.constant 0 : i32
        %dma_start3A_1983 = arith.constant 0 : i32
        %dma_start3A_1984 = tpu.memref_slice %arg29[%dma_start3A_1982, %dma_start3A_1983] : memref<10000x128xf32, #tpu.memory_space<vmem_shared>> -> memref<10000x128xf32, #tpu.memory_space<vmem_shared>>
        tpu.enqueue_indirect_dma source(%arg16 : memref<80x128xf32, #tpu.memory_space<vmem>>) target(%dma_start3A_1984 : memref<10000x128xf32, #tpu.memory_space<vmem_shared>>) offsets(%arg19 : memref<80xi32, #tpu.memory_space<vmem>>) semaphore(%run_scoped3A : memref<!tpu.dma_semaphore, #tpu.memory_space<semaphore_mem>>) {add = true}
        %dma_wait3A_1985 = arith.constant 0 : i32
        %dma_wait3A_1986 = arith.constant 0 : i32
        %dma_wait3A_1987 = tpu.memref_slice %arg29[%dma_wait3A_1985, %dma_wait3A_1986] : memref<10000x128xf32, #tpu.memory_space<vmem_shared>> -> memref<10000x128xf32, #tpu.memory_space<vmem_shared>>
        tpu.wait_indirect_dma semaphore(%run_scoped3A : memref<!tpu.dma_semaphore, #tpu.memory_space<semaphore_mem>>) src(%arg16 : memref<80x128xf32, #tpu.memory_space<vmem>>) dst(%dma_wait3A_1987 : memref<10000x128xf32, #tpu.memory_space<vmem_shared>>)
        tpu.yield
      }) : () -> ()
      "tpu.region"() ({
        %run_scoped3A = tpu.sem_alloc : memref<!tpu.dma_semaphore, #tpu.memory_space<semaphore_mem>>
        %dma_start3A_1982 = arith.constant 0 : i32
        %dma_start3A_1983 = tpu.memref_slice %arg30[%dma_start3A_1982] : memref<10000xf32, #tpu.memory_space<vmem_shared>> -> memref<10000xf32, #tpu.memory_space<vmem_shared>>
        tpu.enqueue_indirect_dma source(%arg22 : memref<80xf32, #tpu.memory_space<vmem>>) target(%dma_start3A_1983 : memref<10000xf32, #tpu.memory_space<vmem_shared>>) offsets(%arg19 : memref<80xi32, #tpu.memory_space<vmem>>) semaphore(%run_scoped3A : memref<!tpu.dma_semaphore, #tpu.memory_space<semaphore_mem>>) {add = true}
        %dma_wait3A_1984 = arith.constant 0 : i32
        %dma_wait3A_1985 = tpu.memref_slice %arg30[%dma_wait3A_1984] : memref<10000xf32, #tpu.memory_space<vmem_shared>> -> memref<10000xf32, #tpu.memory_space<vmem_shared>>
        tpu.wait_indirect_dma semaphore(%run_scoped3A : memref<!tpu.dma_semaphore, #tpu.memory_space<semaphore_mem>>) src(%arg22 : memref<80xf32, #tpu.memory_space<vmem>>) dst(%dma_wait3A_1985 : memref<10000xf32, #tpu.memory_space<vmem_shared>>)
        tpu.yield
      }) : () -> ()
      "tpu.region"() ({
        %run_scoped3A = tpu.sem_alloc : memref<!tpu.dma_semaphore, #tpu.memory_space<semaphore_mem>>
        %dma_start3A_1982 = arith.constant 0 : i32
        %dma_start3A_1983 = tpu.memref_slice %arg31[%dma_start3A_1982] : memref<10000xf32, #tpu.memory_space<vmem_shared>> -> memref<10000xf32, #tpu.memory_space<vmem_shared>>
        tpu.enqueue_indirect_dma source(%arg23 : memref<80xf32, #tpu.memory_space<vmem>>) target(%dma_start3A_1983 : memref<10000xf32, #tpu.memory_space<vmem_shared>>) offsets(%arg19 : memref<80xi32, #tpu.memory_space<vmem>>) semaphore(%run_scoped3A : memref<!tpu.dma_semaphore, #tpu.memory_space<semaphore_mem>>) {add = true}
        %dma_wait3A_1984 = arith.constant 0 : i32
        %dma_wait3A_1985 = tpu.memref_slice %arg31[%dma_wait3A_1984] : memref<10000xf32, #tpu.memory_space<vmem_shared>> -> memref<10000xf32, #tpu.memory_space<vmem_shared>>
        tpu.wait_indirect_dma semaphore(%run_scoped3A : memref<!tpu.dma_semaphore, #tpu.memory_space<semaphore_mem>>) src(%arg23 : memref<80xf32, #tpu.memory_space<vmem>>) dst(%dma_wait3A_1985 : memref<10000xf32, #tpu.memory_space<vmem_shared>>)
        tpu.yield
      }) : () -> ()
      %mul3A_1973 = arith.constant 640000 : i32
      %mul3A_1974 = arith.muli %arg0, %mul3A_1973 : i32
      %add3A_1975 = arith.addi %mul3A_1974, %add3A_1113 : i32
      "tpu.region"() ({
        %run_scoped3A = tpu.sem_alloc : memref<!tpu.dma_semaphore, #tpu.memory_space<semaphore_mem>>
        %dma_start3A_1982 = tpu.memref_slice %arg34[%add3A_1975] : memref<1280000xf32, #tpu.memory_space<hbm>> -> memref<80xf32, #tpu.memory_space<hbm>>
        %dma_start3A_1983 = tpu.memref_slice %arg34[%add3A_1975] : memref<1280000xf32, #tpu.memory_space<hbm>> -> memref<80xf32, #tpu.memory_space<hbm>>
        tpu.enqueue_dma source(%arg22 : memref<80xf32, #tpu.memory_space<vmem>>) target(%dma_start3A_1983 : memref<80xf32, #tpu.memory_space<hbm>>) target_semaphore(%run_scoped3A : memref<!tpu.dma_semaphore, #tpu.memory_space<semaphore_mem>>)
        %dma_wait3A_1984 = tpu.memref_slice %arg34[%add3A_1975] : memref<1280000xf32, #tpu.memory_space<hbm>> -> memref<80xf32, #tpu.memory_space<hbm>>
        %dma_wait3A_1985 = tpu.memref_slice %arg34[%add3A_1975] : memref<1280000xf32, #tpu.memory_space<hbm>> -> memref<80xf32, #tpu.memory_space<hbm>>
        tpu.wait_dma2 semaphore(%run_scoped3A : memref<!tpu.dma_semaphore, #tpu.memory_space<semaphore_mem>>) src(%arg22 : memref<80xf32, #tpu.memory_space<vmem>>) dst(%dma_wait3A_1985 : memref<80xf32, #tpu.memory_space<hbm>>)
        tpu.yield
      }) : () -> ()
      %mul3A_1976 = arith.constant 640000 : i32
      %mul3A_1977 = arith.muli %arg0, %mul3A_1976 : i32
      %add3A_1978 = arith.constant 320000 : i32
      %add3A_1979 = arith.addi %mul3A_1977, %add3A_1978 : i32
      %add3A_1980 = arith.addi %add3A_1979, %add3A_1113 : i32
      "tpu.region"() ({
        %run_scoped3A = tpu.sem_alloc : memref<!tpu.dma_semaphore, #tpu.memory_space<semaphore_mem>>
        %dma_start3A_1982 = tpu.memref_slice %arg34[%add3A_1980] : memref<1280000xf32, #tpu.memory_space<hbm>> -> memref<80xf32, #tpu.memory_space<hbm>>
        %dma_start3A_1983 = tpu.memref_slice %arg34[%add3A_1980] : memref<1280000xf32, #tpu.memory_space<hbm>> -> memref<80xf32, #tpu.memory_space<hbm>>
        tpu.enqueue_dma source(%arg23 : memref<80xf32, #tpu.memory_space<vmem>>) target(%dma_start3A_1983 : memref<80xf32, #tpu.memory_space<hbm>>) target_semaphore(%run_scoped3A : memref<!tpu.dma_semaphore, #tpu.memory_space<semaphore_mem>>)
        %dma_wait3A_1984 = tpu.memref_slice %arg34[%add3A_1980] : memref<1280000xf32, #tpu.memory_space<hbm>> -> memref<80xf32, #tpu.memory_space<hbm>>
        %dma_wait3A_1985 = tpu.memref_slice %arg34[%add3A_1980] : memref<1280000xf32, #tpu.memory_space<hbm>> -> memref<80xf32, #tpu.memory_space<hbm>>
        tpu.wait_dma2 semaphore(%run_scoped3A : memref<!tpu.dma_semaphore, #tpu.memory_space<semaphore_mem>>) src(%arg23 : memref<80xf32, #tpu.memory_space<vmem>>) dst(%dma_wait3A_1985 : memref<80xf32, #tpu.memory_space<hbm>>)
        tpu.yield
      }) : () -> ()
      %scan3A_1981 = arith.constant 0 : i32
      scf.yield %scan3A_1981 : i32
    }
    %scan3A_127 = arith.constant 125 : i32
    %barrier3A_128 = arith.constant 0 : index
    tpu.barrier barrier_id(%barrier3A_128)
    %scan3A_129 = arith.constant 0 : i32
    %scan3A_130 = arith.constant 0 : i32
    %scan3A_131 = arith.constant 8 : i32
    %scan3A_132 = arith.addi %scan3A_130, %scan3A_131 : i32
    %scan3A_133 = arith.constant 1 : i32
    %scan3A_134 = scf.for %scan3A_159 = %scan3A_130 to %scan3A_132 step %scan3A_133 iter_args(%scan3A_160 = %scan3A_129) -> (i32)  : i32 {
      %mul3A_161 = arith.constant 16 : i32
      %mul3A_162 = arith.muli %scan3A_159, %mul3A_161 : i32
      %add3A_163 = arith.addi %arg1, %mul3A_162 : i32
      %lt3A = arith.constant 125 : i32
      %lt3A_164 = arith.cmpi slt, %add3A_163, %lt3A : i32
      %convert_element_type3A = arith.extui %lt3A_164 : i1 to i32
      %cond3A = arith.constant 0 : i32
      %cond3A_165 = arith.cmpi ne, %convert_element_type3A, %cond3A : i32
      scf.if %cond3A_165 {
        %mul3A_167 = arith.constant 80 : i32
        %mul3A_168 = arith.muli %add3A_163, %mul3A_167 : i32
        "tpu.region"() ({
          %run_scoped3A = tpu.sem_alloc : memref<!tpu.dma_semaphore, #tpu.memory_space<semaphore_mem>>
          %dma_start3A_276 = tpu.memref_slice %arg30[%mul3A_168] : memref<10000xf32, #tpu.memory_space<vmem_shared>> -> memref<80xf32, #tpu.memory_space<vmem_shared>>
          %dma_start3A_277 = tpu.memref_slice %arg30[%mul3A_168] : memref<10000xf32, #tpu.memory_space<vmem_shared>> -> memref<80xf32, #tpu.memory_space<vmem_shared>>
          tpu.enqueue_dma source(%dma_start3A_277 : memref<80xf32, #tpu.memory_space<vmem_shared>>) target(%arg26 : memref<80xf32, #tpu.memory_space<vmem>>) target_semaphore(%run_scoped3A : memref<!tpu.dma_semaphore, #tpu.memory_space<semaphore_mem>>)
          %dma_wait3A = tpu.memref_slice %arg30[%mul3A_168] : memref<10000xf32, #tpu.memory_space<vmem_shared>> -> memref<80xf32, #tpu.memory_space<vmem_shared>>
          %dma_wait3A_278 = tpu.memref_slice %arg30[%mul3A_168] : memref<10000xf32, #tpu.memory_space<vmem_shared>> -> memref<80xf32, #tpu.memory_space<vmem_shared>>
          tpu.wait_dma2 semaphore(%run_scoped3A : memref<!tpu.dma_semaphore, #tpu.memory_space<semaphore_mem>>) src(%dma_wait3A_278 : memref<80xf32, #tpu.memory_space<vmem_shared>>) dst(%arg26 : memref<80xf32, #tpu.memory_space<vmem>>)
          tpu.yield
        }) : () -> ()
        "tpu.region"() ({
          %run_scoped3A = tpu.sem_alloc : memref<!tpu.dma_semaphore, #tpu.memory_space<semaphore_mem>>
          %dma_start3A_276 = tpu.memref_slice %arg31[%mul3A_168] : memref<10000xf32, #tpu.memory_space<vmem_shared>> -> memref<80xf32, #tpu.memory_space<vmem_shared>>
          %dma_start3A_277 = tpu.memref_slice %arg31[%mul3A_168] : memref<10000xf32, #tpu.memory_space<vmem_shared>> -> memref<80xf32, #tpu.memory_space<vmem_shared>>
          tpu.enqueue_dma source(%dma_start3A_277 : memref<80xf32, #tpu.memory_space<vmem_shared>>) target(%arg27 : memref<80xf32, #tpu.memory_space<vmem>>) target_semaphore(%run_scoped3A : memref<!tpu.dma_semaphore, #tpu.memory_space<semaphore_mem>>)
          %dma_wait3A = tpu.memref_slice %arg31[%mul3A_168] : memref<10000xf32, #tpu.memory_space<vmem_shared>> -> memref<80xf32, #tpu.memory_space<vmem_shared>>
          %dma_wait3A_278 = tpu.memref_slice %arg31[%mul3A_168] : memref<10000xf32, #tpu.memory_space<vmem_shared>> -> memref<80xf32, #tpu.memory_space<vmem_shared>>
          tpu.wait_dma2 semaphore(%run_scoped3A : memref<!tpu.dma_semaphore, #tpu.memory_space<semaphore_mem>>) src(%dma_wait3A_278 : memref<80xf32, #tpu.memory_space<vmem_shared>>) dst(%arg27 : memref<80xf32, #tpu.memory_space<vmem>>)
          tpu.yield
        }) : () -> ()
        %get3A_169 = arith.constant 0 : index
        %get3A_170 = tpu.vector_load %arg26[%get3A_169] {strides = array<i32>} : memref<80xf32, #tpu.memory_space<vmem>>, vector<16xf32>,
        %add3A_171 = arith.constant 9.99999971E-10 : f32
        %add3A_172 = vector.broadcast %add3A_171 : f32 to vector<16xf32>
        %add3A_173 = arith.addf %get3A_170, %add3A_172 : vector<16xf32>
        %div3A = arith.constant 1.000000e+00 : f32
        %div3A_174 = vector.broadcast %div3A : f32 to vector<16xf32>
        %div3A_175 = arith.divf %div3A_174, %add3A_173 : vector<16xf32>
        %swap3A_176 = arith.constant 0 : index
        %swap3A_177 = tpu.vector_load %arg26[%swap3A_176] {strides = array<i32>} : memref<80xf32, #tpu.memory_space<vmem>>, vector<16xf32>,
        tpu.vector_store %arg26[%swap3A_176], %div3A_175 {strides = array<i32>} : memref<80xf32, #tpu.memory_space<vmem>>, vector<16xf32>,
        %get3A_178 = arith.constant 0 : index
        %get3A_179 = tpu.vector_load %arg27[%get3A_178] {strides = array<i32>} : memref<80xf32, #tpu.memory_space<vmem>>, vector<16xf32>,
        %add3A_180 = arith.constant 9.99999971E-10 : f32
        %add3A_181 = vector.broadcast %add3A_180 : f32 to vector<16xf32>
        %add3A_182 = arith.addf %get3A_179, %add3A_181 : vector<16xf32>
        %div3A_183 = arith.constant 1.000000e+00 : f32
        %div3A_184 = vector.broadcast %div3A_183 : f32 to vector<16xf32>
        %div3A_185 = arith.divf %div3A_184, %add3A_182 : vector<16xf32>
        %swap3A_186 = arith.constant 0 : index
        %swap3A_187 = tpu.vector_load %arg27[%swap3A_186] {strides = array<i32>} : memref<80xf32, #tpu.memory_space<vmem>>, vector<16xf32>,
        tpu.vector_store %arg27[%swap3A_186], %div3A_185 {strides = array<i32>} : memref<80xf32, #tpu.memory_space<vmem>>, vector<16xf32>,
        %get3A_188 = arith.constant 16 : index
        %get3A_189 = tpu.vector_load %arg26[%get3A_188] {strides = array<i32>} : memref<80xf32, #tpu.memory_space<vmem>>, vector<16xf32>,
        %add3A_190 = arith.constant 9.99999971E-10 : f32
        %add3A_191 = vector.broadcast %add3A_190 : f32 to vector<16xf32>
        %add3A_192 = arith.addf %get3A_189, %add3A_191 : vector<16xf32>
        %div3A_193 = arith.constant 1.000000e+00 : f32
        %div3A_194 = vector.broadcast %div3A_193 : f32 to vector<16xf32>
        %div3A_195 = arith.divf %div3A_194, %add3A_192 : vector<16xf32>
        %swap3A_196 = arith.constant 16 : index
        %swap3A_197 = tpu.vector_load %arg26[%swap3A_196] {strides = array<i32>} : memref<80xf32, #tpu.memory_space<vmem>>, vector<16xf32>,
        tpu.vector_store %arg26[%swap3A_196], %div3A_195 {strides = array<i32>} : memref<80xf32, #tpu.memory_space<vmem>>, vector<16xf32>,
        %get3A_198 = arith.constant 16 : index
        %get3A_199 = tpu.vector_load %arg27[%get3A_198] {strides = array<i32>} : memref<80xf32, #tpu.memory_space<vmem>>, vector<16xf32>,
        %add3A_200 = arith.constant 9.99999971E-10 : f32
        %add3A_201 = vector.broadcast %add3A_200 : f32 to vector<16xf32>
        %add3A_202 = arith.addf %get3A_199, %add3A_201 : vector<16xf32>
        %div3A_203 = arith.constant 1.000000e+00 : f32
        %div3A_204 = vector.broadcast %div3A_203 : f32 to vector<16xf32>
        %div3A_205 = arith.divf %div3A_204, %add3A_202 : vector<16xf32>
        %swap3A_206 = arith.constant 16 : index
        %swap3A_207 = tpu.vector_load %arg27[%swap3A_206] {strides = array<i32>} : memref<80xf32, #tpu.memory_space<vmem>>, vector<16xf32>,
        tpu.vector_store %arg27[%swap3A_206], %div3A_205 {strides = array<i32>} : memref<80xf32, #tpu.memory_space<vmem>>, vector<16xf32>,
        %get3A_208 = arith.constant 32 : index
        %get3A_209 = tpu.vector_load %arg26[%get3A_208] {strides = array<i32>} : memref<80xf32, #tpu.memory_space<vmem>>, vector<16xf32>,
        %add3A_210 = arith.constant 9.99999971E-10 : f32
        %add3A_211 = vector.broadcast %add3A_210 : f32 to vector<16xf32>
        %add3A_212 = arith.addf %get3A_209, %add3A_211 : vector<16xf32>
        %div3A_213 = arith.constant 1.000000e+00 : f32
        %div3A_214 = vector.broadcast %div3A_213 : f32 to vector<16xf32>
        %div3A_215 = arith.divf %div3A_214, %add3A_212 : vector<16xf32>
        %swap3A_216 = arith.constant 32 : index
        %swap3A_217 = tpu.vector_load %arg26[%swap3A_216] {strides = array<i32>} : memref<80xf32, #tpu.memory_space<vmem>>, vector<16xf32>,
        tpu.vector_store %arg26[%swap3A_216], %div3A_215 {strides = array<i32>} : memref<80xf32, #tpu.memory_space<vmem>>, vector<16xf32>,
        %get3A_218 = arith.constant 32 : index
        %get3A_219 = tpu.vector_load %arg27[%get3A_218] {strides = array<i32>} : memref<80xf32, #tpu.memory_space<vmem>>, vector<16xf32>,
        %add3A_220 = arith.constant 9.99999971E-10 : f32
        %add3A_221 = vector.broadcast %add3A_220 : f32 to vector<16xf32>
        %add3A_222 = arith.addf %get3A_219, %add3A_221 : vector<16xf32>
        %div3A_223 = arith.constant 1.000000e+00 : f32
        %div3A_224 = vector.broadcast %div3A_223 : f32 to vector<16xf32>
        %div3A_225 = arith.divf %div3A_224, %add3A_222 : vector<16xf32>
        %swap3A_226 = arith.constant 32 : index
        %swap3A_227 = tpu.vector_load %arg27[%swap3A_226] {strides = array<i32>} : memref<80xf32, #tpu.memory_space<vmem>>, vector<16xf32>,
        tpu.vector_store %arg27[%swap3A_226], %div3A_225 {strides = array<i32>} : memref<80xf32, #tpu.memory_space<vmem>>, vector<16xf32>,
        %get3A_228 = arith.constant 48 : index
        %get3A_229 = tpu.vector_load %arg26[%get3A_228] {strides = array<i32>} : memref<80xf32, #tpu.memory_space<vmem>>, vector<16xf32>,
        %add3A_230 = arith.constant 9.99999971E-10 : f32
        %add3A_231 = vector.broadcast %add3A_230 : f32 to vector<16xf32>
        %add3A_232 = arith.addf %get3A_229, %add3A_231 : vector<16xf32>
        %div3A_233 = arith.constant 1.000000e+00 : f32
        %div3A_234 = vector.broadcast %div3A_233 : f32 to vector<16xf32>
        %div3A_235 = arith.divf %div3A_234, %add3A_232 : vector<16xf32>
        %swap3A_236 = arith.constant 48 : index
        %swap3A_237 = tpu.vector_load %arg26[%swap3A_236] {strides = array<i32>} : memref<80xf32, #tpu.memory_space<vmem>>, vector<16xf32>,
        tpu.vector_store %arg26[%swap3A_236], %div3A_235 {strides = array<i32>} : memref<80xf32, #tpu.memory_space<vmem>>, vector<16xf32>,
        %get3A_238 = arith.constant 48 : index
        %get3A_239 = tpu.vector_load %arg27[%get3A_238] {strides = array<i32>} : memref<80xf32, #tpu.memory_space<vmem>>, vector<16xf32>,
        %add3A_240 = arith.constant 9.99999971E-10 : f32
        %add3A_241 = vector.broadcast %add3A_240 : f32 to vector<16xf32>
        %add3A_242 = arith.addf %get3A_239, %add3A_241 : vector<16xf32>
        %div3A_243 = arith.constant 1.000000e+00 : f32
        %div3A_244 = vector.broadcast %div3A_243 : f32 to vector<16xf32>
        %div3A_245 = arith.divf %div3A_244, %add3A_242 : vector<16xf32>
        %swap3A_246 = arith.constant 48 : index
        %swap3A_247 = tpu.vector_load %arg27[%swap3A_246] {strides = array<i32>} : memref<80xf32, #tpu.memory_space<vmem>>, vector<16xf32>,
        tpu.vector_store %arg27[%swap3A_246], %div3A_245 {strides = array<i32>} : memref<80xf32, #tpu.memory_space<vmem>>, vector<16xf32>,
        %get3A_248 = arith.constant 64 : index
        %get3A_249 = tpu.vector_load %arg26[%get3A_248] {strides = array<i32>} : memref<80xf32, #tpu.memory_space<vmem>>, vector<16xf32>,
        %add3A_250 = arith.constant 9.99999971E-10 : f32
        %add3A_251 = vector.broadcast %add3A_250 : f32 to vector<16xf32>
        %add3A_252 = arith.addf %get3A_249, %add3A_251 : vector<16xf32>
        %div3A_253 = arith.constant 1.000000e+00 : f32
        %div3A_254 = vector.broadcast %div3A_253 : f32 to vector<16xf32>
        %div3A_255 = arith.divf %div3A_254, %add3A_252 : vector<16xf32>
        %swap3A_256 = arith.constant 64 : index
        %swap3A_257 = tpu.vector_load %arg26[%swap3A_256] {strides = array<i32>} : memref<80xf32, #tpu.memory_space<vmem>>, vector<16xf32>,
        tpu.vector_store %arg26[%swap3A_256], %div3A_255 {strides = array<i32>} : memref<80xf32, #tpu.memory_space<vmem>>, vector<16xf32>,
        %get3A_258 = arith.constant 64 : index
        %get3A_259 = tpu.vector_load %arg27[%get3A_258] {strides = array<i32>} : memref<80xf32, #tpu.memory_space<vmem>>, vector<16xf32>,
        %add3A_260 = arith.constant 9.99999971E-10 : f32
        %add3A_261 = vector.broadcast %add3A_260 : f32 to vector<16xf32>
        %add3A_262 = arith.addf %get3A_259, %add3A_261 : vector<16xf32>
        %div3A_263 = arith.constant 1.000000e+00 : f32
        %div3A_264 = vector.broadcast %div3A_263 : f32 to vector<16xf32>
        %div3A_265 = arith.divf %div3A_264, %add3A_262 : vector<16xf32>
        %swap3A_266 = arith.constant 64 : index
        %swap3A_267 = tpu.vector_load %arg27[%swap3A_266] {strides = array<i32>} : memref<80xf32, #tpu.memory_space<vmem>>, vector<16xf32>,
        tpu.vector_store %arg27[%swap3A_266], %div3A_265 {strides = array<i32>} : memref<80xf32, #tpu.memory_space<vmem>>, vector<16xf32>,
        "tpu.region"() ({
          %run_scoped3A = tpu.sem_alloc : memref<!tpu.dma_semaphore, #tpu.memory_space<semaphore_mem>>
          %dma_start3A_276 = tpu.memref_slice %arg30[%mul3A_168] : memref<10000xf32, #tpu.memory_space<vmem_shared>> -> memref<80xf32, #tpu.memory_space<vmem_shared>>
          %dma_start3A_277 = tpu.memref_slice %arg30[%mul3A_168] : memref<10000xf32, #tpu.memory_space<vmem_shared>> -> memref<80xf32, #tpu.memory_space<vmem_shared>>
          tpu.enqueue_dma source(%arg26 : memref<80xf32, #tpu.memory_space<vmem>>) target(%dma_start3A_277 : memref<80xf32, #tpu.memory_space<vmem_shared>>) target_semaphore(%run_scoped3A : memref<!tpu.dma_semaphore, #tpu.memory_space<semaphore_mem>>)
          %dma_wait3A = tpu.memref_slice %arg30[%mul3A_168] : memref<10000xf32, #tpu.memory_space<vmem_shared>> -> memref<80xf32, #tpu.memory_space<vmem_shared>>
          %dma_wait3A_278 = tpu.memref_slice %arg30[%mul3A_168] : memref<10000xf32, #tpu.memory_space<vmem_shared>> -> memref<80xf32, #tpu.memory_space<vmem_shared>>
          tpu.wait_dma2 semaphore(%run_scoped3A : memref<!tpu.dma_semaphore, #tpu.memory_space<semaphore_mem>>) src(%arg26 : memref<80xf32, #tpu.memory_space<vmem>>) dst(%dma_wait3A_278 : memref<80xf32, #tpu.memory_space<vmem_shared>>)
          tpu.yield
        }) : () -> ()
        "tpu.region"() ({
          %run_scoped3A = tpu.sem_alloc : memref<!tpu.dma_semaphore, #tpu.memory_space<semaphore_mem>>
          %dma_start3A_276 = tpu.memref_slice %arg31[%mul3A_168] : memref<10000xf32, #tpu.memory_space<vmem_shared>> -> memref<80xf32, #tpu.memory_space<vmem_shared>>
          %dma_start3A_277 = tpu.memref_slice %arg31[%mul3A_168] : memref<10000xf32, #tpu.memory_space<vmem_shared>> -> memref<80xf32, #tpu.memory_space<vmem_shared>>
          tpu.enqueue_dma source(%arg27 : memref<80xf32, #tpu.memory_space<vmem>>) target(%dma_start3A_277 : memref<80xf32, #tpu.memory_space<vmem_shared>>) target_semaphore(%run_scoped3A : memref<!tpu.dma_semaphore, #tpu.memory_space<semaphore_mem>>)
          %dma_wait3A = tpu.memref_slice %arg31[%mul3A_168] : memref<10000xf32, #tpu.memory_space<vmem_shared>> -> memref<80xf32, #tpu.memory_space<vmem_shared>>
          %dma_wait3A_278 = tpu.memref_slice %arg31[%mul3A_168] : memref<10000xf32, #tpu.memory_space<vmem_shared>> -> memref<80xf32, #tpu.memory_space<vmem_shared>>
          tpu.wait_dma2 semaphore(%run_scoped3A : memref<!tpu.dma_semaphore, #tpu.memory_space<semaphore_mem>>) src(%arg27 : memref<80xf32, #tpu.memory_space<vmem>>) dst(%dma_wait3A_278 : memref<80xf32, #tpu.memory_space<vmem_shared>>)
          tpu.yield
        }) : () -> ()
        %mul3A_268 = arith.constant 20000 : i32
        %mul3A_269 = arith.muli %arg0, %mul3A_268 : i32
        %add3A_270 = arith.addi %mul3A_269, %mul3A_168 : i32
        "tpu.region"() ({
          %run_scoped3A = tpu.sem_alloc : memref<!tpu.dma_semaphore, #tpu.memory_space<semaphore_mem>>
          %dma_start3A_276 = tpu.memref_slice %arg35[%add3A_270] : memref<40000xf32, #tpu.memory_space<hbm>> -> memref<80xf32, #tpu.memory_space<hbm>>
          %dma_start3A_277 = tpu.memref_slice %arg35[%add3A_270] : memref<40000xf32, #tpu.memory_space<hbm>> -> memref<80xf32, #tpu.memory_space<hbm>>
          tpu.enqueue_dma source(%arg26 : memref<80xf32, #tpu.memory_space<vmem>>) target(%dma_start3A_277 : memref<80xf32, #tpu.memory_space<hbm>>) target_semaphore(%run_scoped3A : memref<!tpu.dma_semaphore, #tpu.memory_space<semaphore_mem>>)
          %dma_wait3A = tpu.memref_slice %arg35[%add3A_270] : memref<40000xf32, #tpu.memory_space<hbm>> -> memref<80xf32, #tpu.memory_space<hbm>>
          %dma_wait3A_278 = tpu.memref_slice %arg35[%add3A_270] : memref<40000xf32, #tpu.memory_space<hbm>> -> memref<80xf32, #tpu.memory_space<hbm>>
          tpu.wait_dma2 semaphore(%run_scoped3A : memref<!tpu.dma_semaphore, #tpu.memory_space<semaphore_mem>>) src(%arg26 : memref<80xf32, #tpu.memory_space<vmem>>) dst(%dma_wait3A_278 : memref<80xf32, #tpu.memory_space<hbm>>)
          tpu.yield
        }) : () -> ()
        %mul3A_271 = arith.constant 20000 : i32
        %mul3A_272 = arith.muli %arg0, %mul3A_271 : i32
        %add3A_273 = arith.constant 10000 : i32
        %add3A_274 = arith.addi %mul3A_272, %add3A_273 : i32
        %add3A_275 = arith.addi %add3A_274, %mul3A_168 : i32
        "tpu.region"() ({
          %run_scoped3A = tpu.sem_alloc : memref<!tpu.dma_semaphore, #tpu.memory_space<semaphore_mem>>
          %dma_start3A_276 = tpu.memref_slice %arg35[%add3A_275] : memref<40000xf32, #tpu.memory_space<hbm>> -> memref<80xf32, #tpu.memory_space<hbm>>
          %dma_start3A_277 = tpu.memref_slice %arg35[%add3A_275] : memref<40000xf32, #tpu.memory_space<hbm>> -> memref<80xf32, #tpu.memory_space<hbm>>
          tpu.enqueue_dma source(%arg27 : memref<80xf32, #tpu.memory_space<vmem>>) target(%dma_start3A_277 : memref<80xf32, #tpu.memory_space<hbm>>) target_semaphore(%run_scoped3A : memref<!tpu.dma_semaphore, #tpu.memory_space<semaphore_mem>>)
          %dma_wait3A = tpu.memref_slice %arg35[%add3A_275] : memref<40000xf32, #tpu.memory_space<hbm>> -> memref<80xf32, #tpu.memory_space<hbm>>
          %dma_wait3A_278 = tpu.memref_slice %arg35[%add3A_275] : memref<40000xf32, #tpu.memory_space<hbm>> -> memref<80xf32, #tpu.memory_space<hbm>>
          tpu.wait_dma2 semaphore(%run_scoped3A : memref<!tpu.dma_semaphore, #tpu.memory_space<semaphore_mem>>) src(%arg27 : memref<80xf32, #tpu.memory_space<vmem>>) dst(%dma_wait3A_278 : memref<80xf32, #tpu.memory_space<hbm>>)
          tpu.yield
        }) : () -> ()
      } else {
      }
      %scan3A_166 = arith.constant 0 : i32
      scf.yield %scan3A_166 : i32
    }
    %scan3A_135 = arith.constant 8 : i32
    %barrier3A_136 = arith.constant 0 : index
    tpu.barrier barrier_id(%barrier3A_136)
    %mul3A_137 = arith.constant 20000 : i32
    %mul3A_138 = arith.muli %arg0, %mul3A_137 : i32
    %broadcast_in_dim3A_139 = vector.broadcast %mul3A_138 : i32 to vector<16xi32>
    %mul3A_140 = arith.constant 20000 : i32
    %mul3A_141 = arith.muli %arg0, %mul3A_140 : i32
    %add3A_142 = arith.constant 10000 : i32
    %add3A_143 = arith.addi %mul3A_141, %add3A_142 : i32
    %broadcast_in_dim3A_144 = vector.broadcast %add3A_143 : i32 to vector<16xi32>
    %scan3A_145 = arith.constant 0 : i32
    %scan3A_146 = arith.constant 0 : i32
    %scan3A_147 = arith.constant 250 : i32
    %scan3A_148 = arith.addi %scan3A_146, %scan3A_147 : i32
    %scan3A_149 = arith.constant 1 : i32
    %scan3A_150 = scf.for %scan3A_159 = %scan3A_146 to %scan3A_148 step %scan3A_149 iter_args(%scan3A_160 = %scan3A_145) -> (i32)  : i32 {
      %mul3A_161 = arith.constant 20000 : i32
      %mul3A_162 = arith.muli %arg1, %mul3A_161 : i32
      %mul3A_163 = arith.constant 80 : i32
      %mul3A_164 = arith.muli %scan3A_159, %mul3A_163 : i32
      %add3A_165 = arith.addi %mul3A_162, %mul3A_164 : i32
      "tpu.region"() ({
        %run_scoped3A = tpu.sem_alloc : memref<!tpu.dma_semaphore, #tpu.memory_space<semaphore_mem>>
        %dma_start3A_310 = tpu.memref_slice %arg5[%add3A_165] : memref<320000xi32, #tpu.memory_space<hbm>> -> memref<80xi32, #tpu.memory_space<hbm>>
        %dma_start3A_311 = tpu.memref_slice %arg5[%add3A_165] : memref<320000xi32, #tpu.memory_space<hbm>> -> memref<80xi32, #tpu.memory_space<hbm>>
        tpu.enqueue_dma source(%dma_start3A_311 : memref<80xi32, #tpu.memory_space<hbm>>) target(%arg14 : memref<80xi32, #tpu.memory_space<vmem>>) target_semaphore(%run_scoped3A : memref<!tpu.dma_semaphore, #tpu.memory_space<semaphore_mem>>)
        %dma_wait3A_312 = tpu.memref_slice %arg5[%add3A_165] : memref<320000xi32, #tpu.memory_space<hbm>> -> memref<80xi32, #tpu.memory_space<hbm>>
        %dma_wait3A_313 = tpu.memref_slice %arg5[%add3A_165] : memref<320000xi32, #tpu.memory_space<hbm>> -> memref<80xi32, #tpu.memory_space<hbm>>
        tpu.wait_dma2 semaphore(%run_scoped3A : memref<!tpu.dma_semaphore, #tpu.memory_space<semaphore_mem>>) src(%dma_wait3A_313 : memref<80xi32, #tpu.memory_space<hbm>>) dst(%arg14 : memref<80xi32, #tpu.memory_space<vmem>>)
        tpu.yield
      }) : () -> ()
      %mul3A_166 = arith.constant 640000 : i32
      %mul3A_167 = arith.muli %arg0, %mul3A_166 : i32
      %add3A_168 = arith.addi %mul3A_167, %add3A_165 : i32
      "tpu.region"() ({
        %run_scoped3A = tpu.sem_alloc : memref<!tpu.dma_semaphore, #tpu.memory_space<semaphore_mem>>
        %dma_start3A_310 = tpu.memref_slice %arg34[%add3A_168] : memref<1280000xf32, #tpu.memory_space<hbm>> -> memref<80xf32, #tpu.memory_space<hbm>>
        %dma_start3A_311 = tpu.memref_slice %arg34[%add3A_168] : memref<1280000xf32, #tpu.memory_space<hbm>> -> memref<80xf32, #tpu.memory_space<hbm>>
        tpu.enqueue_dma source(%dma_start3A_311 : memref<80xf32, #tpu.memory_space<hbm>>) target(%arg20 : memref<80xf32, #tpu.memory_space<vmem>>) target_semaphore(%run_scoped3A : memref<!tpu.dma_semaphore, #tpu.memory_space<semaphore_mem>>)
        %dma_wait3A_312 = tpu.memref_slice %arg34[%add3A_168] : memref<1280000xf32, #tpu.memory_space<hbm>> -> memref<80xf32, #tpu.memory_space<hbm>>
        %dma_wait3A_313 = tpu.memref_slice %arg34[%add3A_168] : memref<1280000xf32, #tpu.memory_space<hbm>> -> memref<80xf32, #tpu.memory_space<hbm>>
        tpu.wait_dma2 semaphore(%run_scoped3A : memref<!tpu.dma_semaphore, #tpu.memory_space<semaphore_mem>>) src(%dma_wait3A_313 : memref<80xf32, #tpu.memory_space<hbm>>) dst(%arg20 : memref<80xf32, #tpu.memory_space<vmem>>)
        tpu.yield
      }) : () -> ()
      %mul3A_169 = arith.constant 640000 : i32
      %mul3A_170 = arith.muli %arg0, %mul3A_169 : i32
      %add3A_171 = arith.constant 320000 : i32
      %add3A_172 = arith.addi %mul3A_170, %add3A_171 : i32
      %add3A_173 = arith.addi %add3A_172, %add3A_165 : i32
      "tpu.region"() ({
        %run_scoped3A = tpu.sem_alloc : memref<!tpu.dma_semaphore, #tpu.memory_space<semaphore_mem>>
        %dma_start3A_310 = tpu.memref_slice %arg34[%add3A_173] : memref<1280000xf32, #tpu.memory_space<hbm>> -> memref<80xf32, #tpu.memory_space<hbm>>
        %dma_start3A_311 = tpu.memref_slice %arg34[%add3A_173] : memref<1280000xf32, #tpu.memory_space<hbm>> -> memref<80xf32, #tpu.memory_space<hbm>>
        tpu.enqueue_dma source(%dma_start3A_311 : memref<80xf32, #tpu.memory_space<hbm>>) target(%arg21 : memref<80xf32, #tpu.memory_space<vmem>>) target_semaphore(%run_scoped3A : memref<!tpu.dma_semaphore, #tpu.memory_space<semaphore_mem>>)
        %dma_wait3A_312 = tpu.memref_slice %arg34[%add3A_173] : memref<1280000xf32, #tpu.memory_space<hbm>> -> memref<80xf32, #tpu.memory_space<hbm>>
        %dma_wait3A_313 = tpu.memref_slice %arg34[%add3A_173] : memref<1280000xf32, #tpu.memory_space<hbm>> -> memref<80xf32, #tpu.memory_space<hbm>>
        tpu.wait_dma2 semaphore(%run_scoped3A : memref<!tpu.dma_semaphore, #tpu.memory_space<semaphore_mem>>) src(%dma_wait3A_313 : memref<80xf32, #tpu.memory_space<hbm>>) dst(%arg21 : memref<80xf32, #tpu.memory_space<vmem>>)
        tpu.yield
      }) : () -> ()
      %get3A_174 = arith.constant 0 : index
      %get3A_175 = tpu.vector_load %arg14[%get3A_174] {strides = array<i32>} : memref<80xi32, #tpu.memory_space<vmem>>, vector<16xi32>,
      %add3A_176 = arith.addi %get3A_175, %broadcast_in_dim3A_139 : vector<16xi32>
      %swap3A_177 = arith.constant 0 : index
      %swap3A_178 = tpu.vector_load %arg13[%swap3A_177] {strides = array<i32>} : memref<80xi32, #tpu.memory_space<vmem>>, vector<16xi32>,
      tpu.vector_store %arg13[%swap3A_177], %add3A_176 {strides = array<i32>} : memref<80xi32, #tpu.memory_space<vmem>>, vector<16xi32>,
      %get3A_179 = arith.constant 0 : index
      %get3A_180 = tpu.vector_load %arg14[%get3A_179] {strides = array<i32>} : memref<80xi32, #tpu.memory_space<vmem>>, vector<16xi32>,
      %add3A_181 = arith.addi %get3A_180, %broadcast_in_dim3A_144 : vector<16xi32>
      %swap3A_182 = arith.constant 0 : index
      %swap3A_183 = tpu.vector_load %arg12[%swap3A_182] {strides = array<i32>} : memref<80xi32, #tpu.memory_space<vmem>>, vector<16xi32>,
      tpu.vector_store %arg12[%swap3A_182], %add3A_181 {strides = array<i32>} : memref<80xi32, #tpu.memory_space<vmem>>, vector<16xi32>,
      %get3A_184 = arith.constant 16 : index
      %get3A_185 = tpu.vector_load %arg14[%get3A_184] {strides = array<i32>} : memref<80xi32, #tpu.memory_space<vmem>>, vector<16xi32>,
      %add3A_186 = arith.addi %get3A_185, %broadcast_in_dim3A_139 : vector<16xi32>
      %swap3A_187 = arith.constant 16 : index
      %swap3A_188 = tpu.vector_load %arg13[%swap3A_187] {strides = array<i32>} : memref<80xi32, #tpu.memory_space<vmem>>, vector<16xi32>,
      tpu.vector_store %arg13[%swap3A_187], %add3A_186 {strides = array<i32>} : memref<80xi32, #tpu.memory_space<vmem>>, vector<16xi32>,
      %get3A_189 = arith.constant 16 : index
      %get3A_190 = tpu.vector_load %arg14[%get3A_189] {strides = array<i32>} : memref<80xi32, #tpu.memory_space<vmem>>, vector<16xi32>,
      %add3A_191 = arith.addi %get3A_190, %broadcast_in_dim3A_144 : vector<16xi32>
      %swap3A_192 = arith.constant 16 : index
      %swap3A_193 = tpu.vector_load %arg12[%swap3A_192] {strides = array<i32>} : memref<80xi32, #tpu.memory_space<vmem>>, vector<16xi32>,
      tpu.vector_store %arg12[%swap3A_192], %add3A_191 {strides = array<i32>} : memref<80xi32, #tpu.memory_space<vmem>>, vector<16xi32>,
      %get3A_194 = arith.constant 32 : index
      %get3A_195 = tpu.vector_load %arg14[%get3A_194] {strides = array<i32>} : memref<80xi32, #tpu.memory_space<vmem>>, vector<16xi32>,
      %add3A_196 = arith.addi %get3A_195, %broadcast_in_dim3A_139 : vector<16xi32>
      %swap3A_197 = arith.constant 32 : index
      %swap3A_198 = tpu.vector_load %arg13[%swap3A_197] {strides = array<i32>} : memref<80xi32, #tpu.memory_space<vmem>>, vector<16xi32>,
      tpu.vector_store %arg13[%swap3A_197], %add3A_196 {strides = array<i32>} : memref<80xi32, #tpu.memory_space<vmem>>, vector<16xi32>,
      %get3A_199 = arith.constant 32 : index
      %get3A_200 = tpu.vector_load %arg14[%get3A_199] {strides = array<i32>} : memref<80xi32, #tpu.memory_space<vmem>>, vector<16xi32>,
      %add3A_201 = arith.addi %get3A_200, %broadcast_in_dim3A_144 : vector<16xi32>
      %swap3A_202 = arith.constant 32 : index
      %swap3A_203 = tpu.vector_load %arg12[%swap3A_202] {strides = array<i32>} : memref<80xi32, #tpu.memory_space<vmem>>, vector<16xi32>,
      tpu.vector_store %arg12[%swap3A_202], %add3A_201 {strides = array<i32>} : memref<80xi32, #tpu.memory_space<vmem>>, vector<16xi32>,
      %get3A_204 = arith.constant 48 : index
      %get3A_205 = tpu.vector_load %arg14[%get3A_204] {strides = array<i32>} : memref<80xi32, #tpu.memory_space<vmem>>, vector<16xi32>,
      %add3A_206 = arith.addi %get3A_205, %broadcast_in_dim3A_139 : vector<16xi32>
      %swap3A_207 = arith.constant 48 : index
      %swap3A_208 = tpu.vector_load %arg13[%swap3A_207] {strides = array<i32>} : memref<80xi32, #tpu.memory_space<vmem>>, vector<16xi32>,
      tpu.vector_store %arg13[%swap3A_207], %add3A_206 {strides = array<i32>} : memref<80xi32, #tpu.memory_space<vmem>>, vector<16xi32>,
      %get3A_209 = arith.constant 48 : index
      %get3A_210 = tpu.vector_load %arg14[%get3A_209] {strides = array<i32>} : memref<80xi32, #tpu.memory_space<vmem>>, vector<16xi32>,
      %add3A_211 = arith.addi %get3A_210, %broadcast_in_dim3A_144 : vector<16xi32>
      %swap3A_212 = arith.constant 48 : index
      %swap3A_213 = tpu.vector_load %arg12[%swap3A_212] {strides = array<i32>} : memref<80xi32, #tpu.memory_space<vmem>>, vector<16xi32>,
      tpu.vector_store %arg12[%swap3A_212], %add3A_211 {strides = array<i32>} : memref<80xi32, #tpu.memory_space<vmem>>, vector<16xi32>,
      %get3A_214 = arith.constant 64 : index
      %get3A_215 = tpu.vector_load %arg14[%get3A_214] {strides = array<i32>} : memref<80xi32, #tpu.memory_space<vmem>>, vector<16xi32>,
      %add3A_216 = arith.addi %get3A_215, %broadcast_in_dim3A_139 : vector<16xi32>
      %swap3A_217 = arith.constant 64 : index
      %swap3A_218 = tpu.vector_load %arg13[%swap3A_217] {strides = array<i32>} : memref<80xi32, #tpu.memory_space<vmem>>, vector<16xi32>,
      tpu.vector_store %arg13[%swap3A_217], %add3A_216 {strides = array<i32>} : memref<80xi32, #tpu.memory_space<vmem>>, vector<16xi32>,
      %get3A_219 = arith.constant 64 : index
      %get3A_220 = tpu.vector_load %arg14[%get3A_219] {strides = array<i32>} : memref<80xi32, #tpu.memory_space<vmem>>, vector<16xi32>,
      %add3A_221 = arith.addi %get3A_220, %broadcast_in_dim3A_144 : vector<16xi32>
      %swap3A_222 = arith.constant 64 : index
      %swap3A_223 = tpu.vector_load %arg12[%swap3A_222] {strides = array<i32>} : memref<80xi32, #tpu.memory_space<vmem>>, vector<16xi32>,
      tpu.vector_store %arg12[%swap3A_222], %add3A_221 {strides = array<i32>} : memref<80xi32, #tpu.memory_space<vmem>>, vector<16xi32>,
      %dma_start3A_224 = arith.constant 0 : i32
      %dma_start3A_225 = tpu.memref_slice %arg35[%dma_start3A_224] : memref<40000xf32, #tpu.memory_space<hbm>> -> memref<40000xf32, #tpu.memory_space<hbm>>
      tpu.enqueue_indirect_dma source(%dma_start3A_225 : memref<40000xf32, #tpu.memory_space<hbm>>) target(%arg26 : memref<80xf32, #tpu.memory_space<vmem>>) offsets(%arg13 : memref<80xi32, #tpu.memory_space<vmem>>) semaphore(%arg36 : memref<!tpu.dma_semaphore, #tpu.memory_space<semaphore_mem>>)
      %dma_start3A_226 = arith.constant 0 : i32
      %dma_start3A_227 = tpu.memref_slice %arg35[%dma_start3A_226] : memref<40000xf32, #tpu.memory_space<hbm>> -> memref<40000xf32, #tpu.memory_space<hbm>>
      tpu.enqueue_indirect_dma source(%dma_start3A_227 : memref<40000xf32, #tpu.memory_space<hbm>>) target(%arg27 : memref<80xf32, #tpu.memory_space<vmem>>) offsets(%arg12 : memref<80xi32, #tpu.memory_space<vmem>>) semaphore(%arg37 : memref<!tpu.dma_semaphore, #tpu.memory_space<semaphore_mem>>)
      %dma_wait3A = arith.constant 0 : i32
      %dma_wait3A_228 = tpu.memref_slice %arg35[%dma_wait3A] : memref<40000xf32, #tpu.memory_space<hbm>> -> memref<40000xf32, #tpu.memory_space<hbm>>
      tpu.wait_indirect_dma semaphore(%arg36 : memref<!tpu.dma_semaphore, #tpu.memory_space<semaphore_mem>>) src(%dma_wait3A_228 : memref<40000xf32, #tpu.memory_space<hbm>>) dst(%arg26 : memref<80xf32, #tpu.memory_space<vmem>>)
      %dma_wait3A_229 = arith.constant 0 : i32
      %dma_wait3A_230 = tpu.memref_slice %arg35[%dma_wait3A_229] : memref<40000xf32, #tpu.memory_space<hbm>> -> memref<40000xf32, #tpu.memory_space<hbm>>
      tpu.wait_indirect_dma semaphore(%arg37 : memref<!tpu.dma_semaphore, #tpu.memory_space<semaphore_mem>>) src(%dma_wait3A_230 : memref<40000xf32, #tpu.memory_space<hbm>>) dst(%arg27 : memref<80xf32, #tpu.memory_space<vmem>>)
      %get3A_231 = arith.constant 0 : index
      %get3A_232 = tpu.vector_load %arg20[%get3A_231] {strides = array<i32>} : memref<80xf32, #tpu.memory_space<vmem>>, vector<16xf32>,
      %get3A_233 = arith.constant 0 : index
      %get3A_234 = tpu.vector_load %arg26[%get3A_233] {strides = array<i32>} : memref<80xf32, #tpu.memory_space<vmem>>, vector<16xf32>,
      %mul3A_235 = arith.mulf %get3A_232, %get3A_234 : vector<16xf32>
      %swap3A_236 = arith.constant 0 : index
      %swap3A_237 = tpu.vector_load %arg28[%swap3A_236] {strides = array<i32>} : memref<80xf32, #tpu.memory_space<vmem>>, vector<16xf32>,
      tpu.vector_store %arg28[%swap3A_236], %mul3A_235 {strides = array<i32>} : memref<80xf32, #tpu.memory_space<vmem>>, vector<16xf32>,
      %get3A_238 = arith.constant 16 : index
      %get3A_239 = tpu.vector_load %arg20[%get3A_238] {strides = array<i32>} : memref<80xf32, #tpu.memory_space<vmem>>, vector<16xf32>,
      %get3A_240 = arith.constant 16 : index
      %get3A_241 = tpu.vector_load %arg26[%get3A_240] {strides = array<i32>} : memref<80xf32, #tpu.memory_space<vmem>>, vector<16xf32>,
      %mul3A_242 = arith.mulf %get3A_239, %get3A_241 : vector<16xf32>
      %swap3A_243 = arith.constant 16 : index
      %swap3A_244 = tpu.vector_load %arg28[%swap3A_243] {strides = array<i32>} : memref<80xf32, #tpu.memory_space<vmem>>, vector<16xf32>,
      tpu.vector_store %arg28[%swap3A_243], %mul3A_242 {strides = array<i32>} : memref<80xf32, #tpu.memory_space<vmem>>, vector<16xf32>,
      %get3A_245 = arith.constant 32 : index
      %get3A_246 = tpu.vector_load %arg20[%get3A_245] {strides = array<i32>} : memref<80xf32, #tpu.memory_space<vmem>>, vector<16xf32>,
      %get3A_247 = arith.constant 32 : index
      %get3A_248 = tpu.vector_load %arg26[%get3A_247] {strides = array<i32>} : memref<80xf32, #tpu.memory_space<vmem>>, vector<16xf32>,
      %mul3A_249 = arith.mulf %get3A_246, %get3A_248 : vector<16xf32>
      %swap3A_250 = arith.constant 32 : index
      %swap3A_251 = tpu.vector_load %arg28[%swap3A_250] {strides = array<i32>} : memref<80xf32, #tpu.memory_space<vmem>>, vector<16xf32>,
      tpu.vector_store %arg28[%swap3A_250], %mul3A_249 {strides = array<i32>} : memref<80xf32, #tpu.memory_space<vmem>>, vector<16xf32>,
      %get3A_252 = arith.constant 48 : index
      %get3A_253 = tpu.vector_load %arg20[%get3A_252] {strides = array<i32>} : memref<80xf32, #tpu.memory_space<vmem>>, vector<16xf32>,
      %get3A_254 = arith.constant 48 : index
      %get3A_255 = tpu.vector_load %arg26[%get3A_254] {strides = array<i32>} : memref<80xf32, #tpu.memory_space<vmem>>, vector<16xf32>,
      %mul3A_256 = arith.mulf %get3A_253, %get3A_255 : vector<16xf32>
      %swap3A_257 = arith.constant 48 : index
      %swap3A_258 = tpu.vector_load %arg28[%swap3A_257] {strides = array<i32>} : memref<80xf32, #tpu.memory_space<vmem>>, vector<16xf32>,
      tpu.vector_store %arg28[%swap3A_257], %mul3A_256 {strides = array<i32>} : memref<80xf32, #tpu.memory_space<vmem>>, vector<16xf32>,
      %get3A_259 = arith.constant 64 : index
      %get3A_260 = tpu.vector_load %arg20[%get3A_259] {strides = array<i32>} : memref<80xf32, #tpu.memory_space<vmem>>, vector<16xf32>,
      %get3A_261 = arith.constant 64 : index
      %get3A_262 = tpu.vector_load %arg26[%get3A_261] {strides = array<i32>} : memref<80xf32, #tpu.memory_space<vmem>>, vector<16xf32>,
      %mul3A_263 = arith.mulf %get3A_260, %get3A_262 : vector<16xf32>
      %swap3A_264 = arith.constant 64 : index
      %swap3A_265 = tpu.vector_load %arg28[%swap3A_264] {strides = array<i32>} : memref<80xf32, #tpu.memory_space<vmem>>, vector<16xf32>,
      tpu.vector_store %arg28[%swap3A_264], %mul3A_263 {strides = array<i32>} : memref<80xf32, #tpu.memory_space<vmem>>, vector<16xf32>,
      %mul3A_266 = arith.constant 640000 : i32
      %mul3A_267 = arith.muli %arg0, %mul3A_266 : i32
      %add3A_268 = arith.addi %mul3A_267, %add3A_165 : i32
      "tpu.region"() ({
        %run_scoped3A = tpu.sem_alloc : memref<!tpu.dma_semaphore, #tpu.memory_space<semaphore_mem>>
        %dma_start3A_310 = tpu.memref_slice %arg9[%add3A_268] : memref<1280000xf32, #tpu.memory_space<hbm>> -> memref<80xf32, #tpu.memory_space<hbm>>
        %dma_start3A_311 = tpu.memref_slice %arg9[%add3A_268] : memref<1280000xf32, #tpu.memory_space<hbm>> -> memref<80xf32, #tpu.memory_space<hbm>>
        tpu.enqueue_dma source(%arg28 : memref<80xf32, #tpu.memory_space<vmem>>) target(%dma_start3A_311 : memref<80xf32, #tpu.memory_space<hbm>>) target_semaphore(%run_scoped3A : memref<!tpu.dma_semaphore, #tpu.memory_space<semaphore_mem>>)
        %dma_wait3A_312 = tpu.memref_slice %arg9[%add3A_268] : memref<1280000xf32, #tpu.memory_space<hbm>> -> memref<80xf32, #tpu.memory_space<hbm>>
        %dma_wait3A_313 = tpu.memref_slice %arg9[%add3A_268] : memref<1280000xf32, #tpu.memory_space<hbm>> -> memref<80xf32, #tpu.memory_space<hbm>>
        tpu.wait_dma2 semaphore(%run_scoped3A : memref<!tpu.dma_semaphore, #tpu.memory_space<semaphore_mem>>) src(%arg28 : memref<80xf32, #tpu.memory_space<vmem>>) dst(%dma_wait3A_313 : memref<80xf32, #tpu.memory_space<hbm>>)
        tpu.yield
      }) : () -> ()
      %get3A_269 = arith.constant 0 : index
      %get3A_270 = tpu.vector_load %arg21[%get3A_269] {strides = array<i32>} : memref<80xf32, #tpu.memory_space<vmem>>, vector<16xf32>,
      %get3A_271 = arith.constant 0 : index
      %get3A_272 = tpu.vector_load %arg27[%get3A_271] {strides = array<i32>} : memref<80xf32, #tpu.memory_space<vmem>>, vector<16xf32>,
      %mul3A_273 = arith.mulf %get3A_270, %get3A_272 : vector<16xf32>
      %swap3A_274 = arith.constant 0 : index
      %swap3A_275 = tpu.vector_load %arg28[%swap3A_274] {strides = array<i32>} : memref<80xf32, #tpu.memory_space<vmem>>, vector<16xf32>,
      tpu.vector_store %arg28[%swap3A_274], %mul3A_273 {strides = array<i32>} : memref<80xf32, #tpu.memory_space<vmem>>, vector<16xf32>,
      %get3A_276 = arith.constant 16 : index
      %get3A_277 = tpu.vector_load %arg21[%get3A_276] {strides = array<i32>} : memref<80xf32, #tpu.memory_space<vmem>>, vector<16xf32>,
      %get3A_278 = arith.constant 16 : index
      %get3A_279 = tpu.vector_load %arg27[%get3A_278] {strides = array<i32>} : memref<80xf32, #tpu.memory_space<vmem>>, vector<16xf32>,
      %mul3A_280 = arith.mulf %get3A_277, %get3A_279 : vector<16xf32>
      %swap3A_281 = arith.constant 16 : index
      %swap3A_282 = tpu.vector_load %arg28[%swap3A_281] {strides = array<i32>} : memref<80xf32, #tpu.memory_space<vmem>>, vector<16xf32>,
      tpu.vector_store %arg28[%swap3A_281], %mul3A_280 {strides = array<i32>} : memref<80xf32, #tpu.memory_space<vmem>>, vector<16xf32>,
      %get3A_283 = arith.constant 32 : index
      %get3A_284 = tpu.vector_load %arg21[%get3A_283] {strides = array<i32>} : memref<80xf32, #tpu.memory_space<vmem>>, vector<16xf32>,
      %get3A_285 = arith.constant 32 : index
      %get3A_286 = tpu.vector_load %arg27[%get3A_285] {strides = array<i32>} : memref<80xf32, #tpu.memory_space<vmem>>, vector<16xf32>,
      %mul3A_287 = arith.mulf %get3A_284, %get3A_286 : vector<16xf32>
      %swap3A_288 = arith.constant 32 : index
      %swap3A_289 = tpu.vector_load %arg28[%swap3A_288] {strides = array<i32>} : memref<80xf32, #tpu.memory_space<vmem>>, vector<16xf32>,
      tpu.vector_store %arg28[%swap3A_288], %mul3A_287 {strides = array<i32>} : memref<80xf32, #tpu.memory_space<vmem>>, vector<16xf32>,
      %get3A_290 = arith.constant 48 : index
      %get3A_291 = tpu.vector_load %arg21[%get3A_290] {strides = array<i32>} : memref<80xf32, #tpu.memory_space<vmem>>, vector<16xf32>,
      %get3A_292 = arith.constant 48 : index
      %get3A_293 = tpu.vector_load %arg27[%get3A_292] {strides = array<i32>} : memref<80xf32, #tpu.memory_space<vmem>>, vector<16xf32>,
      %mul3A_294 = arith.mulf %get3A_291, %get3A_293 : vector<16xf32>
      %swap3A_295 = arith.constant 48 : index
      %swap3A_296 = tpu.vector_load %arg28[%swap3A_295] {strides = array<i32>} : memref<80xf32, #tpu.memory_space<vmem>>, vector<16xf32>,
      tpu.vector_store %arg28[%swap3A_295], %mul3A_294 {strides = array<i32>} : memref<80xf32, #tpu.memory_space<vmem>>, vector<16xf32>,
      %get3A_297 = arith.constant 64 : index
      %get3A_298 = tpu.vector_load %arg21[%get3A_297] {strides = array<i32>} : memref<80xf32, #tpu.memory_space<vmem>>, vector<16xf32>,
      %get3A_299 = arith.constant 64 : index
      %get3A_300 = tpu.vector_load %arg27[%get3A_299] {strides = array<i32>} : memref<80xf32, #tpu.memory_space<vmem>>, vector<16xf32>,
      %mul3A_301 = arith.mulf %get3A_298, %get3A_300 : vector<16xf32>
      %swap3A_302 = arith.constant 64 : index
      %swap3A_303 = tpu.vector_load %arg28[%swap3A_302] {strides = array<i32>} : memref<80xf32, #tpu.memory_space<vmem>>, vector<16xf32>,
      tpu.vector_store %arg28[%swap3A_302], %mul3A_301 {strides = array<i32>} : memref<80xf32, #tpu.memory_space<vmem>>, vector<16xf32>,
      %mul3A_304 = arith.constant 640000 : i32
      %mul3A_305 = arith.muli %arg0, %mul3A_304 : i32
      %add3A_306 = arith.constant 320000 : i32
      %add3A_307 = arith.addi %mul3A_305, %add3A_306 : i32
      %add3A_308 = arith.addi %add3A_307, %add3A_165 : i32
      "tpu.region"() ({
        %run_scoped3A = tpu.sem_alloc : memref<!tpu.dma_semaphore, #tpu.memory_space<semaphore_mem>>
        %dma_start3A_310 = tpu.memref_slice %arg9[%add3A_308] : memref<1280000xf32, #tpu.memory_space<hbm>> -> memref<80xf32, #tpu.memory_space<hbm>>
        %dma_start3A_311 = tpu.memref_slice %arg9[%add3A_308] : memref<1280000xf32, #tpu.memory_space<hbm>> -> memref<80xf32, #tpu.memory_space<hbm>>
        tpu.enqueue_dma source(%arg28 : memref<80xf32, #tpu.memory_space<vmem>>) target(%dma_start3A_311 : memref<80xf32, #tpu.memory_space<hbm>>) target_semaphore(%run_scoped3A : memref<!tpu.dma_semaphore, #tpu.memory_space<semaphore_mem>>)
        %dma_wait3A_312 = tpu.memref_slice %arg9[%add3A_308] : memref<1280000xf32, #tpu.memory_space<hbm>> -> memref<80xf32, #tpu.memory_space<hbm>>
        %dma_wait3A_313 = tpu.memref_slice %arg9[%add3A_308] : memref<1280000xf32, #tpu.memory_space<hbm>> -> memref<80xf32, #tpu.memory_space<hbm>>
        tpu.wait_dma2 semaphore(%run_scoped3A : memref<!tpu.dma_semaphore, #tpu.memory_space<semaphore_mem>>) src(%arg28 : memref<80xf32, #tpu.memory_space<vmem>>) dst(%dma_wait3A_313 : memref<80xf32, #tpu.memory_space<hbm>>)
        tpu.yield
      }) : () -> ()
      %scan3A_309 = arith.constant 0 : i32
      scf.yield %scan3A_309 : i32
    }
    %scan3A_151 = arith.constant 250 : i32
    %scan3A_152 = arith.constant 0 : i32
    %scan3A_153 = arith.constant 0 : i32
    %scan3A_154 = arith.constant 8 : i32
    %scan3A_155 = arith.addi %scan3A_153, %scan3A_154 : i32
    %scan3A_156 = arith.constant 1 : i32
    %scan3A_157 = scf.for %scan3A_159 = %scan3A_153 to %scan3A_155 step %scan3A_156 iter_args(%scan3A_160 = %scan3A_152) -> (i32)  : i32 {
      %mul3A_161 = arith.constant 16 : i32
      %mul3A_162 = arith.muli %scan3A_159, %mul3A_161 : i32
      %add3A_163 = arith.addi %arg1, %mul3A_162 : i32
      %lt3A = arith.constant 125 : i32
      %lt3A_164 = arith.cmpi slt, %add3A_163, %lt3A : i32
      %convert_element_type3A = arith.extui %lt3A_164 : i1 to i32
      %cond3A = arith.constant 0 : i32
      %cond3A_165 = arith.cmpi ne, %convert_element_type3A, %cond3A : i32
      scf.if %cond3A_165 {
        %mul3A_167 = arith.constant 80 : i32
        %mul3A_168 = arith.muli %add3A_163, %mul3A_167 : i32
        "tpu.region"() ({
          %run_scoped3A = tpu.sem_alloc : memref<!tpu.dma_semaphore, #tpu.memory_space<semaphore_mem>>
          %dma_start3A_176 = arith.constant 0 : i32
          %dma_start3A_177 = tpu.memref_slice %arg29[%mul3A_168, %dma_start3A_176] : memref<10000x128xf32, #tpu.memory_space<vmem_shared>> -> memref<80x128xf32, #tpu.memory_space<vmem_shared>>
          %dma_start3A_178 = arith.constant 0 : i32
          %dma_start3A_179 = tpu.memref_slice %arg29[%mul3A_168, %dma_start3A_178] : memref<10000x128xf32, #tpu.memory_space<vmem_shared>> -> memref<80x128xf32, #tpu.memory_space<vmem_shared>>
          tpu.enqueue_dma source(%dma_start3A_179 : memref<80x128xf32, #tpu.memory_space<vmem_shared>>) target(%arg10 : memref<80x128xf32, #tpu.memory_space<vmem>>) target_semaphore(%run_scoped3A : memref<!tpu.dma_semaphore, #tpu.memory_space<semaphore_mem>>)
          %dma_wait3A = arith.constant 0 : i32
          %dma_wait3A_180 = tpu.memref_slice %arg29[%mul3A_168, %dma_wait3A] : memref<10000x128xf32, #tpu.memory_space<vmem_shared>> -> memref<80x128xf32, #tpu.memory_space<vmem_shared>>
          %dma_wait3A_181 = arith.constant 0 : i32
          %dma_wait3A_182 = tpu.memref_slice %arg29[%mul3A_168, %dma_wait3A_181] : memref<10000x128xf32, #tpu.memory_space<vmem_shared>> -> memref<80x128xf32, #tpu.memory_space<vmem_shared>>
          tpu.wait_dma2 semaphore(%run_scoped3A : memref<!tpu.dma_semaphore, #tpu.memory_space<semaphore_mem>>) src(%dma_wait3A_182 : memref<80x128xf32, #tpu.memory_space<vmem_shared>>) dst(%arg10 : memref<80x128xf32, #tpu.memory_space<vmem>>)
          tpu.yield
        }) : () -> ()
        "tpu.region"() ({
          %run_scoped3A = tpu.sem_alloc : memref<!tpu.dma_semaphore, #tpu.memory_space<semaphore_mem>>
          %dma_start3A_176 = tpu.memref_slice %arg30[%mul3A_168] : memref<10000xf32, #tpu.memory_space<vmem_shared>> -> memref<80xf32, #tpu.memory_space<vmem_shared>>
          %dma_start3A_177 = tpu.memref_slice %arg30[%mul3A_168] : memref<10000xf32, #tpu.memory_space<vmem_shared>> -> memref<80xf32, #tpu.memory_space<vmem_shared>>
          tpu.enqueue_dma source(%dma_start3A_177 : memref<80xf32, #tpu.memory_space<vmem_shared>>) target(%arg26 : memref<80xf32, #tpu.memory_space<vmem>>) target_semaphore(%run_scoped3A : memref<!tpu.dma_semaphore, #tpu.memory_space<semaphore_mem>>)
          %dma_wait3A = tpu.memref_slice %arg30[%mul3A_168] : memref<10000xf32, #tpu.memory_space<vmem_shared>> -> memref<80xf32, #tpu.memory_space<vmem_shared>>
          %dma_wait3A_178 = tpu.memref_slice %arg30[%mul3A_168] : memref<10000xf32, #tpu.memory_space<vmem_shared>> -> memref<80xf32, #tpu.memory_space<vmem_shared>>
          tpu.wait_dma2 semaphore(%run_scoped3A : memref<!tpu.dma_semaphore, #tpu.memory_space<semaphore_mem>>) src(%dma_wait3A_178 : memref<80xf32, #tpu.memory_space<vmem_shared>>) dst(%arg26 : memref<80xf32, #tpu.memory_space<vmem>>)
          tpu.yield
        }) : () -> ()
        "tpu.region"() ({
          %run_scoped3A = tpu.sem_alloc : memref<!tpu.dma_semaphore, #tpu.memory_space<semaphore_mem>>
          %dma_start3A_176 = tpu.memref_slice %arg31[%mul3A_168] : memref<10000xf32, #tpu.memory_space<vmem_shared>> -> memref<80xf32, #tpu.memory_space<vmem_shared>>
          %dma_start3A_177 = tpu.memref_slice %arg31[%mul3A_168] : memref<10000xf32, #tpu.memory_space<vmem_shared>> -> memref<80xf32, #tpu.memory_space<vmem_shared>>
          tpu.enqueue_dma source(%dma_start3A_177 : memref<80xf32, #tpu.memory_space<vmem_shared>>) target(%arg27 : memref<80xf32, #tpu.memory_space<vmem>>) target_semaphore(%run_scoped3A : memref<!tpu.dma_semaphore, #tpu.memory_space<semaphore_mem>>)
          %dma_wait3A = tpu.memref_slice %arg31[%mul3A_168] : memref<10000xf32, #tpu.memory_space<vmem_shared>> -> memref<80xf32, #tpu.memory_space<vmem_shared>>
          %dma_wait3A_178 = tpu.memref_slice %arg31[%mul3A_168] : memref<10000xf32, #tpu.memory_space<vmem_shared>> -> memref<80xf32, #tpu.memory_space<vmem_shared>>
          tpu.wait_dma2 semaphore(%run_scoped3A : memref<!tpu.dma_semaphore, #tpu.memory_space<semaphore_mem>>) src(%dma_wait3A_178 : memref<80xf32, #tpu.memory_space<vmem_shared>>) dst(%arg27 : memref<80xf32, #tpu.memory_space<vmem>>)
          tpu.yield
        }) : () -> ()
        %scan3A_169 = arith.constant 0 : i32
        %scan3A_170 = arith.constant 0 : i32
        %scan3A_171 = arith.constant 80 : i32
        %scan3A_172 = arith.addi %scan3A_170, %scan3A_171 : i32
        %scan3A_173 = arith.constant 1 : i32
        %scan3A_174 = scf.for %scan3A_176 = %scan3A_170 to %scan3A_172 step %scan3A_173 iter_args(%scan3A_177 = %scan3A_169) -> (i32)  : i32 {
          %broadcast_in_dim3A_178 = vector.broadcast %scan3A_176 : i32 to vector<16xi32>
          %gather3A = tpu.vector_load_idx %arg26[%broadcast_in_dim3A_178] : memref<80xf32, #tpu.memory_space<vmem>>[vector<16xi32>], vector<16xf32>,
          %gather3A_179 = tpu.vector_load_idx %arg27[%broadcast_in_dim3A_178] : memref<80xf32, #tpu.memory_space<vmem>>[vector<16xi32>], vector<16xf32>,
          %get3A_180 = arith.index_cast %scan3A_176 : i32 to index
          %get3A_181 = arith.constant 0 : index
          %get3A_182 = tpu.vector_load %arg10[%get3A_180, %get3A_181] {strides = array<i32>} : memref<80x128xf32, #tpu.memory_space<vmem>>, vector<16xf32>,
          %mul3A_183 = arith.mulf %get3A_182, %gather3A : vector<16xf32>
          %add3A_184 = arith.addf %mul3A_183, %get3A_23 : vector<16xf32>
          %swap3A_185 = arith.index_cast %scan3A_176 : i32 to index
          %swap3A_186 = arith.constant 0 : index
          %swap3A_187 = tpu.vector_load %arg10[%swap3A_185, %swap3A_186] {strides = array<i32>} : memref<80x128xf32, #tpu.memory_space<vmem>>, vector<16xf32>,
          tpu.vector_store %arg10[%swap3A_185, %swap3A_186], %add3A_184 {strides = array<i32>} : memref<80x128xf32, #tpu.memory_space<vmem>>, vector<16xf32>,
          %get3A_188 = arith.index_cast %scan3A_176 : i32 to index
          %get3A_189 = arith.constant 16 : index
          %get3A_190 = tpu.vector_load %arg10[%get3A_188, %get3A_189] {strides = array<i32>} : memref<80x128xf32, #tpu.memory_space<vmem>>, vector<16xf32>,
          %mul3A_191 = arith.mulf %get3A_190, %gather3A : vector<16xf32>
          %add3A_192 = arith.addf %mul3A_191, %get3A_25 : vector<16xf32>
          %swap3A_193 = arith.index_cast %scan3A_176 : i32 to index
          %swap3A_194 = arith.constant 16 : index
          %swap3A_195 = tpu.vector_load %arg10[%swap3A_193, %swap3A_194] {strides = array<i32>} : memref<80x128xf32, #tpu.memory_space<vmem>>, vector<16xf32>,
          tpu.vector_store %arg10[%swap3A_193, %swap3A_194], %add3A_192 {strides = array<i32>} : memref<80x128xf32, #tpu.memory_space<vmem>>, vector<16xf32>,
          %get3A_196 = arith.index_cast %scan3A_176 : i32 to index
          %get3A_197 = arith.constant 32 : index
          %get3A_198 = tpu.vector_load %arg10[%get3A_196, %get3A_197] {strides = array<i32>} : memref<80x128xf32, #tpu.memory_space<vmem>>, vector<16xf32>,
          %mul3A_199 = arith.mulf %get3A_198, %gather3A : vector<16xf32>
          %add3A_200 = arith.addf %mul3A_199, %get3A_27 : vector<16xf32>
          %swap3A_201 = arith.index_cast %scan3A_176 : i32 to index
          %swap3A_202 = arith.constant 32 : index
          %swap3A_203 = tpu.vector_load %arg10[%swap3A_201, %swap3A_202] {strides = array<i32>} : memref<80x128xf32, #tpu.memory_space<vmem>>, vector<16xf32>,
          tpu.vector_store %arg10[%swap3A_201, %swap3A_202], %add3A_200 {strides = array<i32>} : memref<80x128xf32, #tpu.memory_space<vmem>>, vector<16xf32>,
          %get3A_204 = arith.index_cast %scan3A_176 : i32 to index
          %get3A_205 = arith.constant 48 : index
          %get3A_206 = tpu.vector_load %arg10[%get3A_204, %get3A_205] {strides = array<i32>} : memref<80x128xf32, #tpu.memory_space<vmem>>, vector<16xf32>,
          %mul3A_207 = arith.mulf %get3A_206, %gather3A : vector<16xf32>
          %add3A_208 = arith.addf %mul3A_207, %get3A_29 : vector<16xf32>
          %swap3A_209 = arith.index_cast %scan3A_176 : i32 to index
          %swap3A_210 = arith.constant 48 : index
          %swap3A_211 = tpu.vector_load %arg10[%swap3A_209, %swap3A_210] {strides = array<i32>} : memref<80x128xf32, #tpu.memory_space<vmem>>, vector<16xf32>,
          tpu.vector_store %arg10[%swap3A_209, %swap3A_210], %add3A_208 {strides = array<i32>} : memref<80x128xf32, #tpu.memory_space<vmem>>, vector<16xf32>,
          %get3A_212 = arith.index_cast %scan3A_176 : i32 to index
          %get3A_213 = arith.constant 64 : index
          %get3A_214 = tpu.vector_load %arg10[%get3A_212, %get3A_213] {strides = array<i32>} : memref<80x128xf32, #tpu.memory_space<vmem>>, vector<16xf32>,
          %mul3A_215 = arith.mulf %get3A_214, %gather3A_179 : vector<16xf32>
          %add3A_216 = arith.addf %mul3A_215, %get3A_31 : vector<16xf32>
          %swap3A_217 = arith.index_cast %scan3A_176 : i32 to index
          %swap3A_218 = arith.constant 64 : index
          %swap3A_219 = tpu.vector_load %arg10[%swap3A_217, %swap3A_218] {strides = array<i32>} : memref<80x128xf32, #tpu.memory_space<vmem>>, vector<16xf32>,
          tpu.vector_store %arg10[%swap3A_217, %swap3A_218], %add3A_216 {strides = array<i32>} : memref<80x128xf32, #tpu.memory_space<vmem>>, vector<16xf32>,
          %get3A_220 = arith.index_cast %scan3A_176 : i32 to index
          %get3A_221 = arith.constant 80 : index
          %get3A_222 = tpu.vector_load %arg10[%get3A_220, %get3A_221] {strides = array<i32>} : memref<80x128xf32, #tpu.memory_space<vmem>>, vector<16xf32>,
          %mul3A_223 = arith.mulf %get3A_222, %gather3A_179 : vector<16xf32>
          %add3A_224 = arith.addf %mul3A_223, %get3A_33 : vector<16xf32>
          %swap3A_225 = arith.index_cast %scan3A_176 : i32 to index
          %swap3A_226 = arith.constant 80 : index
          %swap3A_227 = tpu.vector_load %arg10[%swap3A_225, %swap3A_226] {strides = array<i32>} : memref<80x128xf32, #tpu.memory_space<vmem>>, vector<16xf32>,
          tpu.vector_store %arg10[%swap3A_225, %swap3A_226], %add3A_224 {strides = array<i32>} : memref<80x128xf32, #tpu.memory_space<vmem>>, vector<16xf32>,
          %get3A_228 = arith.index_cast %scan3A_176 : i32 to index
          %get3A_229 = arith.constant 96 : index
          %get3A_230 = tpu.vector_load %arg10[%get3A_228, %get3A_229] {strides = array<i32>} : memref<80x128xf32, #tpu.memory_space<vmem>>, vector<16xf32>,
          %mul3A_231 = arith.mulf %get3A_230, %gather3A_179 : vector<16xf32>
          %add3A_232 = arith.addf %mul3A_231, %get3A_35 : vector<16xf32>
          %swap3A_233 = arith.index_cast %scan3A_176 : i32 to index
          %swap3A_234 = arith.constant 96 : index
          %swap3A_235 = tpu.vector_load %arg10[%swap3A_233, %swap3A_234] {strides = array<i32>} : memref<80x128xf32, #tpu.memory_space<vmem>>, vector<16xf32>,
          tpu.vector_store %arg10[%swap3A_233, %swap3A_234], %add3A_232 {strides = array<i32>} : memref<80x128xf32, #tpu.memory_space<vmem>>, vector<16xf32>,
          %get3A_236 = arith.index_cast %scan3A_176 : i32 to index
          %get3A_237 = arith.constant 112 : index
          %get3A_238 = tpu.vector_load %arg10[%get3A_236, %get3A_237] {strides = array<i32>} : memref<80x128xf32, #tpu.memory_space<vmem>>, vector<16xf32>,
          %mul3A_239 = arith.mulf %get3A_238, %gather3A_179 : vector<16xf32>
          %add3A_240 = arith.addf %mul3A_239, %get3A_37 : vector<16xf32>
          %swap3A_241 = arith.index_cast %scan3A_176 : i32 to index
          %swap3A_242 = arith.constant 112 : index
          %swap3A_243 = tpu.vector_load %arg10[%swap3A_241, %swap3A_242] {strides = array<i32>} : memref<80x128xf32, #tpu.memory_space<vmem>>, vector<16xf32>,
          tpu.vector_store %arg10[%swap3A_241, %swap3A_242], %add3A_240 {strides = array<i32>} : memref<80x128xf32, #tpu.memory_space<vmem>>, vector<16xf32>,
          %scan3A_244 = arith.constant 0 : i32
          scf.yield %scan3A_244 : i32
        }
        %scan3A_175 = arith.constant 80 : i32
        "tpu.region"() ({
          %run_scoped3A = tpu.sem_alloc : memref<!tpu.dma_semaphore, #tpu.memory_space<semaphore_mem>>
          %dma_start3A_176 = arith.constant 0 : i32
          %dma_start3A_177 = tpu.memref_slice %arg8[%arg0, %mul3A_168, %dma_start3A_176] : memref<2x10000x128xf32, #tpu.memory_space<hbm>> -> memref<1x80x128xf32, #tpu.memory_space<hbm>>
          %dma_start3A_178 = tpu.memref_squeeze %dma_start3A_177 : memref<1x80x128xf32, #tpu.memory_space<hbm>> -> memref<80x128xf32, #tpu.memory_space<hbm>>
          %dma_start3A_179 = arith.constant 0 : i32
          %dma_start3A_180 = tpu.memref_slice %arg8[%arg0, %mul3A_168, %dma_start3A_179] : memref<2x10000x128xf32, #tpu.memory_space<hbm>> -> memref<1x80x128xf32, #tpu.memory_space<hbm>>
          %dma_start3A_181 = tpu.memref_squeeze %dma_start3A_180 : memref<1x80x128xf32, #tpu.memory_space<hbm>> -> memref<80x128xf32, #tpu.memory_space<hbm>>
          tpu.enqueue_dma source(%arg10 : memref<80x128xf32, #tpu.memory_space<vmem>>) target(%dma_start3A_181 : memref<80x128xf32, #tpu.memory_space<hbm>>) target_semaphore(%run_scoped3A : memref<!tpu.dma_semaphore, #tpu.memory_space<semaphore_mem>>)
          %dma_wait3A = arith.constant 0 : i32
          %dma_wait3A_182 = tpu.memref_slice %arg8[%arg0, %mul3A_168, %dma_wait3A] : memref<2x10000x128xf32, #tpu.memory_space<hbm>> -> memref<1x80x128xf32, #tpu.memory_space<hbm>>
          %dma_wait3A_183 = tpu.memref_squeeze %dma_wait3A_182 : memref<1x80x128xf32, #tpu.memory_space<hbm>> -> memref<80x128xf32, #tpu.memory_space<hbm>>
          %dma_wait3A_184 = arith.constant 0 : i32
          %dma_wait3A_185 = tpu.memref_slice %arg8[%arg0, %mul3A_168, %dma_wait3A_184] : memref<2x10000x128xf32, #tpu.memory_space<hbm>> -> memref<1x80x128xf32, #tpu.memory_space<hbm>>
          %dma_wait3A_186 = tpu.memref_squeeze %dma_wait3A_185 : memref<1x80x128xf32, #tpu.memory_space<hbm>> -> memref<80x128xf32, #tpu.memory_space<hbm>>
          tpu.wait_dma2 semaphore(%run_scoped3A : memref<!tpu.dma_semaphore, #tpu.memory_space<semaphore_mem>>) src(%arg10 : memref<80x128xf32, #tpu.memory_space<vmem>>) dst(%dma_wait3A_186 : memref<80x128xf32, #tpu.memory_space<hbm>>)
          tpu.yield
        }) : () -> ()
      } else {
      }
      %scan3A_166 = arith.constant 0 : i32
      scf.yield %scan3A_166 : i32
    }
    %scan3A_158 = arith.constant 8 : i32
    return
  }
}

module attributes {stable_mosaic.version = 14 : i64} {
  func.func @body(%arg0: i32, %arg1: i32, %arg2: memref<512x128xf32, #tpu.memory_space<vmem>>, %arg3: memref<128x128xf32, #tpu.memory_space<vmem>>, %arg4: memref<128x128xf32, #tpu.memory_space<vmem>>, %arg5: memref<1x512x128xf32, #tpu.memory_space<vmem>>, %arg6: memref<1x512x128xf32, #tpu.memory_space<vmem>>) attributes {dimension_semantics = [#tpu.dimension_semantics<arbitrary>, #tpu.dimension_semantics<arbitrary>], iteration_bounds = array<i64: 2, 20>, scalar_prefetch = 0 : i64, scratch_operands = 0 : i64, tpu.core_type = #tpu.core_type<tc>, window_params = [{transform_indices = @transform_0, window_bounds = array<i64: 512, 128>}, {transform_indices = @transform_1, window_bounds = array<i64: 128, 128>}, {transform_indices = @transform_2, window_bounds = array<i64: 128, 128>}, {transform_indices = @transform_3, window_bounds = array<i64: 1, 512, 128>}, {transform_indices = @transform_4, window_bounds = array<i64: 1, 512, 128>}]} {
    %get3A = arith.constant 0 : index
    %get3A_0 = arith.constant 0 : index
    %get3A_1 = vector.load %arg2[%get3A, %get3A_0] : memref<512x128xf32, #tpu.memory_space<vmem>>, vector<512x128xf32>
    %get3A_2 = arith.constant 0 : index
    %get3A_3 = arith.constant 0 : index
    %get3A_4 = vector.load %arg3[%get3A_2, %get3A_3] : memref<128x128xf32, #tpu.memory_space<vmem>>, vector<128x128xf32>
    %dot_general3A = arith.constant dense<0.000000e+00> : vector<512x128xf32>
    %dot_general3A_5 = tpu.matmul %get3A_1, %get3A_4, %dot_general3A {dimension_numbers = #tpu.dot_dimension_numbers<[1], [0], [0], [1], [0, 0, 1, 1], [], []>, transpose_lhs_hint = false} : vector<512x128xf32>, vector<128x128xf32>, vector<512x128xf32> -> vector<512x128xf32>
    %swap3A = arith.constant 0 : index
    %swap3A_6 = arith.constant 0 : index
    %swap3A_7 = arith.constant 0 : index
    %swap3A_8 = vector.load %arg5[%swap3A, %swap3A_6, %swap3A_7] : memref<1x512x128xf32, #tpu.memory_space<vmem>>, vector<1x512x128xf32>
    %swap3A_9 = vector.shape_cast %swap3A_8 : vector<1x512x128xf32> to vector<512x128xf32>
    %swap3A_10 = vector.shape_cast %dot_general3A_5 : vector<512x128xf32> to vector<1x512x128xf32>
    tpu.vector_store %arg5[%swap3A, %swap3A_6, %swap3A_7], %swap3A_10 {strides = array<i32>} : memref<1x512x128xf32, #tpu.memory_space<vmem>>, vector<1x512x128xf32>,
    %get3A_11 = arith.constant 0 : index
    %get3A_12 = arith.constant 0 : index
    %get3A_13 = vector.load %arg4[%get3A_11, %get3A_12] : memref<128x128xf32, #tpu.memory_space<vmem>>, vector<128x128xf32>
    %dot_general3A_14 = arith.constant dense<0.000000e+00> : vector<512x128xf32>
    %dot_general3A_15 = tpu.matmul %get3A_1, %get3A_13, %dot_general3A_14 {dimension_numbers = #tpu.dot_dimension_numbers<[1], [0], [0], [1], [0, 0, 1, 1], [], []>, transpose_lhs_hint = false} : vector<512x128xf32>, vector<128x128xf32>, vector<512x128xf32> -> vector<512x128xf32>
    %swap3A_16 = arith.constant 0 : index
    %swap3A_17 = arith.constant 0 : index
    %swap3A_18 = arith.constant 0 : index
    %swap3A_19 = vector.load %arg6[%swap3A_16, %swap3A_17, %swap3A_18] : memref<1x512x128xf32, #tpu.memory_space<vmem>>, vector<1x512x128xf32>
    %swap3A_20 = vector.shape_cast %swap3A_19 : vector<1x512x128xf32> to vector<512x128xf32>
    %swap3A_21 = vector.shape_cast %dot_general3A_15 : vector<512x128xf32> to vector<1x512x128xf32>
    tpu.vector_store %arg6[%swap3A_16, %swap3A_17, %swap3A_18], %swap3A_21 {strides = array<i32>} : memref<1x512x128xf32, #tpu.memory_space<vmem>>, vector<1x512x128xf32>,
    return
  }
  func.func @transform_0(%arg0: i32, %arg1: i32) -> (i32, i32) {
    %c0_i32 = arith.constant 0 : i32
    %c0_i32_0 = arith.constant 0 : i32
    return %arg1, %c0_i32 : i32, i32
  }
  func.func @transform_1(%arg0: i32, %arg1: i32) -> (i32, i32) {
    %c0_i32 = arith.constant 0 : i32
    %c0_i32_0 = arith.constant 0 : i32
    return %c0_i32, %arg0 : i32, i32
  }
  func.func @transform_2(%arg0: i32, %arg1: i32) -> (i32, i32) {
    %c0_i32 = arith.constant 0 : i32
    %c0_i32_0 = arith.constant 0 : i32
    return %c0_i32, %arg0 : i32, i32
  }
  func.func @transform_3(%arg0: i32, %arg1: i32) -> (i32, i32, i32) {
    %c0_i32 = arith.constant 0 : i32
    %c0_i32_0 = arith.constant 0 : i32
    return %arg0, %arg1, %c0_i32 : i32, i32, i32
  }
  func.func @transform_4(%arg0: i32, %arg1: i32) -> (i32, i32, i32) {
    %c0_i32 = arith.constant 0 : i32
    %c0_i32_0 = arith.constant 0 : i32
    return %arg0, %arg1, %c0_i32 : i32, i32, i32
  }
}

</mosaic_0001>

<sc_bundles>
// kernel: kernel.4.cloned.1.call-start
scs
__scs_entry_jumppad:
0x0: {  	(pc) =	sbr.rel $0x88, $3  }
0x1: {  	(tag) =	ssettag $0x0;
	lr =	simm.s32 $0x1  }
0x2: {  	[smem:$0x3F9B] =	sst lr;
	_ =	strace $0xD0000000  }
0x3: {  	_ = 	snop  }
0x4: {  	_ = 	snop  }
0x5: {  	_ = 	snop  }
0x6: {  	_ = 	snop  }
0x7: {  	_ = 	snop  }
__scs_overlays_trampoline_lowered:
0x8: {  	[smem:$0x3FAA] =	sst s0  }
0x9: {  	[smem:$0x3FAB] =	sst s1  }
0xa: {  	[smem:$0x3FAC] =	sst s2  }
0xb: {  	[smem:$0x3FAD] =	sst s3  }
0xc: {  	[smem:$0x3FAE] =	sst s4  }
0xd: {  	[smem:$0x3FAF] =	sst s5  }
0xe: {  	[smem:$0x3FB0] =	sst s6  }
0xf: {  	[smem:$0x3FB1] =	sst s7  }
0x10: {  	[smem:$0x3FB2] =	sst s8  }
0x11: {  	[smem:$0x3FB3] =	sst s9;
	s0 =	simm.s32 @!p0 $0x0  }
0x12: {  	s1 =	sld [smem:$0x3F99];
	s0 =	simm.s32 @p0 $0x1  }
0x13: {  	[smem:$0x3FB4] =	sst s0;
	s0 =	simm.s32 @!p1 $0x0  }
0x14: {  	s2 =	sld [smem:$0x3F98];
	s0 =	simm.s32 @p1 $0x1  }
0x15: {  	[smem:$0x3FB5] =	sst s0;
	s0 =	simm.s32 @!p2 $0x0  }
0x16: {  	s3 =	sld [smem:$0x3FDB];
	s0 =	simm.s32 @p2 $0x1  }
0x17: {  	s4 =	simm.s32 $0x1BF5;
	[smem:$0x3FB7] =	sst s0  }
0x18: {  	s0 =	sld [smem:$0x3F9A];
	_ =	swait.ge [sflag:s4], $0x0  }
0x19: {  	s7 =	sld [smem:$0x3F9B]  }
0x1a: {  	s8 =	sadd.s32 $0xFFFFE003, lr  }
0x1b: {  	s9 =	sadd.s32 $0xFFFFFEF7, lr;
	s5 =	simm.s32 $0xFFFFFFFF;
	p2 =	slt.u32 s8, $0xFFFFF086  }
0x1c: {  	p1 =	slt.u32 s9, $0xF7A;
	s5 =	simm.s32 @!p2 $0x0  }
0x1d: {  	s5 =	simm.s32 @p1 $0x1;
	p0 =	seq.s32 s7, s2  }
0x1e: {  	s7 =	smul.u32 @!p0 $0xF7A, s2;
	p2 =	seq.s32 @!p0 s5, $0x0  }
0x1f: {  	s9 =	smul.u32 $0xF7A, s1;
	s8 =	simm.s32 @!p0 $0x1BF5;
	p2 =	por !p2, p0  }
0x20: {  	[sflag:s8] =	ssyncset.s32 @!p0 $0xFFFFF086;
	s6 =	sadd.s32 @!p0 s3, s7;
	s7 =	simm.s32 @!p0 $0x108  }
0x21: {  	s3 =	sadd.s32 s3, s9;
	s6 =	sadd.s32 @!p0 $0x88, s6;
	s7 =	simm.s32 @p2 $0x1082  }
0x22: {  	[simem:s7], [sflag:s8] =	dma.local @!p0 [hbm:s6], $0xF7A  }
0x23: {  	s9 =	sor.u32 $0xD0000000, s2;
	s6 =	simm.s32 $0x108;
	_ =	swait.ge @!p0 [sflag:s8], $0x0  }
0x24: {  	s3 =	sadd.s32 $0x88, s3;
	s6 =	simm.s32 @!p1 $0x1082;
	[sflag:s4] =	ssyncset.s32 $0xFFFFF086  }
0x25: {  	[simem:s6], [sflag:s4] =	dma.local [hbm:s3], $0xF7A  }
0x26: {  	[smem:$0x3F9B] =	sst s1;
	(tag) =	ssettag s2;
	_ =	strace s9  }
0x27: {  	s1 =	sld [smem:$0x3FAB]  }
0x28: {  	s2 =	sld [smem:$0x3FAC]  }
0x29: {  	s4 =	sld [smem:$0x3FAE]  }
0x2a: {  	p0 =	seq.s32 s5, $0x0;
	s5 =	sld [smem:$0x3FAF]  }
0x2b: {  	s6 =	sld [smem:$0x3FB0]  }
0x2c: {  	s7 =	sld [smem:$0x3FB1]  }
0x2d: {  	s3 =	simm.s32 $0x108;
	s8 =	sld [smem:$0x3FB2]  }
0x2e: {  	s3 =	simm.s32 @!p0 $0x1082;
	s9 =	sld [smem:$0x3FB3]  }
0x2f: {  	lr =	sadd.s32 s0, s3;
	s0 =	sld [smem:$0x3FAA]  }
0x30: {  	s3 =	sld [smem:$0x3FAD]  }
0x31: {  	[smem:$0x3FB6] =	sst s10  }
0x32: {  	s10 =	sld [smem:$0x3FB4];
	_ =	sdelay $0x3  }
0x33: {  	p0 =	seq.s32 s10, $0x1;
	s10 =	sld [smem:$0x3FB6];
	_ =	sdelay $0x3  }
0x34: {  	[smem:$0x3FB6] =	sst s10  }
0x35: {  	s10 =	sld [smem:$0x3FB5];
	_ =	sdelay $0x3  }
0x36: {  	p1 =	seq.s32 s10, $0x1;
	s10 =	sld [smem:$0x3FB6];
	_ =	sdelay $0x3  }
0x37: {  	[smem:$0x3FB6] =	sst s10  }
0x38: {  	s10 =	sld [smem:$0x3FB7]  }
0x39: {  	_ = 	snop;
	(pc) =	sbr.ind lr, $3  }
0x3a: {  	_ = 	snop  }
0x3b: {  	_ = 	snop  }
0x3c: {  	p2 =	seq.s32 s10, $0x1;
	s10 =	sld [smem:$0x3FB6]  }
0x3d: {  	_ =	shalt  }
0x3e: {  	_ =	shalt  }
0x3f: {  	_ =	shalt  }
0x40: {  	_ =	shalt  }
0x41: {  	_ =	shalt  }
0x42: {  	_ =	shalt  }
0x43: {  	_ =	shalt  }
0x44: {  	_ =	shalt  }
0x45: {  	_ =	shalt  }
0x46: {  	_ =	shalt  }
0x47: {  	_ =	shalt  }
0x48: {  	_ =	shalt  }
0x49: {  	_ =	shalt  }
0x4a: {  	_ =	shalt  }
0x4b: {  	_ =	shalt  }
0x4c: {  	_ =	shalt  }
0x4d: {  	_ =	shalt  }
0x4e: {  	_ =	shalt  }
0x4f: {  	_ =	shalt  }
0x50: {  	_ =	shalt  }
0x51: {  	_ =	shalt  }
0x52: {  	_ =	shalt  }
0x53: {  	_ =	shalt  }
0x54: {  	_ =	shalt  }
0x55: {  	_ =	shalt  }
0x56: {  	_ =	shalt  }
0x57: {  	_ =	shalt  }
0x58: {  	_ =	shalt  }
0x59: {  	_ =	shalt  }
0x5a: {  	_ =	shalt  }
0x5b: {  	_ =	shalt  }
0x5c: {  	_ =	shalt  }
0x5d: {  	_ =	shalt  }
0x5e: {  	_ =	shalt  }
0x5f: {  	_ =	shalt  }
0x60: {  	_ =	shalt  }
0x61: {  	_ =	shalt  }
0x62: {  	_ =	shalt  }
0x63: {  	_ =	shalt  }
0x64: {  	_ =	shalt  }
0x65: {  	_ =	shalt  }
0x66: {  	_ =	shalt  }
0x67: {  	_ =	shalt  }
0x68: {  	_ =	shalt  }
0x69: {  	_ =	shalt  }
0x6a: {  	_ =	shalt  }
0x6b: {  	_ =	shalt  }
0x6c: {  	_ =	shalt  }
0x6d: {  	_ =	shalt  }
0x6e: {  	_ =	shalt  }
0x6f: {  	_ =	shalt  }
0x70: {  	_ =	shalt  }
0x71: {  	_ =	shalt  }
0x72: {  	_ =	shalt  }
0x73: {  	_ =	shalt  }
0x74: {  	_ =	shalt  }
0x75: {  	_ =	shalt  }
0x76: {  	_ =	shalt  }
0x77: {  	_ =	shalt  }
0x78: {  	_ =	shalt  }
0x79: {  	_ =	shalt  }
0x7a: {  	_ =	shalt  }
0x7b: {  	_ =	shalt  }
0x7c: {  	_ =	shalt  }
0x7d: {  	_ =	shalt  }
0x7e: {  	_ =	shalt  }
0x7f: {  	_ =	shalt  }
0x80: {  	_ =	shalt  }
0x81: {  	_ =	shalt  }
0x82: {  	_ =	shalt  }
0x83: {  	_ =	shalt  }
0x84: {  	_ =	shalt  }
0x85: {  	_ =	shalt  }
0x86: {  	_ =	shalt  }
0x87: {  	_ =	shalt  }
.Lfunc_end0:
.L_simem_size_0:
called_computation_lowered:
.L_overlay_start_0:
0x88: {  	s2 =	sld [smem:$0x3FD9]  }
0x89: {  	s3 =	sld [smem:$0x3FFE];
	_ =	sdelay $0x1  }
0x8a: {  	s1 =	srdreg.scid  }
0x8b: {  	s0 =	sand.u32 $0x1, s1  }
0x8c: {  	s14 =	sshll.u32 s0, $0xA;
	s2 =	sadd.s32 s3, s2  }
0x8d: {  	s3 =	sadd.s32 s2, s14  }
0x8e: {  	[smem:$0x3FC2] =	sst s3  }
0x8f: {  	_ = 	snop  }
0x90: {  	s3 =	sld [smem:$0x3FD0];
	_ =	sdelay $0x2  }
0x91: {  	s5 =	simm.s32 $0xA;
	s6 =	simm.s32 $0x10;
	s4 =	sld [smem:$0x3FC4]  }
0x92: {  	[smem:s6], [sflag:s5] =	dma.local [hbm:s3], $0x1  }
0x93: {  	_ =	swait.eq [sflag:s5], $0x1  }
0x94: {  	[sflag:s5] =	ssyncset.done $0x0  }
0x95: {  	s15 =	sld [smem:$0x10];
	[sflag:s5] =	ssyncadd.s32 $0xFFFFFFFF  }
0x96: {  	s16 =	sld [smem:$0x11];
	(tm) =	ssettm $0x1  }
0x97: {  	s17 =	sld [smem:$0x3FFB];
	_ =	sdelay $0x3  }
0x98: {  	_ =	strace s17  }
0x99: {  	s6 =	sld [smem:$0x3FFC];
	_ =	sdelay $0x3  }
0x9a: {  	_ =	strace s6  }
0x9b: {  	s6 =	sld [smem:$0x3FFD];
	_ =	sdelay $0x3  }
0x9c: {  	_ =	strace s6  }
0x9d: {  	_ =	strace $0x8FFFFFFF  }
0x9e: {  	s18 =	sld [smem:$0x3FDB];
	_ =	sdelay $0x1  }
0x9f: {  	s7 =	simm.s32 $_scs_section_size  }
0xa0: {  	s8 =	simm.s32 $_size__tile_overlayer_lowered;
	s9 =	simm.s32 $_tile_overlayer_lowered  }
0xa1: {  	s21 =	simm.s32 $0x1BFF;
	s20 =	sshll.u32 s9, $0x1;
	s6 =	sadd.s32 s7, s18  }
0xa2: {  	s10 =	simm.s32 $0x0;
	s19 =	sshll.u32 s8, $0x1;
	s8 =	sadd.s32 s20, s6  }
0xa3: {  	[timem:s10], [sflag:s21] =	dma.local [hbm:s8], s19  }
0xa4: {  	_ =	swait.ge [sflag:s21], s19  }
0xa5: {  	s7 =	ssub.s32 $0x0, s19;
	[sflag:s21] =	ssyncset.done $0x0  }
0xa6: {  	[sflag:s21] =	ssyncadd.s32 s7;
	_ =	sdelay $0x1  }
0xa7: {  	s22 =	simm.s32 $0x1B8B  }
0xa8: {  	_ =	swait.ge [sflag:s22], $0x1  }
0xa9: {  	[sflag:s22] =	ssyncset.done $0x0  }
0xaa: {  	s24 =	simm.s32 $0x1B8E;
	s23 =	sld [smem:$0x3FFE];
	[sflag:s22] =	ssyncadd.s32 $0xFFFFFFFF  }
0xab: {  	s25 =	simm.s32 $execute0_lowered;
	[smem:$0x3FD2] =	sst s24  }
0xac: {  	s8 =	sshll.u32 s25, $0x1;
	_ =	strace $0x80000046;
	[dreg:$0x1] =	wrdreg $0xFFFFFFFF  }
0xad: {  	s26 =	simm.s32 $_size_execute0_lowered;
	s6 =	sadd.s32 s6, s8;
	[dreg:$0x0] =	wrdreg $0x0  }
0xae: {  	s8 =	sshll.u32 s26, $0x1;
	[dreg:$0x2] =	wrdreg s6  }
0xaf: {  	[dreg:$0x3] =	wrdreg s8  }
0xb0: {  	[dreg:$0x4] =	wrdreg $0xC0  }
0xb1: {  	_ =	task [dreg:s10], $0x5FFFF  }
0xb2: {  	[dreg:$0x1] =	wrdreg $0xFFFFFFFF  }
0xb3: {  	[dreg:$0x0] =	wrdreg $0x60  }
0xb4: {  	[dreg:$0x2] =	wrdreg s23  }
0xb5: {  	[dreg:$0x3] =	wrdreg s4  }
0xb6: {  	[dreg:$0x4] =	wrdreg s15  }
0xb7: {  	[dreg:$0x5] =	wrdreg s16  }
0xb8: {  	[dreg:$0x6] =	wrdreg $0xA7800  }
0xb9: {  	[dreg:$0x7] =	wrdreg $0x1E0000  }
0xba: {  	s28 =	sadd.s32 $0x800, s2;
	[dreg:$0x8] =	wrdreg $0x1E2780  }
0xbb: {  	s2 =	sadd.s32 $0x27900, s2;
	[dreg:$0x9] =	wrdreg s28  }
0xbc: {  	[dreg:$0xa] =	wrdreg s2  }
0xbd: {  	[dreg:$0xb] =	wrdreg $0x9  }
0xbe: {  	_ =	task.clear_ibuf [dreg:s10], $0xCFFFF;
	_ =	strace $0x90000046  }
0xbf: {  	s29 =	simm.s32 $0x9;
	_ =	strace $0x80000048  }
0xc0: {  	_ =	swait.ge [sflag:s29], $0x1  }
0xc1: {  	[sflag:s29] =	ssyncadd.s32 $0xFFFFFFFF  }
0xc2: {  	_ =	strace $0x90000048  }
0xc3: {  	_ =	sfence  }
0xc4: {  	s30 =	sld [smem:$0x0];
	_ =	sdelay $0x2  }
0xc5: {  	s31 =	sshll.u32 s1, $0xD;
	s1 =	sshrl.u32 s1, $0x2  }
0xc6: {  	s3 =	sand.u32 $0x4000, s31;
	s1 =	sadd.s32 s1, s30  }
0xc7: {  	s0 =	sor.u32 s3, s0;
	s1 =	sshll.u32 s1, $0x11  }
0xc8: {  	s0 =	sor.u32 s1, s0  }
0xc9: {  	s0 =	sadd.s32 $0x8F2B, s0  }
0xca: {  	[sflag:s0] =	ssyncadd.remote.s32 $0x1  }
0xcb: {  	_ =	sfence.sel $0xFFFF  }
0xcc: {  	[dreg:$0x0] =	wrdreg $0xFFFFFFFF;
	(pc) =	sbr.abs _section_cstart, $3  }
0xcd: {  	[dreg:$0x1] =	wrdreg $0xFFFFFFFF  }
0xce: {  	_ =	task.clear_ibuf [dreg:s10], $0x2FFFF;
	_ =	strace $0x9FFFFFFF  }
0xcf: {  	(tm) =	ssettm $0x7FFFFFFF  }
tec
execute0_lowered:
.L_overlay_start_1:
0x0: {  	(tag) =	ssettag $0x1  }
0x1: {  	s2 =	rddreg [dreg:$0x0]  }
0x2: {  	s3 =	rddreg [dreg:$0x1]  }
0x3: {  	s0 =	rddreg [dreg:$0x3]  }
0x4: {  	s23 =	rddreg [dreg:$0x4]  }
0x5: {  	s10 =	rddreg [dreg:$0x5]  }
0x6: {  	s11 =	rddreg [dreg:$0x6]  }
0x7: {  	s6 =	rddreg [dreg:$0x8];
	s7 =	simm.s32 $0x0  }
0x8: {  	s21 =	srdreg.scid;
	s12 =	stileid.u32;
	s28 =	simm.s32 $0xA600  }
0x9: {  	s29 =	simm.s32 $0x5000;
	s30 =	simm.s32 $0x5100;
	s31 =	simm.s32 $0x50  }
0xa: {  	[smem:$0x7FF] =	sst s7;
	s1 =	sadd.s32 $0x65000, s2;
	s20 =	sadd.s32 $0x15000, s2  }
0xb: {  	s13 =	sadd.s32 $0xB200, s2;
	s14 =	sadd.s32 $0x1400, s2;
	s15 =	smul.u32 $0x4E20, s12  }
0xc: {  	s4 =	sand.u32 $0x1, s21;
	s25 =	smul.u32 $0xA000, s12;
	s26 =	sor.u32 $0x10, s12  }
0xd: {  	_ =	strace $0x80000047;
	[dreg:$0xa] =	wrdreg s1;
	s1 =	smul.u32 $0x2800, s4  }
0xe: {  	[dreg:$0xb] =	wrdreg s20;
	s5 =	ssub.s32 $0x2, s4;
	s19 =	smul.u32 $0x9C400, s4  }
0xf: {  	s8 =	sshll.u32 s4, $0x4;
	[dreg:$0xc] =	wrdreg s13;
	s18 =	smul.u32 $0x50, s26  }
0x10: {  	s20 =	sor.u32 $0x20, s12;
	[dreg:$0xd] =	wrdreg s14;
	s9 =	sshrl.u32 s5, $0x1  }
0x11: {  	s2 =	sadd.s32 s8, s2;
	s22 =	sadd.s32 s3, s8;
	s24 =	sshrl.u32 s15, $0x3  }
0x12: {  	s17 =	sshrl.u32 s25, $0x2;
	s21 =	smul.u32 $0xA000, s20;
	[dreg:$0xe] =	wrdreg s15  }
0x13: {  	s25 =	sor.u32 $0x30, s12;
	s5 =	ssub.s32 s5, s9;
	[dreg:$0x11] =	wrdreg s22  }
0x14: {  	s2 =	sadd.s32 $0x1200, s2;
	s13 =	sadd.s32 s13, s24;
	[dreg:$0xf] =	wrdreg s19  }
0x15: {  	s3 =	sadd.s32 s14, s24;
	s22 =	smul.u32 $0x50, s20;
	[dreg:$0x10] =	wrdreg s2  }
0x16: {  	s24 =	sadd.s32 s18, s10;
	s9 =	smul.u32 $0x50, s25;
	[dreg:$0x12] =	wrdreg s13  }
0x17: {  	v1 =	vmov s1;
	s1 =	simm.s32 $0x5080;
	s2 =	smul.u32 $0x4E20, s4;
	[dreg:$0x13] =	wrdreg s3  }
0x18: {  	s13 =	smul.u32 $0xA000, s26;
	s16 =	smax.u32 s5, $0x1;
	[dreg:$0x18] =	wrdreg s24  }
0x19: {  	v0 =	vlaneseq.u32;
	s4 =	smul.u32 $0x138800, s4;
	s5 =	sadd.s32 s18, s11;
	[dreg:$0x15] =	wrdreg s16  }
0x1a: {  	v0 =	vmul.u32 $0x10, v0;
	s26 =	smul.u32 $0xA000, s25;
	s25 =	sor.u32 $0x60, s12;
	[dreg:$0x19] =	wrdreg s5  }
0x1b: {  	s18 =	sadd.s32 s9, s10;
	[dreg:$0x14] =	wrdreg s4;
	s3 =	sshrl.u32 s13, $0x2  }
0x1c: {  	v5 =	vor.u32 $0x6, v0;
	s4 =	sadd.s32 s17, s23;
	s13 =	sadd.s32 s22, s10;
	[dreg:$0x1e] =	wrdreg s18  }
0x1d: {  	v17 =	vor.u32 $0x1, v0;
	[tilespmem:$0x1FDD0] =	vst v5;
	s17 =	sor.u32 $0x40, s12;
	s18 =	smul.u32 $0x50, s25;
	[dreg:$0x16] =	wrdreg s4  }
0x1e: {  	v18 =	vor.u32 $0x2, v0;
	[tilespmem:$0x1FEF0] =	vst v17;
	s3 =	sadd.s32 s3, s23;
	[dreg:$0x1b] =	wrdreg s13;
	s20 =	smul.u32 $0xA000, s17  }
0x1f: {  	v19 =	vor.u32 $0x3, v0;
	[tilespmem:$0x1FF00] =	vst v18;
	s4 =	sadd.s32 s22, s11;
	s22 =	sor.u32 $0x50, s12;
	s13 =	smul.u32 $0xA000, s25  }
0x20: {  	v20 =	vor.u32 $0x4, v0;
	[tilespmem:$0x1FF10] =	vst v19;
	[dreg:$0x17] =	wrdreg s3;
	s3 =	sshrl.u32 s21, $0x2;
	s21 =	smul.u32 $0x50, s17  }
0x21: {  	v21 =	vor.u32 $0x5, v0;
	[tilespmem:$0x1FF20] =	vst v20;
	s16 =	sshrl.u32 s26, $0x2;
	[dreg:$0x1c] =	wrdreg s4;
	s24 =	smul.u32 $0xA000, s22  }
0x22: {  	v22 =	vor.u32 $0x7, v0;
	[tilespmem:$0x1FF30] =	vst v21;
	s4 =	sadd.s32 s16, s23;
	s16 =	smul.u32 $0x50, s22;
	s22 =	sor.u32 $0x70, s12  }
0x23: {  	v23 =	vor.u32 $0x9, v0;
	[tilespmem:$0x1FF40] =	vst v22;
	s3 =	sadd.s32 s3, s23;
	[dreg:$0x1d] =	wrdreg s4;
	s4 =	sshrl.u32 s20, $0x2  }
0x24: {  	v24 =	vor.u32 $0xB, v0;
	[tilespmem:$0x1FF50] =	vst v23;
	s20 =	smul.u32 $0x50, s12;
	[dreg:$0x1a] =	wrdreg s3;
	s3 =	sadd.s32 s9, s11  }
0x25: {  	v25 =	vor.u32 $0xD, v0;
	[tilespmem:$0x1FF60] =	vst v24;
	s25 =	smul.u32 $0xA000, s22;
	s4 =	sadd.s32 s4, s23;
	[dreg:$0x1f] =	wrdreg s3  }
0x26: {  	v26 =	vor.u32 $0xF, v0;
	[tilespmem:$0x1FF70] =	vst v25;
	p0 =	sgt.u32 s22, $0x7C;
	s26 =	sadd.s32 s21, s10;
	[smem:$0x7E7] =	sst s4  }
0x27: {  	v27 =	vor.u32 $0x104, v0;
	[tilespmem:$0x1FF80] =	vst v26;
	s17 =	sshrl.u32 s24, $0x2;
	[smem:$0x7E8] =	sst s26;
	s3 =	sadd.s32 s21, s11  }
0x28: {  	v28 =	vor.u32 $0x106, v0;
	[tilespmem:$0x1FF90] =	vst v27;
	s5 =	sadd.s32 s17, s23;
	s4 =	sshrl.u32 s13, $0x2;
	[smem:$0x7E9] =	sst s3  }
0x29: {  	v29 =	vor.u32 $0x108, v0;
	[tilespmem:$0x1FFA0] =	vst v28;
	s21 =	sadd.s32 s16, s10;
	s26 =	sadd.s32 s18, s10;
	[smem:$0x7EA] =	sst s5  }
0x2a: {  	v62 =	vor.u32 $0x10A, v0;
	[tilespmem:$0x1FFB0] =	vst v29;
	s13 =	sadd.s32 s18, s11;
	s17 =	sadd.s32 s20, s10;
	[smem:$0x7EB] =	sst s21  }
0x2b: {  	v63 =	vor.u32 $0x10C, v0;
	[tilespmem:$0x1FFC0] =	vst v62;
	s18 =	sadd.s32 s20, s11;
	s20 =	sadd.s32 s20, s2;
	[smem:$0x7EE] =	sst s26  }
0x2c: {  	v59 =	vor.u32 $0x10E, v0;
	[tilespmem:$0x1FFD0] =	vst v63;
	s3 =	sadd.s32 s16, s11;
	[smem:$0x7EF] =	sst s13;
	s16 =	smul.u32 $0x50, s22  }
0x2d: {  	v60 =	vor.u32 $0x200, v0;
	[tilespmem:$0x1FFE0] =	vst v59;
	s24 =	sadd.s32 s4, s23;
	[smem:$0x7F0] =	sst s17;
	s21 =	smul.u32 $0x140, s12  }
0x2e: {  	v5 =	vor.u32 $0x8, v0;
	[tilespmem:$0x1FFF0] =	vst v60;
	[smem:$0x7F1] =	sst s18;
	s26 =	sadd.s32 s15, s19;
	s12 =	smul.u32 $0x9C4, s12  }
0x2f: {  	[tilespmem:$0x1FDE0] =	vst v5;
	v5 =	vor.u32 $0xA, v0;
	s13 =	sshrl.u32 s20, $0x3;
	[smem:$0x7EC] =	sst s3;
	s3 =	sshrl.u32 s25, $0x2  }
0x30: {  	[tilespmem:$0x1FDF0] =	vst v5;
	v5 =	vor.u32 $0xC, v0;
	[smem:$0x7ED] =	sst s24;
	s24 =	sadd.s32 $0x2710, s20;
	s3 =	sadd.s32 s3, s23  }
0x31: {  	[tilespmem:$0x1FE00] =	vst v5;
	v5 =	vor.u32 $0xE, v0;
	s22 =	sadd.s32 s16, s10;
	s4 =	sadd.s32 s16, s11;
	s25 =	sshrl.u32 s21, $0x2  }
0x32: {  	[tilespmem:$0x1FE10] =	vst v5;
	v5 =	vor.u32 $0x100, v0;
	s16 =	sadd.s32 s12, s14;
	s21 =	sadd.s32 s6, s13;
	[smem:$0x7F2] =	sst s3  }
0x33: {  	[tilespmem:$0x1FE20] =	vst v5;
	v5 =	vor.u32 $0x101, v0;
	s14 =	simm.s32 $0x7980;
	s13 =	simm.s32 $0x1E9F0;
	[smem:$0x7F3] =	sst s22  }
0x34: {  	[tilespmem:$0x1FE30] =	vst v5;
	v5 =	vor.u32 $0x102, v0;
	[smem:$0x7F4] =	sst s4;
	s3 =	sshrl.u32 s24, $0x3;
	s8 =	sadd.s32 s25, s11  }
0x35: {  	[tilespmem:$0x1FE40] =	vst v5;
	v5 =	vor.u32 $0x103, v0;
	s4 =	sadd.s32 s25, s10;
	s10 =	sadd.s32 $0x2710, s2;
	[smem:$0x7F9] =	sst s21  }
0x36: {  	[tilespmem:$0x1FE50] =	vst v5;
	v5 =	vor.u32 $0x105, v0;
	s11 =	sadd.s32 $0x4E200, s26;
	s24 =	sadd.s32 $0x50, s15;
	[smem:$0x7F5] =	sst s8  }
0x37: {  	v2 =	vmov s2;
	[tilespmem:$0x1FE60] =	vst v5;
	v5 =	vor.u32 $0x107, v0;
	s25 =	sadd.s32 $0x4E200, s19;
	s2 =	simm.s32 $0xA400;
	[smem:$0x7F6] =	sst s4  }
0x38: {  	[tilespmem:$0x1FE70] =	vst v5;
	v5 =	vor.u32 $0x109, v0;
	s20 =	sshrl.u32 s11, $0x3;
	s4 =	sshrl.u32 s26, $0x3;
	[smem:$0x7FB] =	sst s24  }
0x39: {  	[tilespmem:$0x1FE80] =	vst v5;
	v5 =	vor.u32 $0x10B, v0;
	s22 =	sadd.s32 s6, s3;
	[smem:$0x7FC] =	sst s25;
	s26 =	sadd.s32 $0xA0, s15  }
0x3a: {  	[tilespmem:$0x1FE90] =	vst v5;
	v5 =	vor.u32 $0x10D, v0;
	v3 =	vmov s10;
	s25 =	simm.s32 $0x5;
	s10 =	simm.s32 $0x1;
	s15 =	simm.s32 $0x1E4F0  }
.Ltmp0:
0x3b: {  	[tilespmem:$0x1FEA0] =	vst v5;
	s24 =	simm.s32 $0xA380;
	v5 =	vor.u32 $0x10F, v0;
	[smem:$0x7F7] =	sst s20;
	(pc) =	sbr.rel .LBB2_1-.Ltmp0, $4  }
0x3c: {  	s3 =	simm.s32 $0xA480;
	s8 =	simm.s32 $0x0;
	[smem:$0x7F8] =	sst s4;
	[tilespmem:$0x1FEB0] =	vst v5;
	v5 =	vor.u32 $0x201, v0  }
0x3d: {  	s17 =	sadd.s32 s20, s0;
	s18 =	sadd.s32 s4, s0;
	[smem:$0x7FA] =	sst s22;
	[tilespmem:$0x1FEC0] =	vst v5;
	v5 =	vor.u32 $0x202, v0  }
0x3e: {  	[smem:$0x7FD] =	sst s26;
	s26 =	simm.s32 $0x6;
	s20 =	simm.s32 $0x2;
	[tilespmem:$0x1FED0] =	vst v5;
	v5 =	vor.u32 $0x203, v0  }
0x3f: {  	v4 =	vimm.f32 $0.0e+00;
	s22 =	simm.s32 $0xA300;
	s4 =	simm.s32 $0xA680;
	s0 =	simm.s32 $0xA700;
	[tilespmem:$0x1FEE0] =	vst v5  }
.LBB2_25:
0x40: {  	s8 =	sld [smem:$0x7E6];
	_ =	sdelay $0x2  }
0x41: {  	s5 =	rddreg [dreg:$0x15];
	s8 =	sadd.s32 $0x1, s8  }
0x42: {  	p1 =	sne.s32 s8, s5  }
.Ltmp1:
0x43: {  	_ = 	snop;
	(pc) =	sbr.rel @!p1 .LBB2_26-.Ltmp1, $1  }
0x44: {  	_ =	sdelay $0x3  }
.LBB2_1:
0x45: {  	[smem:$0x7E6] =	sst s8  }
0x46: {  	s5 =	rddreg [dreg:$0x10];
	s12 =	simm.s32 $0xA500  }
0x47: {  	[tilespmem:s12], [sflag:$0x5] =	stream.linear.gather [hbm4b:s5+s7], $0x80, $0x38;
	[tilespmem:$0x1EEF0] =	vst v63  }
0x48: {  	_ =	swait.ge [sflag:s25], $0x80  }
0x49: {  	[sflag:s25] =	ssyncset.done $0x0  }
0x4a: {  	s21 =	simm.s32 $0xA580;
	s19 =	rddreg [dreg:$0x11];
	[sflag:s25] =	ssyncadd.s32 $0xFFFFFF80  }
0x4b: {  	[tilespmem:s21], [sflag:$0x5] =	stream.linear.gather [hbm4b:s19+s7], $0x80, $0x38;
	[tilespmem:$0x1EEF0] =	vst v63  }
0x4c: {  	_ =	swait.ge [sflag:s25], $0x80  }
0x4d: {  	[sflag:s25] =	ssyncset.done $0x0  }
0x4e: {  	[sflag:s25] =	ssyncadd.s32 $0xFFFFFF80  }
0x4f: {  	v48 =	vld [tilespmem:$0xA500]  }
0x50: {  	v49 =	vld [tilespmem:$0xA510]  }
0x51: {  	v50 =	vld [tilespmem:$0xA520]  }
0x52: {  	v51 =	vld [tilespmem:$0xA530]  }
0x53: {  	v52 =	vld [tilespmem:$0xA540]  }
0x54: {  	v53 =	vld [tilespmem:$0xA550]  }
0x55: {  	v54 =	vld [tilespmem:$0xA560]  }
0x56: {  	v55 =	vld [tilespmem:$0xA570]  }
0x57: {  	v40 =	vld [tilespmem:$0xA580]  }
0x58: {  	v41 =	vld [tilespmem:$0xA590]  }
0x59: {  	v42 =	vld [tilespmem:$0xA5A0]  }
0x5a: {  	v43 =	vld [tilespmem:$0xA5B0]  }
0x5b: {  	v46 =	vld [tilespmem:$0xA5E0]  }
0x5c: {  	v47 =	vld [tilespmem:$0xA5F0]  }
0x5d: {  	v45 =	vld [tilespmem:$0xA5D0]  }
0x5e: {  	s8 =	simm.s32 $0x200;
	s5 =	simm.s32 $0x0;
	v44 =	vld [tilespmem:$0xA5C0]  }
.LBB2_2:
0x5f: {  	p1 =	sne.s32 s8, $0x9E00;
	[tilespmem:s5+$0x70] =	vst v4  }
0x60: {  	[tilespmem:s5+$0x0] =	vst v4  }
0x61: {  	[tilespmem:s5+$0x10] =	vst v4  }
.Ltmp2:
0x62: {  	[tilespmem:s5+$0x20] =	vst v4;
	(pc) =	sbr.rel @p1 .LBB2_2-.Ltmp2, $4  }
0x63: {  	[tilespmem:s5+$0x30] =	vst v4  }
0x64: {  	[tilespmem:s5+$0x40] =	vst v4  }
0x65: {  	[tilespmem:s5+$0x50] =	vst v4  }
0x66: {  	[tilespmem:s5+$0x60] =	vst v4;
	s5 =	sshra.s32 s8, $0x2;
	s8 =	sadd.s32 $0x200, s8  }
0x67: {  	[tilespmem:s5+$0x70] =	vst v4  }
0x68: {  	[tilespmem:s5+$0x0] =	vst v4  }
0x69: {  	[tilespmem:s5+$0x10] =	vst v4  }
0x6a: {  	[tilespmem:s5+$0x20] =	vst v4  }
0x6b: {  	[tilespmem:s5+$0x30] =	vst v4  }
0x6c: {  	[tilespmem:s5+$0x40] =	vst v4  }
0x6d: {  	[tilespmem:s5+$0x50] =	vst v4  }
0x6e: {  	[tilespmem:s5+$0x60] =	vst v4  }
0x6f: {  	[tilespmem:$0xA600] =	vst v4  }
0x70: {  	[tilespmem:$0xA610] =	vst v4  }
0x71: {  	[tilespmem:$0xA620] =	vst v4  }
0x72: {  	[tilespmem:$0xA630] =	vst v4  }
0x73: {  	s12 =	rddreg [dreg:$0x16];
	[tilespmem:$0xA640] =	vst v4  }
0x74: {  	[spmem:s12] =	stream.linear.scatter [tilespmem:s7], [sflag:$0x6], $0x2800, $0x38;
	[tilespmem:$0x1EEF0] =	vst v63  }
0x75: {  	_ =	swait.ge [sflag:s26], $0x2800  }
0x76: {  	s19 =	sld [smem:$0x7F0]  }
0x77: {  	[sflag:s26] =	ssyncset.done $0x0  }
0x78: {  	[sflag:s26] =	ssyncadd.s32 $0xFFFFD800  }
0x79: {  	[spmem:s19] =	stream.linear.scatter [tilespmem:s28], [sflag:$0x6], $0x50, $0x38;
	[tilespmem:$0x1EEF0] =	vst v63  }
0x7a: {  	_ =	swait.ge [sflag:s26], $0x50  }
0x7b: {  	s21 =	sld [smem:$0x7F1]  }
0x7c: {  	[sflag:s26] =	ssyncset.done $0x0  }
0x7d: {  	[sflag:s26] =	ssyncadd.s32 $0xFFFFFFB0  }
0x7e: {  	[spmem:s21] =	stream.linear.scatter [tilespmem:s28], [sflag:$0x5], $0x50, $0x38;
	[tilespmem:$0x1EEF0] =	vst v63  }
0x7f: {  	_ =	swait.ge [sflag:s25], $0x50  }
0x80: {  	[sflag:s25] =	ssyncset.done $0x0  }
0x81: {  	s8 =	rddreg [dreg:$0x17];
	[sflag:s25] =	ssyncadd.s32 $0xFFFFFFB0  }
0x82: {  	[spmem:s8] =	stream.linear.scatter [tilespmem:s7], [sflag:$0x6], $0x2800, $0x38;
	[tilespmem:$0x1EEF0] =	vst v63  }
0x83: {  	_ =	swait.ge [sflag:s26], $0x2800  }
0x84: {  	[sflag:s26] =	ssyncset.done $0x0  }
0x85: {  	s9 =	rddreg [dreg:$0x18];
	[sflag:s26] =	ssyncadd.s32 $0xFFFFD800  }
0x86: {  	[spmem:s9] =	stream.linear.scatter [tilespmem:s28], [sflag:$0x6], $0x50, $0x38;
	[tilespmem:$0x1EEF0] =	vst v63  }
0x87: {  	_ =	swait.ge [sflag:s26], $0x50  }
0x88: {  	[sflag:s26] =	ssyncset.done $0x0  }
0x89: {  	s11 =	rddreg [dreg:$0x19];
	[sflag:s26] =	ssyncadd.s32 $0xFFFFFFB0  }
0x8a: {  	[spmem:s11] =	stream.linear.scatter [tilespmem:s28], [sflag:$0x5], $0x50, $0x38;
	[tilespmem:$0x1EEF0] =	vst v63  }
0x8b: {  	_ =	swait.ge [sflag:s25], $0x50  }
0x8c: {  	[sflag:s25] =	ssyncset.done $0x0  }
0x8d: {  	s12 =	rddreg [dreg:$0x1a];
	[sflag:s25] =	ssyncadd.s32 $0xFFFFFFB0  }
0x8e: {  	[spmem:s12] =	stream.linear.scatter [tilespmem:s7], [sflag:$0x6], $0x2800, $0x38;
	[tilespmem:$0x1EEF0] =	vst v63  }
0x8f: {  	_ =	swait.ge [sflag:s26], $0x2800  }
0x90: {  	[sflag:s26] =	ssyncset.done $0x0  }
0x91: {  	s19 =	rddreg [dreg:$0x1b];
	[sflag:s26] =	ssyncadd.s32 $0xFFFFD800  }
0x92: {  	[spmem:s19] =	stream.linear.scatter [tilespmem:s28], [sflag:$0x6], $0x50, $0x38;
	[tilespmem:$0x1EEF0] =	vst v63  }
0x93: {  	_ =	swait.ge [sflag:s26], $0x50  }
0x94: {  	[sflag:s26] =	ssyncset.done $0x0  }
0x95: {  	s21 =	rddreg [dreg:$0x1c];
	[sflag:s26] =	ssyncadd.s32 $0xFFFFFFB0  }
0x96: {  	[spmem:s21] =	stream.linear.scatter [tilespmem:s28], [sflag:$0x5], $0x50, $0x38;
	[tilespmem:$0x1EEF0] =	vst v63  }
0x97: {  	_ =	swait.ge [sflag:s25], $0x50  }
0x98: {  	[sflag:s25] =	ssyncset.done $0x0  }
0x99: {  	s8 =	rddreg [dreg:$0x1d];
	[sflag:s25] =	ssyncadd.s32 $0xFFFFFFB0  }
0x9a: {  	[spmem:s8] =	stream.linear.scatter [tilespmem:s7], [sflag:$0x6], $0x2800, $0x38;
	[tilespmem:$0x1EEF0] =	vst v63  }
0x9b: {  	_ =	swait.ge [sflag:s26], $0x2800  }
0x9c: {  	[sflag:s26] =	ssyncset.done $0x0  }
0x9d: {  	s9 =	rddreg [dreg:$0x1e];
	[sflag:s26] =	ssyncadd.s32 $0xFFFFD800  }
0x9e: {  	[spmem:s9] =	stream.linear.scatter [tilespmem:s28], [sflag:$0x6], $0x50, $0x38;
	[tilespmem:$0x1EEF0] =	vst v63  }
0x9f: {  	_ =	swait.ge [sflag:s26], $0x50  }
0xa0: {  	[sflag:s26] =	ssyncset.done $0x0  }
0xa1: {  	s11 =	rddreg [dreg:$0x1f];
	[sflag:s26] =	ssyncadd.s32 $0xFFFFFFB0  }
0xa2: {  	[spmem:s11] =	stream.linear.scatter [tilespmem:s28], [sflag:$0x5], $0x50, $0x38;
	[tilespmem:$0x1EEF0] =	vst v63  }
0xa3: {  	_ =	swait.ge [sflag:s25], $0x50  }
0xa4: {  	s12 =	sld [smem:$0x7E7]  }
0xa5: {  	[sflag:s25] =	ssyncset.done $0x0  }
0xa6: {  	[sflag:s25] =	ssyncadd.s32 $0xFFFFFFB0  }
0xa7: {  	[spmem:s12] =	stream.linear.scatter [tilespmem:s7], [sflag:$0x6], $0x2800, $0x38;
	[tilespmem:$0x1EEF0] =	vst v63  }
0xa8: {  	_ =	swait.ge [sflag:s26], $0x2800  }
0xa9: {  	s19 =	sld [smem:$0x7E8]  }
0xaa: {  	[sflag:s26] =	ssyncset.done $0x0  }
0xab: {  	[sflag:s26] =	ssyncadd.s32 $0xFFFFD800  }
0xac: {  	[spmem:s19] =	stream.linear.scatter [tilespmem:s28], [sflag:$0x6], $0x50, $0x38;
	[tilespmem:$0x1EEF0] =	vst v63  }
0xad: {  	_ =	swait.ge [sflag:s26], $0x50  }
0xae: {  	s21 =	sld [smem:$0x7E9]  }
0xaf: {  	[sflag:s26] =	ssyncset.done $0x0  }
0xb0: {  	[sflag:s26] =	ssyncadd.s32 $0xFFFFFFB0  }
0xb1: {  	[spmem:s21] =	stream.linear.scatter [tilespmem:s28], [sflag:$0x5], $0x50, $0x38;
	[tilespmem:$0x1EEF0] =	vst v63  }
0xb2: {  	_ =	swait.ge [sflag:s25], $0x50  }
0xb3: {  	s8 =	sld [smem:$0x7EA]  }
0xb4: {  	[sflag:s25] =	ssyncset.done $0x0  }
0xb5: {  	[sflag:s25] =	ssyncadd.s32 $0xFFFFFFB0  }
0xb6: {  	[spmem:s8] =	stream.linear.scatter [tilespmem:s7], [sflag:$0x6], $0x2800, $0x38;
	[tilespmem:$0x1EEF0] =	vst v63  }
0xb7: {  	_ =	swait.ge [sflag:s26], $0x2800  }
0xb8: {  	s9 =	sld [smem:$0x7EB]  }
0xb9: {  	[sflag:s26] =	ssyncset.done $0x0  }
0xba: {  	[sflag:s26] =	ssyncadd.s32 $0xFFFFD800  }
0xbb: {  	[spmem:s9] =	stream.linear.scatter [tilespmem:s28], [sflag:$0x6], $0x50, $0x38;
	[tilespmem:$0x1EEF0] =	vst v63  }
0xbc: {  	_ =	swait.ge [sflag:s26], $0x50  }
0xbd: {  	s11 =	sld [smem:$0x7EC]  }
0xbe: {  	[sflag:s26] =	ssyncset.done $0x0  }
0xbf: {  	[sflag:s26] =	ssyncadd.s32 $0xFFFFFFB0  }
0xc0: {  	[spmem:s11] =	stream.linear.scatter [tilespmem:s28], [sflag:$0x5], $0x50, $0x38;
	[tilespmem:$0x1EEF0] =	vst v63  }
0xc1: {  	_ =	swait.ge [sflag:s25], $0x50  }
0xc2: {  	s12 =	sld [smem:$0x7ED]  }
0xc3: {  	[sflag:s25] =	ssyncset.done $0x0  }
0xc4: {  	[sflag:s25] =	ssyncadd.s32 $0xFFFFFFB0  }
0xc5: {  	[spmem:s12] =	stream.linear.scatter [tilespmem:s7], [sflag:$0x6], $0x2800, $0x38;
	[tilespmem:$0x1EEF0] =	vst v63  }
0xc6: {  	_ =	swait.ge [sflag:s26], $0x2800  }
0xc7: {  	s19 =	sld [smem:$0x7EE]  }
0xc8: {  	[sflag:s26] =	ssyncset.done $0x0  }
0xc9: {  	[sflag:s26] =	ssyncadd.s32 $0xFFFFD800  }
0xca: {  	[spmem:s19] =	stream.linear.scatter [tilespmem:s28], [sflag:$0x6], $0x50, $0x38;
	[tilespmem:$0x1EEF0] =	vst v63  }
0xcb: {  	_ =	swait.ge [sflag:s26], $0x50  }
0xcc: {  	s21 =	sld [smem:$0x7EF]  }
0xcd: {  	[sflag:s26] =	ssyncset.done $0x0  }
0xce: {  	[sflag:s26] =	ssyncadd.s32 $0xFFFFFFB0  }
0xcf: {  	[spmem:s21] =	stream.linear.scatter [tilespmem:s28], [sflag:$0x5], $0x50, $0x38;
	[tilespmem:$0x1EEF0] =	vst v63  }
0xd0: {  	_ =	swait.ge [sflag:s25], $0x50  }
0xd1: {  	s8 =	sld [smem:$0x7F2]  }
0xd2: {  	[sflag:s25] =	ssyncset.done $0x0  }
0xd3: {  	s5 =	simm.s32 @!p0 $0x0;
	[sflag:s25] =	ssyncadd.s32 $0xFFFFFFB0  }
0xd4: {  	[spmem:s8] =	stream.linear.scatter @!p0 [tilespmem:s5], [sflag:$0x6], $0x2800, $0x38;
	[tilespmem:$0x1EEF0] =	vst v63  }
0xd5: {  	s5 =	simm.s32 @!p0 $0x6  }
0xd6: {  	_ =	swait.ge @!p0 [sflag:s5], $0x2800  }
0xd7: {  	s9 =	sld [smem:$0x7F3]  }
0xd8: {  	[sflag:s5] =	ssyncset.done @!p0 $0x0  }
0xd9: {  	s8 =	simm.s32 @!p0 $0xA600;
	[sflag:s5] =	ssyncadd.s32 @!p0 $0xFFFFD800  }
0xda: {  	[spmem:s9] =	stream.linear.scatter @!p0 [tilespmem:s8], [sflag:$0x6], $0x50, $0x38;
	[tilespmem:$0x1EEF0] =	vst v63  }
0xdb: {  	_ =	swait.ge @!p0 [sflag:s5], $0x50  }
0xdc: {  	[sflag:s5] =	ssyncset.done @!p0 $0x0  }
0xdd: {  	[sflag:s5] =	ssyncadd.s32 @!p0 $0xFFFFFFB0;
	s5 =	sld [smem:$0x7F4];
	_ =	sdelay $0x2  }
0xde: {  	[spmem:s5] =	stream.linear.scatter @!p0 [tilespmem:s8], [sflag:$0x5], $0x50, $0x38;
	[tilespmem:$0x1EEF0] =	vst v63  }
0xdf: {  	s5 =	simm.s32 @!p0 $0x5  }
0xe0: {  	_ =	swait.ge @!p0 [sflag:s5], $0x50  }
0xe1: {  	[sflag:s5] =	ssyncset.done @!p0 $0x0  }
0xe2: {  	[sflag:s5] =	ssyncadd.s32 @!p0 $0xFFFFFFB0  }
0xe3: {  	[bflag:$0x0] =	sbarrier.arrive $0xFFFF  }
0xe4: {  	s7 =	simm.s32 $0x0;
	s9 =	rddreg [dreg:$0x12]  }
0xe5: {  	[tilespmem:s29], [sflag:$0x5] =	stream.linear.gather [hbm4b:s9+s7], $0x50, $0x38;
	[tilespmem:$0x1EEF0] =	vst v63  }
0xe6: {  	_ =	swait.ge [sflag:s25], $0x50  }
0xe7: {  	[sflag:s25] =	ssyncset.done $0x0  }
0xe8: {  	s11 =	rddreg [dreg:$0x13];
	[sflag:s25] =	ssyncadd.s32 $0xFFFFFFB0  }
0xe9: {  	[tilespmem:s30], [sflag:$0x5] =	stream.linear.gather [hbm4b:s11+s7], $0x50, $0x38;
	[tilespmem:$0x1EEF0] =	vst v63  }
0xea: {  	_ =	swait.ge [sflag:s25], $0x50  }
0xeb: {  	[sflag:s25] =	ssyncset.done $0x0  }
0xec: {  	[sflag:s25] =	ssyncadd.s32 $0xFFFFFFB0  }
0xed: {  	v5 =	vld [tilespmem:$0x5000]  }
0xee: {  	v6 =	vld [tilespmem:$0x5100]  }
0xef: {  	v7 =	vld [tilespmem:$0x5010]  }
0xf0: {  	v8 =	vld [tilespmem:$0x5110]  }
0xf1: {  	v9 =	vld [tilespmem:$0x5020]  }
0xf2: {  	v10 =	vld [tilespmem:$0x5120];
	v5 =	vadd.s32 v1, v5  }
0xf3: {  	[tilespmem:$0x5000] =	vst v5;
	v5 =	vadd.s32 v1, v6;
	v6 =	vld [tilespmem:$0x5030]  }
0xf4: {  	[tilespmem:$0x5080] =	vst v5;
	v5 =	vadd.s32 v1, v7;
	v7 =	vld [tilespmem:$0x5130]  }
0xf5: {  	v58 =	vld [tilespmem:$0x5040];
	[tilespmem:$0x5010] =	vst v5;
	v5 =	vadd.s32 v1, v8  }
0xf6: {  	v61 =	vld [tilespmem:$0x5140];
	[tilespmem:$0x5090] =	vst v5;
	v5 =	vadd.s32 v1, v9  }
0xf7: {  	[tilespmem:$0x5020] =	vst v5;
	v5 =	vadd.s32 v1, v10  }
0xf8: {  	[tilespmem:$0x50A0] =	vst v5;
	v5 =	vadd.s32 v1, v6  }
0xf9: {  	[tilespmem:$0x5030] =	vst v5;
	v5 =	vadd.s32 v1, v7  }
0xfa: {  	[tilespmem:$0x50B0] =	vst v5;
	v5 =	vadd.s32 v1, v58  }
0xfb: {  	[tilespmem:$0x5040] =	vst v5;
	v5 =	vadd.s32 v1, v61  }
0xfc: {  	s12 =	rddreg [dreg:$0xa];
	[tilespmem:$0x50C0] =	vst v5  }
0xfd: {  	[tilespmem:s7], [sflag:$0x1] =	stream.indirect.gather [hbm4b:s12+s31], $0x80, s29, s31, $0xb8;
	[tilespmem:$0x1EEF0] =	vst v63  }
0xfe: {  	s21 =	simm.s32 $0x2800;
	s19 =	rddreg [dreg:$0xb]  }
0xff: {  	[tilespmem:s21], [sflag:$0x2] =	stream.indirect.gather [hbm4b:s19+s31], $0x80, s1, s31, $0xb8;
	[tilespmem:$0x1EEF0] =	vst v63  }
0x100: {  	s21 =	simm.s32 $0x0  }
.LBB2_4:
0x101: {  	s5 =	sld [smem:$0x7FB]  }
0x102: {  	s12 =	smul.u32 $0xA0, s21;
	_ =	sdelay $0x1  }
0x103: {  	s11 =	sadd.s32 s12, s5  }
0x104: {  	s8 =	rddreg [dreg:$0xc];
	s5 =	sshrl.u32 s11, $0x3  }
0x105: {  	s9 =	simm.s32 $0xA180;
	s19 =	simm.s32 $0x0;
	s8 =	sadd.s32 s8, s5  }
0x106: {  	[tilespmem:s9], [sflag:$0x5] =	stream.linear.gather [hbm4b:s8+s19], $0x50, $0x38;
	[tilespmem:$0x1EEF0] =	vst v63  }
0x107: {  	_ =	swait.ge [sflag:s25], $0x50  }
0x108: {  	[sflag:s25] =	ssyncset.done $0x0;
	s8 =	rddreg [dreg:$0xd]  }
0x109: {  	s7 =	simm.s32 $0xA280;
	[sflag:s25] =	ssyncadd.s32 $0xFFFFFFB0;
	s5 =	sadd.s32 s8, s5  }
0x10a: {  	[tilespmem:s7], [sflag:$0x5] =	stream.linear.gather [hbm4b:s5+s19], $0x50, $0x38;
	[tilespmem:$0x1EEF0] =	vst v63  }
0x10b: {  	_ =	swait.ge [sflag:s25], $0x50  }
0x10c: {  	[sflag:s25] =	ssyncset.done $0x0  }
0x10d: {  	[sflag:s25] =	ssyncadd.s32 $0xFFFFFFB0  }
0x10e: {  	v5 =	vld [tilespmem:$0xA180]  }
0x10f: {  	v6 =	vld [tilespmem:$0xA280]  }
0x110: {  	v7 =	vld [tilespmem:$0xA190]  }
0x111: {  	v8 =	vld [tilespmem:$0xA290]  }
0x112: {  	v9 =	vld [tilespmem:$0xA1A0]  }
0x113: {  	v10 =	vld [tilespmem:$0xA2A0];
	v5 =	vadd.s32 v1, v5  }
0x114: {  	[tilespmem:$0xA180] =	vst v5;
	v5 =	vadd.s32 v1, v6;
	v6 =	vld [tilespmem:$0xA1B0]  }
0x115: {  	[tilespmem:$0xA200] =	vst v5;
	v5 =	vadd.s32 v1, v7;
	v7 =	vld [tilespmem:$0xA2B0]  }
0x116: {  	v57 =	vld [tilespmem:$0xA1C0];
	[tilespmem:$0xA190] =	vst v5;
	v5 =	vadd.s32 v1, v8  }
0x117: {  	v58 =	vld [tilespmem:$0xA2C0];
	[tilespmem:$0xA210] =	vst v5;
	v5 =	vadd.s32 v1, v9  }
0x118: {  	[tilespmem:$0xA1A0] =	vst v5;
	v5 =	vadd.s32 v1, v10  }
0x119: {  	[tilespmem:$0xA220] =	vst v5;
	v5 =	vadd.s32 v1, v6  }
0x11a: {  	[tilespmem:$0xA1B0] =	vst v5;
	v5 =	vadd.s32 v1, v7  }
0x11b: {  	[tilespmem:$0xA230] =	vst v5;
	v5 =	vadd.s32 v1, v57  }
0x11c: {  	[tilespmem:$0xA1C0] =	vst v5;
	v5 =	vadd.s32 v1, v58  }
0x11d: {  	s7 =	simm.s32 $0x5180;
	s8 =	rddreg [dreg:$0xa];
	[tilespmem:$0xA240] =	vst v5  }
0x11e: {  	[tilespmem:s7], [sflag:$0x3] =	stream.indirect.gather [hbm4b:s8+s31], $0x80, s9, s31, $0xb8;
	[tilespmem:$0x1EEF0] =	vst v63  }
0x11f: {  	s8 =	rddreg [dreg:$0xb];
	s9 =	simm.s32 $0xA200  }
0x120: {  	[tilespmem:s14], [sflag:$0x4] =	stream.indirect.gather [hbm4b:s8+s31], $0x80, s9, s31, $0xb8;
	[tilespmem:$0x1EEF0] =	vst v63  }
0x121: {  	_ =	swait.ge [sflag:s10], $0x2800  }
0x122: {  	[sflag:s10] =	ssyncset.done $0x0  }
0x123: {  	[sflag:s10] =	ssyncadd.s32 $0xFFFFD800  }
0x124: {  	_ =	swait.ge [sflag:s20], $0x2800  }
0x125: {  	[sflag:s20] =	ssyncset.done $0x0  }
0x126: {  	s5 =	simm.s32 $0x2840;
	[sflag:s20] =	ssyncadd.s32 $0xFFFFD800  }
0x127: {  	s14 =	simm.s32 $0x40;
	v5 =	vld [tilespmem:s5+$0x0]  }
0x128: {  	v6 =	vld [tilespmem:s14+$0x0]  }
0x129: {  	v7 =	vld [tilespmem:s5+$0x10]  }
0x12a: {  	v61 =	vld [tilespmem:s14+$0x10]  }
0x12b: {  	v32 =	vld [tilespmem:s5+$0x20]  }
0x12c: {  	v33 =	vld [tilespmem:s14+$0x20]  }
0x12d: {  	v11 =	vld [tilespmem:s14+$0x30]  }
0x12e: {  	v12 =	vld [tilespmem:s5+$0x30]  }
0x12f: {  	v13 =	vld [tilespmem:s14+$0xFFFFFFC0]  }
0x130: {  	v14 =	vld [tilespmem:s5+$0xFFFFFFD0]  }
0x131: {  	v34 =	vld [tilespmem:s14+$0xFFFFFFD0]  }
0x132: {  	v16 =	vld [tilespmem:s5+$0xFFFFFFE0]  }
0x133: {  	v35 =	vld [tilespmem:s14+$0xFFFFFFE0]  }
0x134: {  	v5 =	vadd.f32 v5, v6;
	v6 =	vld [tilespmem:s5+$0xFFFFFFC0]  }
0x135: {  	v36 =	vld [tilespmem:s5+$0xFFFFFFF0]  }
0x136: {  	v37 =	vld [tilespmem:s14+$0xFFFFFFF0]  }
0x137: {  	v7 =	vadd.f32 v7, v61;
	v9 =	vadd.f32 v32, v33  }
0x138: {  	v11 =	vadd.f32 v12, v11;
	v8 =	vadd.f32 v14, v34;
	v15 =	vmul.f32 $2.000000030e-01, v5  }
0x139: {  	v10 =	vadd.f32 v16, v35;
	v6 =	vadd.f32 v6, v13  }
0x13a: {  	v39 =	vmul.f32 $2.000000030e-01, v8;
	v5 =	vmax.f32 v5, v15;
	v15 =	vmul.f32 $2.000000030e-01, v7  }
0x13b: {  	v12 =	vadd.f32 v36, v37;
	v5 =	vmul.f32 v5, v52;
	v38 =	vmul.f32 $2.000000030e-01, v6  }
0x13c: {  	v56 =	vmul.f32 $2.000000030e-01, v10;
	v7 =	vmax.f32 v7, v15;
	v15 =	vmul.f32 $2.000000030e-01, v9  }
0x13d: {  	v5 =	vadd.f32 $0.0e+00, v5;
	v7 =	vmul.f32 v7, v53;
	v6 =	vmax.f32 v6, v38  }
0x13e: {  	v8 =	vmax.f32 v8, v39;
	v9 =	vmax.f32 v9, v15;
	v6 =	vmul.f32 v6, v48  }
0x13f: {  	v15 =	vmul.f32 $2.000000030e-01, v11;
	v5 =	vadd.f32 v7, v5;
	v7 =	vmul.f32 v9, v54  }
0x140: {  	v57 =	vmul.f32 $2.000000030e-01, v12;
	v8 =	vmul.f32 v8, v49;
	v6 =	vadd.f32 $0.0e+00, v6  }
0x141: {  	v11 =	vmax.f32 v11, v15;
	v5 =	vadd.f32 v7, v5;
	v7 =	vmax.f32 v10, v56  }
0x142: {  	v58 =	vmul.f32 v11, v55;
	v7 =	vmul.f32 v7, v50;
	v6 =	vadd.f32 v8, v6  }
0x143: {  	v61 =	vmax.f32 v12, v57  }
0x144: {  	v5 =	vadd.f32 v58, v5;
	v6 =	vadd.f32 v7, v6;
	v7 =	vmul.f32 v61, v51  }
0x145: {  	s9 =	simm.s32 $0x0  }
0x146: {  	s19 =	simm.s32 $0xA280;
	s8 =	simm.s32 $0x40;
	[tilespmem:s9+$0x1E9F0] =	vst v5;
	v5 =	vadd.f32 v7, v6  }
.LBB2_5:
0x147: {  	_ = 	snop  }
0x148: {  	p1 =	sne.s32 s8, $0x13C0;
	s14 =	sadd.s32 $0x80, s14;
	s5 =	sadd.s32 $0x80, s5;
	[tilespmem:s9+$0x1E4F0] =	vst v5  }
0x149: {  	s9 =	smov.u32 s8;
	s8 =	sadd.s32 $0x40, s8;
	v5 =	vld [tilespmem:s5+$0x0]  }
0x14a: {  	v6 =	vld [tilespmem:s14+$0x0]  }
0x14b: {  	v7 =	vld [tilespmem:s5+$0x10]  }
0x14c: {  	v8 =	vld [tilespmem:s14+$0x10]  }
0x14d: {  	v9 =	vld [tilespmem:s5+$0x20]  }
0x14e: {  	v10 =	vld [tilespmem:s14+$0x20]  }
0x14f: {  	v5 =	vadd.f32 v5, v6;
	v6 =	vld [tilespmem:s14+$0x30]  }
0x150: {  	v11 =	vld [tilespmem:s5+$0x30]  }
0x151: {  	v12 =	vld [tilespmem:s14+$0xFFFFFFC0];
	v13 =	vmul.f32 $2.000000030e-01, v5;
	v7 =	vadd.f32 v7, v8  }
0x152: {  	v8 =	vld [tilespmem:s5+$0xFFFFFFC0]  }
0x153: {  	v14 =	vld [tilespmem:s5+$0xFFFFFFD0];
	v5 =	vmax.f32 v5, v13;
	v13 =	vmul.f32 $2.000000030e-01, v7;
	v9 =	vadd.f32 v9, v10  }
0x154: {  	v10 =	vld [tilespmem:s14+$0xFFFFFFD0];
	v5 =	vmul.f32 v5, v52  }
0x155: {  	v15 =	vld [tilespmem:s5+$0xFFFFFFE0];
	v7 =	vmax.f32 v7, v13;
	v13 =	vmul.f32 $2.000000030e-01, v9;
	v6 =	vadd.f32 v11, v6  }
0x156: {  	v11 =	vld [tilespmem:s14+$0xFFFFFFE0];
	v5 =	vadd.f32 $0.0e+00, v5;
	v7 =	vmul.f32 v7, v53  }
0x157: {  	v8 =	vadd.f32 v8, v12;
	v12 =	vld [tilespmem:s5+$0xFFFFFFF0];
	v9 =	vmax.f32 v9, v13;
	v13 =	vmul.f32 $2.000000030e-01, v6  }
0x158: {  	v16 =	vld [tilespmem:s14+$0xFFFFFFF0];
	v5 =	vadd.f32 v7, v5;
	v7 =	vmul.f32 v9, v54  }
0x159: {  	v9 =	vmul.f32 $2.000000030e-01, v8;
	v10 =	vadd.f32 v14, v10;
	v6 =	vmax.f32 v6, v13  }
0x15a: {  	v5 =	vadd.f32 v7, v5;
	v6 =	vmul.f32 v6, v55  }
0x15b: {  	v7 =	vmax.f32 v8, v9;
	v8 =	vmul.f32 $2.000000030e-01, v10;
	v9 =	vadd.f32 v15, v11  }
0x15c: {  	v7 =	vmul.f32 v7, v48;
	v5 =	vadd.f32 v6, v5  }
0x15d: {  	s9 =	sshra.s32 s9, $0x2;
	v6 =	vmax.f32 v10, v8;
	v8 =	vmul.f32 $2.000000030e-01, v9;
	v10 =	vadd.f32 v12, v16  }
0x15e: {  	v7 =	vadd.f32 $0.0e+00, v7;
	v6 =	vmul.f32 v6, v49;
	[tilespmem:s9+$0x1E9F0] =	vst v5  }
0x15f: {  	v5 =	vmax.f32 v9, v8;
	v8 =	vmul.f32 $2.000000030e-01, v10  }
.Ltmp3:
0x160: {  	v6 =	vadd.f32 v6, v7;
	v5 =	vmul.f32 v5, v50;
	(pc) =	sbr.rel @p1 .LBB2_5-.Ltmp3, $3  }
0x161: {  	v7 =	vmax.f32 v10, v8  }
0x162: {  	v5 =	vadd.f32 v5, v6;
	v6 =	vmul.f32 v7, v51;
	_ =	sdelay $0x1  }
0x163: {  	v5 =	vadd.f32 v6, v5  }
0x164: {  	_ =	sdelay $0x2  }
0x165: {  	v12 =	vld [tilespmem:$0x1FDD0];
	[tilespmem:s9+$0x1E4F0] =	vst v5  }
0x166: {  	v5 =	vld.idx.msk [tilespmem:v0+s15+$0x0], $0xffff  }
0x167: {  	v6 =	vld.idx.msk [tilespmem:v0+s13+$0x0], $0xffff  }
0x168: {  	v7 =	vld.idx.msk [tilespmem:v17+s15+$0x0], $0xffff  }
0x169: {  	v8 =	vld.idx.msk [tilespmem:v17+s13+$0x0], $0xffff  }
0x16a: {  	v9 =	vld.idx.msk [tilespmem:v18+s15+$0x0], $0xffff  }
0x16b: {  	v10 =	vld.idx.msk [tilespmem:v18+s13+$0x0], $0xffff;
	v5 =	vadd.f32 $0.0e+00, v5  }
0x16c: {  	v11 =	vld.idx.msk [tilespmem:v19+s15+$0x0], $0xffff;
	v6 =	vadd.f32 $0.0e+00, v6  }
0x16d: {  	v5 =	vadd.f32 v7, v5;
	v7 =	vld.idx.msk [tilespmem:v19+s13+$0x0], $0xffff  }
0x16e: {  	v6 =	vadd.f32 v8, v6;
	v8 =	vld.idx.msk [tilespmem:v20+s15+$0x0], $0xffff  }
0x16f: {  	v5 =	vadd.f32 v9, v5  }
0x170: {  	v6 =	vadd.f32 v10, v6  }
0x171: {  	v5 =	vadd.f32 v11, v5  }
0x172: {  	v6 =	vadd.f32 v7, v6;
	v7 =	vld.idx.msk [tilespmem:v12+s15+$0x0], $0xffff  }
0x173: {  	v5 =	vadd.f32 v8, v5;
	v8 =	vld.idx.msk [tilespmem:v12+s13+$0x0], $0xffff  }
0x174: {  	v12 =	vld [tilespmem:$0x1FDE0]  }
0x175: {  	v9 =	vld.idx.msk [tilespmem:v20+s13+$0x0], $0xffff  }
0x176: {  	v10 =	vld.idx.msk [tilespmem:v21+s15+$0x0], $0xffff  }
0x177: {  	v11 =	vld.idx.msk [tilespmem:v21+s13+$0x0], $0xffff;
	_ =	sdelay $0x2  }
0x178: {  	v6 =	vadd.f32 v9, v6  }
0x179: {  	v5 =	vadd.f32 v10, v5  }
0x17a: {  	v6 =	vadd.f32 v11, v6;
	v11 =	vld.idx.msk [tilespmem:v12+s15+$0x0], $0xffff  }
0x17b: {  	v5 =	vadd.f32 v7, v5;
	v7 =	vld.idx.msk [tilespmem:v12+s13+$0x0], $0xffff  }
0x17c: {  	v12 =	vld [tilespmem:$0x1FDF0];
	_ =	sdelay $0x1  }
0x17d: {  	v9 =	vld.idx.msk [tilespmem:v22+s15+$0x0], $0xffff  }
0x17e: {  	v10 =	vld.idx.msk [tilespmem:v22+s13+$0x0], $0xffff;
	_ =	sdelay $0x2  }
0x17f: {  	v6 =	vadd.f32 v8, v6  }
0x180: {  	v5 =	vadd.f32 v9, v5  }
0x181: {  	v6 =	vadd.f32 v10, v6;
	v10 =	vld.idx.msk [tilespmem:v12+s15+$0x0], $0xffff  }
0x182: {  	v5 =	vadd.f32 v11, v5;
	v11 =	vld.idx.msk [tilespmem:v12+s13+$0x0], $0xffff  }
0x183: {  	v12 =	vld [tilespmem:$0x1FE00];
	_ =	sdelay $0x1  }
0x184: {  	v8 =	vld.idx.msk [tilespmem:v23+s15+$0x0], $0xffff  }
0x185: {  	v9 =	vld.idx.msk [tilespmem:v23+s13+$0x0], $0xffff;
	_ =	sdelay $0x2  }
0x186: {  	v6 =	vadd.f32 v7, v6  }
0x187: {  	v5 =	vadd.f32 v8, v5  }
0x188: {  	v6 =	vadd.f32 v9, v6;
	v9 =	vld.idx.msk [tilespmem:v12+s15+$0x0], $0xffff  }
0x189: {  	v5 =	vadd.f32 v10, v5;
	v10 =	vld.idx.msk [tilespmem:v12+s13+$0x0], $0xffff  }
0x18a: {  	v12 =	vld [tilespmem:$0x1FE10];
	_ =	sdelay $0x1  }
0x18b: {  	v7 =	vld.idx.msk [tilespmem:v24+s15+$0x0], $0xffff  }
0x18c: {  	v8 =	vld.idx.msk [tilespmem:v24+s13+$0x0], $0xffff;
	_ =	sdelay $0x2  }
0x18d: {  	v6 =	vadd.f32 v11, v6;
	v11 =	vld.idx.msk [tilespmem:v25+s15+$0x0], $0xffff  }
0x18e: {  	v5 =	vadd.f32 v7, v5;
	v7 =	vld.idx.msk [tilespmem:v25+s13+$0x0], $0xffff  }
0x18f: {  	v6 =	vadd.f32 v8, v6;
	v8 =	vld.idx.msk [tilespmem:v12+s15+$0x0], $0xffff  }
0x190: {  	v5 =	vadd.f32 v9, v5;
	v9 =	vld.idx.msk [tilespmem:v12+s13+$0x0], $0xffff  }
0x191: {  	v6 =	vadd.f32 v10, v6;
	v10 =	vld.idx.msk [tilespmem:v26+s15+$0x0], $0xffff  }
0x192: {  	v5 =	vadd.f32 v11, v5;
	v11 =	vld.idx.msk [tilespmem:v26+s13+$0x0], $0xffff  }
0x193: {  	v6 =	vadd.f32 v7, v6  }
0x194: {  	v5 =	vadd.f32 v8, v5  }
0x195: {  	v6 =	vadd.f32 v9, v6  }
0x196: {  	v5 =	vadd.f32 v10, v5  }
0x197: {  	v6 =	vadd.f32 v11, v6  }
0x198: {  	v5 =	vmul.f32 $1.442695020e+00, v5  }
0x199: {  	v6 =	vmul.f32 $1.442695020e+00, v6  }
0x19a: {  	(erf) = vpow2.f32 v5  }
0x19b: {  	(erf) = vpow2.f32 v6;
	_ =	sdelay $0x2  }
0x19c: {  	v6 =	vld [tilespmem:$0x1FE20];
	_ =	sdelay $0x1  }
0x19d: {  	v8 =	vld [tilespmem:$0x1FE30];
	_ =	sdelay $0x2  }
0x19e: {  	v5 =	vpop (erf)  }
0x19f: {  	v12 =	vld [tilespmem:$0x1FE50];
	[tilespmem:$0xA300] =	vst v5;
	v5 =	vpop (erf)  }
0x1a0: {  	[tilespmem:$0xA380] =	vst v5  }
0x1a1: {  	v5 =	vld.idx.msk [tilespmem:v6+s15+$0x0], $0xffff  }
0x1a2: {  	v10 =	vld [tilespmem:$0x1FE40]  }
0x1a3: {  	v7 =	vld.idx.msk [tilespmem:v8+s15+$0x0], $0xffff;
	_ =	sdelay $0x2  }
0x1a4: {  	v6 =	vld.idx.msk [tilespmem:v6+s13+$0x0], $0xffff;
	v5 =	vadd.f32 $0.0e+00, v5  }
0x1a5: {  	v11 =	vld.idx.msk [tilespmem:v12+s15+$0x0], $0xffff  }
0x1a6: {  	v5 =	vadd.f32 v7, v5;
	v7 =	vld.idx.msk [tilespmem:v12+s13+$0x0], $0xffff  }
0x1a7: {  	v12 =	vld [tilespmem:$0x1FE60]  }
0x1a8: {  	v8 =	vld.idx.msk [tilespmem:v8+s13+$0x0], $0xffff  }
0x1a9: {  	v9 =	vld.idx.msk [tilespmem:v10+s15+$0x0], $0xffff  }
0x1aa: {  	v10 =	vld.idx.msk [tilespmem:v10+s13+$0x0], $0xffff  }
0x1ab: {  	v6 =	vadd.f32 $0.0e+00, v6;
	_ =	sdelay $0x1  }
0x1ac: {  	v6 =	vadd.f32 v8, v6  }
0x1ad: {  	v5 =	vadd.f32 v9, v5  }
0x1ae: {  	v6 =	vadd.f32 v10, v6;
	v10 =	vld.idx.msk [tilespmem:v12+s15+$0x0], $0xffff  }
0x1af: {  	v5 =	vadd.f32 v11, v5;
	v11 =	vld.idx.msk [tilespmem:v12+s13+$0x0], $0xffff  }
0x1b0: {  	v12 =	vld [tilespmem:$0x1FE70];
	_ =	sdelay $0x1  }
0x1b1: {  	v8 =	vld.idx.msk [tilespmem:v27+s15+$0x0], $0xffff  }
0x1b2: {  	v9 =	vld.idx.msk [tilespmem:v27+s13+$0x0], $0xffff;
	_ =	sdelay $0x2  }
0x1b3: {  	v6 =	vadd.f32 v7, v6  }
0x1b4: {  	v5 =	vadd.f32 v8, v5  }
0x1b5: {  	v6 =	vadd.f32 v9, v6;
	v9 =	vld.idx.msk [tilespmem:v12+s15+$0x0], $0xffff  }
0x1b6: {  	v5 =	vadd.f32 v10, v5;
	v10 =	vld.idx.msk [tilespmem:v12+s13+$0x0], $0xffff  }
0x1b7: {  	v12 =	vld [tilespmem:$0x1FE80];
	_ =	sdelay $0x1  }
0x1b8: {  	v7 =	vld.idx.msk [tilespmem:v28+s15+$0x0], $0xffff  }
0x1b9: {  	v8 =	vld.idx.msk [tilespmem:v28+s13+$0x0], $0xffff;
	_ =	sdelay $0x2  }
0x1ba: {  	v6 =	vadd.f32 v11, v6  }
0x1bb: {  	v5 =	vadd.f32 v7, v5  }
0x1bc: {  	v6 =	vadd.f32 v8, v6;
	v8 =	vld.idx.msk [tilespmem:v12+s15+$0x0], $0xffff  }
0x1bd: {  	v5 =	vadd.f32 v9, v5;
	v9 =	vld.idx.msk [tilespmem:v12+s13+$0x0], $0xffff  }
0x1be: {  	v12 =	vld [tilespmem:$0x1FE90];
	_ =	sdelay $0x1  }
0x1bf: {  	v11 =	vld.idx.msk [tilespmem:v29+s15+$0x0], $0xffff  }
0x1c0: {  	v7 =	vld.idx.msk [tilespmem:v29+s13+$0x0], $0xffff;
	_ =	sdelay $0x2  }
0x1c1: {  	v6 =	vadd.f32 v10, v6  }
0x1c2: {  	v5 =	vadd.f32 v11, v5  }
0x1c3: {  	v6 =	vadd.f32 v7, v6;
	v7 =	vld.idx.msk [tilespmem:v12+s15+$0x0], $0xffff  }
0x1c4: {  	v5 =	vadd.f32 v8, v5;
	v8 =	vld.idx.msk [tilespmem:v12+s13+$0x0], $0xffff  }
0x1c5: {  	v12 =	vld [tilespmem:$0x1FEA0];
	_ =	sdelay $0x1  }
0x1c6: {  	v10 =	vld.idx.msk [tilespmem:v62+s15+$0x0], $0xffff  }
0x1c7: {  	v11 =	vld.idx.msk [tilespmem:v62+s13+$0x0], $0xffff;
	_ =	sdelay $0x2  }
0x1c8: {  	v6 =	vadd.f32 v9, v6  }
0x1c9: {  	v5 =	vadd.f32 v10, v5  }
0x1ca: {  	v6 =	vadd.f32 v11, v6;
	v11 =	vld.idx.msk [tilespmem:v12+s15+$0x0], $0xffff  }
0x1cb: {  	v5 =	vadd.f32 v7, v5;
	v7 =	vld.idx.msk [tilespmem:v12+s13+$0x0], $0xffff  }
0x1cc: {  	v12 =	vld [tilespmem:$0x1FEB0];
	_ =	sdelay $0x1  }
0x1cd: {  	v9 =	vld.idx.msk [tilespmem:v63+s15+$0x0], $0xffff  }
0x1ce: {  	v10 =	vld.idx.msk [tilespmem:v63+s13+$0x0], $0xffff;
	_ =	sdelay $0x2  }
0x1cf: {  	v6 =	vadd.f32 v8, v6;
	v8 =	vld.idx.msk [tilespmem:v59+s15+$0x0], $0xffff  }
0x1d0: {  	v5 =	vadd.f32 v9, v5;
	v9 =	vld.idx.msk [tilespmem:v59+s13+$0x0], $0xffff  }
0x1d1: {  	v6 =	vadd.f32 v10, v6;
	v10 =	vld.idx.msk [tilespmem:v12+s15+$0x0], $0xffff  }
0x1d2: {  	v5 =	vadd.f32 v11, v5;
	v11 =	vld.idx.msk [tilespmem:v12+s13+$0x0], $0xffff  }
0x1d3: {  	v6 =	vadd.f32 v7, v6  }
0x1d4: {  	v5 =	vadd.f32 v8, v5  }
0x1d5: {  	v6 =	vadd.f32 v9, v6  }
0x1d6: {  	v5 =	vadd.f32 v10, v5  }
0x1d7: {  	v6 =	vadd.f32 v11, v6  }
0x1d8: {  	v5 =	vmul.f32 $1.442695020e+00, v5  }
0x1d9: {  	v6 =	vmul.f32 $1.442695020e+00, v6  }
0x1da: {  	(erf) = vpow2.f32 v5  }
0x1db: {  	(erf) = vpow2.f32 v6;
	_ =	sdelay $0x4  }
0x1dc: {  	v8 =	vld [tilespmem:$0x1FEC0];
	_ =	sdelay $0x1  }
0x1dd: {  	v10 =	vld [tilespmem:$0x1FED0]  }
0x1de: {  	v5 =	vpop (erf)  }
0x1df: {  	v12 =	vld [tilespmem:$0x1FEE0];
	[tilespmem:$0xA310] =	vst v5;
	v5 =	vpop (erf)  }
0x1e0: {  	[tilespmem:$0xA390] =	vst v5  }
0x1e1: {  	v5 =	vld.idx.msk [tilespmem:v60+s15+$0x0], $0xffff  }
0x1e2: {  	v6 =	vld.idx.msk [tilespmem:v60+s13+$0x0], $0xffff  }
0x1e3: {  	v7 =	vld.idx.msk [tilespmem:v8+s15+$0x0], $0xffff  }
0x1e4: {  	v13 =	vor.u32 $0x204, v0;
	v8 =	vld.idx.msk [tilespmem:v8+s13+$0x0], $0xffff  }
0x1e5: {  	v9 =	vld.idx.msk [tilespmem:v10+s15+$0x0], $0xffff  }
0x1e6: {  	v14 =	vor.u32 $0x205, v0;
	v10 =	vld.idx.msk [tilespmem:v10+s13+$0x0], $0xffff;
	v5 =	vadd.f32 $0.0e+00, v5  }
0x1e7: {  	v11 =	vld.idx.msk [tilespmem:v12+s15+$0x0], $0xffff;
	v6 =	vadd.f32 $0.0e+00, v6  }
0x1e8: {  	v5 =	vadd.f32 v7, v5;
	v7 =	vld.idx.msk [tilespmem:v12+s13+$0x0], $0xffff;
	v12 =	vor.u32 $0x206, v0  }
0x1e9: {  	v6 =	vadd.f32 v8, v6;
	v8 =	vld.idx.msk [tilespmem:v13+s15+$0x0], $0xffff  }
0x1ea: {  	[tilespmem:$0x1FD00] =	vst v13;
	v5 =	vadd.f32 v9, v5;
	v9 =	vld.idx.msk [tilespmem:v13+s13+$0x0], $0xffff;
	v13 =	vor.u32 $0x207, v0  }
0x1eb: {  	v6 =	vadd.f32 v10, v6;
	v10 =	vld.idx.msk [tilespmem:v14+s15+$0x0], $0xffff  }
0x1ec: {  	[tilespmem:$0x1FD10] =	vst v14;
	v5 =	vadd.f32 v11, v5;
	v11 =	vld.idx.msk [tilespmem:v14+s13+$0x0], $0xffff;
	v14 =	vor.u32 $0x208, v0  }
0x1ed: {  	v6 =	vadd.f32 v7, v6;
	v7 =	vld.idx.msk [tilespmem:v12+s15+$0x0], $0xffff  }
0x1ee: {  	[tilespmem:$0x1FD20] =	vst v12;
	v5 =	vadd.f32 v8, v5;
	v8 =	vld.idx.msk [tilespmem:v12+s13+$0x0], $0xffff;
	v12 =	vor.u32 $0x209, v0  }
0x1ef: {  	v6 =	vadd.f32 v9, v6;
	v9 =	vld.idx.msk [tilespmem:v13+s15+$0x0], $0xffff  }
0x1f0: {  	v15 =	vor.u32 $0x20A, v0;
	v5 =	vadd.f32 v10, v5;
	v10 =	vld.idx.msk [tilespmem:v13+s13+$0x0], $0xffff  }
0x1f1: {  	v6 =	vadd.f32 v11, v6;
	v11 =	vld.idx.msk [tilespmem:v14+s15+$0x0], $0xffff  }
0x1f2: {  	v16 =	vor.u32 $0x20B, v0;
	v5 =	vadd.f32 v7, v5;
	v7 =	vld.idx.msk [tilespmem:v14+s13+$0x0], $0xffff  }
0x1f3: {  	v6 =	vadd.f32 v8, v6;
	v8 =	vld.idx.msk [tilespmem:v12+s15+$0x0], $0xffff  }
0x1f4: {  	[tilespmem:$0x1FD50] =	vst v12;
	v12 =	vld.idx.msk [tilespmem:v12+s13+$0x0], $0xffff;
	v9 =	vadd.f32 v9, v5;
	v5 =	vor.u32 $0x20C, v0  }
0x1f5: {  	[tilespmem:$0x1FD30] =	vst v13;
	v13 =	vld.idx.msk [tilespmem:v15+s15+$0x0], $0xffff;
	v10 =	vadd.f32 v10, v6  }
0x1f6: {  	v6 =	vor.u32 $0x20D, v0;
	v9 =	vadd.f32 v11, v9;
	v11 =	vld.idx.msk [tilespmem:v15+s13+$0x0], $0xffff  }
0x1f7: {  	[tilespmem:$0x1FD40] =	vst v14;
	v14 =	vld.idx.msk [tilespmem:v16+s15+$0x0], $0xffff;
	v10 =	vadd.f32 v7, v10  }
0x1f8: {  	v7 =	vor.u32 $0x20E, v0;
	v8 =	vadd.f32 v8, v9;
	v9 =	vld.idx.msk [tilespmem:v16+s13+$0x0], $0xffff  }
0x1f9: {  	[tilespmem:$0x1FD60] =	vst v15;
	v10 =	vadd.f32 v12, v10;
	v12 =	vld.idx.msk [tilespmem:v5+s15+$0x0], $0xffff  }
0x1fa: {  	[tilespmem:$0x1FD80] =	vst v5;
	v15 =	vld.idx.msk [tilespmem:v5+s13+$0x0], $0xffff;
	v5 =	vor.u32 $0x20F, v0;
	v13 =	vadd.f32 v13, v8  }
0x1fb: {  	v10 =	vadd.f32 v11, v10;
	v11 =	vld.idx.msk [tilespmem:v6+s15+$0x0], $0xffff  }
0x1fc: {  	v13 =	vadd.f32 v14, v13;
	v14 =	vld.idx.msk [tilespmem:v6+s13+$0x0], $0xffff  }
0x1fd: {  	v9 =	vadd.f32 v9, v10;
	v10 =	vld.idx.msk [tilespmem:v7+s15+$0x0], $0xffff  }
0x1fe: {  	v12 =	vadd.f32 v12, v13;
	v13 =	vld.idx.msk [tilespmem:v7+s13+$0x0], $0xffff  }
0x1ff: {  	v9 =	vadd.f32 v15, v9;
	v15 =	vld.idx.msk [tilespmem:v5+s15+$0x0], $0xffff  }
0x200: {  	v11 =	vadd.f32 v11, v12;
	v12 =	vld.idx.msk [tilespmem:v5+s13+$0x0], $0xffff  }
0x201: {  	v9 =	vadd.f32 v14, v9  }
0x202: {  	v10 =	vadd.f32 v10, v11  }
0x203: {  	v9 =	vadd.f32 v13, v9  }
0x204: {  	v10 =	vadd.f32 v15, v10  }
0x205: {  	v9 =	vadd.f32 v12, v9  }
0x206: {  	v10 =	vmul.f32 $1.442695020e+00, v10  }
0x207: {  	v9 =	vmul.f32 $1.442695020e+00, v9  }
0x208: {  	(erf) = vpow2.f32 v10  }
0x209: {  	(erf) = vpow2.f32 v9;
	_ =	sdelay $0x5  }
0x20a: {  	v11 =	vor.u32 $0x300, v0;
	_ =	sdelay $0x1  }
0x20b: {  	v12 =	vor.u32 $0x301, v0;
	v9 =	vpop (erf)  }
0x20c: {  	[tilespmem:$0xA320] =	vst v9;
	v9 =	vpop (erf)  }
0x20d: {  	v15 =	vor.u32 $0x302, v0;
	[tilespmem:$0xA3A0] =	vst v9  }
0x20e: {  	v10 =	vld.idx.msk [tilespmem:v11+s15+$0x0], $0xffff  }
0x20f: {  	v13 =	vor.u32 $0x303, v0;
	v14 =	vld.idx.msk [tilespmem:v11+s13+$0x0], $0xffff  }
0x210: {  	[tilespmem:$0x1FD70] =	vst v16;
	v16 =	vld.idx.msk [tilespmem:v12+s15+$0x0], $0xffff  }
0x211: {  	[tilespmem:$0x1FDB0] =	vst v5;
	v5 =	vor.u32 $0x304, v0;
	v17 =	vld.idx.msk [tilespmem:v12+s13+$0x0], $0xffff  }
0x212: {  	v18 =	vld.idx.msk [tilespmem:v15+s15+$0x0], $0xffff  }
0x213: {  	v20 =	vld.idx.msk [tilespmem:v15+s13+$0x0], $0xffff;
	v19 =	vadd.f32 $0.0e+00, v10;
	v10 =	vor.u32 $0x305, v0  }
0x214: {  	v22 =	vld.idx.msk [tilespmem:v13+s15+$0x0], $0xffff;
	v21 =	vadd.f32 $0.0e+00, v14  }
0x215: {  	v14 =	vor.u32 $0x306, v0;
	v16 =	vadd.f32 v16, v19;
	v19 =	vld.idx.msk [tilespmem:v13+s13+$0x0], $0xffff  }
0x216: {  	v17 =	vadd.f32 v17, v21;
	v21 =	vld.idx.msk [tilespmem:v5+s15+$0x0], $0xffff  }
0x217: {  	v23 =	vld.idx.msk [tilespmem:v5+s13+$0x0], $0xffff;
	v18 =	vadd.f32 v18, v16;
	v16 =	vor.u32 $0x307, v0  }
0x218: {  	v20 =	vadd.f32 v20, v17;
	v24 =	vld.idx.msk [tilespmem:v10+s15+$0x0], $0xffff  }
0x219: {  	v17 =	vor.u32 $0x308, v0;
	v18 =	vadd.f32 v22, v18;
	v22 =	vld.idx.msk [tilespmem:v10+s13+$0x0], $0xffff  }
0x21a: {  	v19 =	vadd.f32 v19, v20;
	v20 =	vld.idx.msk [tilespmem:v14+s15+$0x0], $0xffff  }
0x21b: {  	v25 =	vld.idx.msk [tilespmem:v14+s13+$0x0], $0xffff;
	v21 =	vadd.f32 v21, v18;
	v18 =	vor.u32 $0x309, v0  }
0x21c: {  	v23 =	vadd.f32 v23, v19;
	v26 =	vld.idx.msk [tilespmem:v16+s15+$0x0], $0xffff  }
0x21d: {  	v19 =	vor.u32 $0x30A, v0;
	v21 =	vadd.f32 v24, v21;
	v24 =	vld.idx.msk [tilespmem:v16+s13+$0x0], $0xffff  }
0x21e: {  	v22 =	vadd.f32 v22, v23;
	v23 =	vld.idx.msk [tilespmem:v17+s15+$0x0], $0xffff  }
0x21f: {  	v27 =	vld.idx.msk [tilespmem:v17+s13+$0x0], $0xffff;
	v21 =	vadd.f32 v20, v21;
	v20 =	vor.u32 $0x30B, v0  }
0x220: {  	v22 =	vadd.f32 v25, v22;
	v25 =	vld.idx.msk [tilespmem:v18+s15+$0x0], $0xffff  }
0x221: {  	v28 =	vld.idx.msk [tilespmem:v18+s13+$0x0], $0xffff;
	v26 =	vadd.f32 v26, v21;
	v21 =	vor.u32 $0x30C, v0  }
0x222: {  	v29 =	vld.idx.msk [tilespmem:v19+s15+$0x0], $0xffff;
	v24 =	vadd.f32 v24, v22  }
0x223: {  	v22 =	vor.u32 $0x30D, v0;
	v23 =	vadd.f32 v23, v26;
	v26 =	vld.idx.msk [tilespmem:v19+s13+$0x0], $0xffff  }
0x224: {  	v24 =	vadd.f32 v27, v24;
	v27 =	vld.idx.msk [tilespmem:v20+s15+$0x0], $0xffff  }
0x225: {  	v30 =	vld.idx.msk [tilespmem:v20+s13+$0x0], $0xffff;
	v25 =	vadd.f32 v25, v23;
	v23 =	vor.u32 $0x30E, v0  }
0x226: {  	v28 =	vadd.f32 v28, v24;
	v31 =	vld.idx.msk [tilespmem:v21+s15+$0x0], $0xffff  }
0x227: {  	v24 =	vor.u32 $0x30F, v0;
	v25 =	vadd.f32 v29, v25;
	v29 =	vld.idx.msk [tilespmem:v21+s13+$0x0], $0xffff  }
0x228: {  	v26 =	vadd.f32 v26, v28;
	v28 =	vld.idx.msk [tilespmem:v22+s15+$0x0], $0xffff  }
0x229: {  	v25 =	vadd.f32 v27, v25;
	v27 =	vld.idx.msk [tilespmem:v22+s13+$0x0], $0xffff  }
0x22a: {  	v26 =	vadd.f32 v30, v26;
	v30 =	vld.idx.msk [tilespmem:v23+s15+$0x0], $0xffff  }
0x22b: {  	v25 =	vadd.f32 v31, v25;
	v31 =	vld.idx.msk [tilespmem:v23+s13+$0x0], $0xffff  }
0x22c: {  	v26 =	vadd.f32 v29, v26;
	v29 =	vld.idx.msk [tilespmem:v24+s15+$0x0], $0xffff  }
0x22d: {  	v25 =	vadd.f32 v28, v25;
	v28 =	vld.idx.msk [tilespmem:v24+s13+$0x0], $0xffff  }
0x22e: {  	v26 =	vadd.f32 v27, v26  }
0x22f: {  	v25 =	vadd.f32 v30, v25  }
0x230: {  	v26 =	vadd.f32 v31, v26  }
0x231: {  	v25 =	vadd.f32 v29, v25  }
0x232: {  	v26 =	vadd.f32 v28, v26  }
0x233: {  	v25 =	vmul.f32 $1.442695020e+00, v25  }
0x234: {  	v26 =	vmul.f32 $1.442695020e+00, v26  }
0x235: {  	(erf) = vpow2.f32 v25  }
0x236: {  	(erf) = vpow2.f32 v26;
	_ =	sdelay $0x5  }
0x237: {  	v27 =	vor.u32 $0x400, v0;
	_ =	sdelay $0x1  }
0x238: {  	v28 =	vor.u32 $0x401, v0;
	v25 =	vpop (erf)  }
0x239: {  	[tilespmem:$0xA330] =	vst v25;
	v25 =	vpop (erf)  }
0x23a: {  	v31 =	vor.u32 $0x402, v0;
	[tilespmem:$0xA3B0] =	vst v25  }
0x23b: {  	v26 =	vld.idx.msk [tilespmem:v27+s15+$0x0], $0xffff  }
0x23c: {  	v29 =	vor.u32 $0x403, v0;
	v30 =	vld.idx.msk [tilespmem:v27+s13+$0x0], $0xffff  }
0x23d: {  	v32 =	vld.idx.msk [tilespmem:v28+s15+$0x0], $0xffff  }
0x23e: {  	v25 =	vor.u32 $0x404, v0;
	v33 =	vld.idx.msk [tilespmem:v28+s13+$0x0], $0xffff  }
0x23f: {  	v34 =	vld.idx.msk [tilespmem:v31+s15+$0x0], $0xffff  }
0x240: {  	v36 =	vld.idx.msk [tilespmem:v31+s13+$0x0], $0xffff;
	v35 =	vadd.f32 $0.0e+00, v26;
	v26 =	vor.u32 $0x405, v0  }
0x241: {  	v38 =	vld.idx.msk [tilespmem:v29+s15+$0x0], $0xffff;
	v37 =	vadd.f32 $0.0e+00, v30  }
0x242: {  	v60 =	vld.idx.msk [tilespmem:v29+s13+$0x0], $0xffff;
	v30 =	vor.u32 $0x406, v0;
	v32 =	vadd.f32 v32, v35  }
0x243: {  	v61 =	vld.idx.msk [tilespmem:v25+s15+$0x0], $0xffff;
	v33 =	vadd.f32 v33, v37  }
0x244: {  	v39 =	vld.idx.msk [tilespmem:v25+s13+$0x0], $0xffff;
	v34 =	vadd.f32 v34, v32;
	v32 =	vor.u32 $0x407, v0  }
0x245: {  	v36 =	vadd.f32 v36, v33;
	v56 =	vld.idx.msk [tilespmem:v26+s15+$0x0], $0xffff  }
0x246: {  	v33 =	vor.u32 $0x408, v0;
	v62 =	vld.idx.msk [tilespmem:v26+s13+$0x0], $0xffff;
	v34 =	vadd.f32 v38, v34  }
0x247: {  	v63 =	vld.idx.msk [tilespmem:v30+s15+$0x0], $0xffff;
	v35 =	vadd.f32 v60, v36  }
0x248: {  	v57 =	vld.idx.msk [tilespmem:v30+s13+$0x0], $0xffff;
	v37 =	vadd.f32 v61, v34;
	v34 =	vor.u32 $0x409, v0  }
0x249: {  	v39 =	vadd.f32 v39, v35;
	v58 =	vld.idx.msk [tilespmem:v32+s15+$0x0], $0xffff  }
0x24a: {  	v35 =	vor.u32 $0x40A, v0;
	v37 =	vadd.f32 v56, v37;
	v56 =	vld.idx.msk [tilespmem:v32+s13+$0x0], $0xffff  }
0x24b: {  	v38 =	vadd.f32 v62, v39;
	v39 =	vld.idx.msk [tilespmem:v33+s15+$0x0], $0xffff  }
0x24c: {  	v36 =	vor.u32 $0x40B, v0;
	v59 =	vld.idx.msk [tilespmem:v33+s13+$0x0], $0xffff;
	v37 =	vadd.f32 v63, v37  }
0x24d: {  	v38 =	vadd.f32 v57, v38;
	v57 =	vld.idx.msk [tilespmem:v34+s15+$0x0], $0xffff  }
0x24e: {  	v60 =	vld.idx.msk [tilespmem:v34+s13+$0x0], $0xffff;
	v58 =	vadd.f32 v58, v37;
	v37 =	vor.u32 $0x40C, v0  }
0x24f: {  	v61 =	vld.idx.msk [tilespmem:v35+s15+$0x0], $0xffff;
	v56 =	vadd.f32 v56, v38  }
0x250: {  	v38 =	vor.u32 $0x40D, v0;
	v39 =	vadd.f32 v39, v58;
	v58 =	vld.idx.msk [tilespmem:v35+s13+$0x0], $0xffff  }
0x251: {  	v56 =	vadd.f32 v59, v56;
	v59 =	vld.idx.msk [tilespmem:v36+s15+$0x0], $0xffff  }
0x252: {  	v62 =	vld.idx.msk [tilespmem:v36+s13+$0x0], $0xffff;
	v57 =	vadd.f32 v57, v39;
	v39 =	vor.u32 $0x40E, v0  }
0x253: {  	v60 =	vadd.f32 v60, v56;
	v63 =	vld.idx.msk [tilespmem:v37+s15+$0x0], $0xffff  }
0x254: {  	v56 =	vor.u32 $0x40F, v0;
	v57 =	vadd.f32 v61, v57;
	v61 =	vld.idx.msk [tilespmem:v37+s13+$0x0], $0xffff  }
0x255: {  	v58 =	vadd.f32 v58, v60;
	v60 =	vld.idx.msk [tilespmem:v38+s15+$0x0], $0xffff  }
0x256: {  	v57 =	vadd.f32 v59, v57;
	v59 =	vld.idx.msk [tilespmem:v38+s13+$0x0], $0xffff  }
0x257: {  	v58 =	vadd.f32 v62, v58;
	v62 =	vld.idx.msk [tilespmem:v39+s15+$0x0], $0xffff  }
0x258: {  	v57 =	vadd.f32 v63, v57;
	v63 =	vld.idx.msk [tilespmem:v39+s13+$0x0], $0xffff  }
0x259: {  	v58 =	vadd.f32 v61, v58;
	v61 =	vld.idx.msk [tilespmem:v56+s15+$0x0], $0xffff  }
0x25a: {  	v57 =	vadd.f32 v60, v57;
	v60 =	vld.idx.msk [tilespmem:v56+s13+$0x0], $0xffff  }
0x25b: {  	v58 =	vadd.f32 v59, v58  }
0x25c: {  	v57 =	vadd.f32 v62, v57  }
0x25d: {  	v58 =	vadd.f32 v63, v58  }
0x25e: {  	v57 =	vadd.f32 v61, v57  }
0x25f: {  	v58 =	vadd.f32 v60, v58  }
0x260: {  	v57 =	vmul.f32 $1.442695020e+00, v57  }
0x261: {  	v58 =	vmul.f32 $1.442695020e+00, v58  }
0x262: {  	(erf) = vpow2.f32 v57  }
0x263: {  	(erf) = vpow2.f32 v58;
	_ =	sdelay $0x4  }
0x264: {  	s5 =	simm.s32 $0x0  }
0x265: {  	v60 =	vmov s5;
	_ =	sdelay $0x1  }
0x266: {  	v61 =	vpop (erf)  }
0x267: {  	[tilespmem:$0xA340] =	vst v61;
	v62 =	vpop (erf)  }
0x268: {  	[tilespmem:$0xA3C0] =	vst v62  }
0x269: {  	s14 =	simm.s32 $0x40;
	v58 =	vld.idx.msk [tilespmem:v60+s22+$0x0], $0xffff  }
0x26a: {  	v63 =	vld [tilespmem:s14+$0xFFFFFFC0];
	_ =	sdelay $0x4  }
0x26b: {  	v59 =	vmul.f32 v63, v58  }
0x26c: {  	s5 =	simm.s32 $0x2840  }
0x26d: {  	v57 =	vld.idx.msk [tilespmem:v60+s24+$0x0], $0xffff;
	[tilespmem:s5+$0xFFFFFFC0] =	vst v59  }
0x26e: {  	v59 =	vld [tilespmem:s14+$0xFFFFFFD0];
	_ =	sdelay $0x4  }
0x26f: {  	v59 =	vmul.f32 v59, v58;
	_ =	sdelay $0x1  }
0x270: {  	[tilespmem:s5+$0xFFFFFFD0] =	vst v59  }
0x271: {  	v59 =	vld [tilespmem:s14+$0xFFFFFFE0];
	_ =	sdelay $0x4  }
0x272: {  	v59 =	vmul.f32 v59, v58;
	_ =	sdelay $0x1  }
0x273: {  	[tilespmem:s5+$0xFFFFFFE0] =	vst v59  }
0x274: {  	v59 =	vld [tilespmem:s14+$0xFFFFFFF0];
	_ =	sdelay $0x4  }
0x275: {  	v58 =	vmul.f32 v59, v58;
	_ =	sdelay $0x1  }
0x276: {  	[tilespmem:s5+$0xFFFFFFF0] =	vst v58  }
0x277: {  	v58 =	vld [tilespmem:s14+$0x0];
	_ =	sdelay $0x4  }
0x278: {  	v58 =	vmul.f32 v58, v57;
	_ =	sdelay $0x1  }
0x279: {  	[tilespmem:s5+$0x0] =	vst v58  }
0x27a: {  	v58 =	vld [tilespmem:s14+$0x10];
	_ =	sdelay $0x4  }
0x27b: {  	v58 =	vmul.f32 v58, v57;
	_ =	sdelay $0x1  }
0x27c: {  	[tilespmem:s5+$0x10] =	vst v58  }
0x27d: {  	v58 =	vld [tilespmem:s14+$0x20];
	_ =	sdelay $0x4  }
0x27e: {  	v58 =	vmul.f32 v58, v57;
	_ =	sdelay $0x1  }
0x27f: {  	[tilespmem:s5+$0x20] =	vst v58  }
0x280: {  	v59 =	vld [tilespmem:s14+$0x30]  }
0x281: {  	[tilespmem:$0x1FD90] =	vst v6  }
0x282: {  	s8 =	simm.s32 $0x1;
	[tilespmem:$0x1FDA0] =	vst v7  }
0x283: {  	s7 =	simm.s32 $0x0;
	[tilespmem:$0x1FDC0] =	vst v5;
	v58 =	vmov s8;
	s8 =	simm.s32 $0x2  }
.LBB2_7:
0x284: {  	p1 =	sne.s32 s8, $0x4F  }
0x285: {  	v57 =	vmul.f32 v59, v57;
	_ =	sdelay $0x1  }
0x286: {  	[tilespmem:s5+$0x30] =	vst v57  }
0x287: {  	s14 =	sadd.s32 $0x80, s14;
	v59 =	vld.idx.msk [tilespmem:v58+s22+$0x0], $0xffff  }
0x288: {  	v60 =	vld [tilespmem:s14+$0xFFFFFFC0]  }
0x289: {  	v57 =	vld.idx.msk [tilespmem:v58+s24+$0x0], $0xffff;
	_ =	sdelay $0x3  }
0x28a: {  	v58 =	vmul.f32 v60, v59  }
0x28b: {  	s5 =	sadd.s32 $0x80, s5  }
0x28c: {  	[tilespmem:s5+$0xFFFFFFC0] =	vst v58  }
0x28d: {  	v58 =	vld [tilespmem:s14+$0xFFFFFFD0];
	_ =	sdelay $0x4  }
0x28e: {  	v58 =	vmul.f32 v58, v59;
	_ =	sdelay $0x1  }
0x28f: {  	[tilespmem:s5+$0xFFFFFFD0] =	vst v58  }
0x290: {  	v58 =	vld [tilespmem:s14+$0xFFFFFFE0];
	_ =	sdelay $0x4  }
0x291: {  	v58 =	vmul.f32 v58, v59;
	_ =	sdelay $0x1  }
0x292: {  	[tilespmem:s5+$0xFFFFFFE0] =	vst v58  }
0x293: {  	v58 =	vld [tilespmem:s14+$0xFFFFFFF0];
	_ =	sdelay $0x4  }
0x294: {  	v58 =	vmul.f32 v58, v59;
	_ =	sdelay $0x1  }
0x295: {  	[tilespmem:s5+$0xFFFFFFF0] =	vst v58  }
0x296: {  	v58 =	vld [tilespmem:s14+$0x0];
	_ =	sdelay $0x4  }
0x297: {  	v58 =	vmul.f32 v58, v57;
	_ =	sdelay $0x1  }
0x298: {  	[tilespmem:s5+$0x0] =	vst v58  }
0x299: {  	v58 =	vld [tilespmem:s14+$0x10];
	_ =	sdelay $0x4  }
0x29a: {  	v58 =	vmul.f32 v58, v57;
	_ =	sdelay $0x1  }
0x29b: {  	[tilespmem:s5+$0x10] =	vst v58  }
0x29c: {  	v58 =	vld [tilespmem:s14+$0x20];
	_ =	sdelay $0x4  }
0x29d: {  	v58 =	vmul.f32 v58, v57;
	_ =	sdelay $0x1  }
.Ltmp4:
0x29e: {  	[tilespmem:s5+$0x20] =	vst v58;
	(pc) =	sbr.rel @p1 .LBB2_7-.Ltmp4, $2  }
0x29f: {  	v59 =	vld [tilespmem:s14+$0x30];
	_ =	sdelay $0x2  }
0x2a0: {  	v58 =	vmov s8;
	s8 =	sadd.s32 $0x1, s8  }
0x2a1: {  	_ = 	snop  }
0x2a2: {  	v57 =	vmul.f32 v59, v57;
	_ =	sdelay $0x1  }
0x2a3: {  	[tilespmem:s5+$0x30] =	vst v57  }
0x2a4: {  	s8 =	sadd.s32 $0x80, s14;
	v57 =	vld.idx.msk [tilespmem:v58+s22+$0x0], $0xffff  }
0x2a5: {  	v60 =	vld [tilespmem:s8+$0xFFFFFFC0];
	_ =	sdelay $0x4  }
0x2a6: {  	v59 =	vmul.f32 v60, v57  }
0x2a7: {  	s9 =	sadd.s32 $0x80, s5  }
0x2a8: {  	v61 =	vld.idx.msk [tilespmem:v58+s24+$0x0], $0xffff;
	[tilespmem:s9+$0xFFFFFFC0] =	vst v59  }
0x2a9: {  	v59 =	vld [tilespmem:s8+$0xFFFFFFD0];
	_ =	sdelay $0x4  }
0x2aa: {  	v59 =	vmul.f32 v59, v57;
	_ =	sdelay $0x1  }
0x2ab: {  	[tilespmem:s9+$0xFFFFFFD0] =	vst v59  }
0x2ac: {  	v59 =	vld [tilespmem:s8+$0xFFFFFFE0];
	_ =	sdelay $0x4  }
0x2ad: {  	v59 =	vmul.f32 v59, v57;
	_ =	sdelay $0x1  }
0x2ae: {  	[tilespmem:s9+$0xFFFFFFE0] =	vst v59  }
0x2af: {  	v59 =	vld [tilespmem:s8+$0xFFFFFFF0];
	_ =	sdelay $0x4  }
0x2b0: {  	v57 =	vmul.f32 v59, v57;
	_ =	sdelay $0x1  }
0x2b1: {  	[tilespmem:s9+$0xFFFFFFF0] =	vst v57  }
0x2b2: {  	v57 =	vld [tilespmem:s8+$0x0];
	_ =	sdelay $0x4  }
0x2b3: {  	v57 =	vmul.f32 v57, v61;
	_ =	sdelay $0x1  }
0x2b4: {  	[tilespmem:s9+$0x0] =	vst v57  }
0x2b5: {  	v57 =	vld [tilespmem:s8+$0x10];
	_ =	sdelay $0x4  }
0x2b6: {  	v57 =	vmul.f32 v57, v61;
	_ =	sdelay $0x1  }
0x2b7: {  	[tilespmem:s9+$0x10] =	vst v57  }
0x2b8: {  	v57 =	vld [tilespmem:s8+$0x20];
	_ =	sdelay $0x4  }
0x2b9: {  	v57 =	vmul.f32 v57, v61;
	_ =	sdelay $0x1  }
0x2ba: {  	[tilespmem:s9+$0x20] =	vst v57  }
0x2bb: {  	v57 =	vld [tilespmem:s8+$0x30];
	_ =	sdelay $0x4  }
0x2bc: {  	v57 =	vmul.f32 v57, v61;
	_ =	sdelay $0x1  }
0x2bd: {  	s14 =	simm.s32 $0x2800;
	[tilespmem:s9+$0x30] =	vst v57  }
0x2be: {  	[spmem:s23] =	stream.indirect.scatter.add.f32 [tilespmem:s14], [sflag:$0x5], $0x80, s30, s31, $0xb8;
	[tilespmem:$0x1EEF0] =	vst v63  }
0x2bf: {  	_ =	swait.ge [sflag:s25], $0x2800  }
0x2c0: {  	[sflag:s25] =	ssyncset.done $0x0  }
0x2c1: {  	[sflag:s25] =	ssyncadd.s32 $0xFFFFD800  }
0x2c2: {  	s8 =	rddreg [dreg:$0x5]  }
0x2c3: {  	[spmem:s8] =	stream.indirect.scatter.add.f32 [tilespmem:s22], [sflag:$0x5], $0x1, s30, s31, $0xb8;
	[tilespmem:$0x1EEF0] =	vst v63  }
0x2c4: {  	_ =	swait.ge [sflag:s25], $0x50  }
0x2c5: {  	[sflag:s25] =	ssyncset.done $0x0  }
0x2c6: {  	[sflag:s25] =	ssyncadd.s32 $0xFFFFFFB0  }
0x2c7: {  	s14 =	rddreg [dreg:$0x6]  }
0x2c8: {  	[spmem:s14] =	stream.indirect.scatter.add.f32 [tilespmem:s24], [sflag:$0x5], $0x1, s30, s31, $0xb8;
	[tilespmem:$0x1EEF0] =	vst v63  }
0x2c9: {  	s9 =	rddreg [dreg:$0xe];
	_ =	swait.ge [sflag:s25], $0x50  }
0x2ca: {  	s5 =	sadd.s32 s9, s12;
	s9 =	rddreg [dreg:$0xf];
	[sflag:s25] =	ssyncset.done $0x0  }
0x2cb: {  	s8 =	sadd.s32 s9, s5;
	[sflag:s25] =	ssyncadd.s32 $0xFFFFFFB0  }
0x2cc: {  	s8 =	sshrl.u32 s8, $0x3;
	s9 =	rddreg [dreg:$0x7]  }
0x2cd: {  	s8 =	sadd.s32 s8, s9  }
0x2ce: {  	[hbm4b:s8+s7] =	stream.linear.scatter [tilespmem:s22], [sflag:$0x5], $0x50, $0x38;
	[tilespmem:$0x1EEF0] =	vst v63  }
0x2cf: {  	_ =	swait.ge [sflag:s25], $0x50  }
0x2d0: {  	s14 =	sld [smem:$0x7FC];
	_ =	sdelay $0x2  }
0x2d1: {  	s5 =	sadd.s32 s14, s5  }
0x2d2: {  	[sflag:s25] =	ssyncset.done $0x0;
	s5 =	sshrl.u32 s5, $0x3  }
0x2d3: {  	[sflag:s25] =	ssyncadd.s32 $0xFFFFFFB0;
	s5 =	sadd.s32 s5, s9  }
0x2d4: {  	[hbm4b:s5+s7] =	stream.linear.scatter [tilespmem:s24], [sflag:$0x5], $0x50, $0x38;
	[tilespmem:$0x1EEF0] =	vst v63  }
0x2d5: {  	_ =	swait.ge [sflag:s25], $0x50  }
0x2d6: {  	s5 =	sld [smem:$0x7FD];
	_ =	sdelay $0x1  }
0x2d7: {  	p1 =	seq.s32 s21, $0x7C  }
0x2d8: {  	s9 =	simm.s32 @!p1 $0x0;
	s5 =	sadd.s32 @!p1 s12, s5  }
0x2d9: {  	[sflag:s25] =	ssyncset.done $0x0;
	s8 =	rddreg [dreg:$0xc];
	s5 =	sshrl.u32 @!p1 s5, $0x3  }
0x2da: {  	[sflag:s25] =	ssyncadd.s32 $0xFFFFFFB0;
	s12 =	simm.s32 @!p1 $0x5000;
	s8 =	sadd.s32 @!p1 s8, s5  }
0x2db: {  	[tilespmem:s12], [sflag:$0x5] =	stream.linear.gather @!p1 [hbm4b:s8+s9], $0x50, $0x38;
	[tilespmem:$0x1EEF0] =	vst v63  }
0x2dc: {  	s8 =	simm.s32 @!p1 $0x5  }
0x2dd: {  	_ =	swait.ge @!p1 [sflag:s8], $0x50  }
0x2de: {  	[sflag:s8] =	ssyncset.done @!p1 $0x0;
	s14 =	rddreg [dreg:$0xd]  }
0x2df: {  	[sflag:s8] =	ssyncadd.s32 @!p1 $0xFFFFFFB0;
	s5 =	sadd.s32 @!p1 s14, s5;
	s14 =	simm.s32 @!p1 $0x5100  }
0x2e0: {  	[tilespmem:s14], [sflag:$0x5] =	stream.linear.gather @!p1 [hbm4b:s5+s9], $0x50, $0x38;
	[tilespmem:$0x1EEF0] =	vst v63  }
0x2e1: {  	_ =	swait.ge @!p1 [sflag:s8], $0x50  }
0x2e2: {  	[sflag:s8] =	ssyncset.done @!p1 $0x0  }
0x2e3: {  	[sflag:s8] =	ssyncadd.s32 @!p1 $0xFFFFFFB0  }
0x2e4: {  	v57 =	vld @!p1 [tilespmem:$0x5000]  }
0x2e5: {  	v58 =	vld @!p1 [tilespmem:$0x5100]  }
0x2e6: {  	v59 =	vld @!p1 [tilespmem:$0x5010]  }
0x2e7: {  	v60 =	vld @!p1 [tilespmem:$0x5110]  }
0x2e8: {  	v61 =	vld @!p1 [tilespmem:$0x5020]  }
0x2e9: {  	v62 =	vld @!p1 [tilespmem:$0x5120];
	v57 =	vadd.s32 @!p1 v1, v57  }
0x2ea: {  	[tilespmem:$0x5000] =	vst @!p1 v57;
	v57 =	vadd.s32 @!p1 v1, v58;
	v58 =	vld @!p1 [tilespmem:$0x5030]  }
0x2eb: {  	[tilespmem:$0x5080] =	vst @!p1 v57;
	v57 =	vadd.s32 @!p1 v1, v59;
	v59 =	vld @!p1 [tilespmem:$0x5130]  }
0x2ec: {  	[tilespmem:$0x5010] =	vst @!p1 v57;
	v57 =	vadd.s32 @!p1 v1, v60;
	v60 =	vld @!p1 [tilespmem:$0x5040]  }
0x2ed: {  	[tilespmem:$0x5090] =	vst @!p1 v57;
	v57 =	vadd.s32 @!p1 v1, v61;
	v61 =	vld @!p1 [tilespmem:$0x5140]  }
0x2ee: {  	[tilespmem:$0x5020] =	vst @!p1 v57;
	v57 =	vadd.s32 @!p1 v1, v62  }
0x2ef: {  	[tilespmem:$0x50A0] =	vst @!p1 v57;
	v57 =	vadd.s32 @!p1 v1, v58  }
0x2f0: {  	[tilespmem:$0x5030] =	vst @!p1 v57;
	v57 =	vadd.s32 @!p1 v1, v59  }
0x2f1: {  	[tilespmem:$0x50B0] =	vst @!p1 v57;
	v57 =	vadd.s32 @!p1 v1, v60  }
0x2f2: {  	[tilespmem:$0x5040] =	vst @!p1 v57;
	v57 =	vadd.s32 @!p1 v1, v61  }
0x2f3: {  	s5 =	simm.s32 @!p1 $0x50;
	s8 =	rddreg [dreg:$0xa];
	[tilespmem:$0x50C0] =	vst @!p1 v57  }
0x2f4: {  	[tilespmem:s9], [sflag:$0x1] =	stream.indirect.gather @!p1 [hbm4b:s8+s5], $0x80, s12, s5, $0xb8;
	[tilespmem:$0x1EEF0] =	vst v63  }
0x2f5: {  	s8 =	simm.s32 @!p1 $0x5080;
	s9 =	simm.s32 @!p1 $0x2800;
	s12 =	rddreg [dreg:$0xb]  }
0x2f6: {  	[tilespmem:s9], [sflag:$0x2] =	stream.indirect.gather @!p1 [hbm4b:s12+s5], $0x80, s8, s5, $0xb8;
	[tilespmem:$0x1EEF0] =	vst v63  }
0x2f7: {  	s12 =	simm.s32 $0x3  }
0x2f8: {  	_ =	swait.ge [sflag:s12], $0x2800  }
0x2f9: {  	[sflag:s12] =	ssyncset.done $0x0  }
0x2fa: {  	s14 =	simm.s32 $0x4;
	[sflag:s12] =	ssyncadd.s32 $0xFFFFD800  }
0x2fb: {  	_ =	swait.ge [sflag:s14], $0x2800  }
0x2fc: {  	[sflag:s14] =	ssyncset.done $0x0  }
0x2fd: {  	s5 =	simm.s32 $0x79C0;
	[sflag:s14] =	ssyncadd.s32 $0xFFFFD800  }
0x2fe: {  	s12 =	simm.s32 $0x51C0;
	v57 =	vld [tilespmem:s5+$0x0]  }
0x2ff: {  	v58 =	vld [tilespmem:s12+$0x0]  }
0x300: {  	v59 =	vld [tilespmem:s5+$0x10]  }
0x301: {  	v60 =	vld [tilespmem:s12+$0x10]  }
0x302: {  	v61 =	vld [tilespmem:s5+$0x20]  }
0x303: {  	v62 =	vld [tilespmem:s12+$0x20]  }
0x304: {  	v63 =	vld [tilespmem:s12+$0x30]  }
0x305: {  	v5 =	vld [tilespmem:s5+$0x30]  }
0x306: {  	v6 =	vld [tilespmem:s12+$0xFFFFFFC0]  }
0x307: {  	v7 =	vld [tilespmem:s5+$0xFFFFFFD0]  }
0x308: {  	v9 =	vld [tilespmem:s5+$0xFFFFFFE0]  }
0x309: {  	v57 =	vadd.f32 v57, v58;
	v58 =	vld [tilespmem:s5+$0xFFFFFFC0]  }
0x30a: {  	v59 =	vadd.f32 v59, v60;
	v60 =	vld [tilespmem:s12+$0xFFFFFFD0]  }
0x30b: {  	v61 =	vadd.f32 v61, v62;
	v62 =	vld [tilespmem:s12+$0xFFFFFFE0];
	_ =	sdelay $0x1  }
0x30c: {  	v8 =	vmul.f32 $2.000000030e-01, v57  }
0x30d: {  	v5 =	vadd.f32 v5, v63  }
0x30e: {  	v63 =	vld [tilespmem:s12+$0xFFFFFFF0];
	v8 =	vmax.f32 v57, v8;
	v57 =	vmul.f32 $2.000000030e-01, v59;
	v6 =	vadd.f32 v58, v6  }
0x30f: {  	v8 =	vmul.f32 v8, v52;
	v58 =	vld [tilespmem:s5+$0xFFFFFFF0];
	v7 =	vadd.f32 v7, v60;
	v9 =	vadd.f32 v9, v62  }
0x310: {  	v57 =	vmax.f32 v59, v57;
	v59 =	vmul.f32 $2.000000030e-01, v61;
	v60 =	vmul.f32 $2.000000030e-01, v6  }
0x311: {  	v8 =	vadd.f32 $0.0e+00, v8;
	v57 =	vmul.f32 v57, v53;
	v62 =	vmul.f32 $2.000000030e-01, v9  }
0x312: {  	v59 =	vmax.f32 v61, v59;
	v6 =	vmax.f32 v6, v60;
	v60 =	vmul.f32 $2.000000030e-01, v7  }
0x313: {  	v61 =	vmul.f32 $2.000000030e-01, v5;
	v8 =	vadd.f32 v57, v8;
	v6 =	vmul.f32 v6, v48  }
0x314: {  	v57 =	vmul.f32 v59, v54;
	v58 =	vadd.f32 v58, v63;
	v7 =	vmax.f32 v7, v60  }
0x315: {  	v9 =	vmax.f32 v9, v62;
	v6 =	vadd.f32 $0.0e+00, v6;
	v7 =	vmul.f32 v7, v49  }
0x316: {  	v5 =	vmax.f32 v5, v61;
	v8 =	vadd.f32 v57, v8;
	v63 =	vmul.f32 $2.000000030e-01, v58  }
0x317: {  	v5 =	vmul.f32 v5, v55;
	v6 =	vadd.f32 v7, v6;
	v7 =	vmul.f32 v9, v50  }
0x318: {  	v9 =	vmax.f32 v58, v63  }
0x319: {  	v5 =	vadd.f32 v5, v8;
	v6 =	vadd.f32 v7, v6;
	v7 =	vmul.f32 v9, v51  }
0x31a: {  	s9 =	simm.s32 $0x0  }
0x31b: {  	s8 =	simm.s32 $0x40;
	[tilespmem:s9+$0x1E9F0] =	vst v5;
	v57 =	vadd.f32 v7, v6  }
.LBB2_9:
0x31c: {  	_ = 	snop  }
0x31d: {  	p1 =	sne.s32 s8, $0x13C0;
	s12 =	sadd.s32 $0x80, s12;
	s5 =	sadd.s32 $0x80, s5;
	[tilespmem:s9+$0x1E4F0] =	vst v57  }
0x31e: {  	s9 =	smov.u32 s8;
	s8 =	sadd.s32 $0x40, s8;
	v5 =	vld [tilespmem:s5+$0x0]  }
0x31f: {  	v6 =	vld [tilespmem:s12+$0x0]  }
0x320: {  	v7 =	vld [tilespmem:s5+$0x10]  }
0x321: {  	v8 =	vld [tilespmem:s12+$0x10]  }
0x322: {  	v9 =	vld [tilespmem:s5+$0x20]  }
0x323: {  	v57 =	vld [tilespmem:s12+$0x20]  }
0x324: {  	v5 =	vadd.f32 v5, v6;
	v6 =	vld [tilespmem:s12+$0x30]  }
0x325: {  	v58 =	vld [tilespmem:s5+$0x30]  }
0x326: {  	v59 =	vld [tilespmem:s12+$0xFFFFFFC0];
	v60 =	vmul.f32 $2.000000030e-01, v5;
	v7 =	vadd.f32 v7, v8  }
0x327: {  	v8 =	vld [tilespmem:s5+$0xFFFFFFC0]  }
0x328: {  	v61 =	vld [tilespmem:s5+$0xFFFFFFD0];
	v5 =	vmax.f32 v5, v60;
	v60 =	vmul.f32 $2.000000030e-01, v7;
	v9 =	vadd.f32 v9, v57  }
0x329: {  	v57 =	vld [tilespmem:s12+$0xFFFFFFD0];
	v5 =	vmul.f32 v5, v52  }
0x32a: {  	v62 =	vld [tilespmem:s5+$0xFFFFFFE0];
	v7 =	vmax.f32 v7, v60;
	v60 =	vmul.f32 $2.000000030e-01, v9;
	v6 =	vadd.f32 v58, v6  }
0x32b: {  	v58 =	vld [tilespmem:s12+$0xFFFFFFE0];
	v5 =	vadd.f32 $0.0e+00, v5;
	v7 =	vmul.f32 v7, v53  }
0x32c: {  	v8 =	vadd.f32 v8, v59;
	v59 =	vld [tilespmem:s5+$0xFFFFFFF0];
	v9 =	vmax.f32 v9, v60;
	v60 =	vmul.f32 $2.000000030e-01, v6  }
0x32d: {  	v63 =	vld [tilespmem:s12+$0xFFFFFFF0];
	v5 =	vadd.f32 v7, v5;
	v7 =	vmul.f32 v9, v54  }
0x32e: {  	v9 =	vmul.f32 $2.000000030e-01, v8;
	v57 =	vadd.f32 v61, v57;
	v6 =	vmax.f32 v6, v60  }
0x32f: {  	v5 =	vadd.f32 v7, v5;
	v6 =	vmul.f32 v6, v55  }
0x330: {  	v7 =	vmax.f32 v8, v9;
	v8 =	vmul.f32 $2.000000030e-01, v57;
	v9 =	vadd.f32 v62, v58  }
0x331: {  	v7 =	vmul.f32 v7, v48;
	v5 =	vadd.f32 v6, v5  }
0x332: {  	s9 =	sshra.s32 s9, $0x2;
	v6 =	vmax.f32 v57, v8;
	v8 =	vmul.f32 $2.000000030e-01, v9;
	v57 =	vadd.f32 v59, v63  }
0x333: {  	v7 =	vadd.f32 $0.0e+00, v7;
	v6 =	vmul.f32 v6, v49;
	[tilespmem:s9+$0x1E9F0] =	vst v5  }
0x334: {  	v5 =	vmax.f32 v9, v8;
	v8 =	vmul.f32 $2.000000030e-01, v57  }
.Ltmp5:
0x335: {  	v6 =	vadd.f32 v6, v7;
	v5 =	vmul.f32 v5, v50;
	(pc) =	sbr.rel @p1 .LBB2_9-.Ltmp5, $3  }
0x336: {  	v7 =	vmax.f32 v57, v8  }
0x337: {  	v5 =	vadd.f32 v5, v6;
	v6 =	vmul.f32 v7, v51;
	_ =	sdelay $0x1  }
0x338: {  	v57 =	vadd.f32 v6, v5  }
0x339: {  	v8 =	vld [tilespmem:$0x1FEF0];
	_ =	sdelay $0x1  }
0x33a: {  	v61 =	vld [tilespmem:$0x1FF00]  }
0x33b: {  	v59 =	vld [tilespmem:$0x1FF10]  }
0x33c: {  	v62 =	vld [tilespmem:$0x1FF20]  }
0x33d: {  	v63 =	vld [tilespmem:$0x1FF30];
	[tilespmem:s9+$0x1E4F0] =	vst v57  }
0x33e: {  	v5 =	vld.idx.msk [tilespmem:v0+s15+$0x0], $0xffff  }
0x33f: {  	v6 =	vld.idx.msk [tilespmem:v0+s13+$0x0], $0xffff  }
0x340: {  	v7 =	vld.idx.msk [tilespmem:v8+s15+$0x0], $0xffff  }
0x341: {  	v8 =	vld.idx.msk [tilespmem:v8+s13+$0x0], $0xffff  }
0x342: {  	v9 =	vld.idx.msk [tilespmem:v61+s15+$0x0], $0xffff  }
0x343: {  	v5 =	vadd.f32 $0.0e+00, v5  }
0x344: {  	v6 =	vadd.f32 $0.0e+00, v6;
	v58 =	vld.idx.msk [tilespmem:v59+s15+$0x0], $0xffff  }
0x345: {  	v5 =	vadd.f32 v7, v5  }
0x346: {  	v6 =	vadd.f32 v8, v6;
	v8 =	vld.idx.msk [tilespmem:v62+s15+$0x0], $0xffff  }
0x347: {  	v60 =	vld.idx.msk [tilespmem:v63+s15+$0x0], $0xffff;
	v5 =	vadd.f32 v9, v5  }
0x348: {  	v9 =	vld.idx.msk [tilespmem:v62+s13+$0x0], $0xffff  }
0x349: {  	v62 =	vld [tilespmem:$0x1FDD0];
	v5 =	vadd.f32 v58, v5  }
0x34a: {  	v57 =	vld.idx.msk [tilespmem:v61+s13+$0x0], $0xffff  }
0x34b: {  	v5 =	vadd.f32 v8, v5  }
0x34c: {  	v7 =	vld.idx.msk [tilespmem:v59+s13+$0x0], $0xffff  }
0x34d: {  	v5 =	vadd.f32 v60, v5;
	v60 =	vld [tilespmem:$0x1FDE0];
	_ =	sdelay $0x1  }
0x34e: {  	v6 =	vadd.f32 v57, v6;
	_ =	sdelay $0x1  }
0x34f: {  	v6 =	vadd.f32 v7, v6;
	v7 =	vld.idx.msk [tilespmem:v62+s15+$0x0], $0xffff  }
0x350: {  	v61 =	vld.idx.msk [tilespmem:v63+s13+$0x0], $0xffff  }
0x351: {  	v63 =	vld [tilespmem:$0x1FF40];
	_ =	sdelay $0x1  }
0x352: {  	v58 =	vld.idx.msk [tilespmem:v60+s15+$0x0], $0xffff  }
0x353: {  	v5 =	vadd.f32 v7, v5;
	v7 =	vld.idx.msk [tilespmem:v60+s13+$0x0], $0xffff  }
0x354: {  	v6 =	vadd.f32 v9, v6;
	v60 =	vld [tilespmem:$0x1FF50];
	_ =	sdelay $0x1  }
0x355: {  	v6 =	vadd.f32 v61, v6;
	v61 =	vld [tilespmem:$0x1FDF0]  }
0x356: {  	v8 =	vld.idx.msk [tilespmem:v62+s13+$0x0], $0xffff  }
0x357: {  	v9 =	vld.idx.msk [tilespmem:v63+s15+$0x0], $0xffff  }
0x358: {  	v57 =	vld.idx.msk [tilespmem:v63+s13+$0x0], $0xffff  }
0x359: {  	v62 =	vld [tilespmem:$0x1FE00];
	_ =	sdelay $0x1  }
0x35a: {  	v6 =	vadd.f32 v8, v6;
	v8 =	vld.idx.msk [tilespmem:v60+s15+$0x0], $0xffff  }
0x35b: {  	v5 =	vadd.f32 v9, v5;
	v9 =	vld.idx.msk [tilespmem:v60+s13+$0x0], $0xffff  }
0x35c: {  	v6 =	vadd.f32 v57, v6;
	v57 =	vld.idx.msk [tilespmem:v61+s15+$0x0], $0xffff  }
0x35d: {  	v5 =	vadd.f32 v58, v5;
	v58 =	vld.idx.msk [tilespmem:v61+s13+$0x0], $0xffff  }
0x35e: {  	v6 =	vadd.f32 v7, v6;
	v61 =	vld [tilespmem:$0x1FF60]  }
0x35f: {  	v5 =	vadd.f32 v8, v5  }
0x360: {  	v6 =	vadd.f32 v9, v6;
	v9 =	vld.idx.msk [tilespmem:v62+s15+$0x0], $0xffff  }
0x361: {  	v5 =	vadd.f32 v57, v5;
	v57 =	vld.idx.msk [tilespmem:v62+s13+$0x0], $0xffff  }
0x362: {  	v62 =	vld [tilespmem:$0x1FF70];
	_ =	sdelay $0x1  }
0x363: {  	v63 =	vld [tilespmem:$0x1FE10]  }
0x364: {  	v60 =	vld [tilespmem:$0x1FF80]  }
0x365: {  	v7 =	vld.idx.msk [tilespmem:v61+s15+$0x0], $0xffff  }
0x366: {  	v8 =	vld.idx.msk [tilespmem:v61+s13+$0x0], $0xffff;
	_ =	sdelay $0x2  }
0x367: {  	v6 =	vadd.f32 v58, v6;
	v58 =	vld.idx.msk [tilespmem:v62+s15+$0x0], $0xffff  }
0x368: {  	v5 =	vadd.f32 v7, v5;
	v7 =	vld.idx.msk [tilespmem:v62+s13+$0x0], $0xffff  }
0x369: {  	v6 =	vadd.f32 v8, v6;
	v8 =	vld.idx.msk [tilespmem:v63+s15+$0x0], $0xffff  }
0x36a: {  	v63 =	vld.idx.msk [tilespmem:v63+s13+$0x0], $0xffff;
	v5 =	vadd.f32 v9, v5  }
0x36b: {  	v61 =	vld.idx.msk [tilespmem:v60+s15+$0x0], $0xffff;
	v6 =	vadd.f32 v57, v6  }
0x36c: {  	v62 =	vld.idx.msk [tilespmem:v60+s13+$0x0], $0xffff;
	v5 =	vadd.f32 v58, v5  }
0x36d: {  	v6 =	vadd.f32 v7, v6  }
0x36e: {  	v5 =	vadd.f32 v8, v5  }
0x36f: {  	v6 =	vadd.f32 v63, v6  }
0x370: {  	v5 =	vadd.f32 v61, v5  }
0x371: {  	v6 =	vadd.f32 v62, v6  }
0x372: {  	v5 =	vmul.f32 $1.442695020e+00, v5  }
0x373: {  	v6 =	vmul.f32 $1.442695020e+00, v6  }
0x374: {  	(erf) = vpow2.f32 v5  }
0x375: {  	(erf) = vpow2.f32 v6;
	_ =	sdelay $0x2  }
0x376: {  	v6 =	vld [tilespmem:$0x1FE20];
	_ =	sdelay $0x1  }
0x377: {  	v8 =	vld [tilespmem:$0x1FE30];
	_ =	sdelay $0x1  }
0x378: {  	v63 =	vld [tilespmem:$0x1FE40]  }
0x379: {  	v5 =	vpop (erf)  }
0x37a: {  	[tilespmem:$0xA400] =	vst v5;
	v5 =	vpop (erf)  }
0x37b: {  	[tilespmem:$0xA480] =	vst v5  }
0x37c: {  	v5 =	vld.idx.msk [tilespmem:v6+s15+$0x0], $0xffff;
	_ =	sdelay $0x1  }
0x37d: {  	v7 =	vld.idx.msk [tilespmem:v8+s15+$0x0], $0xffff  }
0x37e: {  	v61 =	vld [tilespmem:$0x1FE50]  }
0x37f: {  	v60 =	vld.idx.msk [tilespmem:v63+s15+$0x0], $0xffff  }
0x380: {  	v62 =	vld [tilespmem:$0x1FF90];
	v5 =	vadd.f32 $0.0e+00, v5  }
0x381: {  	v6 =	vld.idx.msk [tilespmem:v6+s13+$0x0], $0xffff  }
0x382: {  	v8 =	vld.idx.msk [tilespmem:v8+s13+$0x0], $0xffff;
	v5 =	vadd.f32 v7, v5  }
0x383: {  	v57 =	vld.idx.msk [tilespmem:v63+s13+$0x0], $0xffff  }
0x384: {  	v5 =	vadd.f32 v60, v5;
	v60 =	vld [tilespmem:$0x1FE60]  }
0x385: {  	v63 =	vld [tilespmem:$0x1FFA0]  }
0x386: {  	v59 =	vld [tilespmem:$0x1FE70]  }
0x387: {  	v58 =	vld.idx.msk [tilespmem:v61+s15+$0x0], $0xffff;
	v6 =	vadd.f32 $0.0e+00, v6  }
0x388: {  	v7 =	vld.idx.msk [tilespmem:v61+s13+$0x0], $0xffff  }
0x389: {  	v6 =	vadd.f32 v8, v6;
	v8 =	vld.idx.msk [tilespmem:v62+s15+$0x0], $0xffff;
	_ =	sdelay $0x1  }
0x38a: {  	v9 =	vld.idx.msk [tilespmem:v62+s13+$0x0], $0xffff;
	v6 =	vadd.f32 v57, v6  }
0x38b: {  	v5 =	vadd.f32 v58, v5;
	v57 =	vld.idx.msk [tilespmem:v60+s15+$0x0], $0xffff  }
0x38c: {  	v6 =	vadd.f32 v7, v6;
	v7 =	vld.idx.msk [tilespmem:v63+s15+$0x0], $0xffff  }
0x38d: {  	v5 =	vadd.f32 v8, v5;
	v8 =	vld.idx.msk [tilespmem:v63+s13+$0x0], $0xffff  }
0x38e: {  	v63 =	vld [tilespmem:$0x1FFB0]  }
0x38f: {  	v6 =	vadd.f32 v9, v6;
	v9 =	vld.idx.msk [tilespmem:v59+s15+$0x0], $0xffff  }
0x390: {  	v5 =	vadd.f32 v57, v5;
	v57 =	vld.idx.msk [tilespmem:v59+s13+$0x0], $0xffff  }
0x391: {  	v59 =	vld [tilespmem:$0x1FE80]  }
0x392: {  	v58 =	vld.idx.msk [tilespmem:v60+s13+$0x0], $0xffff;
	_ =	sdelay $0x4  }
0x393: {  	v62 =	vld [tilespmem:$0x1FFC0];
	v6 =	vadd.f32 v58, v6  }
0x394: {  	v58 =	vld.idx.msk [tilespmem:v63+s15+$0x0], $0xffff;
	v5 =	vadd.f32 v7, v5  }
0x395: {  	v6 =	vadd.f32 v8, v6;
	v8 =	vld.idx.msk [tilespmem:v59+s15+$0x0], $0xffff  }
0x396: {  	v5 =	vadd.f32 v9, v5;
	v9 =	vld.idx.msk [tilespmem:v59+s13+$0x0], $0xffff  }
0x397: {  	v59 =	vld [tilespmem:$0x1FE90]  }
0x398: {  	v7 =	vld.idx.msk [tilespmem:v63+s13+$0x0], $0xffff  }
0x399: {  	v60 =	vld [tilespmem:$0x1FEA0];
	_ =	sdelay $0x1  }
0x39a: {  	v6 =	vadd.f32 v57, v6  }
0x39b: {  	v5 =	vadd.f32 v58, v5;
	v58 =	vld.idx.msk [tilespmem:v62+s13+$0x0], $0xffff  }
0x39c: {  	v57 =	vld.idx.msk [tilespmem:v62+s15+$0x0], $0xffff;
	v6 =	vadd.f32 v7, v6  }
0x39d: {  	v63 =	vld [tilespmem:$0x1FFD0]  }
0x39e: {  	v6 =	vadd.f32 v9, v6;
	v7 =	vld.idx.msk [tilespmem:v59+s15+$0x0], $0xffff  }
0x39f: {  	v5 =	vadd.f32 v8, v5  }
0x3a0: {  	v6 =	vadd.f32 v58, v6;
	v58 =	vld.idx.msk [tilespmem:v60+s15+$0x0], $0xffff  }
0x3a1: {  	v5 =	vadd.f32 v57, v5;
	v8 =	vld.idx.msk [tilespmem:v59+s13+$0x0], $0xffff  }
0x3a2: {  	v59 =	vld [tilespmem:$0x1FFE0]  }
0x3a3: {  	v5 =	vadd.f32 v7, v5;
	v7 =	vld.idx.msk [tilespmem:v60+s13+$0x0], $0xffff  }
0x3a4: {  	v60 =	vld [tilespmem:$0x1FEB0];
	_ =	sdelay $0x1  }
0x3a5: {  	v9 =	vld.idx.msk [tilespmem:v63+s15+$0x0], $0xffff  }
0x3a6: {  	v61 =	vld.idx.msk [tilespmem:v63+s13+$0x0], $0xffff;
	_ =	sdelay $0x2  }
0x3a7: {  	v6 =	vadd.f32 v8, v6;
	v8 =	vld.idx.msk [tilespmem:v59+s15+$0x0], $0xffff  }
0x3a8: {  	v5 =	vadd.f32 v9, v5;
	v9 =	vld.idx.msk [tilespmem:v59+s13+$0x0], $0xffff  }
0x3a9: {  	v6 =	vadd.f32 v61, v6;
	v61 =	vld.idx.msk [tilespmem:v60+s15+$0x0], $0xffff  }
0x3aa: {  	v5 =	vadd.f32 v58, v5;
	v60 =	vld.idx.msk [tilespmem:v60+s13+$0x0], $0xffff  }
0x3ab: {  	v6 =	vadd.f32 v7, v6  }
0x3ac: {  	v5 =	vadd.f32 v8, v5  }
0x3ad: {  	v6 =	vadd.f32 v9, v6  }
0x3ae: {  	v5 =	vadd.f32 v61, v5  }
0x3af: {  	v6 =	vadd.f32 v60, v6  }
0x3b0: {  	v5 =	vmul.f32 $1.442695020e+00, v5  }
0x3b1: {  	v6 =	vmul.f32 $1.442695020e+00, v6  }
0x3b2: {  	(erf) = vpow2.f32 v5  }
0x3b3: {  	(erf) = vpow2.f32 v6;
	_ =	sdelay $0x2  }
0x3b4: {  	v61 =	vld [tilespmem:$0x1FED0];
	_ =	sdelay $0x3  }
0x3b5: {  	v60 =	vld [tilespmem:$0x1FFF0]  }
0x3b6: {  	v5 =	vpop (erf)  }
0x3b7: {  	v8 =	vld [tilespmem:$0x1FEC0];
	[tilespmem:$0xA410] =	vst v5;
	v5 =	vpop (erf)  }
0x3b8: {  	[tilespmem:$0xA490] =	vst v5  }
0x3b9: {  	v9 =	vld.idx.msk [tilespmem:v61+s15+$0x0], $0xffff  }
0x3ba: {  	v57 =	vld.idx.msk [tilespmem:v61+s13+$0x0], $0xffff  }
0x3bb: {  	v61 =	vld [tilespmem:$0x1FEE0];
	_ =	sdelay $0x1  }
0x3bc: {  	v5 =	vld.idx.msk [tilespmem:v60+s15+$0x0], $0xffff;
	_ =	sdelay $0x1  }
0x3bd: {  	v7 =	vld.idx.msk [tilespmem:v8+s15+$0x0], $0xffff;
	_ =	sdelay $0x2  }
0x3be: {  	v5 =	vadd.f32 $0.0e+00, v5  }
0x3bf: {  	v58 =	vld.idx.msk [tilespmem:v61+s15+$0x0], $0xffff  }
0x3c0: {  	v5 =	vadd.f32 v7, v5;
	v7 =	vld.idx.msk [tilespmem:v61+s13+$0x0], $0xffff  }
0x3c1: {  	v61 =	vld [tilespmem:$0x1FD00]  }
0x3c2: {  	v6 =	vld.idx.msk [tilespmem:v60+s13+$0x0], $0xffff;
	_ =	sdelay $0x1  }
0x3c3: {  	v8 =	vld.idx.msk [tilespmem:v8+s13+$0x0], $0xffff;
	_ =	sdelay $0x2  }
0x3c4: {  	v6 =	vadd.f32 $0.0e+00, v6;
	_ =	sdelay $0x1  }
0x3c5: {  	v6 =	vadd.f32 v8, v6;
	v8 =	vld.idx.msk [tilespmem:v61+s15+$0x0], $0xffff  }
0x3c6: {  	v5 =	vadd.f32 v9, v5;
	v9 =	vld.idx.msk [tilespmem:v61+s13+$0x0], $0xffff  }
0x3c7: {  	v61 =	vld [tilespmem:$0x1FD10];
	_ =	sdelay $0x7  }
0x3c8: {  	v6 =	vadd.f32 v57, v6;
	v57 =	vld.idx.msk [tilespmem:v61+s15+$0x0], $0xffff  }
0x3c9: {  	v5 =	vadd.f32 v58, v5;
	v58 =	vld.idx.msk [tilespmem:v61+s13+$0x0], $0xffff  }
0x3ca: {  	v61 =	vld [tilespmem:$0x1FD20];
	_ =	sdelay $0x7  }
0x3cb: {  	v6 =	vadd.f32 v7, v6;
	v7 =	vld.idx.msk [tilespmem:v61+s15+$0x0], $0xffff  }
0x3cc: {  	v5 =	vadd.f32 v8, v5;
	v8 =	vld.idx.msk [tilespmem:v61+s13+$0x0], $0xffff  }
0x3cd: {  	v61 =	vld [tilespmem:$0x1FD30];
	_ =	sdelay $0x7  }
0x3ce: {  	v6 =	vadd.f32 v9, v6;
	v9 =	vld.idx.msk [tilespmem:v61+s15+$0x0], $0xffff  }
0x3cf: {  	v5 =	vadd.f32 v57, v5;
	v57 =	vld.idx.msk [tilespmem:v61+s13+$0x0], $0xffff  }
0x3d0: {  	v61 =	vld [tilespmem:$0x1FD40];
	_ =	sdelay $0x7  }
0x3d1: {  	v6 =	vadd.f32 v58, v6;
	v58 =	vld.idx.msk [tilespmem:v61+s15+$0x0], $0xffff  }
0x3d2: {  	v5 =	vadd.f32 v7, v5;
	v7 =	vld.idx.msk [tilespmem:v61+s13+$0x0], $0xffff  }
0x3d3: {  	v61 =	vld [tilespmem:$0x1FD50];
	_ =	sdelay $0x7  }
0x3d4: {  	v6 =	vadd.f32 v8, v6;
	v8 =	vld.idx.msk [tilespmem:v61+s15+$0x0], $0xffff  }
0x3d5: {  	v5 =	vadd.f32 v9, v5;
	v9 =	vld.idx.msk [tilespmem:v61+s13+$0x0], $0xffff  }
0x3d6: {  	v61 =	vld [tilespmem:$0x1FD60];
	_ =	sdelay $0x7  }
0x3d7: {  	v6 =	vadd.f32 v57, v6;
	v57 =	vld.idx.msk [tilespmem:v61+s15+$0x0], $0xffff  }
0x3d8: {  	v5 =	vadd.f32 v58, v5;
	v58 =	vld.idx.msk [tilespmem:v61+s13+$0x0], $0xffff  }
0x3d9: {  	v61 =	vld [tilespmem:$0x1FD70];
	_ =	sdelay $0x7  }
0x3da: {  	v6 =	vadd.f32 v7, v6;
	v7 =	vld.idx.msk [tilespmem:v61+s15+$0x0], $0xffff  }
0x3db: {  	v5 =	vadd.f32 v8, v5;
	v8 =	vld.idx.msk [tilespmem:v61+s13+$0x0], $0xffff  }
0x3dc: {  	v61 =	vld [tilespmem:$0x1FD80];
	_ =	sdelay $0x7  }
0x3dd: {  	v6 =	vadd.f32 v9, v6;
	v9 =	vld.idx.msk [tilespmem:v61+s15+$0x0], $0xffff  }
0x3de: {  	v5 =	vadd.f32 v57, v5;
	v57 =	vld.idx.msk [tilespmem:v61+s13+$0x0], $0xffff  }
0x3df: {  	v61 =	vld [tilespmem:$0x1FD90];
	_ =	sdelay $0x7  }
0x3e0: {  	v6 =	vadd.f32 v58, v6;
	v58 =	vld.idx.msk [tilespmem:v61+s15+$0x0], $0xffff  }
0x3e1: {  	v5 =	vadd.f32 v7, v5;
	v7 =	vld.idx.msk [tilespmem:v61+s13+$0x0], $0xffff  }
0x3e2: {  	v61 =	vld [tilespmem:$0x1FDA0];
	_ =	sdelay $0x7  }
0x3e3: {  	v6 =	vadd.f32 v8, v6;
	v8 =	vld.idx.msk [tilespmem:v61+s15+$0x0], $0xffff  }
0x3e4: {  	v5 =	vadd.f32 v9, v5;
	v9 =	vld.idx.msk [tilespmem:v61+s13+$0x0], $0xffff  }
0x3e5: {  	v61 =	vld [tilespmem:$0x1FDB0];
	_ =	sdelay $0x7  }
0x3e6: {  	v6 =	vadd.f32 v57, v6;
	v57 =	vld.idx.msk [tilespmem:v61+s15+$0x0], $0xffff  }
0x3e7: {  	v5 =	vadd.f32 v58, v5;
	v61 =	vld.idx.msk [tilespmem:v61+s13+$0x0], $0xffff  }
0x3e8: {  	v6 =	vadd.f32 v7, v6  }
0x3e9: {  	v5 =	vadd.f32 v8, v5  }
0x3ea: {  	v6 =	vadd.f32 v9, v6  }
0x3eb: {  	v5 =	vadd.f32 v57, v5  }
0x3ec: {  	v6 =	vadd.f32 v61, v6  }
0x3ed: {  	v5 =	vmul.f32 $1.442695020e+00, v5  }
0x3ee: {  	v6 =	vmul.f32 $1.442695020e+00, v6  }
0x3ef: {  	(erf) = vpow2.f32 v5  }
0x3f0: {  	(erf) = vpow2.f32 v6;
	_ =	sdelay $0x7  }
0x3f1: {  	v5 =	vpop (erf)  }
0x3f2: {  	[tilespmem:$0xA420] =	vst v5;
	v5 =	vpop (erf)  }
0x3f3: {  	v61 =	vld [tilespmem:$0x1FDC0];
	[tilespmem:$0xA4A0] =	vst v5  }
0x3f4: {  	v5 =	vld.idx.msk [tilespmem:v11+s15+$0x0], $0xffff  }
0x3f5: {  	v6 =	vld.idx.msk [tilespmem:v11+s13+$0x0], $0xffff  }
0x3f6: {  	v7 =	vld.idx.msk [tilespmem:v12+s15+$0x0], $0xffff  }
0x3f7: {  	v8 =	vld.idx.msk [tilespmem:v12+s13+$0x0], $0xffff  }
0x3f8: {  	v9 =	vld.idx.msk [tilespmem:v15+s15+$0x0], $0xffff  }
0x3f9: {  	v57 =	vld.idx.msk [tilespmem:v15+s13+$0x0], $0xffff;
	v5 =	vadd.f32 $0.0e+00, v5  }
0x3fa: {  	v58 =	vld.idx.msk [tilespmem:v13+s15+$0x0], $0xffff;
	v6 =	vadd.f32 $0.0e+00, v6  }
0x3fb: {  	v5 =	vadd.f32 v7, v5;
	v7 =	vld.idx.msk [tilespmem:v13+s13+$0x0], $0xffff  }
0x3fc: {  	v6 =	vadd.f32 v8, v6;
	v8 =	vld.idx.msk [tilespmem:v61+s15+$0x0], $0xffff  }
0x3fd: {  	v13 =	vld.idx.msk [tilespmem:v61+s13+$0x0], $0xffff;
	v5 =	vadd.f32 v9, v5  }
0x3fe: {  	v15 =	vld.idx.msk [tilespmem:v10+s15+$0x0], $0xffff;
	v6 =	vadd.f32 v57, v6  }
0x3ff: {  	v57 =	vld.idx.msk [tilespmem:v10+s13+$0x0], $0xffff;
	v5 =	vadd.f32 v58, v5  }
0x400: {  	v6 =	vadd.f32 v7, v6;
	v7 =	vld.idx.msk [tilespmem:v14+s15+$0x0], $0xffff  }
0x401: {  	v5 =	vadd.f32 v8, v5;
	v8 =	vld.idx.msk [tilespmem:v14+s13+$0x0], $0xffff  }
0x402: {  	v58 =	vld.idx.msk [tilespmem:v16+s15+$0x0], $0xffff;
	v6 =	vadd.f32 v13, v6  }
0x403: {  	v61 =	vld.idx.msk [tilespmem:v16+s13+$0x0], $0xffff;
	v5 =	vadd.f32 v15, v5  }
0x404: {  	v12 =	vld.idx.msk [tilespmem:v17+s15+$0x0], $0xffff;
	v6 =	vadd.f32 v57, v6  }
0x405: {  	v5 =	vadd.f32 v7, v5;
	v7 =	vld.idx.msk [tilespmem:v17+s13+$0x0], $0xffff  }
0x406: {  	v6 =	vadd.f32 v8, v6;
	v8 =	vld.idx.msk [tilespmem:v18+s15+$0x0], $0xffff  }
0x407: {  	v13 =	vld.idx.msk [tilespmem:v18+s13+$0x0], $0xffff;
	v5 =	vadd.f32 v58, v5  }
0x408: {  	v14 =	vld.idx.msk [tilespmem:v19+s15+$0x0], $0xffff;
	v6 =	vadd.f32 v61, v6  }
0x409: {  	v15 =	vld.idx.msk [tilespmem:v19+s13+$0x0], $0xffff;
	v5 =	vadd.f32 v12, v5  }
0x40a: {  	v6 =	vadd.f32 v7, v6;
	v7 =	vld.idx.msk [tilespmem:v20+s15+$0x0], $0xffff  }
0x40b: {  	v5 =	vadd.f32 v8, v5;
	v8 =	vld.idx.msk [tilespmem:v20+s13+$0x0], $0xffff  }
0x40c: {  	v16 =	vld.idx.msk [tilespmem:v21+s15+$0x0], $0xffff;
	v6 =	vadd.f32 v13, v6  }
0x40d: {  	v17 =	vld.idx.msk [tilespmem:v21+s13+$0x0], $0xffff;
	v5 =	vadd.f32 v14, v5  }
0x40e: {  	v18 =	vld.idx.msk [tilespmem:v22+s15+$0x0], $0xffff;
	v6 =	vadd.f32 v15, v6  }
0x40f: {  	v5 =	vadd.f32 v7, v5;
	v7 =	vld.idx.msk [tilespmem:v22+s13+$0x0], $0xffff  }
0x410: {  	v6 =	vadd.f32 v8, v6;
	v8 =	vld.idx.msk [tilespmem:v23+s15+$0x0], $0xffff  }
0x411: {  	v19 =	vld.idx.msk [tilespmem:v23+s13+$0x0], $0xffff;
	v5 =	vadd.f32 v16, v5  }
0x412: {  	v20 =	vld.idx.msk [tilespmem:v24+s15+$0x0], $0xffff;
	v6 =	vadd.f32 v17, v6  }
0x413: {  	v21 =	vld.idx.msk [tilespmem:v24+s13+$0x0], $0xffff;
	v5 =	vadd.f32 v18, v5  }
0x414: {  	v6 =	vadd.f32 v7, v6  }
0x415: {  	v5 =	vadd.f32 v8, v5  }
0x416: {  	v6 =	vadd.f32 v19, v6  }
0x417: {  	v5 =	vadd.f32 v20, v5  }
0x418: {  	v6 =	vadd.f32 v21, v6  }
0x419: {  	v5 =	vmul.f32 $1.442695020e+00, v5  }
0x41a: {  	v6 =	vmul.f32 $1.442695020e+00, v6  }
0x41b: {  	(erf) = vpow2.f32 v5  }
0x41c: {  	(erf) = vpow2.f32 v6;
	_ =	sdelay $0x7  }
0x41d: {  	v5 =	vpop (erf)  }
0x41e: {  	[tilespmem:$0xA430] =	vst v5;
	v5 =	vpop (erf)  }
0x41f: {  	[tilespmem:$0xA4B0] =	vst v5  }
0x420: {  	v5 =	vld.idx.msk [tilespmem:v27+s15+$0x0], $0xffff  }
0x421: {  	v6 =	vld.idx.msk [tilespmem:v27+s13+$0x0], $0xffff  }
0x422: {  	v7 =	vld.idx.msk [tilespmem:v28+s15+$0x0], $0xffff  }
0x423: {  	v8 =	vld.idx.msk [tilespmem:v28+s13+$0x0], $0xffff  }
0x424: {  	v22 =	vld.idx.msk [tilespmem:v31+s15+$0x0], $0xffff  }
0x425: {  	v23 =	vld.idx.msk [tilespmem:v31+s13+$0x0], $0xffff;
	v5 =	vadd.f32 $0.0e+00, v5  }
0x426: {  	v24 =	vld.idx.msk [tilespmem:v29+s15+$0x0], $0xffff;
	v6 =	vadd.f32 $0.0e+00, v6  }
0x427: {  	v5 =	vadd.f32 v7, v5;
	v7 =	vld.idx.msk [tilespmem:v29+s13+$0x0], $0xffff  }
0x428: {  	v6 =	vadd.f32 v8, v6;
	v8 =	vld.idx.msk [tilespmem:v25+s15+$0x0], $0xffff  }
0x429: {  	v25 =	vld.idx.msk [tilespmem:v25+s13+$0x0], $0xffff;
	v5 =	vadd.f32 v22, v5  }
0x42a: {  	v27 =	vld.idx.msk [tilespmem:v26+s15+$0x0], $0xffff;
	v6 =	vadd.f32 v23, v6  }
0x42b: {  	v28 =	vld.idx.msk [tilespmem:v26+s13+$0x0], $0xffff;
	v5 =	vadd.f32 v24, v5  }
0x42c: {  	v6 =	vadd.f32 v7, v6;
	v7 =	vld.idx.msk [tilespmem:v30+s15+$0x0], $0xffff  }
0x42d: {  	v5 =	vadd.f32 v8, v5;
	v8 =	vld.idx.msk [tilespmem:v30+s13+$0x0], $0xffff  }
0x42e: {  	v29 =	vld.idx.msk [tilespmem:v32+s15+$0x0], $0xffff;
	v6 =	vadd.f32 v25, v6  }
0x42f: {  	v30 =	vld.idx.msk [tilespmem:v32+s13+$0x0], $0xffff;
	v5 =	vadd.f32 v27, v5  }
0x430: {  	v31 =	vld.idx.msk [tilespmem:v33+s15+$0x0], $0xffff;
	v6 =	vadd.f32 v28, v6  }
0x431: {  	v5 =	vadd.f32 v7, v5;
	v7 =	vld.idx.msk [tilespmem:v33+s13+$0x0], $0xffff  }
0x432: {  	v6 =	vadd.f32 v8, v6;
	v8 =	vld.idx.msk [tilespmem:v34+s15+$0x0], $0xffff  }
0x433: {  	v32 =	vld.idx.msk [tilespmem:v34+s13+$0x0], $0xffff;
	v5 =	vadd.f32 v29, v5  }
0x434: {  	v33 =	vld.idx.msk [tilespmem:v35+s15+$0x0], $0xffff;
	v6 =	vadd.f32 v30, v6  }
0x435: {  	v34 =	vld.idx.msk [tilespmem:v35+s13+$0x0], $0xffff;
	v5 =	vadd.f32 v31, v5  }
0x436: {  	v6 =	vadd.f32 v7, v6;
	v7 =	vld.idx.msk [tilespmem:v36+s15+$0x0], $0xffff  }
0x437: {  	v5 =	vadd.f32 v8, v5;
	v8 =	vld.idx.msk [tilespmem:v36+s13+$0x0], $0xffff  }
0x438: {  	v35 =	vld.idx.msk [tilespmem:v37+s15+$0x0], $0xffff;
	v6 =	vadd.f32 v32, v6  }
0x439: {  	v36 =	vld.idx.msk [tilespmem:v37+s13+$0x0], $0xffff;
	v5 =	vadd.f32 v33, v5  }
0x43a: {  	v37 =	vld.idx.msk [tilespmem:v38+s15+$0x0], $0xffff;
	v6 =	vadd.f32 v34, v6  }
0x43b: {  	v5 =	vadd.f32 v7, v5;
	v7 =	vld.idx.msk [tilespmem:v38+s13+$0x0], $0xffff  }
0x43c: {  	v6 =	vadd.f32 v8, v6;
	v8 =	vld.idx.msk [tilespmem:v39+s15+$0x0], $0xffff  }
0x43d: {  	v57 =	vld.idx.msk [tilespmem:v39+s13+$0x0], $0xffff;
	v5 =	vadd.f32 v35, v5  }
0x43e: {  	v58 =	vld.idx.msk [tilespmem:v56+s15+$0x0], $0xffff;
	v6 =	vadd.f32 v36, v6  }
0x43f: {  	v61 =	vld.idx.msk [tilespmem:v56+s13+$0x0], $0xffff;
	v5 =	vadd.f32 v37, v5  }
0x440: {  	v6 =	vadd.f32 v7, v6  }
0x441: {  	v5 =	vadd.f32 v8, v5  }
0x442: {  	v6 =	vadd.f32 v57, v6  }
0x443: {  	v5 =	vadd.f32 v58, v5  }
0x444: {  	v6 =	vadd.f32 v61, v6  }
0x445: {  	v5 =	vmul.f32 $1.442695020e+00, v5  }
0x446: {  	v6 =	vmul.f32 $1.442695020e+00, v6  }
0x447: {  	(erf) = vpow2.f32 v5  }
0x448: {  	(erf) = vpow2.f32 v6;
	_ =	sdelay $0x4  }
0x449: {  	s5 =	simm.s32 $0x0  }
0x44a: {  	v5 =	vmov s5;
	_ =	sdelay $0x1  }
0x44b: {  	v6 =	vpop (erf)  }
0x44c: {  	[tilespmem:$0xA440] =	vst v6;
	v6 =	vpop (erf)  }
0x44d: {  	[tilespmem:$0xA4C0] =	vst v6  }
0x44e: {  	s12 =	simm.s32 $0x51C0;
	v6 =	vld.idx.msk [tilespmem:v5+s2+$0x0], $0xffff  }
0x44f: {  	v7 =	vld [tilespmem:s12+$0xFFFFFFC0];
	_ =	sdelay $0x4  }
0x450: {  	v7 =	vmul.f32 v7, v6  }
0x451: {  	s5 =	simm.s32 $0x79C0  }
0x452: {  	v5 =	vld.idx.msk [tilespmem:v5+s3+$0x0], $0xffff;
	[tilespmem:s5+$0xFFFFFFC0] =	vst v7  }
0x453: {  	v7 =	vld [tilespmem:s12+$0xFFFFFFD0];
	_ =	sdelay $0x4  }
0x454: {  	v7 =	vmul.f32 v7, v6;
	_ =	sdelay $0x1  }
0x455: {  	[tilespmem:s5+$0xFFFFFFD0] =	vst v7  }
0x456: {  	v7 =	vld [tilespmem:s12+$0xFFFFFFE0];
	_ =	sdelay $0x4  }
0x457: {  	v7 =	vmul.f32 v7, v6;
	_ =	sdelay $0x1  }
0x458: {  	[tilespmem:s5+$0xFFFFFFE0] =	vst v7  }
0x459: {  	v7 =	vld [tilespmem:s12+$0xFFFFFFF0];
	_ =	sdelay $0x4  }
0x45a: {  	v6 =	vmul.f32 v7, v6;
	_ =	sdelay $0x1  }
0x45b: {  	[tilespmem:s5+$0xFFFFFFF0] =	vst v6  }
0x45c: {  	v6 =	vld [tilespmem:s12+$0x0];
	_ =	sdelay $0x4  }
0x45d: {  	v6 =	vmul.f32 v6, v5;
	_ =	sdelay $0x1  }
0x45e: {  	[tilespmem:s5+$0x0] =	vst v6  }
0x45f: {  	v6 =	vld [tilespmem:s12+$0x10];
	_ =	sdelay $0x4  }
0x460: {  	v6 =	vmul.f32 v6, v5;
	_ =	sdelay $0x1  }
0x461: {  	[tilespmem:s5+$0x10] =	vst v6  }
0x462: {  	v6 =	vld [tilespmem:s12+$0x20];
	_ =	sdelay $0x4  }
0x463: {  	v6 =	vmul.f32 v6, v5;
	_ =	sdelay $0x1  }
0x464: {  	[tilespmem:s5+$0x20] =	vst v6  }
0x465: {  	v7 =	vld [tilespmem:s12+$0x30];
	_ =	sdelay $0x1  }
0x466: {  	s8 =	simm.s32 $0x1  }
0x467: {  	s14 =	simm.s32 $0x7980;
	v6 =	vmov s8;
	s8 =	simm.s32 $0x2  }
.LBB2_11:
0x468: {  	p1 =	sne.s32 s8, $0x4F  }
0x469: {  	v5 =	vmul.f32 v7, v5;
	_ =	sdelay $0x1  }
0x46a: {  	[tilespmem:s5+$0x30] =	vst v5  }
0x46b: {  	s12 =	sadd.s32 $0x80, s12;
	v7 =	vld.idx.msk [tilespmem:v6+s2+$0x0], $0xffff  }
0x46c: {  	v8 =	vld [tilespmem:s12+$0xFFFFFFC0]  }
0x46d: {  	v5 =	vld.idx.msk [tilespmem:v6+s3+$0x0], $0xffff;
	_ =	sdelay $0x3  }
0x46e: {  	v6 =	vmul.f32 v8, v7  }
0x46f: {  	s5 =	sadd.s32 $0x80, s5  }
0x470: {  	[tilespmem:s5+$0xFFFFFFC0] =	vst v6  }
0x471: {  	v6 =	vld [tilespmem:s12+$0xFFFFFFD0];
	_ =	sdelay $0x4  }
0x472: {  	v6 =	vmul.f32 v6, v7;
	_ =	sdelay $0x1  }
0x473: {  	[tilespmem:s5+$0xFFFFFFD0] =	vst v6  }
0x474: {  	v6 =	vld [tilespmem:s12+$0xFFFFFFE0];
	_ =	sdelay $0x4  }
0x475: {  	v6 =	vmul.f32 v6, v7;
	_ =	sdelay $0x1  }
0x476: {  	[tilespmem:s5+$0xFFFFFFE0] =	vst v6  }
0x477: {  	v6 =	vld [tilespmem:s12+$0xFFFFFFF0];
	_ =	sdelay $0x4  }
0x478: {  	v6 =	vmul.f32 v6, v7;
	_ =	sdelay $0x1  }
0x479: {  	[tilespmem:s5+$0xFFFFFFF0] =	vst v6  }
0x47a: {  	v6 =	vld [tilespmem:s12+$0x0];
	_ =	sdelay $0x4  }
0x47b: {  	v6 =	vmul.f32 v6, v5;
	_ =	sdelay $0x1  }
0x47c: {  	[tilespmem:s5+$0x0] =	vst v6  }
0x47d: {  	v6 =	vld [tilespmem:s12+$0x10];
	_ =	sdelay $0x4  }
0x47e: {  	v6 =	vmul.f32 v6, v5;
	_ =	sdelay $0x1  }
0x47f: {  	[tilespmem:s5+$0x10] =	vst v6  }
0x480: {  	v6 =	vld [tilespmem:s12+$0x20];
	_ =	sdelay $0x4  }
0x481: {  	v6 =	vmul.f32 v6, v5;
	_ =	sdelay $0x1  }
.Ltmp6:
0x482: {  	[tilespmem:s5+$0x20] =	vst v6;
	(pc) =	sbr.rel @p1 .LBB2_11-.Ltmp6, $2  }
0x483: {  	v7 =	vld [tilespmem:s12+$0x30];
	_ =	sdelay $0x2  }
0x484: {  	v6 =	vmov s8;
	s8 =	sadd.s32 $0x1, s8  }
0x485: {  	_ = 	snop  }
0x486: {  	v5 =	vmul.f32 v7, v5;
	_ =	sdelay $0x1  }
0x487: {  	[tilespmem:s5+$0x30] =	vst v5  }
0x488: {  	s8 =	sadd.s32 $0x80, s12;
	v5 =	vld.idx.msk [tilespmem:v6+s2+$0x0], $0xffff  }
0x489: {  	v7 =	vld [tilespmem:s8+$0xFFFFFFC0];
	_ =	sdelay $0x4  }
0x48a: {  	v7 =	vmul.f32 v7, v5  }
0x48b: {  	s9 =	sadd.s32 $0x80, s5  }
0x48c: {  	v6 =	vld.idx.msk [tilespmem:v6+s3+$0x0], $0xffff;
	[tilespmem:s9+$0xFFFFFFC0] =	vst v7  }
0x48d: {  	v7 =	vld [tilespmem:s8+$0xFFFFFFD0];
	_ =	sdelay $0x4  }
0x48e: {  	v7 =	vmul.f32 v7, v5;
	_ =	sdelay $0x1  }
0x48f: {  	[tilespmem:s9+$0xFFFFFFD0] =	vst v7  }
0x490: {  	v7 =	vld [tilespmem:s8+$0xFFFFFFE0];
	_ =	sdelay $0x4  }
0x491: {  	v7 =	vmul.f32 v7, v5;
	_ =	sdelay $0x1  }
0x492: {  	[tilespmem:s9+$0xFFFFFFE0] =	vst v7  }
0x493: {  	v7 =	vld [tilespmem:s8+$0xFFFFFFF0];
	_ =	sdelay $0x4  }
0x494: {  	v5 =	vmul.f32 v7, v5;
	_ =	sdelay $0x1  }
0x495: {  	[tilespmem:s9+$0xFFFFFFF0] =	vst v5  }
0x496: {  	v5 =	vld [tilespmem:s8+$0x0];
	_ =	sdelay $0x4  }
0x497: {  	v5 =	vmul.f32 v5, v6;
	_ =	sdelay $0x1  }
0x498: {  	[tilespmem:s9+$0x0] =	vst v5  }
0x499: {  	v5 =	vld [tilespmem:s8+$0x10];
	_ =	sdelay $0x4  }
0x49a: {  	v5 =	vmul.f32 v5, v6;
	_ =	sdelay $0x1  }
0x49b: {  	[tilespmem:s9+$0x10] =	vst v5  }
0x49c: {  	v5 =	vld [tilespmem:s8+$0x20];
	_ =	sdelay $0x4  }
0x49d: {  	v5 =	vmul.f32 v5, v6;
	_ =	sdelay $0x1  }
0x49e: {  	[tilespmem:s9+$0x20] =	vst v5  }
0x49f: {  	v5 =	vld [tilespmem:s8+$0x30];
	_ =	sdelay $0x4  }
0x4a0: {  	v5 =	vmul.f32 v5, v6;
	_ =	sdelay $0x1  }
0x4a1: {  	[tilespmem:s9+$0x30] =	vst v5  }
0x4a2: {  	[spmem:s23] =	stream.indirect.scatter.add.f32 [tilespmem:s14], [sflag:$0x5], $0x80, s19, s31, $0xb8;
	[tilespmem:$0x1EEF0] =	vst v63  }
0x4a3: {  	_ =	swait.ge [sflag:s25], $0x2800  }
0x4a4: {  	[sflag:s25] =	ssyncset.done $0x0  }
0x4a5: {  	[sflag:s25] =	ssyncadd.s32 $0xFFFFD800  }
0x4a6: {  	s12 =	rddreg [dreg:$0x5]  }
0x4a7: {  	[spmem:s12] =	stream.indirect.scatter.add.f32 [tilespmem:s2], [sflag:$0x5], $0x1, s19, s31, $0xb8;
	[tilespmem:$0x1EEF0] =	vst v63  }
0x4a8: {  	_ =	swait.ge [sflag:s25], $0x50  }
0x4a9: {  	[sflag:s25] =	ssyncset.done $0x0  }
0x4aa: {  	[sflag:s25] =	ssyncadd.s32 $0xFFFFFFB0  }
0x4ab: {  	s8 =	rddreg [dreg:$0x6]  }
0x4ac: {  	[spmem:s8] =	stream.indirect.scatter.add.f32 [tilespmem:s3], [sflag:$0x5], $0x1, s19, s31, $0xb8;
	[tilespmem:$0x1EEF0] =	vst v63  }
0x4ad: {  	_ =	swait.ge [sflag:s25], $0x50  }
0x4ae: {  	s9 =	rddreg [dreg:$0xf];
	[sflag:s25] =	ssyncset.done $0x0  }
0x4af: {  	s5 =	sadd.s32 s9, s11;
	[sflag:s25] =	ssyncadd.s32 $0xFFFFFFB0  }
0x4b0: {  	s5 =	sshrl.u32 s5, $0x3;
	s12 =	rddreg [dreg:$0x7]  }
0x4b1: {  	s5 =	sadd.s32 s5, s12  }
0x4b2: {  	[hbm4b:s5+s7] =	stream.linear.scatter [tilespmem:s2], [sflag:$0x5], $0x50, $0x38;
	[tilespmem:$0x1EEF0] =	vst v63  }
0x4b3: {  	_ =	swait.ge [sflag:s25], $0x50  }
0x4b4: {  	s19 =	sld [smem:$0x7FC];
	_ =	sdelay $0x2  }
0x4b5: {  	s5 =	sadd.s32 s19, s11  }
0x4b6: {  	[sflag:s25] =	ssyncset.done $0x0;
	s5 =	sshrl.u32 s5, $0x3  }
0x4b7: {  	[sflag:s25] =	ssyncadd.s32 $0xFFFFFFB0;
	s5 =	sadd.s32 s5, s12  }
0x4b8: {  	[hbm4b:s5+s7] =	stream.linear.scatter [tilespmem:s3], [sflag:$0x5], $0x50, $0x38;
	[tilespmem:$0x1EEF0] =	vst v63  }
0x4b9: {  	_ =	swait.ge [sflag:s25], $0x50  }
0x4ba: {  	v17 =	vld [tilespmem:$0x1FEF0]  }
0x4bb: {  	v18 =	vld [tilespmem:$0x1FF00]  }
0x4bc: {  	v19 =	vld [tilespmem:$0x1FF10]  }
0x4bd: {  	v20 =	vld [tilespmem:$0x1FF20]  }
0x4be: {  	v21 =	vld [tilespmem:$0x1FF30]  }
0x4bf: {  	v22 =	vld [tilespmem:$0x1FF40]  }
0x4c0: {  	s21 =	sadd.s32 $0x1, s21;
	v23 =	vld [tilespmem:$0x1FF50]  }
0x4c1: {  	p1 =	sne.s32 s21, $0x7D;
	v24 =	vld [tilespmem:$0x1FF60]  }
.Ltmp7:
0x4c2: {  	v25 =	vld [tilespmem:$0x1FF70];
	(pc) =	sbr.rel @p1 .LBB2_4-.Ltmp7, $4  }
0x4c3: {  	v26 =	vld [tilespmem:$0x1FF80]  }
0x4c4: {  	v27 =	vld [tilespmem:$0x1FF90]  }
0x4c5: {  	[sflag:s25] =	ssyncset.done $0x0;
	v28 =	vld [tilespmem:$0x1FFA0]  }
0x4c6: {  	v29 =	vld [tilespmem:$0x1FFB0];
	[sflag:s25] =	ssyncadd.s32 $0xFFFFFFB0  }
.Ltmp8:
0x4c7: {  	[bflag:$0x0] =	sbarrier.arrive $0xFFFF;
	(pc) =	sbr.rel .LBB2_14-.Ltmp8, $4  }
0x4c8: {  	s11 =	sld [smem:$0x7F6]  }
0x4c9: {  	s12 =	sld [smem:$0x7F5]  }
0x4ca: {  	s14 =	sld [smem:$0x7F9]  }
0x4cb: {  	s5 =	simm.s32 $0x0;
	s8 =	stileid.u32;
	s21 =	sld [smem:$0x7FA]  }
.LBB2_16:
0x4cc: {  	s5 =	sadd.s32 $0xA0, s5  }
0x4cd: {  	p1 =	sne.s32 s5, $0x500  }
.Ltmp9:
0x4ce: {  	_ = 	snop;
	(pc) =	sbr.rel @!p1 .LBB2_17-.Ltmp9, $2  }
0x4cf: {  	_ =	sdelay $0x2  }
0x4d0: {  	s12 =	sadd.s32 $0x500, s12;
	s11 =	sadd.s32 $0x500, s11;
	s8 =	sadd.s32 $0x10, s8  }
.LBB2_14:
0x4d1: {  	p1 =	sgt.u32 s8, $0x7C  }
.Ltmp10:
0x4d2: {  	_ = 	snop;
	(pc) =	sbr.rel @p1 .LBB2_16-.Ltmp10, $1  }
0x4d3: {  	_ =	sdelay $0x3  }
0x4d4: {  	[tilespmem:s28], [sflag:$0x6] =	stream.linear.gather [spmem:s11], $0x50, $0x38;
	[tilespmem:$0x1EEF0] =	vst v63  }
0x4d5: {  	_ =	swait.ge [sflag:s26], $0x50  }
0x4d6: {  	[sflag:s26] =	ssyncset.done $0x0  }
0x4d7: {  	[sflag:s26] =	ssyncadd.s32 $0xFFFFFFB0  }
0x4d8: {  	[tilespmem:s4], [sflag:$0x6] =	stream.linear.gather [spmem:s12], $0x50, $0x38;
	[tilespmem:$0x1EEF0] =	vst v63  }
0x4d9: {  	_ =	swait.ge [sflag:s26], $0x50  }
0x4da: {  	[sflag:s26] =	ssyncset.done $0x0  }
0x4db: {  	[sflag:s26] =	ssyncadd.s32 $0xFFFFFFB0  }
0x4dc: {  	v5 =	vld [tilespmem:$0xA600]  }
0x4dd: {  	v6 =	vld [tilespmem:$0xA680]  }
0x4de: {  	v7 =	vld [tilespmem:$0xA610]  }
0x4df: {  	v8 =	vld [tilespmem:$0xA690]  }
0x4e0: {  	v9 =	vld [tilespmem:$0xA620]  }
0x4e1: {  	v10 =	vld [tilespmem:$0xA6A0];
	v5 =	vadd.f32 $9.999999710e-10, v5  }
0x4e2: {  	v11 =	vld [tilespmem:$0xA630];
	v6 =	vadd.f32 $9.999999710e-10, v6  }
0x4e3: {  	(erf) = vrcp.f32 v5;
	v5 =	vadd.f32 $9.999999710e-10, v7;
	v7 =	vld [tilespmem:$0xA6B0]  }
0x4e4: {  	v58 =	vld [tilespmem:$0xA640];
	(erf) = vrcp.f32 v6;
	v6 =	vadd.f32 $9.999999710e-10, v8  }
0x4e5: {  	v61 =	vld [tilespmem:$0xA6C0];
	(erf) = vrcp.f32 v5;
	v5 =	vadd.f32 $9.999999710e-10, v9  }
0x4e6: {  	(erf) = vrcp.f32 v6;
	v6 =	vadd.f32 $9.999999710e-10, v10  }
0x4e7: {  	(erf) = vrcp.f32 v5;
	v5 =	vadd.f32 $9.999999710e-10, v11  }
0x4e8: {  	(erf) = vrcp.f32 v6;
	v6 =	vadd.f32 $9.999999710e-10, v7  }
0x4e9: {  	(erf) = vrcp.f32 v5;
	v5 =	vadd.f32 $9.999999710e-10, v58  }
0x4ea: {  	(erf) = vrcp.f32 v6;
	v6 =	vadd.f32 $9.999999710e-10, v61;
	_ =	sdelay $0x1  }
0x4eb: {  	(erf) = vrcp.f32 v5  }
0x4ec: {  	v5 =	vpop (erf);
	(erf) = vrcp.f32 v6  }
0x4ed: {  	v6 =	vpop (erf);
	[tilespmem:$0xA600] =	vst v5  }
0x4ee: {  	v5 =	vpop (erf);
	[tilespmem:$0xA680] =	vst v6  }
0x4ef: {  	v6 =	vpop (erf);
	[tilespmem:$0xA610] =	vst v5  }
0x4f0: {  	v5 =	vpop (erf);
	[tilespmem:$0xA690] =	vst v6  }
0x4f1: {  	v6 =	vpop (erf);
	[tilespmem:$0xA620] =	vst v5  }
0x4f2: {  	v5 =	vpop (erf);
	[tilespmem:$0xA6A0] =	vst v6  }
0x4f3: {  	v6 =	vpop (erf);
	[tilespmem:$0xA630] =	vst v5  }
0x4f4: {  	v5 =	vpop (erf);
	[tilespmem:$0xA6B0] =	vst v6  }
0x4f5: {  	[tilespmem:$0xA640] =	vst v5;
	v5 =	vpop (erf)  }
0x4f6: {  	[tilespmem:$0xA6C0] =	vst v5  }
0x4f7: {  	[spmem:s11] =	stream.linear.scatter [tilespmem:s28], [sflag:$0x6], $0x50, $0x38;
	[tilespmem:$0x1EEF0] =	vst v63  }
0x4f8: {  	_ =	swait.ge [sflag:s26], $0x50  }
0x4f9: {  	[sflag:s26] =	ssyncset.done $0x0  }
0x4fa: {  	[sflag:s26] =	ssyncadd.s32 $0xFFFFFFB0  }
0x4fb: {  	[spmem:s12] =	stream.linear.scatter [tilespmem:s4], [sflag:$0x6], $0x50, $0x38;
	[tilespmem:$0x1EEF0] =	vst v63  }
0x4fc: {  	_ =	swait.ge [sflag:s26], $0x50  }
0x4fd: {  	[sflag:s26] =	ssyncset.done $0x0  }
0x4fe: {  	s9 =	sadd.s32 s5, s14;
	[sflag:s26] =	ssyncadd.s32 $0xFFFFFFB0  }
0x4ff: {  	[hbm4b:s9+s7] =	stream.linear.scatter [tilespmem:s28], [sflag:$0x6], $0x50, $0x38;
	[tilespmem:$0x1EEF0] =	vst v63  }
0x500: {  	_ =	swait.ge [sflag:s26], $0x50  }
0x501: {  	[sflag:s26] =	ssyncset.done $0x0  }
.Ltmp11:
0x502: {  	s23 =	sadd.s32 s5, s21;
	[sflag:s26] =	ssyncadd.s32 $0xFFFFFFB0;
	(pc) =	sbr.rel .LBB2_16-.Ltmp11, $4  }
0x503: {  	[hbm4b:s23+s7] =	stream.linear.scatter [tilespmem:s4], [sflag:$0x5], $0x50, $0x38;
	[tilespmem:$0x1EEF0] =	vst v63  }
0x504: {  	_ =	swait.ge [sflag:s25], $0x50  }
0x505: {  	[sflag:s25] =	ssyncset.done $0x0  }
0x506: {  	[sflag:s25] =	ssyncadd.s32 $0xFFFFFFB0  }
.LBB2_17:
0x507: {  	[bflag:$0x0] =	sbarrier.arrive $0xFFFF;
	s11 =	simm.s32 $0x0;
	s5 =	sadd.s32 $0x0, s16  }
0x508: {  	[tilespmem:s30], [sflag:$0x5] =	stream.linear.gather [hbm4b:s5+s11], $0x50, $0x38;
	[tilespmem:$0x1EEF0] =	vst v63  }
0x509: {  	_ =	swait.ge [sflag:s25], $0x50  }
0x50a: {  	s21 =	sld [smem:$0x7F8];
	_ =	sdelay $0x1  }
0x50b: {  	s8 =	rddreg [dreg:$0x7]  }
0x50c: {  	[sflag:s25] =	ssyncset.done $0x0;
	s12 =	sadd.s32 s8, s21  }
0x50d: {  	[sflag:s25] =	ssyncadd.s32 $0xFFFFFFB0;
	s5 =	sadd.s32 $0x0, s12  }
0x50e: {  	[tilespmem:s22], [sflag:$0x5] =	stream.linear.gather [hbm4b:s5+s11], $0x50, $0x38;
	[tilespmem:$0x1EEF0] =	vst v63  }
0x50f: {  	_ =	swait.ge [sflag:s25], $0x50  }
0x510: {  	s23 =	sld [smem:$0x7F7];
	_ =	sdelay $0x2  }
0x511: {  	[sflag:s25] =	ssyncset.done $0x0;
	s21 =	sadd.s32 s8, s23  }
0x512: {  	[sflag:s25] =	ssyncadd.s32 $0xFFFFFFB0;
	s5 =	sadd.s32 $0x0, s21  }
0x513: {  	[tilespmem:s24], [sflag:$0x5] =	stream.linear.gather [hbm4b:s5+s11], $0x50, $0x38;
	[tilespmem:$0x1EEF0] =	vst v63  }
0x514: {  	_ =	swait.ge [sflag:s25], $0x50  }
0x515: {  	[sflag:s25] =	ssyncset.done $0x0  }
0x516: {  	[sflag:s25] =	ssyncadd.s32 $0xFFFFFFB0  }
0x517: {  	v5 =	vld [tilespmem:$0x5140]  }
0x518: {  	v8 =	vld [tilespmem:$0x5110]  }
0x519: {  	v6 =	vld [tilespmem:$0x5130]  }
0x51a: {  	v7 =	vld [tilespmem:$0x5120]  }
0x51b: {  	v9 =	vld [tilespmem:$0x5130]  }
0x51c: {  	v10 =	vld [tilespmem:$0x5100];
	v5 =	vadd.s32 v2, v5  }
0x51d: {  	v11 =	vld [tilespmem:$0x5120];
	v8 =	vadd.s32 v3, v8;
	[tilespmem:$0x50C0] =	vst v5  }
0x51e: {  	v5 =	vadd.s32 v2, v6;
	v6 =	vld [tilespmem:$0x5140];
	[tilespmem:$0x5010] =	vst v8  }
0x51f: {  	[tilespmem:$0x50B0] =	vst v5;
	v5 =	vadd.s32 v2, v7;
	v7 =	vld [tilespmem:$0x5100]  }
0x520: {  	v8 =	vadd.s32 v3, v9;
	[tilespmem:$0x50A0] =	vst v5;
	v5 =	vld [tilespmem:$0x5110]  }
0x521: {  	v9 =	vadd.s32 v2, v10;
	[tilespmem:$0x5030] =	vst v8  }
0x522: {  	[tilespmem:$0x5080] =	vst v9;
	v8 =	vadd.s32 v3, v11  }
0x523: {  	[tilespmem:$0x5020] =	vst v8;
	v6 =	vadd.s32 v3, v6  }
0x524: {  	[tilespmem:$0x5040] =	vst v6;
	v6 =	vadd.s32 v3, v7  }
0x525: {  	v5 =	vadd.s32 v2, v5;
	[tilespmem:$0x5000] =	vst v6  }
0x526: {  	[tilespmem:$0x5090] =	vst v5  }
0x527: {  	[tilespmem:s28], [sflag:$0x1] =	stream.indirect.gather [hbm4b:s6+s31], $0x1, s1, s31, $0xb8;
	[tilespmem:$0x1EEF0] =	vst v63  }
0x528: {  	_ = 	snop  }
0x529: {  	[tilespmem:s4], [sflag:$0x2] =	stream.indirect.gather [hbm4b:s6+s31], $0x1, s29, s31, $0xb8;
	[tilespmem:$0x1EEF0] =	vst v63  }
0x52a: {  	_ =	swait.ge [sflag:s10], $0x50  }
0x52b: {  	[sflag:s10] =	ssyncset.done $0x0  }
0x52c: {  	[sflag:s10] =	ssyncadd.s32 $0xFFFFFFB0  }
0x52d: {  	_ =	swait.ge [sflag:s20], $0x50  }
0x52e: {  	[sflag:s20] =	ssyncset.done $0x0  }
0x52f: {  	[sflag:s20] =	ssyncadd.s32 $0xFFFFFFB0  }
0x530: {  	v5 =	vld [tilespmem:$0xA640]  }
0x531: {  	v7 =	vld [tilespmem:$0xA630]  }
0x532: {  	v6 =	vld [tilespmem:$0xA340]  }
0x533: {  	v8 =	vld [tilespmem:$0xA620]  }
0x534: {  	v10 =	vld [tilespmem:$0xA330]  }
0x535: {  	s14 =	simm.s32 $0x0;
	s5 =	simm.s32 $0xA;
	v9 =	vld [tilespmem:$0xA610]  }
.LBB2_18:
0x536: {  	p1 =	sne.s32 s5, $0x9BA;
	v11 =	vld [tilespmem:$0xA600];
	s8 =	smov.u32 s5;
	s5 =	sadd.s32 $0xA, s5  }
0x537: {  	v12 =	vld [tilespmem:$0xA320]  }
0x538: {  	v13 =	vld [tilespmem:$0xA310]  }
0x539: {  	v14 =	vld [tilespmem:$0xA300];
	v7 =	vmul.f32 v7, v10;
	_ =	sdelay $0x1  }
0x53a: {  	[tilespmem:$0xA730] =	vst v7  }
0x53b: {  	v5 =	vmul.f32 v5, v6;
	v7 =	vmul.f32 v8, v12  }
0x53c: {  	v6 =	vmul.f32 v9, v13  }
0x53d: {  	v8 =	vmul.f32 v11, v14;
	[tilespmem:$0xA720] =	vst v7  }
0x53e: {  	[tilespmem:$0xA710] =	vst v6  }
0x53f: {  	[tilespmem:$0xA740] =	vst v5  }
0x540: {  	s9 =	sadd.s32 s14, s18;
	[tilespmem:$0xA700] =	vst v8  }
0x541: {  	[hbm4b:s9+s11] =	stream.linear.scatter [tilespmem:s0], [sflag:$0x5], $0x50, $0x38;
	[tilespmem:$0x1EEF0] =	vst v63  }
0x542: {  	_ =	swait.ge [sflag:s25], $0x50  }
0x543: {  	[sflag:s25] =	ssyncset.done $0x0  }
0x544: {  	[sflag:s25] =	ssyncadd.s32 $0xFFFFFFB0  }
0x545: {  	v5 =	vld [tilespmem:$0xA380]  }
0x546: {  	v6 =	vld [tilespmem:$0xA680]  }
0x547: {  	v7 =	vld [tilespmem:$0xA390]  }
0x548: {  	v8 =	vld [tilespmem:$0xA690]  }
0x549: {  	v9 =	vld [tilespmem:$0xA3B0]  }
0x54a: {  	v10 =	vld [tilespmem:$0xA6B0]  }
0x54b: {  	v5 =	vmul.f32 v6, v5;
	v6 =	vld [tilespmem:$0xA6A0]  }
0x54c: {  	v11 =	vld [tilespmem:$0xA6C0]  }
0x54d: {  	[tilespmem:$0xA700] =	vst v5;
	v5 =	vmul.f32 v8, v7;
	v7 =	vld [tilespmem:$0xA3C0]  }
0x54e: {  	v8 =	vld [tilespmem:$0xA3A0]  }
0x54f: {  	[tilespmem:$0xA710] =	vst v5;
	v5 =	vmul.f32 v10, v9;
	_ =	sdelay $0x1  }
0x550: {  	[tilespmem:$0xA730] =	vst v5  }
0x551: {  	v5 =	vmul.f32 v11, v7  }
0x552: {  	s9 =	sadd.s32 s8, s16;
	v6 =	vmul.f32 v6, v8  }
0x553: {  	[tilespmem:$0xA740] =	vst v5  }
0x554: {  	s23 =	sadd.s32 s14, s17;
	s14 =	smov.u32 s8;
	[tilespmem:$0xA720] =	vst v6  }
0x555: {  	[hbm4b:s23+s11] =	stream.linear.scatter [tilespmem:s0], [sflag:$0x5], $0x50, $0x38;
	[tilespmem:$0x1EEF0] =	vst v63  }
0x556: {  	_ =	swait.ge [sflag:s25], $0x50  }
0x557: {  	[sflag:s25] =	ssyncset.done $0x0  }
0x558: {  	[sflag:s25] =	ssyncadd.s32 $0xFFFFFFB0  }
0x559: {  	[tilespmem:s30], [sflag:$0x5] =	stream.linear.gather [hbm4b:s9+s11], $0x50, $0x38;
	[tilespmem:$0x1EEF0] =	vst v63  }
0x55a: {  	_ =	swait.ge [sflag:s25], $0x50  }
0x55b: {  	[sflag:s25] =	ssyncset.done $0x0  }
0x55c: {  	s8 =	sadd.s32 s14, s12;
	[sflag:s25] =	ssyncadd.s32 $0xFFFFFFB0  }
0x55d: {  	[tilespmem:s22], [sflag:$0x5] =	stream.linear.gather [hbm4b:s8+s11], $0x50, $0x38;
	[tilespmem:$0x1EEF0] =	vst v63  }
0x55e: {  	_ =	swait.ge [sflag:s25], $0x50  }
0x55f: {  	[sflag:s25] =	ssyncset.done $0x0  }
0x560: {  	s8 =	sadd.s32 s14, s21;
	[sflag:s25] =	ssyncadd.s32 $0xFFFFFFB0  }
0x561: {  	[tilespmem:s24], [sflag:$0x5] =	stream.linear.gather [hbm4b:s8+s11], $0x50, $0x38;
	[tilespmem:$0x1EEF0] =	vst v63  }
0x562: {  	_ =	swait.ge [sflag:s25], $0x50  }
0x563: {  	[sflag:s25] =	ssyncset.done $0x0  }
0x564: {  	[sflag:s25] =	ssyncadd.s32 $0xFFFFFFB0  }
0x565: {  	v5 =	vld [tilespmem:$0x5140]  }
0x566: {  	v6 =	vld [tilespmem:$0x5110]  }
0x567: {  	v7 =	vld [tilespmem:$0x5130]  }
0x568: {  	v8 =	vld [tilespmem:$0x5110]  }
0x569: {  	v9 =	vld [tilespmem:$0x5120]  }
0x56a: {  	v10 =	vld [tilespmem:$0x5120];
	v5 =	vadd.s32 v2, v5  }
0x56b: {  	v11 =	vld [tilespmem:$0x5130];
	[tilespmem:$0x50C0] =	vst v5  }
0x56c: {  	v5 =	vld [tilespmem:$0x5100];
	v7 =	vadd.s32 v2, v7  }
0x56d: {  	[tilespmem:$0x50B0] =	vst v7;
	v7 =	vld [tilespmem:$0x5140]  }
0x56e: {  	v12 =	vld [tilespmem:$0x5100];
	v9 =	vadd.s32 v2, v9  }
0x56f: {  	v6 =	vadd.s32 v3, v6;
	[tilespmem:$0x50A0] =	vst v9  }
0x570: {  	[tilespmem:$0x5010] =	vst v6;
	v6 =	vadd.s32 v3, v10;
	v9 =	vadd.s32 v3, v11  }
0x571: {  	v8 =	vadd.s32 v2, v8;
	v5 =	vadd.s32 v2, v5;
	[tilespmem:$0x5030] =	vst v9  }
0x572: {  	[tilespmem:$0x5080] =	vst v5;
	v5 =	vadd.s32 v3, v7  }
0x573: {  	v7 =	vadd.s32 v3, v12;
	[tilespmem:$0x5040] =	vst v5  }
0x574: {  	[tilespmem:$0x5020] =	vst v6  }
0x575: {  	[tilespmem:$0x5000] =	vst v7  }
0x576: {  	[tilespmem:$0x5090] =	vst v8  }
0x577: {  	[tilespmem:s28], [sflag:$0x1] =	stream.indirect.gather [hbm4b:s6+s31], $0x1, s1, s31, $0xb8;
	[tilespmem:$0x1EEF0] =	vst v63  }
0x578: {  	_ = 	snop  }
0x579: {  	[tilespmem:s4], [sflag:$0x2] =	stream.indirect.gather [hbm4b:s6+s31], $0x1, s29, s31, $0xb8;
	[tilespmem:$0x1EEF0] =	vst v63  }
0x57a: {  	_ =	swait.ge [sflag:s10], $0x50  }
0x57b: {  	[sflag:s10] =	ssyncset.done $0x0  }
0x57c: {  	[sflag:s10] =	ssyncadd.s32 $0xFFFFFFB0  }
0x57d: {  	_ =	swait.ge [sflag:s20], $0x50  }
0x57e: {  	[sflag:s20] =	ssyncset.done $0x0  }
0x57f: {  	[sflag:s20] =	ssyncadd.s32 $0xFFFFFFB0  }
0x580: {  	v5 =	vld [tilespmem:$0xA640]  }
.Ltmp12:
0x581: {  	v7 =	vld [tilespmem:$0xA630];
	(pc) =	sbr.rel @p1 .LBB2_18-.Ltmp12, $4  }
0x582: {  	v6 =	vld [tilespmem:$0xA340]  }
0x583: {  	v8 =	vld [tilespmem:$0xA620]  }
0x584: {  	v10 =	vld [tilespmem:$0xA330]  }
0x585: {  	v9 =	vld [tilespmem:$0xA610]  }
0x586: {  	v11 =	vld [tilespmem:$0xA320]  }
0x587: {  	v12 =	vld [tilespmem:$0xA310]  }
0x588: {  	v13 =	vld [tilespmem:$0xA600]  }
0x589: {  	v14 =	vld [tilespmem:$0xA300]  }
0x58a: {  	v5 =	vmul.f32 v5, v6  }
0x58b: {  	v7 =	vmul.f32 v7, v10  }
0x58c: {  	[tilespmem:$0xA740] =	vst v5;
	v8 =	vmul.f32 v8, v11  }
0x58d: {  	[tilespmem:$0xA730] =	vst v7;
	v7 =	vmul.f32 v9, v12  }
0x58e: {  	v6 =	vmul.f32 v13, v14;
	[tilespmem:$0xA720] =	vst v8  }
0x58f: {  	[tilespmem:$0xA710] =	vst v7  }
0x590: {  	s5 =	sadd.s32 s14, s18;
	[tilespmem:$0xA700] =	vst v6  }
0x591: {  	[hbm4b:s5+s11] =	stream.linear.scatter [tilespmem:s0], [sflag:$0x5], $0x50, $0x38;
	[tilespmem:$0x1EEF0] =	vst v63  }
0x592: {  	_ =	swait.ge [sflag:s25], $0x50  }
0x593: {  	[sflag:s25] =	ssyncset.done $0x0  }
0x594: {  	[sflag:s25] =	ssyncadd.s32 $0xFFFFFFB0  }
0x595: {  	v5 =	vld [tilespmem:$0xA380]  }
0x596: {  	v6 =	vld [tilespmem:$0xA680]  }
0x597: {  	v7 =	vld [tilespmem:$0xA390]  }
0x598: {  	v53 =	vld [tilespmem:$0xA690]  }
0x599: {  	v54 =	vld [tilespmem:$0xA3B0]  }
0x59a: {  	v55 =	vld [tilespmem:$0xA6B0]  }
0x59b: {  	v56 =	vld [tilespmem:$0xA6A0]  }
0x59c: {  	v57 =	vld [tilespmem:$0xA6C0]  }
0x59d: {  	v58 =	vld [tilespmem:$0xA3C0]  }
0x59e: {  	v61 =	vld [tilespmem:$0xA3A0]  }
0x59f: {  	v5 =	vmul.f32 v6, v5  }
0x5a0: {  	v6 =	vmul.f32 v53, v7  }
0x5a1: {  	[tilespmem:$0xA700] =	vst v5;
	v5 =	vmul.f32 v55, v54  }
0x5a2: {  	[tilespmem:$0xA710] =	vst v6;
	v6 =	vmul.f32 v57, v58  }
0x5a3: {  	[tilespmem:$0xA730] =	vst v5;
	v5 =	vmul.f32 v56, v61  }
0x5a4: {  	[tilespmem:$0xA740] =	vst v6  }
0x5a5: {  	s23 =	sadd.s32 s14, s17;
	[tilespmem:$0xA720] =	vst v5  }
0x5a6: {  	[hbm4b:s23+s11] =	stream.linear.scatter [tilespmem:s0], [sflag:$0x5], $0x50, $0x38;
	[tilespmem:$0x1EEF0] =	vst v63  }
.Ltmp13:
0x5a7: {  	_ =	swait.ge [sflag:s25], $0x50;
	(pc) =	sbr.rel .LBB2_20-.Ltmp13, $4  }
0x5a8: {  	[sflag:s25] =	ssyncset.done $0x0  }
0x5a9: {  	[sflag:s25] =	ssyncadd.s32 $0xFFFFFFB0  }
0x5aa: {  	s21 =	rddreg [dreg:$0x2]  }
0x5ab: {  	s14 =	simm.s32 $0x7980;
	s23 =	rddreg [dreg:$0x4]  }
.LBB2_24:
0x5ac: {  	s11 =	sadd.s32 $0x1, s11  }
0x5ad: {  	p1 =	sne.s32 s11, $0x8  }
.Ltmp14:
0x5ae: {  	_ = 	snop;
	(pc) =	sbr.rel @!p1 .LBB2_25-.Ltmp14, $1  }
0x5af: {  	_ =	sdelay $0x3  }
.LBB2_20:
0x5b0: {  	s5 =	sshll.u32 s11, $0x4;
	s8 =	stileid.u32  }
0x5b1: {  	s5 =	sor.u32 s8, s5  }
0x5b2: {  	p1 =	sgt.u32 s5, $0x7C  }
.Ltmp15:
0x5b3: {  	_ = 	snop;
	(pc) =	sbr.rel @p1 .LBB2_24-.Ltmp15, $1  }
0x5b4: {  	_ =	sdelay $0x3  }
0x5b5: {  	s8 =	smul.u32 $0xA000, s5;
	_ =	sdelay $0x1  }
0x5b6: {  	s8 =	sshra.s32 s8, $0x2  }
0x5b7: {  	s9 =	simm.s32 $0x0;
	s8 =	sadd.s32 s8, s23  }
0x5b8: {  	[tilespmem:s9], [sflag:$0x6] =	stream.linear.gather [spmem:s8], $0x2800, $0x38;
	[tilespmem:$0x1EEF0] =	vst v63  }
0x5b9: {  	_ =	swait.ge [sflag:s26], $0x2800  }
0x5ba: {  	[sflag:s26] =	ssyncset.done $0x0  }
0x5bb: {  	s14 =	smul.u32 $0x50, s5;
	[sflag:s26] =	ssyncadd.s32 $0xFFFFD800  }
0x5bc: {  	s12 =	rddreg [dreg:$0x5]  }
0x5bd: {  	s12 =	sadd.s32 s14, s12  }
0x5be: {  	[tilespmem:s28], [sflag:$0x6] =	stream.linear.gather [spmem:s12], $0x50, $0x38;
	[tilespmem:$0x1EEF0] =	vst v63  }
0x5bf: {  	_ =	swait.ge [sflag:s26], $0x50  }
0x5c0: {  	[sflag:s26] =	ssyncset.done $0x0  }
0x5c1: {  	[sflag:s26] =	ssyncadd.s32 $0xFFFFFFB0  }
0x5c2: {  	s19 =	rddreg [dreg:$0x6]  }
0x5c3: {  	s8 =	sadd.s32 s14, s19  }
0x5c4: {  	[tilespmem:s4], [sflag:$0x6] =	stream.linear.gather [spmem:s8], $0x50, $0x38;
	[tilespmem:$0x1EEF0] =	vst v63  }
0x5c5: {  	_ =	swait.ge [sflag:s26], $0x50  }
0x5c6: {  	[sflag:s26] =	ssyncset.done $0x0  }
0x5c7: {  	v5 =	vmov s9;
	s12 =	simm.s32 $0x40;
	[sflag:s26] =	ssyncadd.s32 $0xFFFFFFB0  }
0x5c8: {  	v6 =	vld [tilespmem:s12+$0xFFFFFFF0]  }
0x5c9: {  	v7 =	vld [tilespmem:s12+$0xFFFFFFC0]  }
0x5ca: {  	v8 =	vld [tilespmem:s12+$0x0]  }
0x5cb: {  	v9 =	vld [tilespmem:s12+$0xFFFFFFD0]  }
0x5cc: {  	v10 =	vld.idx.msk [tilespmem:v5+s28+$0x0], $0xffff  }
0x5cd: {  	v5 =	vld.idx.msk [tilespmem:v5+s4+$0x0], $0xffff  }
0x5ce: {  	v11 =	vld [tilespmem:s12+$0xFFFFFFE0]  }
0x5cf: {  	v12 =	vld [tilespmem:s12+$0x20]  }
0x5d0: {  	v14 =	vld [tilespmem:s12+$0x30];
	_ =	sdelay $0x1  }
0x5d1: {  	v13 =	vmul.f32 v7, v10;
	v15 =	vmul.f32 v6, v10;
	v6 =	vld [tilespmem:s12+$0x10]  }
0x5d2: {  	v7 =	vmul.f32 v9, v10;
	v16 =	vmul.f32 v8, v5  }
0x5d3: {  	v8 =	vmul.f32 v11, v10;
	v9 =	vmul.f32 v12, v5;
	v13 =	vadd.f32 v13, v40  }
0x5d4: {  	s9 =	simm.s32 $0x40;
	s8 =	simm.s32 $0x1;
	v11 =	vmul.f32 v14, v5;
	v12 =	vadd.f32 v15, v43;
	v10 =	vadd.f32 v16, v44  }
.LBB2_22:
0x5d5: {  	p1 =	sne.s32 s8, $0x4F  }
0x5d6: {  	[tilespmem:s12+$0xFFFFFFC0] =	vst v13;
	v7 =	vadd.f32 v7, v41;
	v5 =	vmul.f32 v6, v5;
	v6 =	vadd.f32 v9, v46;
	s9 =	sadd.s32 $0x80, s9;
	s14 =	smov.u32 s8;
	s8 =	sadd.s32 $0x1, s8  }
0x5d7: {  	v8 =	vadd.f32 v8, v42;
	[tilespmem:s12+$0xFFFFFFF0] =	vst v12;
	v9 =	vadd.f32 v11, v47  }
0x5d8: {  	[tilespmem:s12+$0x0] =	vst v10;
	v5 =	vadd.f32 v5, v45  }
0x5d9: {  	v10 =	vmov s14;
	[tilespmem:s12+$0xFFFFFFD0] =	vst v7  }
0x5da: {  	v11 =	vld [tilespmem:s9+$0xFFFFFFF0];
	[tilespmem:s12+$0xFFFFFFE0] =	vst v8  }
0x5db: {  	v7 =	vld [tilespmem:s9+$0xFFFFFFC0];
	[tilespmem:s12+$0x30] =	vst v9  }
0x5dc: {  	v8 =	vld [tilespmem:s9+$0x0];
	[tilespmem:s12+$0x20] =	vst v6  }
0x5dd: {  	v9 =	vld [tilespmem:s9+$0xFFFFFFD0];
	[tilespmem:s12+$0x10] =	vst v5;
	s12 =	smov.u32 s9  }
0x5de: {  	v12 =	vld.idx.msk [tilespmem:v10+s28+$0x0], $0xffff  }
0x5df: {  	v5 =	vld.idx.msk [tilespmem:v10+s4+$0x0], $0xffff  }
0x5e0: {  	v10 =	vld [tilespmem:s9+$0xFFFFFFE0]  }
0x5e1: {  	v14 =	vld [tilespmem:s9+$0x20]  }
0x5e2: {  	v15 =	vld [tilespmem:s9+$0x30]  }
.Ltmp16:
0x5e3: {  	v6 =	vld [tilespmem:s9+$0x10];
	(pc) =	sbr.rel @p1 .LBB2_22-.Ltmp16, $4  }
0x5e4: {  	v13 =	vmul.f32 v7, v12;
	v7 =	vmul.f32 v9, v12  }
0x5e5: {  	v11 =	vmul.f32 v11, v12;
	v16 =	vmul.f32 v8, v5  }
0x5e6: {  	v13 =	vadd.f32 v13, v40;
	v8 =	vmul.f32 v10, v12;
	v9 =	vmul.f32 v14, v5  }
0x5e7: {  	v12 =	vadd.f32 v11, v43;
	v10 =	vadd.f32 v16, v44;
	v11 =	vmul.f32 v15, v5  }
0x5e8: {  	[tilespmem:s12+$0xFFFFFFC0] =	vst v13  }
0x5e9: {  	v7 =	vadd.f32 v7, v41;
	[tilespmem:s12+$0xFFFFFFF0] =	vst v12  }
0x5ea: {  	v8 =	vadd.f32 v8, v42;
	[tilespmem:s12+$0x0] =	vst v10  }
0x5eb: {  	v5 =	vmul.f32 v6, v5;
	s5 =	smul.u32 $0x2800, s5;
	v6 =	vadd.f32 v11, v47;
	[tilespmem:s12+$0xFFFFFFD0] =	vst v7  }
0x5ec: {  	s8 =	rddreg [dreg:$0x14];
	v7 =	vadd.f32 v9, v46;
	[tilespmem:s12+$0xFFFFFFE0] =	vst v8  }
0x5ed: {  	v5 =	vadd.f32 v5, v45;
	s5 =	sadd.s32 s8, s5;
	[tilespmem:s12+$0x30] =	vst v6  }
0x5ee: {  	s5 =	sshrl.u32 s5, $0x3;
	[tilespmem:s12+$0x20] =	vst v7  }
.Ltmp17:
0x5ef: {  	[tilespmem:s12+$0x10] =	vst v5;
	s5 =	sadd.s32 s21, s5;
	(pc) =	sbr.rel .LBB2_24-.Ltmp17, $4  }
0x5f0: {  	[hbm4b:s5+s7] =	stream.linear.scatter [tilespmem:s7], [sflag:$0x5], $0x2800, $0x38;
	[tilespmem:$0x1EEF0] =	vst v63  }
0x5f1: {  	_ =	swait.ge [sflag:s25], $0x2800  }
0x5f2: {  	[sflag:s25] =	ssyncset.done $0x0  }
0x5f3: {  	s14 =	simm.s32 $0x7980;
	[sflag:s25] =	ssyncadd.s32 $0xFFFFD800  }
.LBB2_26:
0x5f4: {  	_ =	sfence.sel $0x180000  }
0x5f5: {  	[bflag:$0x0] =	sbarrier.arrive $0xFFFF  }
0x5f6: {  	_ =	strace $0x90000047  }
0x5f7: {  	s0 =	stileid.u32;
	[bflag:$0x2] =	sbarrier.arrive $0xFFFF  }
0x5f8: {  	p0 =	sne.s32 s0, $0x0;
	s0 =	rddreg [dreg:$0x9]  }
0x5f9: {  	s0 =	sadd.s32 @!p0 $0x100000, s0  }
0x5fa: {  	[sflag:s0] =	ssyncadd.tile.s32 @!p0 $0x1;
	_ =	shalt  }
.Lfunc_end2:
_tile_overlayer_lowered:
.L_overlay_start_2:
0x5fb: {  	(tag) =	ssettag $0x2  }
0x5fc: {  	s0 =	rddreg [dreg:$0x0];
	s2 =	stileid.u32  }
0x5fd: {  	s1 =	rddreg [dreg:$0x1];
	p0 =	sne.s32 s2, $0x0  }
0x5fe: {  	s3 =	rddreg [dreg:$0x2];
	[bflag:$0x3] =	sbarrier.arrive $0xFFFF;
	s2 =	simm.s32 @!p0 $0x1C05  }
0x5ff: {  	[timem:s3], [sflag:s2] =	dma.local @!p0 [hbm:s0], s1  }
0x600: {  	s0 =	simm.s32 @!p0 $0x5  }
0x601: {  	_ =	swait.ge @!p0 [sflag:s0], s1  }
0x602: {  	s1 =	ssub.s32 @!p0 $0x0, s1;
	[sflag:s0] =	ssyncset.done @!p0 $0x0  }
0x603: {  	[sflag:s0] =	ssyncadd.s32 @!p0 s1  }
0x604: {  	[bflag:$0x3] =	sbarrier.arrive $0xFFFF  }
0x605: {  	_ =	shalt  }

</sc_bundles>
